<compile_context>
chip_gen: v7x
topology: tpu7x:2x2x1
jax: 0.10.2.dev20260603
libtpu: 0.0.44.dev20260713+nightly
codegen_flags: <defaults>
</compile_context>

<pallas_src>
import functools

import jax
import jax.numpy as jnp
from jax import lax
from jax.experimental import pallas as pl
from jax.experimental.pallas import tpu as pltpu
from jax.experimental.pallas import tpu_sc as plsc

NSUB = 32
K = 104


def _sc_aggregate(h, src, dst_full, dst_tail, zeros_tile):
    n, d = h.shape
    nfull = dst_full.shape[1]
    ktail = dst_tail.shape[1]
    epw = nfull * K + ktail
    npad = zeros_tile.shape[0] * 16
    rows_per_tile = npad // 16
    nlane = 2
    nstep = nfull // nlane

    mesh = plsc.VectorSubcoreMesh(core_axis_name="c", subcore_axis_name="s")

    @functools.partial(
        pl.kernel,
        out_type=jax.ShapeDtypeStruct((2, npad, d), jnp.float32),
        mesh=mesh,
        scratch_types=[
            pltpu.VMEM_SHARED((npad, d), jnp.float32),
            pltpu.VMEM((epw,), jnp.int32),
            pltpu.VMEM((nfull, K), jnp.int32),
            pltpu.VMEM((ktail,), jnp.int32),
            [pltpu.VMEM((K, d), jnp.float32)] * 2,
            [pltpu.SemaphoreType.DMA] * 2,
            [pltpu.SemaphoreType.DMA] * 2,
        ],
    )
    def agg_kernel(h_hbm, src_hbm, dst_hbm, dstt_hbm, z_hbm, out_hbm,
                   acc, src_v, dst_v, dstt_v, rows, gsems, ssems):
        c = lax.axis_index("c")
        s = lax.axis_index("s")
        wid = s * 2 + c
        r0 = pl.multiple_of(s * rows_per_tile, 8)

        nh_rows = min(rows_per_tile, max(n - 15 * rows_per_tile, 0))

        @pl.when((c == 0) & (s < 15))
        def _():
            pltpu.sync_copy(h_hbm.at[pl.ds(r0, rows_per_tile)],
                            acc.at[pl.ds(r0, rows_per_tile)])

        @pl.when((c == 0) & (s == 15))
        def _():
            pltpu.sync_copy(h_hbm.at[pl.ds(r0, nh_rows)],
                            acc.at[pl.ds(r0, nh_rows)])
            pltpu.sync_copy(
                z_hbm.at[pl.ds(0, rows_per_tile - nh_rows)],
                acc.at[pl.ds(pl.multiple_of(15 * rows_per_tile + nh_rows, 8),
                             rows_per_tile - nh_rows)])

        @pl.when(c == 1)
        def _():
            pltpu.sync_copy(z_hbm, acc.at[pl.ds(r0, rows_per_tile)])
        pltpu.sync_copy(src_hbm.at[pl.ds(pl.multiple_of(wid * epw, 8), epw)],
                        src_v)
        pltpu.sync_copy(dst_hbm.at[wid], dst_v)
        pltpu.sync_copy(dstt_hbm.at[wid], dstt_v)
        plsc.subcore_barrier()

        def gath(j, buf, sem):
            off = pl.multiple_of(j * K, 8)
            pltpu.async_copy(h_hbm.at[src_v.at[pl.ds(off, K)]], buf, sem)

        def wait_g(buf, sem):
            pltpu.make_async_copy(h_hbm.at[src_v.at[pl.ds(0, K)]],
                                  buf, sem).wait()

        def wait_s(buf, sem):
            pltpu.make_async_copy(buf, acc.at[dst_v.at[0]], sem).wait()

        for l in range(nlane):
            gath(l, rows[l], gsems[l])

        def step(j3, carry):
            j0 = j3 * nlane
            for l in range(nlane):
                wait_g(rows[l], gsems[l])
                pltpu.sync_copy(rows[l], acc.at[dst_v.at[j0 + l]], add=True)

                @pl.when(j0 + l + nlane < nfull)
                def _(l=l):
                    gath(j0 + l + nlane, rows[l], gsems[l])
            return carry

        lax.fori_loop(0, nstep, step, 0)

        toff = pl.multiple_of(nfull * K, 8)
        pltpu.async_copy(h_hbm.at[src_v.at[pl.ds(toff, ktail)]],
                         rows[0].at[pl.ds(0, ktail)], gsems[0]).wait()
        pltpu.sync_copy(rows[0].at[pl.ds(0, ktail)], acc.at[dstt_v], add=True)

        plsc.subcore_barrier()
        pltpu.sync_copy(acc.at[pl.ds(r0, rows_per_tile)],
                        out_hbm.at[c].at[pl.ds(r0, rows_per_tile)])

    return agg_kernel(h, src, dst_full, dst_tail, zeros_tile)


def _tc_dense(n, agg, w1, b1, w2, b2, gamma, beta):
    nh = w1.shape[1]

    def body(agg_ref, w1_ref, b1_ref, w2_ref, b2_ref, ga_ref, be_ref,
             h_ref):
        hin = agg_ref[0, :n, :] + agg_ref[1, :n, :]
        t = jnp.maximum(
            jnp.dot(hin, w1_ref[...], preferred_element_type=jnp.float32)
            + b1_ref[...], 0.0)
        u = (jnp.dot(t, w2_ref[...], preferred_element_type=jnp.float32)
             + b2_ref[...])
        mu = jnp.mean(u, axis=0, keepdims=True)
        var = jnp.mean((u - mu) * (u - mu), axis=0, keepdims=True)
        h_ref[...] = jnp.maximum(
            ga_ref[...] * (u - mu) * lax.rsqrt(var + 1e-5) + be_ref[...], 0.0)

    return pl.pallas_call(
        body,
        out_shape=jax.ShapeDtypeStruct((n, nh), jnp.float32),
    )(agg, w1, b1, w2, b2, gamma, beta)


def _tc_pool(h, starts):
    n, nh = h.shape
    g_num = starts.shape[0] - 1
    neg_inf = float('-inf')

    def body(h_ref, st_ref, pool_ref):
        def seg_group(gg, carry):
            rows_out = []
            for k8 in range(8):
                gi = gg * 8 + k8
                s0 = st_ref[gi]
                e0 = st_ref[gi + 1]
                c0 = s0 // 8
                c1 = (e0 + 7) // 8

                def chunk(ci, acc):
                    mx, sm = acc
                    rows = h_ref[pl.ds(pl.multiple_of(ci * 8, 8), 8), :]
                    ridx = ci * 8 + lax.broadcasted_iota(jnp.int32, (8, 1), 0)
                    m = (ridx >= s0) & (ridx < e0)
                    mx = jnp.maximum(mx, jnp.where(m, rows, neg_inf))
                    sm = sm + jnp.where(m, rows, 0.0)
                    return (mx, sm)

                mx, sm = lax.fori_loop(
                    c0, c1, chunk,
                    (jnp.full((8, nh), neg_inf, jnp.float32),
                     jnp.zeros((8, nh), jnp.float32)))
                mxr = jnp.max(mx, axis=0, keepdims=True)
                smr = jnp.sum(sm, axis=0, keepdims=True)
                cnt = jnp.maximum((e0 - s0).astype(jnp.float32), 1.0)
                rows_out.append(jnp.concatenate([mxr, smr / cnt], axis=1))
            blk = jnp.concatenate(rows_out, axis=0)
            pool_ref[pl.ds(pl.multiple_of(gg * 8, 8), 8), :] = blk
            return carry

        lax.fori_loop(0, g_num // 8, seg_group, 0)

    return pl.pallas_call(
        body,
        out_shape=jax.ShapeDtypeStruct((g_num, 2 * nh), jnp.float32),
        in_specs=[pl.BlockSpec(memory_space=pltpu.VMEM),
                  pl.BlockSpec(memory_space=pltpu.SMEM)],
    )(h, starts)


def _head(pools, l1, l2, l3):
    p = pools[0] + pools[1]
    q = pools[2] + pools[3]
    ng = l3['w'].shape[1]
    ng_pad = ((ng + 127) // 128) * 128
    w3 = jnp.pad(l3['w'], ((0, 0), (0, ng_pad - ng)))
    b3 = jnp.pad(l3['b'], (0, ng_pad - ng)).reshape(1, -1)

    def body(p_ref, q_ref, w1_ref, b1_ref, w2_ref, b2_ref, w3_ref, b3_ref,
             y_ref):
        z = p_ref[...] + q_ref[...]
        z = jnp.maximum(
            jnp.dot(z, w1_ref[...], preferred_element_type=jnp.float32)
            + b1_ref[...], 0.0)
        z = jnp.maximum(
            jnp.dot(z, w2_ref[...], preferred_element_type=jnp.float32)
            + b2_ref[...], 0.0)
        y_ref[...] = (jnp.dot(z, w3_ref[...],
                              preferred_element_type=jnp.float32)
                      + b3_ref[...])

    y = pl.pallas_call(
        body,
        out_shape=jax.ShapeDtypeStruct((pools[0].shape[0], ng_pad),
                                       jnp.float32),
    )(p, q, l1['w'], l1['b'].reshape(1, -1), l2['w'], l2['b'].reshape(1, -1),
      w3, b3)
    return y[:, :ng]


def kernel(x, params, edge_index, batch):
    n, d = x.shape
    e = edge_index.shape[1]
    g_num = 128
    epw = e // NSUB
    nfull = (epw // K) // 2 * 2
    ktail = epw - nfull * K
    npad = ((n + 127) // 128) * 128

    src = edge_index[0]
    dst_w = edge_index[1].reshape(NSUB, epw)
    dst_full = dst_w[:, :nfull * K].reshape(NSUB, nfull, K)
    dst_tail = dst_w[:, nfull * K:]
    zeros_tile = jnp.zeros((npad // 16, d), jnp.float32)

    counts = jnp.sum(
        batch[None, :] == jnp.arange(g_num, dtype=jnp.int32)[:, None],
        axis=1, dtype=jnp.int32)
    starts = jnp.concatenate(
        [jnp.zeros((1,), jnp.int32), jnp.cumsum(counts, dtype=jnp.int32)])

    h = x
    pools = []
    for l in range(4):
        cp = params['conv%d' % l]
        bn = params['bn%d' % l]
        agg = _sc_aggregate(h, src, dst_full, dst_tail, zeros_tile)
        h = _tc_dense(n, agg, cp['w1'], cp['b1'].reshape(1, -1),
                      cp['w2'], cp['b2'].reshape(1, -1),
                      bn['gamma'].reshape(1, -1),
                      bn['beta'].reshape(1, -1))
        pools.append(_tc_pool(h, starts))
    return _head(pools, params['lin1'], params['lin2'], params['lin3'])

# --- scband reference (transcript-rebuilt; emitter-appended) ---
"""Pipeline reference for scband-gin-4layer-66571993088585 (READ-ONLY COPY).

The authoritative reference and input builder live on the scoring server;
editing this copy changes nothing except your own understanding.
"""

import jax, jax.numpy as jnp
import numpy as np

N = 10000
E = 320000
D = 128
NH = 128
NG = 978
G = 128


def _lin_init(k, din, dout):
    w = jax.random.normal(k, (din, dout), jnp.float32) / np.sqrt(din)
    b = jnp.zeros((dout,), jnp.float32)
    return w, b


def _init_params(key):
    ks = jax.random.split(key, 16)
    p = {}
    dims = [D, NH, NH, NH]
    i = 0
    for l in range(4):
        w1, b1 = _lin_init(ks[i], dims[l], NH); i += 1
        w2, b2 = _lin_init(ks[i], NH, NH); i += 1
        p['conv%d' % l] = {'w1': w1, 'b1': b1, 'w2': w2, 'b2': b2}
        p['bn%d' % l] = {'gamma': jnp.ones((NH,), jnp.float32), 'beta': jnp.zeros((NH,), jnp.float32)}
    w, b = _lin_init(ks[i], 2 * NH, NH); i += 1
    p['lin1'] = {'w': w, 'b': b}
    w, b = _lin_init(ks[i], NH, NH // 2); i += 1
    p['lin2'] = {'w': w, 'b': b}
    w, b = _lin_init(ks[i], NH // 2, NG); i += 1
    p['lin3'] = {'w': w, 'b': b}
    return p


def setup_inputs(seed: int = 0):
    key = jax.random.key(seed)
    k1, k2, k3, k4 = jax.random.split(key, 4)
    x = jax.random.normal(k1, (N, D), jnp.float32)
    edge_index = jax.random.randint(k2, (2, E), 0, N, jnp.int32)
    batch = jnp.sort(jax.random.randint(k3, (N,), 0, G, jnp.int32))
    params = _init_params(k4)
    return {'x': x, 'params': params, 'edge_index': edge_index, 'batch': batch}


def _bn(h, gamma, beta):
    mu = h.mean(axis=0)
    var = h.var(axis=0)
    return gamma * (h - mu) / jnp.sqrt(var + 1e-5) + beta


def _gin_conv(x, edge_index, c):
    # sum aggregation: scatter-add of source features into destination nodes
    agg = jnp.zeros_like(x).at[edge_index[1]].add(x[edge_index[0]])
    h = x + agg  # eps = 0 (default GINConv)
    h = jnp.maximum(h @ c['w1'] + c['b1'], 0.0)
    return h @ c['w2'] + c['b2']


def _pool(h, batch):
    mx = jax.ops.segment_max(h, batch, num_segments=G)
    sm = jax.ops.segment_sum(h, batch, num_segments=G)
    cnt = jax.ops.segment_sum(jnp.ones((h.shape[0], 1), h.dtype), batch, num_segments=G)
    return jnp.concatenate([mx, sm / jnp.maximum(cnt, 1.0)], axis=1)


def reference(x, params, edge_index, batch):
    pools = []
    h = x
    for l in range(4):
        h = _gin_conv(h, edge_index, params['conv%d' % l])
        h = jnp.maximum(_bn(h, params['bn%d' % l]['gamma'], params['bn%d' % l]['beta']), 0.0)
        pools.append(_pool(h, batch))
    z = pools[0] + pools[1] + pools[2] + pools[3]
    z = jnp.maximum(z @ params['lin1']['w'] + params['lin1']['b'], 0.0)
    # dropout p=0.5 is identity in eval mode
    z = jnp.maximum(z @ params['lin2']['w'] + params['lin2']['b'], 0.0)
    y = z @ params['lin3']['w'] + params['lin3']['b']
    # torch.squeeze(y, dim=1) is a no-op since num_gene != 1
    return y

if __name__ == "__main__":
    import jax
    _d = setup_inputs()
    print(jax.jit(kernel)(*tuple(_d.values())))

</pallas_src>

<mosaic_0001>
#map = affine_map<(d0, d1) -> (0, 0)>
#map1 = affine_map<(d0, d1) -> (0)>
#map2 = affine_map<(d0, d1) -> (0, 0, 0)>
module attributes {stable_mosaic.version = 14 : i64} {
  func.func @agg_kernel(%arg0: i32, %arg1: i32, %arg2: memref<10000x128xf32, #tpu.memory_space<hbm>>, %arg3: memref<320000xi32, #tpu.memory_space<hbm>>, %arg4: memref<32x96x104xi32, #tpu.memory_space<hbm>>, %arg5: memref<32x16xi32, #tpu.memory_space<hbm>>, %arg6: memref<632x128xf32, #tpu.memory_space<hbm>>, %arg7: memref<2x10112x128xf32, #tpu.memory_space<hbm>>, %arg8: memref<10112x128xf32, #tpu.memory_space<vmem_shared>>, %arg9: memref<10000xi32, #tpu.memory_space<vmem>>, %arg10: memref<96x104xi32, #tpu.memory_space<vmem>>, %arg11: memref<16xi32, #tpu.memory_space<vmem>>, %arg12: memref<104x128xf32, #tpu.memory_space<vmem>>, %arg13: memref<104x128xf32, #tpu.memory_space<vmem>>, %arg14: memref<!tpu.dma_semaphore, #tpu.memory_space<semaphore_mem>>, %arg15: memref<!tpu.dma_semaphore, #tpu.memory_space<semaphore_mem>>, %arg16: memref<!tpu.dma_semaphore, #tpu.memory_space<semaphore_mem>>, %arg17: memref<!tpu.dma_semaphore, #tpu.memory_space<semaphore_mem>>) attributes {dimension_semantics = [#tpu.dimension_semantics<core_parallel>, #tpu.dimension_semantics<subcore_parallel>], iteration_bounds = array<i64: 2, 16>, scalar_prefetch = 0 : i64, scratch_operands = 10 : i64, tpu.core_type = #tpu.core_type<sc_vector_subcore>, window_params = [{transform_indices = #map}, {transform_indices = #map1}, {transform_indices = #map2}, {transform_indices = #map}, {transform_indices = #map}, {transform_indices = #map2}]} {
    %mul3A = arith.constant 2 : i32
    %mul3A_0 = arith.muli %arg1, %mul3A : i32
    %add3A = arith.addi %mul3A_0, %arg0 : i32
    %mul3A_1 = arith.constant 632 : i32
    %mul3A_2 = arith.muli %arg1, %mul3A_1 : i32
    %multiple_of3A = tpu.assume_multiple %mul3A_2, 8 : i32
    %eq3A = arith.constant 0 : i32
    %eq3A_3 = arith.cmpi eq, %arg0, %eq3A : i32
    %lt3A = arith.constant 15 : i32
    %lt3A_4 = arith.cmpi slt, %arg1, %lt3A : i32
    %and3A = arith.andi %eq3A_3, %lt3A_4 : i1
    %convert_element_type3A = arith.extui %and3A : i1 to i32
    %cond3A = arith.constant 0 : i32
    %cond3A_5 = arith.cmpi ne, %convert_element_type3A, %cond3A : i32
    scf.if %cond3A_5 {
      "tpu.region"() ({
        %run_scoped3A = tpu.sem_alloc : memref<!tpu.dma_semaphore, #tpu.memory_space<semaphore_mem>>
        %dma_start3A_54 = arith.constant 0 : i32
        %dma_start3A_55 = tpu.memref_slice %arg8[%multiple_of3A, %dma_start3A_54] : memref<10112x128xf32, #tpu.memory_space<vmem_shared>> -> memref<632x128xf32, #tpu.memory_space<vmem_shared>>
        %dma_start3A_56 = arith.constant 0 : i32
        %dma_start3A_57 = tpu.memref_slice %arg2[%multiple_of3A, %dma_start3A_56] : memref<10000x128xf32, #tpu.memory_space<hbm>> -> memref<632x128xf32, #tpu.memory_space<hbm>>
        tpu.enqueue_dma source(%dma_start3A_57 : memref<632x128xf32, #tpu.memory_space<hbm>>) target(%dma_start3A_55 : memref<632x128xf32, #tpu.memory_space<vmem_shared>>) target_semaphore(%run_scoped3A : memref<!tpu.dma_semaphore, #tpu.memory_space<semaphore_mem>>)
        %dma_wait3A_58 = arith.constant 0 : i32
        %dma_wait3A_59 = tpu.memref_slice %arg8[%multiple_of3A, %dma_wait3A_58] : memref<10112x128xf32, #tpu.memory_space<vmem_shared>> -> memref<632x128xf32, #tpu.memory_space<vmem_shared>>
        %dma_wait3A_60 = arith.constant 0 : i32
        %dma_wait3A_61 = tpu.memref_slice %arg2[%multiple_of3A, %dma_wait3A_60] : memref<10000x128xf32, #tpu.memory_space<hbm>> -> memref<632x128xf32, #tpu.memory_space<hbm>>
        tpu.wait_dma2 semaphore(%run_scoped3A : memref<!tpu.dma_semaphore, #tpu.memory_space<semaphore_mem>>) src(%dma_wait3A_61 : memref<632x128xf32, #tpu.memory_space<hbm>>) dst(%dma_wait3A_59 : memref<632x128xf32, #tpu.memory_space<vmem_shared>>)
        tpu.yield
      }) : () -> ()
    } else {
    }
    %eq3A_6 = arith.constant 0 : i32
    %eq3A_7 = arith.cmpi eq, %arg0, %eq3A_6 : i32
    %eq3A_8 = arith.constant 15 : i32
    %eq3A_9 = arith.cmpi eq, %arg1, %eq3A_8 : i32
    %and3A_10 = arith.andi %eq3A_7, %eq3A_9 : i1
    %convert_element_type3A_11 = arith.extui %and3A_10 : i1 to i32
    %cond3A_12 = arith.constant 0 : i32
    %cond3A_13 = arith.cmpi ne, %convert_element_type3A_11, %cond3A_12 : i32
    scf.if %cond3A_13 {
      "tpu.region"() ({
        %run_scoped3A = tpu.sem_alloc : memref<!tpu.dma_semaphore, #tpu.memory_space<semaphore_mem>>
        %dma_start3A_56 = arith.constant 0 : i32
        %dma_start3A_57 = tpu.memref_slice %arg8[%multiple_of3A, %dma_start3A_56] : memref<10112x128xf32, #tpu.memory_space<vmem_shared>> -> memref<520x128xf32, #tpu.memory_space<vmem_shared>>
        %dma_start3A_58 = arith.constant 0 : i32
        %dma_start3A_59 = tpu.memref_slice %arg2[%multiple_of3A, %dma_start3A_58] : memref<10000x128xf32, #tpu.memory_space<hbm>> -> memref<520x128xf32, #tpu.memory_space<hbm>>
        tpu.enqueue_dma source(%dma_start3A_59 : memref<520x128xf32, #tpu.memory_space<hbm>>) target(%dma_start3A_57 : memref<520x128xf32, #tpu.memory_space<vmem_shared>>) target_semaphore(%run_scoped3A : memref<!tpu.dma_semaphore, #tpu.memory_space<semaphore_mem>>)
        %dma_wait3A_60 = arith.constant 0 : i32
        %dma_wait3A_61 = tpu.memref_slice %arg8[%multiple_of3A, %dma_wait3A_60] : memref<10112x128xf32, #tpu.memory_space<vmem_shared>> -> memref<520x128xf32, #tpu.memory_space<vmem_shared>>
        %dma_wait3A_62 = arith.constant 0 : i32
        %dma_wait3A_63 = tpu.memref_slice %arg2[%multiple_of3A, %dma_wait3A_62] : memref<10000x128xf32, #tpu.memory_space<hbm>> -> memref<520x128xf32, #tpu.memory_space<hbm>>
        tpu.wait_dma2 semaphore(%run_scoped3A : memref<!tpu.dma_semaphore, #tpu.memory_space<semaphore_mem>>) src(%dma_wait3A_63 : memref<520x128xf32, #tpu.memory_space<hbm>>) dst(%dma_wait3A_61 : memref<520x128xf32, #tpu.memory_space<vmem_shared>>)
        tpu.yield
      }) : () -> ()
      %multiple_of3A_54 = arith.constant 10000 : i32
      %multiple_of3A_55 = tpu.assume_multiple %multiple_of3A_54, 8 : i32
      "tpu.region"() ({
        %run_scoped3A = tpu.sem_alloc : memref<!tpu.dma_semaphore, #tpu.memory_space<semaphore_mem>>
        %dma_start3A_56 = arith.constant 0 : i32
        %dma_start3A_57 = tpu.memref_slice %arg8[%multiple_of3A_55, %dma_start3A_56] : memref<10112x128xf32, #tpu.memory_space<vmem_shared>> -> memref<112x128xf32, #tpu.memory_space<vmem_shared>>
        %dma_start3A_58 = arith.constant 0 : i32
        %dma_start3A_59 = arith.constant 0 : i32
        %dma_start3A_60 = tpu.memref_slice %arg6[%dma_start3A_58, %dma_start3A_59] : memref<632x128xf32, #tpu.memory_space<hbm>> -> memref<112x128xf32, #tpu.memory_space<hbm>>
        tpu.enqueue_dma source(%dma_start3A_60 : memref<112x128xf32, #tpu.memory_space<hbm>>) target(%dma_start3A_57 : memref<112x128xf32, #tpu.memory_space<vmem_shared>>) target_semaphore(%run_scoped3A : memref<!tpu.dma_semaphore, #tpu.memory_space<semaphore_mem>>)
        %dma_wait3A_61 = arith.constant 0 : i32
        %dma_wait3A_62 = tpu.memref_slice %arg8[%multiple_of3A_55, %dma_wait3A_61] : memref<10112x128xf32, #tpu.memory_space<vmem_shared>> -> memref<112x128xf32, #tpu.memory_space<vmem_shared>>
        %dma_wait3A_63 = arith.constant 0 : i32
        %dma_wait3A_64 = arith.constant 0 : i32
        %dma_wait3A_65 = tpu.memref_slice %arg6[%dma_wait3A_63, %dma_wait3A_64] : memref<632x128xf32, #tpu.memory_space<hbm>> -> memref<112x128xf32, #tpu.memory_space<hbm>>
        tpu.wait_dma2 semaphore(%run_scoped3A : memref<!tpu.dma_semaphore, #tpu.memory_space<semaphore_mem>>) src(%dma_wait3A_65 : memref<112x128xf32, #tpu.memory_space<hbm>>) dst(%dma_wait3A_62 : memref<112x128xf32, #tpu.memory_space<vmem_shared>>)
        tpu.yield
      }) : () -> ()
    } else {
    }
    %eq3A_14 = arith.constant 1 : i32
    %eq3A_15 = arith.cmpi eq, %arg0, %eq3A_14 : i32
    %convert_element_type3A_16 = arith.extui %eq3A_15 : i1 to i32
    %cond3A_17 = arith.constant 0 : i32
    %cond3A_18 = arith.cmpi ne, %convert_element_type3A_16, %cond3A_17 : i32
    scf.if %cond3A_18 {
      "tpu.region"() ({
        %run_scoped3A = tpu.sem_alloc : memref<!tpu.dma_semaphore, #tpu.memory_space<semaphore_mem>>
        %dma_start3A_54 = arith.constant 0 : i32
        %dma_start3A_55 = tpu.memref_slice %arg8[%multiple_of3A, %dma_start3A_54] : memref<10112x128xf32, #tpu.memory_space<vmem_shared>> -> memref<632x128xf32, #tpu.memory_space<vmem_shared>>
        tpu.enqueue_dma source(%arg6 : memref<632x128xf32, #tpu.memory_space<hbm>>) target(%dma_start3A_55 : memref<632x128xf32, #tpu.memory_space<vmem_shared>>) target_semaphore(%run_scoped3A : memref<!tpu.dma_semaphore, #tpu.memory_space<semaphore_mem>>)
        %dma_wait3A_56 = arith.constant 0 : i32
        %dma_wait3A_57 = tpu.memref_slice %arg8[%multiple_of3A, %dma_wait3A_56] : memref<10112x128xf32, #tpu.memory_space<vmem_shared>> -> memref<632x128xf32, #tpu.memory_space<vmem_shared>>
        tpu.wait_dma2 semaphore(%run_scoped3A : memref<!tpu.dma_semaphore, #tpu.memory_space<semaphore_mem>>) src(%arg6 : memref<632x128xf32, #tpu.memory_space<hbm>>) dst(%dma_wait3A_57 : memref<632x128xf32, #tpu.memory_space<vmem_shared>>)
        tpu.yield
      }) : () -> ()
    } else {
    }
    %mul3A_19 = arith.constant 10000 : i32
    %mul3A_20 = arith.muli %add3A, %mul3A_19 : i32
    %multiple_of3A_21 = tpu.assume_multiple %mul3A_20, 8 : i32
    "tpu.region"() ({
      %run_scoped3A = tpu.sem_alloc : memref<!tpu.dma_semaphore, #tpu.memory_space<semaphore_mem>>
      %dma_start3A_54 = tpu.memref_slice %arg3[%multiple_of3A_21] : memref<320000xi32, #tpu.memory_space<hbm>> -> memref<10000xi32, #tpu.memory_space<hbm>>
      %dma_start3A_55 = tpu.memref_slice %arg3[%multiple_of3A_21] : memref<320000xi32, #tpu.memory_space<hbm>> -> memref<10000xi32, #tpu.memory_space<hbm>>
      tpu.enqueue_dma source(%dma_start3A_55 : memref<10000xi32, #tpu.memory_space<hbm>>) target(%arg9 : memref<10000xi32, #tpu.memory_space<vmem>>) target_semaphore(%run_scoped3A : memref<!tpu.dma_semaphore, #tpu.memory_space<semaphore_mem>>)
      %dma_wait3A_56 = tpu.memref_slice %arg3[%multiple_of3A_21] : memref<320000xi32, #tpu.memory_space<hbm>> -> memref<10000xi32, #tpu.memory_space<hbm>>
      %dma_wait3A_57 = tpu.memref_slice %arg3[%multiple_of3A_21] : memref<320000xi32, #tpu.memory_space<hbm>> -> memref<10000xi32, #tpu.memory_space<hbm>>
      tpu.wait_dma2 semaphore(%run_scoped3A : memref<!tpu.dma_semaphore, #tpu.memory_space<semaphore_mem>>) src(%dma_wait3A_57 : memref<10000xi32, #tpu.memory_space<hbm>>) dst(%arg9 : memref<10000xi32, #tpu.memory_space<vmem>>)
      tpu.yield
    }) : () -> ()
    "tpu.region"() ({
      %run_scoped3A = tpu.sem_alloc : memref<!tpu.dma_semaphore, #tpu.memory_space<semaphore_mem>>
      %dma_start3A_54 = arith.constant 0 : i32
      %dma_start3A_55 = arith.constant 0 : i32
      %dma_start3A_56 = tpu.memref_slice %arg4[%add3A, %dma_start3A_54, %dma_start3A_55] : memref<32x96x104xi32, #tpu.memory_space<hbm>> -> memref<1x96x104xi32, #tpu.memory_space<hbm>>
      %dma_start3A_57 = tpu.memref_squeeze %dma_start3A_56 : memref<1x96x104xi32, #tpu.memory_space<hbm>> -> memref<96x104xi32, #tpu.memory_space<hbm>>
      %dma_start3A_58 = arith.constant 0 : i32
      %dma_start3A_59 = arith.constant 0 : i32
      %dma_start3A_60 = tpu.memref_slice %arg4[%add3A, %dma_start3A_58, %dma_start3A_59] : memref<32x96x104xi32, #tpu.memory_space<hbm>> -> memref<1x96x104xi32, #tpu.memory_space<hbm>>
      %dma_start3A_61 = tpu.memref_squeeze %dma_start3A_60 : memref<1x96x104xi32, #tpu.memory_space<hbm>> -> memref<96x104xi32, #tpu.memory_space<hbm>>
      tpu.enqueue_dma source(%dma_start3A_61 : memref<96x104xi32, #tpu.memory_space<hbm>>) target(%arg10 : memref<96x104xi32, #tpu.memory_space<vmem>>) target_semaphore(%run_scoped3A : memref<!tpu.dma_semaphore, #tpu.memory_space<semaphore_mem>>)
      %dma_wait3A_62 = arith.constant 0 : i32
      %dma_wait3A_63 = arith.constant 0 : i32
      %dma_wait3A_64 = tpu.memref_slice %arg4[%add3A, %dma_wait3A_62, %dma_wait3A_63] : memref<32x96x104xi32, #tpu.memory_space<hbm>> -> memref<1x96x104xi32, #tpu.memory_space<hbm>>
      %dma_wait3A_65 = tpu.memref_squeeze %dma_wait3A_64 : memref<1x96x104xi32, #tpu.memory_space<hbm>> -> memref<96x104xi32, #tpu.memory_space<hbm>>
      %dma_wait3A_66 = arith.constant 0 : i32
      %dma_wait3A_67 = arith.constant 0 : i32
      %dma_wait3A_68 = tpu.memref_slice %arg4[%add3A, %dma_wait3A_66, %dma_wait3A_67] : memref<32x96x104xi32, #tpu.memory_space<hbm>> -> memref<1x96x104xi32, #tpu.memory_space<hbm>>
      %dma_wait3A_69 = tpu.memref_squeeze %dma_wait3A_68 : memref<1x96x104xi32, #tpu.memory_space<hbm>> -> memref<96x104xi32, #tpu.memory_space<hbm>>
      tpu.wait_dma2 semaphore(%run_scoped3A : memref<!tpu.dma_semaphore, #tpu.memory_space<semaphore_mem>>) src(%dma_wait3A_69 : memref<96x104xi32, #tpu.memory_space<hbm>>) dst(%arg10 : memref<96x104xi32, #tpu.memory_space<vmem>>)
      tpu.yield
    }) : () -> ()
    "tpu.region"() ({
      %run_scoped3A = tpu.sem_alloc : memref<!tpu.dma_semaphore, #tpu.memory_space<semaphore_mem>>
      %dma_start3A_54 = arith.constant 0 : i32
      %dma_start3A_55 = tpu.memref_slice %arg5[%add3A, %dma_start3A_54] : memref<32x16xi32, #tpu.memory_space<hbm>> -> memref<1x16xi32, #tpu.memory_space<hbm>>
      %dma_start3A_56 = tpu.memref_squeeze %dma_start3A_55 : memref<1x16xi32, #tpu.memory_space<hbm>> -> memref<16xi32, #tpu.memory_space<hbm>>
      %dma_start3A_57 = arith.constant 0 : i32
      %dma_start3A_58 = tpu.memref_slice %arg5[%add3A, %dma_start3A_57] : memref<32x16xi32, #tpu.memory_space<hbm>> -> memref<1x16xi32, #tpu.memory_space<hbm>>
      %dma_start3A_59 = tpu.memref_squeeze %dma_start3A_58 : memref<1x16xi32, #tpu.memory_space<hbm>> -> memref<16xi32, #tpu.memory_space<hbm>>
      tpu.enqueue_dma source(%dma_start3A_59 : memref<16xi32, #tpu.memory_space<hbm>>) target(%arg11 : memref<16xi32, #tpu.memory_space<vmem>>) target_semaphore(%run_scoped3A : memref<!tpu.dma_semaphore, #tpu.memory_space<semaphore_mem>>)
      %dma_wait3A_60 = arith.constant 0 : i32
      %dma_wait3A_61 = tpu.memref_slice %arg5[%add3A, %dma_wait3A_60] : memref<32x16xi32, #tpu.memory_space<hbm>> -> memref<1x16xi32, #tpu.memory_space<hbm>>
      %dma_wait3A_62 = tpu.memref_squeeze %dma_wait3A_61 : memref<1x16xi32, #tpu.memory_space<hbm>> -> memref<16xi32, #tpu.memory_space<hbm>>
      %dma_wait3A_63 = arith.constant 0 : i32
      %dma_wait3A_64 = tpu.memref_slice %arg5[%add3A, %dma_wait3A_63] : memref<32x16xi32, #tpu.memory_space<hbm>> -> memref<1x16xi32, #tpu.memory_space<hbm>>
      %dma_wait3A_65 = tpu.memref_squeeze %dma_wait3A_64 : memref<1x16xi32, #tpu.memory_space<hbm>> -> memref<16xi32, #tpu.memory_space<hbm>>
      tpu.wait_dma2 semaphore(%run_scoped3A : memref<!tpu.dma_semaphore, #tpu.memory_space<semaphore_mem>>) src(%dma_wait3A_65 : memref<16xi32, #tpu.memory_space<hbm>>) dst(%arg11 : memref<16xi32, #tpu.memory_space<vmem>>)
      tpu.yield
    }) : () -> ()
    %barrier3A = arith.constant 0 : index
    tpu.barrier barrier_id(%barrier3A)
    %multiple_of3A_22 = arith.constant 0 : i32
    %multiple_of3A_23 = tpu.assume_multiple %multiple_of3A_22, 8 : i32
    %dma_start3A = tpu.memref_slice %arg9[%multiple_of3A_23] : memref<10000xi32, #tpu.memory_space<vmem>> -> memref<104xi32, #tpu.memory_space<vmem>>
    %dma_start3A_24 = arith.constant 0 : i32
    %dma_start3A_25 = arith.constant 0 : i32
    %dma_start3A_26 = tpu.memref_slice %arg2[%dma_start3A_24, %dma_start3A_25] : memref<10000x128xf32, #tpu.memory_space<hbm>> -> memref<10000x128xf32, #tpu.memory_space<hbm>>
    tpu.enqueue_indirect_dma source(%dma_start3A_26 : memref<10000x128xf32, #tpu.memory_space<hbm>>) target(%arg12 : memref<104x128xf32, #tpu.memory_space<vmem>>) offsets(%dma_start3A : memref<104xi32, #tpu.memory_space<vmem>>) semaphore(%arg14 : memref<!tpu.dma_semaphore, #tpu.memory_space<semaphore_mem>>)
    %multiple_of3A_27 = arith.constant 104 : i32
    %multiple_of3A_28 = tpu.assume_multiple %multiple_of3A_27, 8 : i32
    %dma_start3A_29 = tpu.memref_slice %arg9[%multiple_of3A_28] : memref<10000xi32, #tpu.memory_space<vmem>> -> memref<104xi32, #tpu.memory_space<vmem>>
    %dma_start3A_30 = arith.constant 0 : i32
    %dma_start3A_31 = arith.constant 0 : i32
    %dma_start3A_32 = tpu.memref_slice %arg2[%dma_start3A_30, %dma_start3A_31] : memref<10000x128xf32, #tpu.memory_space<hbm>> -> memref<10000x128xf32, #tpu.memory_space<hbm>>
    tpu.enqueue_indirect_dma source(%dma_start3A_32 : memref<10000x128xf32, #tpu.memory_space<hbm>>) target(%arg13 : memref<104x128xf32, #tpu.memory_space<vmem>>) offsets(%dma_start3A_29 : memref<104xi32, #tpu.memory_space<vmem>>) semaphore(%arg15 : memref<!tpu.dma_semaphore, #tpu.memory_space<semaphore_mem>>)
    %scan3A = arith.constant 0 : i32
    %scan3A_33 = arith.constant 0 : i32
    %scan3A_34 = arith.constant 48 : i32
    %scan3A_35 = arith.addi %scan3A_33, %scan3A_34 : i32
    %scan3A_36 = arith.constant 1 : i32
    scf.for %scan3A_54 = %scan3A_33 to %scan3A_35 step %scan3A_36  : i32 {
      %mul3A_55 = arith.constant 2 : i32
      %mul3A_56 = arith.muli %scan3A_54, %mul3A_55 : i32
      %dma_wait3A_57 = arith.constant 0 : i32
      %dma_wait3A_58 = tpu.memref_slice %arg9[%dma_wait3A_57] : memref<10000xi32, #tpu.memory_space<vmem>> -> memref<104xi32, #tpu.memory_space<vmem>>
      %dma_wait3A_59 = arith.constant 0 : i32
      %dma_wait3A_60 = arith.constant 0 : i32
      %dma_wait3A_61 = tpu.memref_slice %arg2[%dma_wait3A_59, %dma_wait3A_60] : memref<10000x128xf32, #tpu.memory_space<hbm>> -> memref<10000x128xf32, #tpu.memory_space<hbm>>
      tpu.wait_indirect_dma semaphore(%arg14 : memref<!tpu.dma_semaphore, #tpu.memory_space<semaphore_mem>>) src(%dma_wait3A_61 : memref<10000x128xf32, #tpu.memory_space<hbm>>) dst(%arg12 : memref<104x128xf32, #tpu.memory_space<vmem>>)
      %add3A_62 = arith.constant 0 : i32
      %add3A_63 = arith.addi %mul3A_56, %add3A_62 : i32
      "tpu.region"() ({
        %run_scoped3A = tpu.sem_alloc : memref<!tpu.dma_semaphore, #tpu.memory_space<semaphore_mem>>
        %dma_start3A_89 = arith.constant 0 : i32
        %dma_start3A_90 = tpu.memref_slice %arg10[%add3A_63, %dma_start3A_89] : memref<96x104xi32, #tpu.memory_space<vmem>> -> memref<1x104xi32, #tpu.memory_space<vmem>>
        %dma_start3A_91 = tpu.memref_squeeze %dma_start3A_90 : memref<1x104xi32, #tpu.memory_space<vmem>> -> memref<104xi32, #tpu.memory_space<vmem>>
        %dma_start3A_92 = arith.constant 0 : i32
        %dma_start3A_93 = arith.constant 0 : i32
        %dma_start3A_94 = tpu.memref_slice %arg8[%dma_start3A_92, %dma_start3A_93] : memref<10112x128xf32, #tpu.memory_space<vmem_shared>> -> memref<10112x128xf32, #tpu.memory_space<vmem_shared>>
        tpu.enqueue_indirect_dma source(%arg12 : memref<104x128xf32, #tpu.memory_space<vmem>>) target(%dma_start3A_94 : memref<10112x128xf32, #tpu.memory_space<vmem_shared>>) offsets(%dma_start3A_91 : memref<104xi32, #tpu.memory_space<vmem>>) semaphore(%run_scoped3A : memref<!tpu.dma_semaphore, #tpu.memory_space<semaphore_mem>>) {add = true}
        %dma_wait3A_95 = arith.constant 0 : i32
        %dma_wait3A_96 = tpu.memref_slice %arg10[%add3A_63, %dma_wait3A_95] : memref<96x104xi32, #tpu.memory_space<vmem>> -> memref<1x104xi32, #tpu.memory_space<vmem>>
        %dma_wait3A_97 = tpu.memref_squeeze %dma_wait3A_96 : memref<1x104xi32, #tpu.memory_space<vmem>> -> memref<104xi32, #tpu.memory_space<vmem>>
        %dma_wait3A_98 = arith.constant 0 : i32
        %dma_wait3A_99 = arith.constant 0 : i32
        %dma_wait3A_100 = tpu.memref_slice %arg8[%dma_wait3A_98, %dma_wait3A_99] : memref<10112x128xf32, #tpu.memory_space<vmem_shared>> -> memref<10112x128xf32, #tpu.memory_space<vmem_shared>>
        tpu.wait_indirect_dma semaphore(%run_scoped3A : memref<!tpu.dma_semaphore, #tpu.memory_space<semaphore_mem>>) src(%arg12 : memref<104x128xf32, #tpu.memory_space<vmem>>) dst(%dma_wait3A_100 : memref<10112x128xf32, #tpu.memory_space<vmem_shared>>)
        tpu.yield
      }) : () -> ()
      %add3A_64 = arith.constant 0 : i32
      %add3A_65 = arith.addi %mul3A_56, %add3A_64 : i32
      %add3A_66 = arith.constant 2 : i32
      %add3A_67 = arith.addi %add3A_65, %add3A_66 : i32
      %lt3A_68 = arith.constant 96 : i32
      %lt3A_69 = arith.cmpi slt, %add3A_67, %lt3A_68 : i32
      %convert_element_type3A_70 = arith.extui %lt3A_69 : i1 to i32
      %cond3A_71 = arith.constant 0 : i32
      %cond3A_72 = arith.cmpi ne, %convert_element_type3A_70, %cond3A_71 : i32
      scf.if %cond3A_72 {
        %add3A_89 = arith.constant 0 : i32
        %add3A_90 = arith.addi %mul3A_56, %add3A_89 : i32
        %add3A_91 = arith.constant 2 : i32
        %add3A_92 = arith.addi %add3A_90, %add3A_91 : i32
        %mul3A_93 = arith.constant 104 : i32
        %mul3A_94 = arith.muli %add3A_92, %mul3A_93 : i32
        %multiple_of3A_95 = tpu.assume_multiple %mul3A_94, 8 : i32
        %dma_start3A_96 = tpu.memref_slice %arg9[%multiple_of3A_95] : memref<10000xi32, #tpu.memory_space<vmem>> -> memref<104xi32, #tpu.memory_space<vmem>>
        %dma_start3A_97 = arith.constant 0 : i32
        %dma_start3A_98 = arith.constant 0 : i32
        %dma_start3A_99 = tpu.memref_slice %arg2[%dma_start3A_97, %dma_start3A_98] : memref<10000x128xf32, #tpu.memory_space<hbm>> -> memref<10000x128xf32, #tpu.memory_space<hbm>>
        tpu.enqueue_indirect_dma source(%dma_start3A_99 : memref<10000x128xf32, #tpu.memory_space<hbm>>) target(%arg12 : memref<104x128xf32, #tpu.memory_space<vmem>>) offsets(%dma_start3A_96 : memref<104xi32, #tpu.memory_space<vmem>>) semaphore(%arg14 : memref<!tpu.dma_semaphore, #tpu.memory_space<semaphore_mem>>)
      } else {
      }
      %dma_wait3A_73 = arith.constant 0 : i32
      %dma_wait3A_74 = tpu.memref_slice %arg9[%dma_wait3A_73] : memref<10000xi32, #tpu.memory_space<vmem>> -> memref<104xi32, #tpu.memory_space<vmem>>
      %dma_wait3A_75 = arith.constant 0 : i32
      %dma_wait3A_76 = arith.constant 0 : i32
      %dma_wait3A_77 = tpu.memref_slice %arg2[%dma_wait3A_75, %dma_wait3A_76] : memref<10000x128xf32, #tpu.memory_space<hbm>> -> memref<10000x128xf32, #tpu.memory_space<hbm>>
      tpu.wait_indirect_dma semaphore(%arg15 : memref<!tpu.dma_semaphore, #tpu.memory_space<semaphore_mem>>) src(%dma_wait3A_77 : memref<10000x128xf32, #tpu.memory_space<hbm>>) dst(%arg13 : memref<104x128xf32, #tpu.memory_space<vmem>>)
      %add3A_78 = arith.constant 1 : i32
      %add3A_79 = arith.addi %mul3A_56, %add3A_78 : i32
      "tpu.region"() ({
        %run_scoped3A = tpu.sem_alloc : memref<!tpu.dma_semaphore, #tpu.memory_space<semaphore_mem>>
        %dma_start3A_89 = arith.constant 0 : i32
        %dma_start3A_90 = tpu.memref_slice %arg10[%add3A_79, %dma_start3A_89] : memref<96x104xi32, #tpu.memory_space<vmem>> -> memref<1x104xi32, #tpu.memory_space<vmem>>
        %dma_start3A_91 = tpu.memref_squeeze %dma_start3A_90 : memref<1x104xi32, #tpu.memory_space<vmem>> -> memref<104xi32, #tpu.memory_space<vmem>>
        %dma_start3A_92 = arith.constant 0 : i32
        %dma_start3A_93 = arith.constant 0 : i32
        %dma_start3A_94 = tpu.memref_slice %arg8[%dma_start3A_92, %dma_start3A_93] : memref<10112x128xf32, #tpu.memory_space<vmem_shared>> -> memref<10112x128xf32, #tpu.memory_space<vmem_shared>>
        tpu.enqueue_indirect_dma source(%arg13 : memref<104x128xf32, #tpu.memory_space<vmem>>) target(%dma_start3A_94 : memref<10112x128xf32, #tpu.memory_space<vmem_shared>>) offsets(%dma_start3A_91 : memref<104xi32, #tpu.memory_space<vmem>>) semaphore(%run_scoped3A : memref<!tpu.dma_semaphore, #tpu.memory_space<semaphore_mem>>) {add = true}
        %dma_wait3A_95 = arith.constant 0 : i32
        %dma_wait3A_96 = tpu.memref_slice %arg10[%add3A_79, %dma_wait3A_95] : memref<96x104xi32, #tpu.memory_space<vmem>> -> memref<1x104xi32, #tpu.memory_space<vmem>>
        %dma_wait3A_97 = tpu.memref_squeeze %dma_wait3A_96 : memref<1x104xi32, #tpu.memory_space<vmem>> -> memref<104xi32, #tpu.memory_space<vmem>>
        %dma_wait3A_98 = arith.constant 0 : i32
        %dma_wait3A_99 = arith.constant 0 : i32
        %dma_wait3A_100 = tpu.memref_slice %arg8[%dma_wait3A_98, %dma_wait3A_99] : memref<10112x128xf32, #tpu.memory_space<vmem_shared>> -> memref<10112x128xf32, #tpu.memory_space<vmem_shared>>
        tpu.wait_indirect_dma semaphore(%run_scoped3A : memref<!tpu.dma_semaphore, #tpu.memory_space<semaphore_mem>>) src(%arg13 : memref<104x128xf32, #tpu.memory_space<vmem>>) dst(%dma_wait3A_100 : memref<10112x128xf32, #tpu.memory_space<vmem_shared>>)
        tpu.yield
      }) : () -> ()
      %add3A_80 = arith.constant 1 : i32
      %add3A_81 = arith.addi %mul3A_56, %add3A_80 : i32
      %add3A_82 = arith.constant 2 : i32
      %add3A_83 = arith.addi %add3A_81, %add3A_82 : i32
      %lt3A_84 = arith.constant 96 : i32
      %lt3A_85 = arith.cmpi slt, %add3A_83, %lt3A_84 : i32
      %convert_element_type3A_86 = arith.extui %lt3A_85 : i1 to i32
      %cond3A_87 = arith.constant 0 : i32
      %cond3A_88 = arith.cmpi ne, %convert_element_type3A_86, %cond3A_87 : i32
      scf.if %cond3A_88 {
        %add3A_89 = arith.constant 1 : i32
        %add3A_90 = arith.addi %mul3A_56, %add3A_89 : i32
        %add3A_91 = arith.constant 2 : i32
        %add3A_92 = arith.addi %add3A_90, %add3A_91 : i32
        %mul3A_93 = arith.constant 104 : i32
        %mul3A_94 = arith.muli %add3A_92, %mul3A_93 : i32
        %multiple_of3A_95 = tpu.assume_multiple %mul3A_94, 8 : i32
        %dma_start3A_96 = tpu.memref_slice %arg9[%multiple_of3A_95] : memref<10000xi32, #tpu.memory_space<vmem>> -> memref<104xi32, #tpu.memory_space<vmem>>
        %dma_start3A_97 = arith.constant 0 : i32
        %dma_start3A_98 = arith.constant 0 : i32
        %dma_start3A_99 = tpu.memref_slice %arg2[%dma_start3A_97, %dma_start3A_98] : memref<10000x128xf32, #tpu.memory_space<hbm>> -> memref<10000x128xf32, #tpu.memory_space<hbm>>
        tpu.enqueue_indirect_dma source(%dma_start3A_99 : memref<10000x128xf32, #tpu.memory_space<hbm>>) target(%arg13 : memref<104x128xf32, #tpu.memory_space<vmem>>) offsets(%dma_start3A_96 : memref<104xi32, #tpu.memory_space<vmem>>) semaphore(%arg15 : memref<!tpu.dma_semaphore, #tpu.memory_space<semaphore_mem>>)
      } else {
      }
    }
    %scan3A_37 = arith.constant 48 : i32
    %multiple_of3A_38 = arith.constant 9984 : i32
    %multiple_of3A_39 = tpu.assume_multiple %multiple_of3A_38, 8 : i32
    %dma_start3A_40 = arith.constant 0 : i32
    %dma_start3A_41 = arith.constant 0 : i32
    %dma_start3A_42 = tpu.memref_slice %arg12[%dma_start3A_40, %dma_start3A_41] : memref<104x128xf32, #tpu.memory_space<vmem>> -> memref<16x128xf32, #tpu.memory_space<vmem>>
    %dma_start3A_43 = tpu.memref_slice %arg9[%multiple_of3A_39] : memref<10000xi32, #tpu.memory_space<vmem>> -> memref<16xi32, #tpu.memory_space<vmem>>
    %dma_start3A_44 = arith.constant 0 : i32
    %dma_start3A_45 = arith.constant 0 : i32
    %dma_start3A_46 = tpu.memref_slice %arg2[%dma_start3A_44, %dma_start3A_45] : memref<10000x128xf32, #tpu.memory_space<hbm>> -> memref<10000x128xf32, #tpu.memory_space<hbm>>
    tpu.enqueue_indirect_dma source(%dma_start3A_46 : memref<10000x128xf32, #tpu.memory_space<hbm>>) target(%dma_start3A_42 : memref<16x128xf32, #tpu.memory_space<vmem>>) offsets(%dma_start3A_43 : memref<16xi32, #tpu.memory_space<vmem>>) semaphore(%arg14 : memref<!tpu.dma_semaphore, #tpu.memory_space<semaphore_mem>>)
    %dma_wait3A = arith.constant 0 : i32
    %dma_wait3A_47 = arith.constant 0 : i32
    %dma_wait3A_48 = tpu.memref_slice %arg12[%dma_wait3A, %dma_wait3A_47] : memref<104x128xf32, #tpu.memory_space<vmem>> -> memref<16x128xf32, #tpu.memory_space<vmem>>
    %dma_wait3A_49 = tpu.memref_slice %arg9[%multiple_of3A_39] : memref<10000xi32, #tpu.memory_space<vmem>> -> memref<16xi32, #tpu.memory_space<vmem>>
    %dma_wait3A_50 = arith.constant 0 : i32
    %dma_wait3A_51 = arith.constant 0 : i32
    %dma_wait3A_52 = tpu.memref_slice %arg2[%dma_wait3A_50, %dma_wait3A_51] : memref<10000x128xf32, #tpu.memory_space<hbm>> -> memref<10000x128xf32, #tpu.memory_space<hbm>>
    tpu.wait_indirect_dma semaphore(%arg14 : memref<!tpu.dma_semaphore, #tpu.memory_space<semaphore_mem>>) src(%dma_wait3A_52 : memref<10000x128xf32, #tpu.memory_space<hbm>>) dst(%dma_wait3A_48 : memref<16x128xf32, #tpu.memory_space<vmem>>)
    "tpu.region"() ({
      %run_scoped3A = tpu.sem_alloc : memref<!tpu.dma_semaphore, #tpu.memory_space<semaphore_mem>>
      %dma_start3A_54 = arith.constant 0 : i32
      %dma_start3A_55 = arith.constant 0 : i32
      %dma_start3A_56 = tpu.memref_slice %arg12[%dma_start3A_54, %dma_start3A_55] : memref<104x128xf32, #tpu.memory_space<vmem>> -> memref<16x128xf32, #tpu.memory_space<vmem>>
      %dma_start3A_57 = arith.constant 0 : i32
      %dma_start3A_58 = arith.constant 0 : i32
      %dma_start3A_59 = tpu.memref_slice %arg8[%dma_start3A_57, %dma_start3A_58] : memref<10112x128xf32, #tpu.memory_space<vmem_shared>> -> memref<10112x128xf32, #tpu.memory_space<vmem_shared>>
      tpu.enqueue_indirect_dma source(%dma_start3A_56 : memref<16x128xf32, #tpu.memory_space<vmem>>) target(%dma_start3A_59 : memref<10112x128xf32, #tpu.memory_space<vmem_shared>>) offsets(%arg11 : memref<16xi32, #tpu.memory_space<vmem>>) semaphore(%run_scoped3A : memref<!tpu.dma_semaphore, #tpu.memory_space<semaphore_mem>>) {add = true}
      %dma_wait3A_60 = arith.constant 0 : i32
      %dma_wait3A_61 = arith.constant 0 : i32
      %dma_wait3A_62 = tpu.memref_slice %arg12[%dma_wait3A_60, %dma_wait3A_61] : memref<104x128xf32, #tpu.memory_space<vmem>> -> memref<16x128xf32, #tpu.memory_space<vmem>>
      %dma_wait3A_63 = arith.constant 0 : i32
      %dma_wait3A_64 = arith.constant 0 : i32
      %dma_wait3A_65 = tpu.memref_slice %arg8[%dma_wait3A_63, %dma_wait3A_64] : memref<10112x128xf32, #tpu.memory_space<vmem_shared>> -> memref<10112x128xf32, #tpu.memory_space<vmem_shared>>
      tpu.wait_indirect_dma semaphore(%run_scoped3A : memref<!tpu.dma_semaphore, #tpu.memory_space<semaphore_mem>>) src(%dma_wait3A_62 : memref<16x128xf32, #tpu.memory_space<vmem>>) dst(%dma_wait3A_65 : memref<10112x128xf32, #tpu.memory_space<vmem_shared>>)
      tpu.yield
    }) : () -> ()
    %barrier3A_53 = arith.constant 0 : index
    tpu.barrier barrier_id(%barrier3A_53)
    "tpu.region"() ({
      %run_scoped3A = tpu.sem_alloc : memref<!tpu.dma_semaphore, #tpu.memory_space<semaphore_mem>>
      %dma_start3A_54 = arith.constant 0 : i32
      %dma_start3A_55 = arith.constant 0 : i32
      %dma_start3A_56 = tpu.memref_slice %arg7[%arg0, %dma_start3A_54, %dma_start3A_55] : memref<2x10112x128xf32, #tpu.memory_space<hbm>> -> memref<1x10112x128xf32, #tpu.memory_space<hbm>>
      %dma_start3A_57 = tpu.memref_squeeze %dma_start3A_56 : memref<1x10112x128xf32, #tpu.memory_space<hbm>> -> memref<10112x128xf32, #tpu.memory_space<hbm>>
      %dma_start3A_58 = arith.constant 0 : i32
      %dma_start3A_59 = tpu.memref_slice %dma_start3A_57[%multiple_of3A, %dma_start3A_58] : memref<10112x128xf32, #tpu.memory_space<hbm>> -> memref<632x128xf32, #tpu.memory_space<hbm>>
      %dma_start3A_60 = arith.constant 0 : i32
      %dma_start3A_61 = tpu.memref_slice %arg8[%multiple_of3A, %dma_start3A_60] : memref<10112x128xf32, #tpu.memory_space<vmem_shared>> -> memref<632x128xf32, #tpu.memory_space<vmem_shared>>
      tpu.enqueue_dma source(%dma_start3A_61 : memref<632x128xf32, #tpu.memory_space<vmem_shared>>) target(%dma_start3A_59 : memref<632x128xf32, #tpu.memory_space<hbm>>) target_semaphore(%run_scoped3A : memref<!tpu.dma_semaphore, #tpu.memory_space<semaphore_mem>>)
      %dma_wait3A_62 = arith.constant 0 : i32
      %dma_wait3A_63 = arith.constant 0 : i32
      %dma_wait3A_64 = tpu.memref_slice %arg7[%arg0, %dma_wait3A_62, %dma_wait3A_63] : memref<2x10112x128xf32, #tpu.memory_space<hbm>> -> memref<1x10112x128xf32, #tpu.memory_space<hbm>>
      %dma_wait3A_65 = tpu.memref_squeeze %dma_wait3A_64 : memref<1x10112x128xf32, #tpu.memory_space<hbm>> -> memref<10112x128xf32, #tpu.memory_space<hbm>>
      %dma_wait3A_66 = arith.constant 0 : i32
      %dma_wait3A_67 = tpu.memref_slice %dma_wait3A_65[%multiple_of3A, %dma_wait3A_66] : memref<10112x128xf32, #tpu.memory_space<hbm>> -> memref<632x128xf32, #tpu.memory_space<hbm>>
      %dma_wait3A_68 = arith.constant 0 : i32
      %dma_wait3A_69 = tpu.memref_slice %arg8[%multiple_of3A, %dma_wait3A_68] : memref<10112x128xf32, #tpu.memory_space<vmem_shared>> -> memref<632x128xf32, #tpu.memory_space<vmem_shared>>
      tpu.wait_dma2 semaphore(%run_scoped3A : memref<!tpu.dma_semaphore, #tpu.memory_space<semaphore_mem>>) src(%dma_wait3A_69 : memref<632x128xf32, #tpu.memory_space<vmem_shared>>) dst(%dma_wait3A_67 : memref<632x128xf32, #tpu.memory_space<hbm>>)
      tpu.yield
    }) : () -> ()
    return
  }
}

#map = affine_map<(d0, d1) -> (0, 0)>
#map1 = affine_map<(d0, d1) -> (0)>
#map2 = affine_map<(d0, d1) -> (0, 0, 0)>
module attributes {stable_mosaic.version = 14 : i64} {
  func.func @agg_kernel(%arg0: i32, %arg1: i32, %arg2: memref<10000x128xf32, #tpu.memory_space<hbm>>, %arg3: memref<320000xi32, #tpu.memory_space<hbm>>, %arg4: memref<32x96x104xi32, #tpu.memory_space<hbm>>, %arg5: memref<32x16xi32, #tpu.memory_space<hbm>>, %arg6: memref<632x128xf32, #tpu.memory_space<hbm>>, %arg7: memref<2x10112x128xf32, #tpu.memory_space<hbm>>, %arg8: memref<10112x128xf32, #tpu.memory_space<vmem_shared>>, %arg9: memref<10000xi32, #tpu.memory_space<vmem>>, %arg10: memref<96x104xi32, #tpu.memory_space<vmem>>, %arg11: memref<16xi32, #tpu.memory_space<vmem>>, %arg12: memref<104x128xf32, #tpu.memory_space<vmem>>, %arg13: memref<104x128xf32, #tpu.memory_space<vmem>>, %arg14: memref<!tpu.dma_semaphore, #tpu.memory_space<semaphore_mem>>, %arg15: memref<!tpu.dma_semaphore, #tpu.memory_space<semaphore_mem>>, %arg16: memref<!tpu.dma_semaphore, #tpu.memory_space<semaphore_mem>>, %arg17: memref<!tpu.dma_semaphore, #tpu.memory_space<semaphore_mem>>) attributes {dimension_semantics = [#tpu.dimension_semantics<core_parallel>, #tpu.dimension_semantics<subcore_parallel>], iteration_bounds = array<i64: 2, 16>, scalar_prefetch = 0 : i64, scratch_operands = 10 : i64, tpu.core_type = #tpu.core_type<sc_vector_subcore>, window_params = [{transform_indices = #map}, {transform_indices = #map1}, {transform_indices = #map2}, {transform_indices = #map}, {transform_indices = #map}, {transform_indices = #map2}]} {
    %mul3A = arith.constant 2 : i32
    %mul3A_0 = arith.muli %arg1, %mul3A : i32
    %add3A = arith.addi %mul3A_0, %arg0 : i32
    %mul3A_1 = arith.constant 632 : i32
    %mul3A_2 = arith.muli %arg1, %mul3A_1 : i32
    %multiple_of3A = tpu.assume_multiple %mul3A_2, 8 : i32
    %eq3A = arith.constant 0 : i32
    %eq3A_3 = arith.cmpi eq, %arg0, %eq3A : i32
    %lt3A = arith.constant 15 : i32
    %lt3A_4 = arith.cmpi slt, %arg1, %lt3A : i32
    %and3A = arith.andi %eq3A_3, %lt3A_4 : i1
    %convert_element_type3A = arith.extui %and3A : i1 to i32
    %cond3A = arith.constant 0 : i32
    %cond3A_5 = arith.cmpi ne, %convert_element_type3A, %cond3A : i32
    scf.if %cond3A_5 {
      "tpu.region"() ({
        %run_scoped3A = tpu.sem_alloc : memref<!tpu.dma_semaphore, #tpu.memory_space<semaphore_mem>>
        %dma_start3A_54 = arith.constant 0 : i32
        %dma_start3A_55 = tpu.memref_slice %arg8[%multiple_of3A, %dma_start3A_54] : memref<10112x128xf32, #tpu.memory_space<vmem_shared>> -> memref<632x128xf32, #tpu.memory_space<vmem_shared>>
        %dma_start3A_56 = arith.constant 0 : i32
        %dma_start3A_57 = tpu.memref_slice %arg2[%multiple_of3A, %dma_start3A_56] : memref<10000x128xf32, #tpu.memory_space<hbm>> -> memref<632x128xf32, #tpu.memory_space<hbm>>
        tpu.enqueue_dma source(%dma_start3A_57 : memref<632x128xf32, #tpu.memory_space<hbm>>) target(%dma_start3A_55 : memref<632x128xf32, #tpu.memory_space<vmem_shared>>) target_semaphore(%run_scoped3A : memref<!tpu.dma_semaphore, #tpu.memory_space<semaphore_mem>>)
        %dma_wait3A_58 = arith.constant 0 : i32
        %dma_wait3A_59 = tpu.memref_slice %arg8[%multiple_of3A, %dma_wait3A_58] : memref<10112x128xf32, #tpu.memory_space<vmem_shared>> -> memref<632x128xf32, #tpu.memory_space<vmem_shared>>
        %dma_wait3A_60 = arith.constant 0 : i32
        %dma_wait3A_61 = tpu.memref_slice %arg2[%multiple_of3A, %dma_wait3A_60] : memref<10000x128xf32, #tpu.memory_space<hbm>> -> memref<632x128xf32, #tpu.memory_space<hbm>>
        tpu.wait_dma2 semaphore(%run_scoped3A : memref<!tpu.dma_semaphore, #tpu.memory_space<semaphore_mem>>) src(%dma_wait3A_61 : memref<632x128xf32, #tpu.memory_space<hbm>>) dst(%dma_wait3A_59 : memref<632x128xf32, #tpu.memory_space<vmem_shared>>)
        tpu.yield
      }) : () -> ()
    } else {
    }
    %eq3A_6 = arith.constant 0 : i32
    %eq3A_7 = arith.cmpi eq, %arg0, %eq3A_6 : i32
    %eq3A_8 = arith.constant 15 : i32
    %eq3A_9 = arith.cmpi eq, %arg1, %eq3A_8 : i32
    %and3A_10 = arith.andi %eq3A_7, %eq3A_9 : i1
    %convert_element_type3A_11 = arith.extui %and3A_10 : i1 to i32
    %cond3A_12 = arith.constant 0 : i32
    %cond3A_13 = arith.cmpi ne, %convert_element_type3A_11, %cond3A_12 : i32
    scf.if %cond3A_13 {
      "tpu.region"() ({
        %run_scoped3A = tpu.sem_alloc : memref<!tpu.dma_semaphore, #tpu.memory_space<semaphore_mem>>
        %dma_start3A_56 = arith.constant 0 : i32
        %dma_start3A_57 = tpu.memref_slice %arg8[%multiple_of3A, %dma_start3A_56] : memref<10112x128xf32, #tpu.memory_space<vmem_shared>> -> memref<520x128xf32, #tpu.memory_space<vmem_shared>>
        %dma_start3A_58 = arith.constant 0 : i32
        %dma_start3A_59 = tpu.memref_slice %arg2[%multiple_of3A, %dma_start3A_58] : memref<10000x128xf32, #tpu.memory_space<hbm>> -> memref<520x128xf32, #tpu.memory_space<hbm>>
        tpu.enqueue_dma source(%dma_start3A_59 : memref<520x128xf32, #tpu.memory_space<hbm>>) target(%dma_start3A_57 : memref<520x128xf32, #tpu.memory_space<vmem_shared>>) target_semaphore(%run_scoped3A : memref<!tpu.dma_semaphore, #tpu.memory_space<semaphore_mem>>)
        %dma_wait3A_60 = arith.constant 0 : i32
        %dma_wait3A_61 = tpu.memref_slice %arg8[%multiple_of3A, %dma_wait3A_60] : memref<10112x128xf32, #tpu.memory_space<vmem_shared>> -> memref<520x128xf32, #tpu.memory_space<vmem_shared>>
        %dma_wait3A_62 = arith.constant 0 : i32
        %dma_wait3A_63 = tpu.memref_slice %arg2[%multiple_of3A, %dma_wait3A_62] : memref<10000x128xf32, #tpu.memory_space<hbm>> -> memref<520x128xf32, #tpu.memory_space<hbm>>
        tpu.wait_dma2 semaphore(%run_scoped3A : memref<!tpu.dma_semaphore, #tpu.memory_space<semaphore_mem>>) src(%dma_wait3A_63 : memref<520x128xf32, #tpu.memory_space<hbm>>) dst(%dma_wait3A_61 : memref<520x128xf32, #tpu.memory_space<vmem_shared>>)
        tpu.yield
      }) : () -> ()
      %multiple_of3A_54 = arith.constant 10000 : i32
      %multiple_of3A_55 = tpu.assume_multiple %multiple_of3A_54, 8 : i32
      "tpu.region"() ({
        %run_scoped3A = tpu.sem_alloc : memref<!tpu.dma_semaphore, #tpu.memory_space<semaphore_mem>>
        %dma_start3A_56 = arith.constant 0 : i32
        %dma_start3A_57 = tpu.memref_slice %arg8[%multiple_of3A_55, %dma_start3A_56] : memref<10112x128xf32, #tpu.memory_space<vmem_shared>> -> memref<112x128xf32, #tpu.memory_space<vmem_shared>>
        %dma_start3A_58 = arith.constant 0 : i32
        %dma_start3A_59 = arith.constant 0 : i32
        %dma_start3A_60 = tpu.memref_slice %arg6[%dma_start3A_58, %dma_start3A_59] : memref<632x128xf32, #tpu.memory_space<hbm>> -> memref<112x128xf32, #tpu.memory_space<hbm>>
        tpu.enqueue_dma source(%dma_start3A_60 : memref<112x128xf32, #tpu.memory_space<hbm>>) target(%dma_start3A_57 : memref<112x128xf32, #tpu.memory_space<vmem_shared>>) target_semaphore(%run_scoped3A : memref<!tpu.dma_semaphore, #tpu.memory_space<semaphore_mem>>)
        %dma_wait3A_61 = arith.constant 0 : i32
        %dma_wait3A_62 = tpu.memref_slice %arg8[%multiple_of3A_55, %dma_wait3A_61] : memref<10112x128xf32, #tpu.memory_space<vmem_shared>> -> memref<112x128xf32, #tpu.memory_space<vmem_shared>>
        %dma_wait3A_63 = arith.constant 0 : i32
        %dma_wait3A_64 = arith.constant 0 : i32
        %dma_wait3A_65 = tpu.memref_slice %arg6[%dma_wait3A_63, %dma_wait3A_64] : memref<632x128xf32, #tpu.memory_space<hbm>> -> memref<112x128xf32, #tpu.memory_space<hbm>>
        tpu.wait_dma2 semaphore(%run_scoped3A : memref<!tpu.dma_semaphore, #tpu.memory_space<semaphore_mem>>) src(%dma_wait3A_65 : memref<112x128xf32, #tpu.memory_space<hbm>>) dst(%dma_wait3A_62 : memref<112x128xf32, #tpu.memory_space<vmem_shared>>)
        tpu.yield
      }) : () -> ()
    } else {
    }
    %eq3A_14 = arith.constant 1 : i32
    %eq3A_15 = arith.cmpi eq, %arg0, %eq3A_14 : i32
    %convert_element_type3A_16 = arith.extui %eq3A_15 : i1 to i32
    %cond3A_17 = arith.constant 0 : i32
    %cond3A_18 = arith.cmpi ne, %convert_element_type3A_16, %cond3A_17 : i32
    scf.if %cond3A_18 {
      "tpu.region"() ({
        %run_scoped3A = tpu.sem_alloc : memref<!tpu.dma_semaphore, #tpu.memory_space<semaphore_mem>>
        %dma_start3A_54 = arith.constant 0 : i32
        %dma_start3A_55 = tpu.memref_slice %arg8[%multiple_of3A, %dma_start3A_54] : memref<10112x128xf32, #tpu.memory_space<vmem_shared>> -> memref<632x128xf32, #tpu.memory_space<vmem_shared>>
        tpu.enqueue_dma source(%arg6 : memref<632x128xf32, #tpu.memory_space<hbm>>) target(%dma_start3A_55 : memref<632x128xf32, #tpu.memory_space<vmem_shared>>) target_semaphore(%run_scoped3A : memref<!tpu.dma_semaphore, #tpu.memory_space<semaphore_mem>>)
        %dma_wait3A_56 = arith.constant 0 : i32
        %dma_wait3A_57 = tpu.memref_slice %arg8[%multiple_of3A, %dma_wait3A_56] : memref<10112x128xf32, #tpu.memory_space<vmem_shared>> -> memref<632x128xf32, #tpu.memory_space<vmem_shared>>
        tpu.wait_dma2 semaphore(%run_scoped3A : memref<!tpu.dma_semaphore, #tpu.memory_space<semaphore_mem>>) src(%arg6 : memref<632x128xf32, #tpu.memory_space<hbm>>) dst(%dma_wait3A_57 : memref<632x128xf32, #tpu.memory_space<vmem_shared>>)
        tpu.yield
      }) : () -> ()
    } else {
    }
    %mul3A_19 = arith.constant 10000 : i32
    %mul3A_20 = arith.muli %add3A, %mul3A_19 : i32
    %multiple_of3A_21 = tpu.assume_multiple %mul3A_20, 8 : i32
    "tpu.region"() ({
      %run_scoped3A = tpu.sem_alloc : memref<!tpu.dma_semaphore, #tpu.memory_space<semaphore_mem>>
      %dma_start3A_54 = tpu.memref_slice %arg3[%multiple_of3A_21] : memref<320000xi32, #tpu.memory_space<hbm>> -> memref<10000xi32, #tpu.memory_space<hbm>>
      %dma_start3A_55 = tpu.memref_slice %arg3[%multiple_of3A_21] : memref<320000xi32, #tpu.memory_space<hbm>> -> memref<10000xi32, #tpu.memory_space<hbm>>
      tpu.enqueue_dma source(%dma_start3A_55 : memref<10000xi32, #tpu.memory_space<hbm>>) target(%arg9 : memref<10000xi32, #tpu.memory_space<vmem>>) target_semaphore(%run_scoped3A : memref<!tpu.dma_semaphore, #tpu.memory_space<semaphore_mem>>)
      %dma_wait3A_56 = tpu.memref_slice %arg3[%multiple_of3A_21] : memref<320000xi32, #tpu.memory_space<hbm>> -> memref<10000xi32, #tpu.memory_space<hbm>>
      %dma_wait3A_57 = tpu.memref_slice %arg3[%multiple_of3A_21] : memref<320000xi32, #tpu.memory_space<hbm>> -> memref<10000xi32, #tpu.memory_space<hbm>>
      tpu.wait_dma2 semaphore(%run_scoped3A : memref<!tpu.dma_semaphore, #tpu.memory_space<semaphore_mem>>) src(%dma_wait3A_57 : memref<10000xi32, #tpu.memory_space<hbm>>) dst(%arg9 : memref<10000xi32, #tpu.memory_space<vmem>>)
      tpu.yield
    }) : () -> ()
    "tpu.region"() ({
      %run_scoped3A = tpu.sem_alloc : memref<!tpu.dma_semaphore, #tpu.memory_space<semaphore_mem>>
      %dma_start3A_54 = arith.constant 0 : i32
      %dma_start3A_55 = arith.constant 0 : i32
      %dma_start3A_56 = tpu.memref_slice %arg4[%add3A, %dma_start3A_54, %dma_start3A_55] : memref<32x96x104xi32, #tpu.memory_space<hbm>> -> memref<1x96x104xi32, #tpu.memory_space<hbm>>
      %dma_start3A_57 = tpu.memref_squeeze %dma_start3A_56 : memref<1x96x104xi32, #tpu.memory_space<hbm>> -> memref<96x104xi32, #tpu.memory_space<hbm>>
      %dma_start3A_58 = arith.constant 0 : i32
      %dma_start3A_59 = arith.constant 0 : i32
      %dma_start3A_60 = tpu.memref_slice %arg4[%add3A, %dma_start3A_58, %dma_start3A_59] : memref<32x96x104xi32, #tpu.memory_space<hbm>> -> memref<1x96x104xi32, #tpu.memory_space<hbm>>
      %dma_start3A_61 = tpu.memref_squeeze %dma_start3A_60 : memref<1x96x104xi32, #tpu.memory_space<hbm>> -> memref<96x104xi32, #tpu.memory_space<hbm>>
      tpu.enqueue_dma source(%dma_start3A_61 : memref<96x104xi32, #tpu.memory_space<hbm>>) target(%arg10 : memref<96x104xi32, #tpu.memory_space<vmem>>) target_semaphore(%run_scoped3A : memref<!tpu.dma_semaphore, #tpu.memory_space<semaphore_mem>>)
      %dma_wait3A_62 = arith.constant 0 : i32
      %dma_wait3A_63 = arith.constant 0 : i32
      %dma_wait3A_64 = tpu.memref_slice %arg4[%add3A, %dma_wait3A_62, %dma_wait3A_63] : memref<32x96x104xi32, #tpu.memory_space<hbm>> -> memref<1x96x104xi32, #tpu.memory_space<hbm>>
      %dma_wait3A_65 = tpu.memref_squeeze %dma_wait3A_64 : memref<1x96x104xi32, #tpu.memory_space<hbm>> -> memref<96x104xi32, #tpu.memory_space<hbm>>
      %dma_wait3A_66 = arith.constant 0 : i32
      %dma_wait3A_67 = arith.constant 0 : i32
      %dma_wait3A_68 = tpu.memref_slice %arg4[%add3A, %dma_wait3A_66, %dma_wait3A_67] : memref<32x96x104xi32, #tpu.memory_space<hbm>> -> memref<1x96x104xi32, #tpu.memory_space<hbm>>
      %dma_wait3A_69 = tpu.memref_squeeze %dma_wait3A_68 : memref<1x96x104xi32, #tpu.memory_space<hbm>> -> memref<96x104xi32, #tpu.memory_space<hbm>>
      tpu.wait_dma2 semaphore(%run_scoped3A : memref<!tpu.dma_semaphore, #tpu.memory_space<semaphore_mem>>) src(%dma_wait3A_69 : memref<96x104xi32, #tpu.memory_space<hbm>>) dst(%arg10 : memref<96x104xi32, #tpu.memory_space<vmem>>)
      tpu.yield
    }) : () -> ()
    "tpu.region"() ({
      %run_scoped3A = tpu.sem_alloc : memref<!tpu.dma_semaphore, #tpu.memory_space<semaphore_mem>>
      %dma_start3A_54 = arith.constant 0 : i32
      %dma_start3A_55 = tpu.memref_slice %arg5[%add3A, %dma_start3A_54] : memref<32x16xi32, #tpu.memory_space<hbm>> -> memref<1x16xi32, #tpu.memory_space<hbm>>
      %dma_start3A_56 = tpu.memref_squeeze %dma_start3A_55 : memref<1x16xi32, #tpu.memory_space<hbm>> -> memref<16xi32, #tpu.memory_space<hbm>>
      %dma_start3A_57 = arith.constant 0 : i32
      %dma_start3A_58 = tpu.memref_slice %arg5[%add3A, %dma_start3A_57] : memref<32x16xi32, #tpu.memory_space<hbm>> -> memref<1x16xi32, #tpu.memory_space<hbm>>
      %dma_start3A_59 = tpu.memref_squeeze %dma_start3A_58 : memref<1x16xi32, #tpu.memory_space<hbm>> -> memref<16xi32, #tpu.memory_space<hbm>>
      tpu.enqueue_dma source(%dma_start3A_59 : memref<16xi32, #tpu.memory_space<hbm>>) target(%arg11 : memref<16xi32, #tpu.memory_space<vmem>>) target_semaphore(%run_scoped3A : memref<!tpu.dma_semaphore, #tpu.memory_space<semaphore_mem>>)
      %dma_wait3A_60 = arith.constant 0 : i32
      %dma_wait3A_61 = tpu.memref_slice %arg5[%add3A, %dma_wait3A_60] : memref<32x16xi32, #tpu.memory_space<hbm>> -> memref<1x16xi32, #tpu.memory_space<hbm>>
      %dma_wait3A_62 = tpu.memref_squeeze %dma_wait3A_61 : memref<1x16xi32, #tpu.memory_space<hbm>> -> memref<16xi32, #tpu.memory_space<hbm>>
      %dma_wait3A_63 = arith.constant 0 : i32
      %dma_wait3A_64 = tpu.memref_slice %arg5[%add3A, %dma_wait3A_63] : memref<32x16xi32, #tpu.memory_space<hbm>> -> memref<1x16xi32, #tpu.memory_space<hbm>>
      %dma_wait3A_65 = tpu.memref_squeeze %dma_wait3A_64 : memref<1x16xi32, #tpu.memory_space<hbm>> -> memref<16xi32, #tpu.memory_space<hbm>>
      tpu.wait_dma2 semaphore(%run_scoped3A : memref<!tpu.dma_semaphore, #tpu.memory_space<semaphore_mem>>) src(%dma_wait3A_65 : memref<16xi32, #tpu.memory_space<hbm>>) dst(%arg11 : memref<16xi32, #tpu.memory_space<vmem>>)
      tpu.yield
    }) : () -> ()
    %barrier3A = arith.constant 0 : index
    tpu.barrier barrier_id(%barrier3A)
    %multiple_of3A_22 = arith.constant 0 : i32
    %multiple_of3A_23 = tpu.assume_multiple %multiple_of3A_22, 8 : i32
    %dma_start3A = tpu.memref_slice %arg9[%multiple_of3A_23] : memref<10000xi32, #tpu.memory_space<vmem>> -> memref<104xi32, #tpu.memory_space<vmem>>
    %dma_start3A_24 = arith.constant 0 : i32
    %dma_start3A_25 = arith.constant 0 : i32
    %dma_start3A_26 = tpu.memref_slice %arg2[%dma_start3A_24, %dma_start3A_25] : memref<10000x128xf32, #tpu.memory_space<hbm>> -> memref<10000x128xf32, #tpu.memory_space<hbm>>
    tpu.enqueue_indirect_dma source(%dma_start3A_26 : memref<10000x128xf32, #tpu.memory_space<hbm>>) target(%arg12 : memref<104x128xf32, #tpu.memory_space<vmem>>) offsets(%dma_start3A : memref<104xi32, #tpu.memory_space<vmem>>) semaphore(%arg14 : memref<!tpu.dma_semaphore, #tpu.memory_space<semaphore_mem>>)
    %multiple_of3A_27 = arith.constant 104 : i32
    %multiple_of3A_28 = tpu.assume_multiple %multiple_of3A_27, 8 : i32
    %dma_start3A_29 = tpu.memref_slice %arg9[%multiple_of3A_28] : memref<10000xi32, #tpu.memory_space<vmem>> -> memref<104xi32, #tpu.memory_space<vmem>>
    %dma_start3A_30 = arith.constant 0 : i32
    %dma_start3A_31 = arith.constant 0 : i32
    %dma_start3A_32 = tpu.memref_slice %arg2[%dma_start3A_30, %dma_start3A_31] : memref<10000x128xf32, #tpu.memory_space<hbm>> -> memref<10000x128xf32, #tpu.memory_space<hbm>>
    tpu.enqueue_indirect_dma source(%dma_start3A_32 : memref<10000x128xf32, #tpu.memory_space<hbm>>) target(%arg13 : memref<104x128xf32, #tpu.memory_space<vmem>>) offsets(%dma_start3A_29 : memref<104xi32, #tpu.memory_space<vmem>>) semaphore(%arg15 : memref<!tpu.dma_semaphore, #tpu.memory_space<semaphore_mem>>)
    %scan3A = arith.constant 0 : i32
    %scan3A_33 = arith.constant 0 : i32
    %scan3A_34 = arith.constant 48 : i32
    %scan3A_35 = arith.addi %scan3A_33, %scan3A_34 : i32
    %scan3A_36 = arith.constant 1 : i32
    scf.for %scan3A_54 = %scan3A_33 to %scan3A_35 step %scan3A_36  : i32 {
      %mul3A_55 = arith.constant 2 : i32
      %mul3A_56 = arith.muli %scan3A_54, %mul3A_55 : i32
      %dma_wait3A_57 = arith.constant 0 : i32
      %dma_wait3A_58 = tpu.memref_slice %arg9[%dma_wait3A_57] : memref<10000xi32, #tpu.memory_space<vmem>> -> memref<104xi32, #tpu.memory_space<vmem>>
      %dma_wait3A_59 = arith.constant 0 : i32
      %dma_wait3A_60 = arith.constant 0 : i32
      %dma_wait3A_61 = tpu.memref_slice %arg2[%dma_wait3A_59, %dma_wait3A_60] : memref<10000x128xf32, #tpu.memory_space<hbm>> -> memref<10000x128xf32, #tpu.memory_space<hbm>>
      tpu.wait_indirect_dma semaphore(%arg14 : memref<!tpu.dma_semaphore, #tpu.memory_space<semaphore_mem>>) src(%dma_wait3A_61 : memref<10000x128xf32, #tpu.memory_space<hbm>>) dst(%arg12 : memref<104x128xf32, #tpu.memory_space<vmem>>)
      %add3A_62 = arith.constant 0 : i32
      %add3A_63 = arith.addi %mul3A_56, %add3A_62 : i32
      "tpu.region"() ({
        %run_scoped3A = tpu.sem_alloc : memref<!tpu.dma_semaphore, #tpu.memory_space<semaphore_mem>>
        %dma_start3A_89 = arith.constant 0 : i32
        %dma_start3A_90 = tpu.memref_slice %arg10[%add3A_63, %dma_start3A_89] : memref<96x104xi32, #tpu.memory_space<vmem>> -> memref<1x104xi32, #tpu.memory_space<vmem>>
        %dma_start3A_91 = tpu.memref_squeeze %dma_start3A_90 : memref<1x104xi32, #tpu.memory_space<vmem>> -> memref<104xi32, #tpu.memory_space<vmem>>
        %dma_start3A_92 = arith.constant 0 : i32
        %dma_start3A_93 = arith.constant 0 : i32
        %dma_start3A_94 = tpu.memref_slice %arg8[%dma_start3A_92, %dma_start3A_93] : memref<10112x128xf32, #tpu.memory_space<vmem_shared>> -> memref<10112x128xf32, #tpu.memory_space<vmem_shared>>
        tpu.enqueue_indirect_dma source(%arg12 : memref<104x128xf32, #tpu.memory_space<vmem>>) target(%dma_start3A_94 : memref<10112x128xf32, #tpu.memory_space<vmem_shared>>) offsets(%dma_start3A_91 : memref<104xi32, #tpu.memory_space<vmem>>) semaphore(%run_scoped3A : memref<!tpu.dma_semaphore, #tpu.memory_space<semaphore_mem>>) {add = true}
        %dma_wait3A_95 = arith.constant 0 : i32
        %dma_wait3A_96 = tpu.memref_slice %arg10[%add3A_63, %dma_wait3A_95] : memref<96x104xi32, #tpu.memory_space<vmem>> -> memref<1x104xi32, #tpu.memory_space<vmem>>
        %dma_wait3A_97 = tpu.memref_squeeze %dma_wait3A_96 : memref<1x104xi32, #tpu.memory_space<vmem>> -> memref<104xi32, #tpu.memory_space<vmem>>
        %dma_wait3A_98 = arith.constant 0 : i32
        %dma_wait3A_99 = arith.constant 0 : i32
        %dma_wait3A_100 = tpu.memref_slice %arg8[%dma_wait3A_98, %dma_wait3A_99] : memref<10112x128xf32, #tpu.memory_space<vmem_shared>> -> memref<10112x128xf32, #tpu.memory_space<vmem_shared>>
        tpu.wait_indirect_dma semaphore(%run_scoped3A : memref<!tpu.dma_semaphore, #tpu.memory_space<semaphore_mem>>) src(%arg12 : memref<104x128xf32, #tpu.memory_space<vmem>>) dst(%dma_wait3A_100 : memref<10112x128xf32, #tpu.memory_space<vmem_shared>>)
        tpu.yield
      }) : () -> ()
      %add3A_64 = arith.constant 0 : i32
      %add3A_65 = arith.addi %mul3A_56, %add3A_64 : i32
      %add3A_66 = arith.constant 2 : i32
      %add3A_67 = arith.addi %add3A_65, %add3A_66 : i32
      %lt3A_68 = arith.constant 96 : i32
      %lt3A_69 = arith.cmpi slt, %add3A_67, %lt3A_68 : i32
      %convert_element_type3A_70 = arith.extui %lt3A_69 : i1 to i32
      %cond3A_71 = arith.constant 0 : i32
      %cond3A_72 = arith.cmpi ne, %convert_element_type3A_70, %cond3A_71 : i32
      scf.if %cond3A_72 {
        %add3A_89 = arith.constant 0 : i32
        %add3A_90 = arith.addi %mul3A_56, %add3A_89 : i32
        %add3A_91 = arith.constant 2 : i32
        %add3A_92 = arith.addi %add3A_90, %add3A_91 : i32
        %mul3A_93 = arith.constant 104 : i32
        %mul3A_94 = arith.muli %add3A_92, %mul3A_93 : i32
        %multiple_of3A_95 = tpu.assume_multiple %mul3A_94, 8 : i32
        %dma_start3A_96 = tpu.memref_slice %arg9[%multiple_of3A_95] : memref<10000xi32, #tpu.memory_space<vmem>> -> memref<104xi32, #tpu.memory_space<vmem>>
        %dma_start3A_97 = arith.constant 0 : i32
        %dma_start3A_98 = arith.constant 0 : i32
        %dma_start3A_99 = tpu.memref_slice %arg2[%dma_start3A_97, %dma_start3A_98] : memref<10000x128xf32, #tpu.memory_space<hbm>> -> memref<10000x128xf32, #tpu.memory_space<hbm>>
        tpu.enqueue_indirect_dma source(%dma_start3A_99 : memref<10000x128xf32, #tpu.memory_space<hbm>>) target(%arg12 : memref<104x128xf32, #tpu.memory_space<vmem>>) offsets(%dma_start3A_96 : memref<104xi32, #tpu.memory_space<vmem>>) semaphore(%arg14 : memref<!tpu.dma_semaphore, #tpu.memory_space<semaphore_mem>>)
      } else {
      }
      %dma_wait3A_73 = arith.constant 0 : i32
      %dma_wait3A_74 = tpu.memref_slice %arg9[%dma_wait3A_73] : memref<10000xi32, #tpu.memory_space<vmem>> -> memref<104xi32, #tpu.memory_space<vmem>>
      %dma_wait3A_75 = arith.constant 0 : i32
      %dma_wait3A_76 = arith.constant 0 : i32
      %dma_wait3A_77 = tpu.memref_slice %arg2[%dma_wait3A_75, %dma_wait3A_76] : memref<10000x128xf32, #tpu.memory_space<hbm>> -> memref<10000x128xf32, #tpu.memory_space<hbm>>
      tpu.wait_indirect_dma semaphore(%arg15 : memref<!tpu.dma_semaphore, #tpu.memory_space<semaphore_mem>>) src(%dma_wait3A_77 : memref<10000x128xf32, #tpu.memory_space<hbm>>) dst(%arg13 : memref<104x128xf32, #tpu.memory_space<vmem>>)
      %add3A_78 = arith.constant 1 : i32
      %add3A_79 = arith.addi %mul3A_56, %add3A_78 : i32
      "tpu.region"() ({
        %run_scoped3A = tpu.sem_alloc : memref<!tpu.dma_semaphore, #tpu.memory_space<semaphore_mem>>
        %dma_start3A_89 = arith.constant 0 : i32
        %dma_start3A_90 = tpu.memref_slice %arg10[%add3A_79, %dma_start3A_89] : memref<96x104xi32, #tpu.memory_space<vmem>> -> memref<1x104xi32, #tpu.memory_space<vmem>>
        %dma_start3A_91 = tpu.memref_squeeze %dma_start3A_90 : memref<1x104xi32, #tpu.memory_space<vmem>> -> memref<104xi32, #tpu.memory_space<vmem>>
        %dma_start3A_92 = arith.constant 0 : i32
        %dma_start3A_93 = arith.constant 0 : i32
        %dma_start3A_94 = tpu.memref_slice %arg8[%dma_start3A_92, %dma_start3A_93] : memref<10112x128xf32, #tpu.memory_space<vmem_shared>> -> memref<10112x128xf32, #tpu.memory_space<vmem_shared>>
        tpu.enqueue_indirect_dma source(%arg13 : memref<104x128xf32, #tpu.memory_space<vmem>>) target(%dma_start3A_94 : memref<10112x128xf32, #tpu.memory_space<vmem_shared>>) offsets(%dma_start3A_91 : memref<104xi32, #tpu.memory_space<vmem>>) semaphore(%run_scoped3A : memref<!tpu.dma_semaphore, #tpu.memory_space<semaphore_mem>>) {add = true}
        %dma_wait3A_95 = arith.constant 0 : i32
        %dma_wait3A_96 = tpu.memref_slice %arg10[%add3A_79, %dma_wait3A_95] : memref<96x104xi32, #tpu.memory_space<vmem>> -> memref<1x104xi32, #tpu.memory_space<vmem>>
        %dma_wait3A_97 = tpu.memref_squeeze %dma_wait3A_96 : memref<1x104xi32, #tpu.memory_space<vmem>> -> memref<104xi32, #tpu.memory_space<vmem>>
        %dma_wait3A_98 = arith.constant 0 : i32
        %dma_wait3A_99 = arith.constant 0 : i32
        %dma_wait3A_100 = tpu.memref_slice %arg8[%dma_wait3A_98, %dma_wait3A_99] : memref<10112x128xf32, #tpu.memory_space<vmem_shared>> -> memref<10112x128xf32, #tpu.memory_space<vmem_shared>>
        tpu.wait_indirect_dma semaphore(%run_scoped3A : memref<!tpu.dma_semaphore, #tpu.memory_space<semaphore_mem>>) src(%arg13 : memref<104x128xf32, #tpu.memory_space<vmem>>) dst(%dma_wait3A_100 : memref<10112x128xf32, #tpu.memory_space<vmem_shared>>)
        tpu.yield
      }) : () -> ()
      %add3A_80 = arith.constant 1 : i32
      %add3A_81 = arith.addi %mul3A_56, %add3A_80 : i32
      %add3A_82 = arith.constant 2 : i32
      %add3A_83 = arith.addi %add3A_81, %add3A_82 : i32
      %lt3A_84 = arith.constant 96 : i32
      %lt3A_85 = arith.cmpi slt, %add3A_83, %lt3A_84 : i32
      %convert_element_type3A_86 = arith.extui %lt3A_85 : i1 to i32
      %cond3A_87 = arith.constant 0 : i32
      %cond3A_88 = arith.cmpi ne, %convert_element_type3A_86, %cond3A_87 : i32
      scf.if %cond3A_88 {
        %add3A_89 = arith.constant 1 : i32
        %add3A_90 = arith.addi %mul3A_56, %add3A_89 : i32
        %add3A_91 = arith.constant 2 : i32
        %add3A_92 = arith.addi %add3A_90, %add3A_91 : i32
        %mul3A_93 = arith.constant 104 : i32
        %mul3A_94 = arith.muli %add3A_92, %mul3A_93 : i32
        %multiple_of3A_95 = tpu.assume_multiple %mul3A_94, 8 : i32
        %dma_start3A_96 = tpu.memref_slice %arg9[%multiple_of3A_95] : memref<10000xi32, #tpu.memory_space<vmem>> -> memref<104xi32, #tpu.memory_space<vmem>>
        %dma_start3A_97 = arith.constant 0 : i32
        %dma_start3A_98 = arith.constant 0 : i32
        %dma_start3A_99 = tpu.memref_slice %arg2[%dma_start3A_97, %dma_start3A_98] : memref<10000x128xf32, #tpu.memory_space<hbm>> -> memref<10000x128xf32, #tpu.memory_space<hbm>>
        tpu.enqueue_indirect_dma source(%dma_start3A_99 : memref<10000x128xf32, #tpu.memory_space<hbm>>) target(%arg13 : memref<104x128xf32, #tpu.memory_space<vmem>>) offsets(%dma_start3A_96 : memref<104xi32, #tpu.memory_space<vmem>>) semaphore(%arg15 : memref<!tpu.dma_semaphore, #tpu.memory_space<semaphore_mem>>)
      } else {
      }
    }
    %scan3A_37 = arith.constant 48 : i32
    %multiple_of3A_38 = arith.constant 9984 : i32
    %multiple_of3A_39 = tpu.assume_multiple %multiple_of3A_38, 8 : i32
    %dma_start3A_40 = arith.constant 0 : i32
    %dma_start3A_41 = arith.constant 0 : i32
    %dma_start3A_42 = tpu.memref_slice %arg12[%dma_start3A_40, %dma_start3A_41] : memref<104x128xf32, #tpu.memory_space<vmem>> -> memref<16x128xf32, #tpu.memory_space<vmem>>
    %dma_start3A_43 = tpu.memref_slice %arg9[%multiple_of3A_39] : memref<10000xi32, #tpu.memory_space<vmem>> -> memref<16xi32, #tpu.memory_space<vmem>>
    %dma_start3A_44 = arith.constant 0 : i32
    %dma_start3A_45 = arith.constant 0 : i32
    %dma_start3A_46 = tpu.memref_slice %arg2[%dma_start3A_44, %dma_start3A_45] : memref<10000x128xf32, #tpu.memory_space<hbm>> -> memref<10000x128xf32, #tpu.memory_space<hbm>>
    tpu.enqueue_indirect_dma source(%dma_start3A_46 : memref<10000x128xf32, #tpu.memory_space<hbm>>) target(%dma_start3A_42 : memref<16x128xf32, #tpu.memory_space<vmem>>) offsets(%dma_start3A_43 : memref<16xi32, #tpu.memory_space<vmem>>) semaphore(%arg14 : memref<!tpu.dma_semaphore, #tpu.memory_space<semaphore_mem>>)
    %dma_wait3A = arith.constant 0 : i32
    %dma_wait3A_47 = arith.constant 0 : i32
    %dma_wait3A_48 = tpu.memref_slice %arg12[%dma_wait3A, %dma_wait3A_47] : memref<104x128xf32, #tpu.memory_space<vmem>> -> memref<16x128xf32, #tpu.memory_space<vmem>>
    %dma_wait3A_49 = tpu.memref_slice %arg9[%multiple_of3A_39] : memref<10000xi32, #tpu.memory_space<vmem>> -> memref<16xi32, #tpu.memory_space<vmem>>
    %dma_wait3A_50 = arith.constant 0 : i32
    %dma_wait3A_51 = arith.constant 0 : i32
    %dma_wait3A_52 = tpu.memref_slice %arg2[%dma_wait3A_50, %dma_wait3A_51] : memref<10000x128xf32, #tpu.memory_space<hbm>> -> memref<10000x128xf32, #tpu.memory_space<hbm>>
    tpu.wait_indirect_dma semaphore(%arg14 : memref<!tpu.dma_semaphore, #tpu.memory_space<semaphore_mem>>) src(%dma_wait3A_52 : memref<10000x128xf32, #tpu.memory_space<hbm>>) dst(%dma_wait3A_48 : memref<16x128xf32, #tpu.memory_space<vmem>>)
    "tpu.region"() ({
      %run_scoped3A = tpu.sem_alloc : memref<!tpu.dma_semaphore, #tpu.memory_space<semaphore_mem>>
      %dma_start3A_54 = arith.constant 0 : i32
      %dma_start3A_55 = arith.constant 0 : i32
      %dma_start3A_56 = tpu.memref_slice %arg12[%dma_start3A_54, %dma_start3A_55] : memref<104x128xf32, #tpu.memory_space<vmem>> -> memref<16x128xf32, #tpu.memory_space<vmem>>
      %dma_start3A_57 = arith.constant 0 : i32
      %dma_start3A_58 = arith.constant 0 : i32
      %dma_start3A_59 = tpu.memref_slice %arg8[%dma_start3A_57, %dma_start3A_58] : memref<10112x128xf32, #tpu.memory_space<vmem_shared>> -> memref<10112x128xf32, #tpu.memory_space<vmem_shared>>
      tpu.enqueue_indirect_dma source(%dma_start3A_56 : memref<16x128xf32, #tpu.memory_space<vmem>>) target(%dma_start3A_59 : memref<10112x128xf32, #tpu.memory_space<vmem_shared>>) offsets(%arg11 : memref<16xi32, #tpu.memory_space<vmem>>) semaphore(%run_scoped3A : memref<!tpu.dma_semaphore, #tpu.memory_space<semaphore_mem>>) {add = true}
      %dma_wait3A_60 = arith.constant 0 : i32
      %dma_wait3A_61 = arith.constant 0 : i32
      %dma_wait3A_62 = tpu.memref_slice %arg12[%dma_wait3A_60, %dma_wait3A_61] : memref<104x128xf32, #tpu.memory_space<vmem>> -> memref<16x128xf32, #tpu.memory_space<vmem>>
      %dma_wait3A_63 = arith.constant 0 : i32
      %dma_wait3A_64 = arith.constant 0 : i32
      %dma_wait3A_65 = tpu.memref_slice %arg8[%dma_wait3A_63, %dma_wait3A_64] : memref<10112x128xf32, #tpu.memory_space<vmem_shared>> -> memref<10112x128xf32, #tpu.memory_space<vmem_shared>>
      tpu.wait_indirect_dma semaphore(%run_scoped3A : memref<!tpu.dma_semaphore, #tpu.memory_space<semaphore_mem>>) src(%dma_wait3A_62 : memref<16x128xf32, #tpu.memory_space<vmem>>) dst(%dma_wait3A_65 : memref<10112x128xf32, #tpu.memory_space<vmem_shared>>)
      tpu.yield
    }) : () -> ()
    %barrier3A_53 = arith.constant 0 : index
    tpu.barrier barrier_id(%barrier3A_53)
    "tpu.region"() ({
      %run_scoped3A = tpu.sem_alloc : memref<!tpu.dma_semaphore, #tpu.memory_space<semaphore_mem>>
      %dma_start3A_54 = arith.constant 0 : i32
      %dma_start3A_55 = arith.constant 0 : i32
      %dma_start3A_56 = tpu.memref_slice %arg7[%arg0, %dma_start3A_54, %dma_start3A_55] : memref<2x10112x128xf32, #tpu.memory_space<hbm>> -> memref<1x10112x128xf32, #tpu.memory_space<hbm>>
      %dma_start3A_57 = tpu.memref_squeeze %dma_start3A_56 : memref<1x10112x128xf32, #tpu.memory_space<hbm>> -> memref<10112x128xf32, #tpu.memory_space<hbm>>
      %dma_start3A_58 = arith.constant 0 : i32
      %dma_start3A_59 = tpu.memref_slice %dma_start3A_57[%multiple_of3A, %dma_start3A_58] : memref<10112x128xf32, #tpu.memory_space<hbm>> -> memref<632x128xf32, #tpu.memory_space<hbm>>
      %dma_start3A_60 = arith.constant 0 : i32
      %dma_start3A_61 = tpu.memref_slice %arg8[%multiple_of3A, %dma_start3A_60] : memref<10112x128xf32, #tpu.memory_space<vmem_shared>> -> memref<632x128xf32, #tpu.memory_space<vmem_shared>>
      tpu.enqueue_dma source(%dma_start3A_61 : memref<632x128xf32, #tpu.memory_space<vmem_shared>>) target(%dma_start3A_59 : memref<632x128xf32, #tpu.memory_space<hbm>>) target_semaphore(%run_scoped3A : memref<!tpu.dma_semaphore, #tpu.memory_space<semaphore_mem>>)
      %dma_wait3A_62 = arith.constant 0 : i32
      %dma_wait3A_63 = arith.constant 0 : i32
      %dma_wait3A_64 = tpu.memref_slice %arg7[%arg0, %dma_wait3A_62, %dma_wait3A_63] : memref<2x10112x128xf32, #tpu.memory_space<hbm>> -> memref<1x10112x128xf32, #tpu.memory_space<hbm>>
      %dma_wait3A_65 = tpu.memref_squeeze %dma_wait3A_64 : memref<1x10112x128xf32, #tpu.memory_space<hbm>> -> memref<10112x128xf32, #tpu.memory_space<hbm>>
      %dma_wait3A_66 = arith.constant 0 : i32
      %dma_wait3A_67 = tpu.memref_slice %dma_wait3A_65[%multiple_of3A, %dma_wait3A_66] : memref<10112x128xf32, #tpu.memory_space<hbm>> -> memref<632x128xf32, #tpu.memory_space<hbm>>
      %dma_wait3A_68 = arith.constant 0 : i32
      %dma_wait3A_69 = tpu.memref_slice %arg8[%multiple_of3A, %dma_wait3A_68] : memref<10112x128xf32, #tpu.memory_space<vmem_shared>> -> memref<632x128xf32, #tpu.memory_space<vmem_shared>>
      tpu.wait_dma2 semaphore(%run_scoped3A : memref<!tpu.dma_semaphore, #tpu.memory_space<semaphore_mem>>) src(%dma_wait3A_69 : memref<632x128xf32, #tpu.memory_space<vmem_shared>>) dst(%dma_wait3A_67 : memref<632x128xf32, #tpu.memory_space<hbm>>)
      tpu.yield
    }) : () -> ()
    return
  }
}

#map = affine_map<(d0, d1) -> (0, 0)>
#map1 = affine_map<(d0, d1) -> (0)>
#map2 = affine_map<(d0, d1) -> (0, 0, 0)>
module attributes {stable_mosaic.version = 14 : i64} {
  func.func @agg_kernel(%arg0: i32, %arg1: i32, %arg2: memref<10000x128xf32, #tpu.memory_space<hbm>>, %arg3: memref<320000xi32, #tpu.memory_space<hbm>>, %arg4: memref<32x96x104xi32, #tpu.memory_space<hbm>>, %arg5: memref<32x16xi32, #tpu.memory_space<hbm>>, %arg6: memref<632x128xf32, #tpu.memory_space<hbm>>, %arg7: memref<2x10112x128xf32, #tpu.memory_space<hbm>>, %arg8: memref<10112x128xf32, #tpu.memory_space<vmem_shared>>, %arg9: memref<10000xi32, #tpu.memory_space<vmem>>, %arg10: memref<96x104xi32, #tpu.memory_space<vmem>>, %arg11: memref<16xi32, #tpu.memory_space<vmem>>, %arg12: memref<104x128xf32, #tpu.memory_space<vmem>>, %arg13: memref<104x128xf32, #tpu.memory_space<vmem>>, %arg14: memref<!tpu.dma_semaphore, #tpu.memory_space<semaphore_mem>>, %arg15: memref<!tpu.dma_semaphore, #tpu.memory_space<semaphore_mem>>, %arg16: memref<!tpu.dma_semaphore, #tpu.memory_space<semaphore_mem>>, %arg17: memref<!tpu.dma_semaphore, #tpu.memory_space<semaphore_mem>>) attributes {dimension_semantics = [#tpu.dimension_semantics<core_parallel>, #tpu.dimension_semantics<subcore_parallel>], iteration_bounds = array<i64: 2, 16>, scalar_prefetch = 0 : i64, scratch_operands = 10 : i64, tpu.core_type = #tpu.core_type<sc_vector_subcore>, window_params = [{transform_indices = #map}, {transform_indices = #map1}, {transform_indices = #map2}, {transform_indices = #map}, {transform_indices = #map}, {transform_indices = #map2}]} {
    %mul3A = arith.constant 2 : i32
    %mul3A_0 = arith.muli %arg1, %mul3A : i32
    %add3A = arith.addi %mul3A_0, %arg0 : i32
    %mul3A_1 = arith.constant 632 : i32
    %mul3A_2 = arith.muli %arg1, %mul3A_1 : i32
    %multiple_of3A = tpu.assume_multiple %mul3A_2, 8 : i32
    %eq3A = arith.constant 0 : i32
    %eq3A_3 = arith.cmpi eq, %arg0, %eq3A : i32
    %lt3A = arith.constant 15 : i32
    %lt3A_4 = arith.cmpi slt, %arg1, %lt3A : i32
    %and3A = arith.andi %eq3A_3, %lt3A_4 : i1
    %convert_element_type3A = arith.extui %and3A : i1 to i32
    %cond3A = arith.constant 0 : i32
    %cond3A_5 = arith.cmpi ne, %convert_element_type3A, %cond3A : i32
    scf.if %cond3A_5 {
      "tpu.region"() ({
        %run_scoped3A = tpu.sem_alloc : memref<!tpu.dma_semaphore, #tpu.memory_space<semaphore_mem>>
        %dma_start3A_54 = arith.constant 0 : i32
        %dma_start3A_55 = tpu.memref_slice %arg8[%multiple_of3A, %dma_start3A_54] : memref<10112x128xf32, #tpu.memory_space<vmem_shared>> -> memref<632x128xf32, #tpu.memory_space<vmem_shared>>
        %dma_start3A_56 = arith.constant 0 : i32
        %dma_start3A_57 = tpu.memref_slice %arg2[%multiple_of3A, %dma_start3A_56] : memref<10000x128xf32, #tpu.memory_space<hbm>> -> memref<632x128xf32, #tpu.memory_space<hbm>>
        tpu.enqueue_dma source(%dma_start3A_57 : memref<632x128xf32, #tpu.memory_space<hbm>>) target(%dma_start3A_55 : memref<632x128xf32, #tpu.memory_space<vmem_shared>>) target_semaphore(%run_scoped3A : memref<!tpu.dma_semaphore, #tpu.memory_space<semaphore_mem>>)
        %dma_wait3A_58 = arith.constant 0 : i32
        %dma_wait3A_59 = tpu.memref_slice %arg8[%multiple_of3A, %dma_wait3A_58] : memref<10112x128xf32, #tpu.memory_space<vmem_shared>> -> memref<632x128xf32, #tpu.memory_space<vmem_shared>>
        %dma_wait3A_60 = arith.constant 0 : i32
        %dma_wait3A_61 = tpu.memref_slice %arg2[%multiple_of3A, %dma_wait3A_60] : memref<10000x128xf32, #tpu.memory_space<hbm>> -> memref<632x128xf32, #tpu.memory_space<hbm>>
        tpu.wait_dma2 semaphore(%run_scoped3A : memref<!tpu.dma_semaphore, #tpu.memory_space<semaphore_mem>>) src(%dma_wait3A_61 : memref<632x128xf32, #tpu.memory_space<hbm>>) dst(%dma_wait3A_59 : memref<632x128xf32, #tpu.memory_space<vmem_shared>>)
        tpu.yield
      }) : () -> ()
    } else {
    }
    %eq3A_6 = arith.constant 0 : i32
    %eq3A_7 = arith.cmpi eq, %arg0, %eq3A_6 : i32
    %eq3A_8 = arith.constant 15 : i32
    %eq3A_9 = arith.cmpi eq, %arg1, %eq3A_8 : i32
    %and3A_10 = arith.andi %eq3A_7, %eq3A_9 : i1
    %convert_element_type3A_11 = arith.extui %and3A_10 : i1 to i32
    %cond3A_12 = arith.constant 0 : i32
    %cond3A_13 = arith.cmpi ne, %convert_element_type3A_11, %cond3A_12 : i32
    scf.if %cond3A_13 {
      "tpu.region"() ({
        %run_scoped3A = tpu.sem_alloc : memref<!tpu.dma_semaphore, #tpu.memory_space<semaphore_mem>>
        %dma_start3A_56 = arith.constant 0 : i32
        %dma_start3A_57 = tpu.memref_slice %arg8[%multiple_of3A, %dma_start3A_56] : memref<10112x128xf32, #tpu.memory_space<vmem_shared>> -> memref<520x128xf32, #tpu.memory_space<vmem_shared>>
        %dma_start3A_58 = arith.constant 0 : i32
        %dma_start3A_59 = tpu.memref_slice %arg2[%multiple_of3A, %dma_start3A_58] : memref<10000x128xf32, #tpu.memory_space<hbm>> -> memref<520x128xf32, #tpu.memory_space<hbm>>
        tpu.enqueue_dma source(%dma_start3A_59 : memref<520x128xf32, #tpu.memory_space<hbm>>) target(%dma_start3A_57 : memref<520x128xf32, #tpu.memory_space<vmem_shared>>) target_semaphore(%run_scoped3A : memref<!tpu.dma_semaphore, #tpu.memory_space<semaphore_mem>>)
        %dma_wait3A_60 = arith.constant 0 : i32
        %dma_wait3A_61 = tpu.memref_slice %arg8[%multiple_of3A, %dma_wait3A_60] : memref<10112x128xf32, #tpu.memory_space<vmem_shared>> -> memref<520x128xf32, #tpu.memory_space<vmem_shared>>
        %dma_wait3A_62 = arith.constant 0 : i32
        %dma_wait3A_63 = tpu.memref_slice %arg2[%multiple_of3A, %dma_wait3A_62] : memref<10000x128xf32, #tpu.memory_space<hbm>> -> memref<520x128xf32, #tpu.memory_space<hbm>>
        tpu.wait_dma2 semaphore(%run_scoped3A : memref<!tpu.dma_semaphore, #tpu.memory_space<semaphore_mem>>) src(%dma_wait3A_63 : memref<520x128xf32, #tpu.memory_space<hbm>>) dst(%dma_wait3A_61 : memref<520x128xf32, #tpu.memory_space<vmem_shared>>)
        tpu.yield
      }) : () -> ()
      %multiple_of3A_54 = arith.constant 10000 : i32
      %multiple_of3A_55 = tpu.assume_multiple %multiple_of3A_54, 8 : i32
      "tpu.region"() ({
        %run_scoped3A = tpu.sem_alloc : memref<!tpu.dma_semaphore, #tpu.memory_space<semaphore_mem>>
        %dma_start3A_56 = arith.constant 0 : i32
        %dma_start3A_57 = tpu.memref_slice %arg8[%multiple_of3A_55, %dma_start3A_56] : memref<10112x128xf32, #tpu.memory_space<vmem_shared>> -> memref<112x128xf32, #tpu.memory_space<vmem_shared>>
        %dma_start3A_58 = arith.constant 0 : i32
        %dma_start3A_59 = arith.constant 0 : i32
        %dma_start3A_60 = tpu.memref_slice %arg6[%dma_start3A_58, %dma_start3A_59] : memref<632x128xf32, #tpu.memory_space<hbm>> -> memref<112x128xf32, #tpu.memory_space<hbm>>
        tpu.enqueue_dma source(%dma_start3A_60 : memref<112x128xf32, #tpu.memory_space<hbm>>) target(%dma_start3A_57 : memref<112x128xf32, #tpu.memory_space<vmem_shared>>) target_semaphore(%run_scoped3A : memref<!tpu.dma_semaphore, #tpu.memory_space<semaphore_mem>>)
        %dma_wait3A_61 = arith.constant 0 : i32
        %dma_wait3A_62 = tpu.memref_slice %arg8[%multiple_of3A_55, %dma_wait3A_61] : memref<10112x128xf32, #tpu.memory_space<vmem_shared>> -> memref<112x128xf32, #tpu.memory_space<vmem_shared>>
        %dma_wait3A_63 = arith.constant 0 : i32
        %dma_wait3A_64 = arith.constant 0 : i32
        %dma_wait3A_65 = tpu.memref_slice %arg6[%dma_wait3A_63, %dma_wait3A_64] : memref<632x128xf32, #tpu.memory_space<hbm>> -> memref<112x128xf32, #tpu.memory_space<hbm>>
        tpu.wait_dma2 semaphore(%run_scoped3A : memref<!tpu.dma_semaphore, #tpu.memory_space<semaphore_mem>>) src(%dma_wait3A_65 : memref<112x128xf32, #tpu.memory_space<hbm>>) dst(%dma_wait3A_62 : memref<112x128xf32, #tpu.memory_space<vmem_shared>>)
        tpu.yield
      }) : () -> ()
    } else {
    }
    %eq3A_14 = arith.constant 1 : i32
    %eq3A_15 = arith.cmpi eq, %arg0, %eq3A_14 : i32
    %convert_element_type3A_16 = arith.extui %eq3A_15 : i1 to i32
    %cond3A_17 = arith.constant 0 : i32
    %cond3A_18 = arith.cmpi ne, %convert_element_type3A_16, %cond3A_17 : i32
    scf.if %cond3A_18 {
      "tpu.region"() ({
        %run_scoped3A = tpu.sem_alloc : memref<!tpu.dma_semaphore, #tpu.memory_space<semaphore_mem>>
        %dma_start3A_54 = arith.constant 0 : i32
        %dma_start3A_55 = tpu.memref_slice %arg8[%multiple_of3A, %dma_start3A_54] : memref<10112x128xf32, #tpu.memory_space<vmem_shared>> -> memref<632x128xf32, #tpu.memory_space<vmem_shared>>
        tpu.enqueue_dma source(%arg6 : memref<632x128xf32, #tpu.memory_space<hbm>>) target(%dma_start3A_55 : memref<632x128xf32, #tpu.memory_space<vmem_shared>>) target_semaphore(%run_scoped3A : memref<!tpu.dma_semaphore, #tpu.memory_space<semaphore_mem>>)
        %dma_wait3A_56 = arith.constant 0 : i32
        %dma_wait3A_57 = tpu.memref_slice %arg8[%multiple_of3A, %dma_wait3A_56] : memref<10112x128xf32, #tpu.memory_space<vmem_shared>> -> memref<632x128xf32, #tpu.memory_space<vmem_shared>>
        tpu.wait_dma2 semaphore(%run_scoped3A : memref<!tpu.dma_semaphore, #tpu.memory_space<semaphore_mem>>) src(%arg6 : memref<632x128xf32, #tpu.memory_space<hbm>>) dst(%dma_wait3A_57 : memref<632x128xf32, #tpu.memory_space<vmem_shared>>)
        tpu.yield
      }) : () -> ()
    } else {
    }
    %mul3A_19 = arith.constant 10000 : i32
    %mul3A_20 = arith.muli %add3A, %mul3A_19 : i32
    %multiple_of3A_21 = tpu.assume_multiple %mul3A_20, 8 : i32
    "tpu.region"() ({
      %run_scoped3A = tpu.sem_alloc : memref<!tpu.dma_semaphore, #tpu.memory_space<semaphore_mem>>
      %dma_start3A_54 = tpu.memref_slice %arg3[%multiple_of3A_21] : memref<320000xi32, #tpu.memory_space<hbm>> -> memref<10000xi32, #tpu.memory_space<hbm>>
      %dma_start3A_55 = tpu.memref_slice %arg3[%multiple_of3A_21] : memref<320000xi32, #tpu.memory_space<hbm>> -> memref<10000xi32, #tpu.memory_space<hbm>>
      tpu.enqueue_dma source(%dma_start3A_55 : memref<10000xi32, #tpu.memory_space<hbm>>) target(%arg9 : memref<10000xi32, #tpu.memory_space<vmem>>) target_semaphore(%run_scoped3A : memref<!tpu.dma_semaphore, #tpu.memory_space<semaphore_mem>>)
      %dma_wait3A_56 = tpu.memref_slice %arg3[%multiple_of3A_21] : memref<320000xi32, #tpu.memory_space<hbm>> -> memref<10000xi32, #tpu.memory_space<hbm>>
      %dma_wait3A_57 = tpu.memref_slice %arg3[%multiple_of3A_21] : memref<320000xi32, #tpu.memory_space<hbm>> -> memref<10000xi32, #tpu.memory_space<hbm>>
      tpu.wait_dma2 semaphore(%run_scoped3A : memref<!tpu.dma_semaphore, #tpu.memory_space<semaphore_mem>>) src(%dma_wait3A_57 : memref<10000xi32, #tpu.memory_space<hbm>>) dst(%arg9 : memref<10000xi32, #tpu.memory_space<vmem>>)
      tpu.yield
    }) : () -> ()
    "tpu.region"() ({
      %run_scoped3A = tpu.sem_alloc : memref<!tpu.dma_semaphore, #tpu.memory_space<semaphore_mem>>
      %dma_start3A_54 = arith.constant 0 : i32
      %dma_start3A_55 = arith.constant 0 : i32
      %dma_start3A_56 = tpu.memref_slice %arg4[%add3A, %dma_start3A_54, %dma_start3A_55] : memref<32x96x104xi32, #tpu.memory_space<hbm>> -> memref<1x96x104xi32, #tpu.memory_space<hbm>>
      %dma_start3A_57 = tpu.memref_squeeze %dma_start3A_56 : memref<1x96x104xi32, #tpu.memory_space<hbm>> -> memref<96x104xi32, #tpu.memory_space<hbm>>
      %dma_start3A_58 = arith.constant 0 : i32
      %dma_start3A_59 = arith.constant 0 : i32
      %dma_start3A_60 = tpu.memref_slice %arg4[%add3A, %dma_start3A_58, %dma_start3A_59] : memref<32x96x104xi32, #tpu.memory_space<hbm>> -> memref<1x96x104xi32, #tpu.memory_space<hbm>>
      %dma_start3A_61 = tpu.memref_squeeze %dma_start3A_60 : memref<1x96x104xi32, #tpu.memory_space<hbm>> -> memref<96x104xi32, #tpu.memory_space<hbm>>
      tpu.enqueue_dma source(%dma_start3A_61 : memref<96x104xi32, #tpu.memory_space<hbm>>) target(%arg10 : memref<96x104xi32, #tpu.memory_space<vmem>>) target_semaphore(%run_scoped3A : memref<!tpu.dma_semaphore, #tpu.memory_space<semaphore_mem>>)
      %dma_wait3A_62 = arith.constant 0 : i32
      %dma_wait3A_63 = arith.constant 0 : i32
      %dma_wait3A_64 = tpu.memref_slice %arg4[%add3A, %dma_wait3A_62, %dma_wait3A_63] : memref<32x96x104xi32, #tpu.memory_space<hbm>> -> memref<1x96x104xi32, #tpu.memory_space<hbm>>
      %dma_wait3A_65 = tpu.memref_squeeze %dma_wait3A_64 : memref<1x96x104xi32, #tpu.memory_space<hbm>> -> memref<96x104xi32, #tpu.memory_space<hbm>>
      %dma_wait3A_66 = arith.constant 0 : i32
      %dma_wait3A_67 = arith.constant 0 : i32
      %dma_wait3A_68 = tpu.memref_slice %arg4[%add3A, %dma_wait3A_66, %dma_wait3A_67] : memref<32x96x104xi32, #tpu.memory_space<hbm>> -> memref<1x96x104xi32, #tpu.memory_space<hbm>>
      %dma_wait3A_69 = tpu.memref_squeeze %dma_wait3A_68 : memref<1x96x104xi32, #tpu.memory_space<hbm>> -> memref<96x104xi32, #tpu.memory_space<hbm>>
      tpu.wait_dma2 semaphore(%run_scoped3A : memref<!tpu.dma_semaphore, #tpu.memory_space<semaphore_mem>>) src(%dma_wait3A_69 : memref<96x104xi32, #tpu.memory_space<hbm>>) dst(%arg10 : memref<96x104xi32, #tpu.memory_space<vmem>>)
      tpu.yield
    }) : () -> ()
    "tpu.region"() ({
      %run_scoped3A = tpu.sem_alloc : memref<!tpu.dma_semaphore, #tpu.memory_space<semaphore_mem>>
      %dma_start3A_54 = arith.constant 0 : i32
      %dma_start3A_55 = tpu.memref_slice %arg5[%add3A, %dma_start3A_54] : memref<32x16xi32, #tpu.memory_space<hbm>> -> memref<1x16xi32, #tpu.memory_space<hbm>>
      %dma_start3A_56 = tpu.memref_squeeze %dma_start3A_55 : memref<1x16xi32, #tpu.memory_space<hbm>> -> memref<16xi32, #tpu.memory_space<hbm>>
      %dma_start3A_57 = arith.constant 0 : i32
      %dma_start3A_58 = tpu.memref_slice %arg5[%add3A, %dma_start3A_57] : memref<32x16xi32, #tpu.memory_space<hbm>> -> memref<1x16xi32, #tpu.memory_space<hbm>>
      %dma_start3A_59 = tpu.memref_squeeze %dma_start3A_58 : memref<1x16xi32, #tpu.memory_space<hbm>> -> memref<16xi32, #tpu.memory_space<hbm>>
      tpu.enqueue_dma source(%dma_start3A_59 : memref<16xi32, #tpu.memory_space<hbm>>) target(%arg11 : memref<16xi32, #tpu.memory_space<vmem>>) target_semaphore(%run_scoped3A : memref<!tpu.dma_semaphore, #tpu.memory_space<semaphore_mem>>)
      %dma_wait3A_60 = arith.constant 0 : i32
      %dma_wait3A_61 = tpu.memref_slice %arg5[%add3A, %dma_wait3A_60] : memref<32x16xi32, #tpu.memory_space<hbm>> -> memref<1x16xi32, #tpu.memory_space<hbm>>
      %dma_wait3A_62 = tpu.memref_squeeze %dma_wait3A_61 : memref<1x16xi32, #tpu.memory_space<hbm>> -> memref<16xi32, #tpu.memory_space<hbm>>
      %dma_wait3A_63 = arith.constant 0 : i32
      %dma_wait3A_64 = tpu.memref_slice %arg5[%add3A, %dma_wait3A_63] : memref<32x16xi32, #tpu.memory_space<hbm>> -> memref<1x16xi32, #tpu.memory_space<hbm>>
      %dma_wait3A_65 = tpu.memref_squeeze %dma_wait3A_64 : memref<1x16xi32, #tpu.memory_space<hbm>> -> memref<16xi32, #tpu.memory_space<hbm>>
      tpu.wait_dma2 semaphore(%run_scoped3A : memref<!tpu.dma_semaphore, #tpu.memory_space<semaphore_mem>>) src(%dma_wait3A_65 : memref<16xi32, #tpu.memory_space<hbm>>) dst(%arg11 : memref<16xi32, #tpu.memory_space<vmem>>)
      tpu.yield
    }) : () -> ()
    %barrier3A = arith.constant 0 : index
    tpu.barrier barrier_id(%barrier3A)
    %multiple_of3A_22 = arith.constant 0 : i32
    %multiple_of3A_23 = tpu.assume_multiple %multiple_of3A_22, 8 : i32
    %dma_start3A = tpu.memref_slice %arg9[%multiple_of3A_23] : memref<10000xi32, #tpu.memory_space<vmem>> -> memref<104xi32, #tpu.memory_space<vmem>>
    %dma_start3A_24 = arith.constant 0 : i32
    %dma_start3A_25 = arith.constant 0 : i32
    %dma_start3A_26 = tpu.memref_slice %arg2[%dma_start3A_24, %dma_start3A_25] : memref<10000x128xf32, #tpu.memory_space<hbm>> -> memref<10000x128xf32, #tpu.memory_space<hbm>>
    tpu.enqueue_indirect_dma source(%dma_start3A_26 : memref<10000x128xf32, #tpu.memory_space<hbm>>) target(%arg12 : memref<104x128xf32, #tpu.memory_space<vmem>>) offsets(%dma_start3A : memref<104xi32, #tpu.memory_space<vmem>>) semaphore(%arg14 : memref<!tpu.dma_semaphore, #tpu.memory_space<semaphore_mem>>)
    %multiple_of3A_27 = arith.constant 104 : i32
    %multiple_of3A_28 = tpu.assume_multiple %multiple_of3A_27, 8 : i32
    %dma_start3A_29 = tpu.memref_slice %arg9[%multiple_of3A_28] : memref<10000xi32, #tpu.memory_space<vmem>> -> memref<104xi32, #tpu.memory_space<vmem>>
    %dma_start3A_30 = arith.constant 0 : i32
    %dma_start3A_31 = arith.constant 0 : i32
    %dma_start3A_32 = tpu.memref_slice %arg2[%dma_start3A_30, %dma_start3A_31] : memref<10000x128xf32, #tpu.memory_space<hbm>> -> memref<10000x128xf32, #tpu.memory_space<hbm>>
    tpu.enqueue_indirect_dma source(%dma_start3A_32 : memref<10000x128xf32, #tpu.memory_space<hbm>>) target(%arg13 : memref<104x128xf32, #tpu.memory_space<vmem>>) offsets(%dma_start3A_29 : memref<104xi32, #tpu.memory_space<vmem>>) semaphore(%arg15 : memref<!tpu.dma_semaphore, #tpu.memory_space<semaphore_mem>>)
    %scan3A = arith.constant 0 : i32
    %scan3A_33 = arith.constant 0 : i32
    %scan3A_34 = arith.constant 48 : i32
    %scan3A_35 = arith.addi %scan3A_33, %scan3A_34 : i32
    %scan3A_36 = arith.constant 1 : i32
    scf.for %scan3A_54 = %scan3A_33 to %scan3A_35 step %scan3A_36  : i32 {
      %mul3A_55 = arith.constant 2 : i32
      %mul3A_56 = arith.muli %scan3A_54, %mul3A_55 : i32
      %dma_wait3A_57 = arith.constant 0 : i32
      %dma_wait3A_58 = tpu.memref_slice %arg9[%dma_wait3A_57] : memref<10000xi32, #tpu.memory_space<vmem>> -> memref<104xi32, #tpu.memory_space<vmem>>
      %dma_wait3A_59 = arith.constant 0 : i32
      %dma_wait3A_60 = arith.constant 0 : i32
      %dma_wait3A_61 = tpu.memref_slice %arg2[%dma_wait3A_59, %dma_wait3A_60] : memref<10000x128xf32, #tpu.memory_space<hbm>> -> memref<10000x128xf32, #tpu.memory_space<hbm>>
      tpu.wait_indirect_dma semaphore(%arg14 : memref<!tpu.dma_semaphore, #tpu.memory_space<semaphore_mem>>) src(%dma_wait3A_61 : memref<10000x128xf32, #tpu.memory_space<hbm>>) dst(%arg12 : memref<104x128xf32, #tpu.memory_space<vmem>>)
      %add3A_62 = arith.constant 0 : i32
      %add3A_63 = arith.addi %mul3A_56, %add3A_62 : i32
      "tpu.region"() ({
        %run_scoped3A = tpu.sem_alloc : memref<!tpu.dma_semaphore, #tpu.memory_space<semaphore_mem>>
        %dma_start3A_89 = arith.constant 0 : i32
        %dma_start3A_90 = tpu.memref_slice %arg10[%add3A_63, %dma_start3A_89] : memref<96x104xi32, #tpu.memory_space<vmem>> -> memref<1x104xi32, #tpu.memory_space<vmem>>
        %dma_start3A_91 = tpu.memref_squeeze %dma_start3A_90 : memref<1x104xi32, #tpu.memory_space<vmem>> -> memref<104xi32, #tpu.memory_space<vmem>>
        %dma_start3A_92 = arith.constant 0 : i32
        %dma_start3A_93 = arith.constant 0 : i32
        %dma_start3A_94 = tpu.memref_slice %arg8[%dma_start3A_92, %dma_start3A_93] : memref<10112x128xf32, #tpu.memory_space<vmem_shared>> -> memref<10112x128xf32, #tpu.memory_space<vmem_shared>>
        tpu.enqueue_indirect_dma source(%arg12 : memref<104x128xf32, #tpu.memory_space<vmem>>) target(%dma_start3A_94 : memref<10112x128xf32, #tpu.memory_space<vmem_shared>>) offsets(%dma_start3A_91 : memref<104xi32, #tpu.memory_space<vmem>>) semaphore(%run_scoped3A : memref<!tpu.dma_semaphore, #tpu.memory_space<semaphore_mem>>) {add = true}
        %dma_wait3A_95 = arith.constant 0 : i32
        %dma_wait3A_96 = tpu.memref_slice %arg10[%add3A_63, %dma_wait3A_95] : memref<96x104xi32, #tpu.memory_space<vmem>> -> memref<1x104xi32, #tpu.memory_space<vmem>>
        %dma_wait3A_97 = tpu.memref_squeeze %dma_wait3A_96 : memref<1x104xi32, #tpu.memory_space<vmem>> -> memref<104xi32, #tpu.memory_space<vmem>>
        %dma_wait3A_98 = arith.constant 0 : i32
        %dma_wait3A_99 = arith.constant 0 : i32
        %dma_wait3A_100 = tpu.memref_slice %arg8[%dma_wait3A_98, %dma_wait3A_99] : memref<10112x128xf32, #tpu.memory_space<vmem_shared>> -> memref<10112x128xf32, #tpu.memory_space<vmem_shared>>
        tpu.wait_indirect_dma semaphore(%run_scoped3A : memref<!tpu.dma_semaphore, #tpu.memory_space<semaphore_mem>>) src(%arg12 : memref<104x128xf32, #tpu.memory_space<vmem>>) dst(%dma_wait3A_100 : memref<10112x128xf32, #tpu.memory_space<vmem_shared>>)
        tpu.yield
      }) : () -> ()
      %add3A_64 = arith.constant 0 : i32
      %add3A_65 = arith.addi %mul3A_56, %add3A_64 : i32
      %add3A_66 = arith.constant 2 : i32
      %add3A_67 = arith.addi %add3A_65, %add3A_66 : i32
      %lt3A_68 = arith.constant 96 : i32
      %lt3A_69 = arith.cmpi slt, %add3A_67, %lt3A_68 : i32
      %convert_element_type3A_70 = arith.extui %lt3A_69 : i1 to i32
      %cond3A_71 = arith.constant 0 : i32
      %cond3A_72 = arith.cmpi ne, %convert_element_type3A_70, %cond3A_71 : i32
      scf.if %cond3A_72 {
        %add3A_89 = arith.constant 0 : i32
        %add3A_90 = arith.addi %mul3A_56, %add3A_89 : i32
        %add3A_91 = arith.constant 2 : i32
        %add3A_92 = arith.addi %add3A_90, %add3A_91 : i32
        %mul3A_93 = arith.constant 104 : i32
        %mul3A_94 = arith.muli %add3A_92, %mul3A_93 : i32
        %multiple_of3A_95 = tpu.assume_multiple %mul3A_94, 8 : i32
        %dma_start3A_96 = tpu.memref_slice %arg9[%multiple_of3A_95] : memref<10000xi32, #tpu.memory_space<vmem>> -> memref<104xi32, #tpu.memory_space<vmem>>
        %dma_start3A_97 = arith.constant 0 : i32
        %dma_start3A_98 = arith.constant 0 : i32
        %dma_start3A_99 = tpu.memref_slice %arg2[%dma_start3A_97, %dma_start3A_98] : memref<10000x128xf32, #tpu.memory_space<hbm>> -> memref<10000x128xf32, #tpu.memory_space<hbm>>
        tpu.enqueue_indirect_dma source(%dma_start3A_99 : memref<10000x128xf32, #tpu.memory_space<hbm>>) target(%arg12 : memref<104x128xf32, #tpu.memory_space<vmem>>) offsets(%dma_start3A_96 : memref<104xi32, #tpu.memory_space<vmem>>) semaphore(%arg14 : memref<!tpu.dma_semaphore, #tpu.memory_space<semaphore_mem>>)
      } else {
      }
      %dma_wait3A_73 = arith.constant 0 : i32
      %dma_wait3A_74 = tpu.memref_slice %arg9[%dma_wait3A_73] : memref<10000xi32, #tpu.memory_space<vmem>> -> memref<104xi32, #tpu.memory_space<vmem>>
      %dma_wait3A_75 = arith.constant 0 : i32
      %dma_wait3A_76 = arith.constant 0 : i32
      %dma_wait3A_77 = tpu.memref_slice %arg2[%dma_wait3A_75, %dma_wait3A_76] : memref<10000x128xf32, #tpu.memory_space<hbm>> -> memref<10000x128xf32, #tpu.memory_space<hbm>>
      tpu.wait_indirect_dma semaphore(%arg15 : memref<!tpu.dma_semaphore, #tpu.memory_space<semaphore_mem>>) src(%dma_wait3A_77 : memref<10000x128xf32, #tpu.memory_space<hbm>>) dst(%arg13 : memref<104x128xf32, #tpu.memory_space<vmem>>)
      %add3A_78 = arith.constant 1 : i32
      %add3A_79 = arith.addi %mul3A_56, %add3A_78 : i32
      "tpu.region"() ({
        %run_scoped3A = tpu.sem_alloc : memref<!tpu.dma_semaphore, #tpu.memory_space<semaphore_mem>>
        %dma_start3A_89 = arith.constant 0 : i32
        %dma_start3A_90 = tpu.memref_slice %arg10[%add3A_79, %dma_start3A_89] : memref<96x104xi32, #tpu.memory_space<vmem>> -> memref<1x104xi32, #tpu.memory_space<vmem>>
        %dma_start3A_91 = tpu.memref_squeeze %dma_start3A_90 : memref<1x104xi32, #tpu.memory_space<vmem>> -> memref<104xi32, #tpu.memory_space<vmem>>
        %dma_start3A_92 = arith.constant 0 : i32
        %dma_start3A_93 = arith.constant 0 : i32
        %dma_start3A_94 = tpu.memref_slice %arg8[%dma_start3A_92, %dma_start3A_93] : memref<10112x128xf32, #tpu.memory_space<vmem_shared>> -> memref<10112x128xf32, #tpu.memory_space<vmem_shared>>
        tpu.enqueue_indirect_dma source(%arg13 : memref<104x128xf32, #tpu.memory_space<vmem>>) target(%dma_start3A_94 : memref<10112x128xf32, #tpu.memory_space<vmem_shared>>) offsets(%dma_start3A_91 : memref<104xi32, #tpu.memory_space<vmem>>) semaphore(%run_scoped3A : memref<!tpu.dma_semaphore, #tpu.memory_space<semaphore_mem>>) {add = true}
        %dma_wait3A_95 = arith.constant 0 : i32
        %dma_wait3A_96 = tpu.memref_slice %arg10[%add3A_79, %dma_wait3A_95] : memref<96x104xi32, #tpu.memory_space<vmem>> -> memref<1x104xi32, #tpu.memory_space<vmem>>
        %dma_wait3A_97 = tpu.memref_squeeze %dma_wait3A_96 : memref<1x104xi32, #tpu.memory_space<vmem>> -> memref<104xi32, #tpu.memory_space<vmem>>
        %dma_wait3A_98 = arith.constant 0 : i32
        %dma_wait3A_99 = arith.constant 0 : i32
        %dma_wait3A_100 = tpu.memref_slice %arg8[%dma_wait3A_98, %dma_wait3A_99] : memref<10112x128xf32, #tpu.memory_space<vmem_shared>> -> memref<10112x128xf32, #tpu.memory_space<vmem_shared>>
        tpu.wait_indirect_dma semaphore(%run_scoped3A : memref<!tpu.dma_semaphore, #tpu.memory_space<semaphore_mem>>) src(%arg13 : memref<104x128xf32, #tpu.memory_space<vmem>>) dst(%dma_wait3A_100 : memref<10112x128xf32, #tpu.memory_space<vmem_shared>>)
        tpu.yield
      }) : () -> ()
      %add3A_80 = arith.constant 1 : i32
      %add3A_81 = arith.addi %mul3A_56, %add3A_80 : i32
      %add3A_82 = arith.constant 2 : i32
      %add3A_83 = arith.addi %add3A_81, %add3A_82 : i32
      %lt3A_84 = arith.constant 96 : i32
      %lt3A_85 = arith.cmpi slt, %add3A_83, %lt3A_84 : i32
      %convert_element_type3A_86 = arith.extui %lt3A_85 : i1 to i32
      %cond3A_87 = arith.constant 0 : i32
      %cond3A_88 = arith.cmpi ne, %convert_element_type3A_86, %cond3A_87 : i32
      scf.if %cond3A_88 {
        %add3A_89 = arith.constant 1 : i32
        %add3A_90 = arith.addi %mul3A_56, %add3A_89 : i32
        %add3A_91 = arith.constant 2 : i32
        %add3A_92 = arith.addi %add3A_90, %add3A_91 : i32
        %mul3A_93 = arith.constant 104 : i32
        %mul3A_94 = arith.muli %add3A_92, %mul3A_93 : i32
        %multiple_of3A_95 = tpu.assume_multiple %mul3A_94, 8 : i32
        %dma_start3A_96 = tpu.memref_slice %arg9[%multiple_of3A_95] : memref<10000xi32, #tpu.memory_space<vmem>> -> memref<104xi32, #tpu.memory_space<vmem>>
        %dma_start3A_97 = arith.constant 0 : i32
        %dma_start3A_98 = arith.constant 0 : i32
        %dma_start3A_99 = tpu.memref_slice %arg2[%dma_start3A_97, %dma_start3A_98] : memref<10000x128xf32, #tpu.memory_space<hbm>> -> memref<10000x128xf32, #tpu.memory_space<hbm>>
        tpu.enqueue_indirect_dma source(%dma_start3A_99 : memref<10000x128xf32, #tpu.memory_space<hbm>>) target(%arg13 : memref<104x128xf32, #tpu.memory_space<vmem>>) offsets(%dma_start3A_96 : memref<104xi32, #tpu.memory_space<vmem>>) semaphore(%arg15 : memref<!tpu.dma_semaphore, #tpu.memory_space<semaphore_mem>>)
      } else {
      }
    }
    %scan3A_37 = arith.constant 48 : i32
    %multiple_of3A_38 = arith.constant 9984 : i32
    %multiple_of3A_39 = tpu.assume_multiple %multiple_of3A_38, 8 : i32
    %dma_start3A_40 = arith.constant 0 : i32
    %dma_start3A_41 = arith.constant 0 : i32
    %dma_start3A_42 = tpu.memref_slice %arg12[%dma_start3A_40, %dma_start3A_41] : memref<104x128xf32, #tpu.memory_space<vmem>> -> memref<16x128xf32, #tpu.memory_space<vmem>>
    %dma_start3A_43 = tpu.memref_slice %arg9[%multiple_of3A_39] : memref<10000xi32, #tpu.memory_space<vmem>> -> memref<16xi32, #tpu.memory_space<vmem>>
    %dma_start3A_44 = arith.constant 0 : i32
    %dma_start3A_45 = arith.constant 0 : i32
    %dma_start3A_46 = tpu.memref_slice %arg2[%dma_start3A_44, %dma_start3A_45] : memref<10000x128xf32, #tpu.memory_space<hbm>> -> memref<10000x128xf32, #tpu.memory_space<hbm>>
    tpu.enqueue_indirect_dma source(%dma_start3A_46 : memref<10000x128xf32, #tpu.memory_space<hbm>>) target(%dma_start3A_42 : memref<16x128xf32, #tpu.memory_space<vmem>>) offsets(%dma_start3A_43 : memref<16xi32, #tpu.memory_space<vmem>>) semaphore(%arg14 : memref<!tpu.dma_semaphore, #tpu.memory_space<semaphore_mem>>)
    %dma_wait3A = arith.constant 0 : i32
    %dma_wait3A_47 = arith.constant 0 : i32
    %dma_wait3A_48 = tpu.memref_slice %arg12[%dma_wait3A, %dma_wait3A_47] : memref<104x128xf32, #tpu.memory_space<vmem>> -> memref<16x128xf32, #tpu.memory_space<vmem>>
    %dma_wait3A_49 = tpu.memref_slice %arg9[%multiple_of3A_39] : memref<10000xi32, #tpu.memory_space<vmem>> -> memref<16xi32, #tpu.memory_space<vmem>>
    %dma_wait3A_50 = arith.constant 0 : i32
    %dma_wait3A_51 = arith.constant 0 : i32
    %dma_wait3A_52 = tpu.memref_slice %arg2[%dma_wait3A_50, %dma_wait3A_51] : memref<10000x128xf32, #tpu.memory_space<hbm>> -> memref<10000x128xf32, #tpu.memory_space<hbm>>
    tpu.wait_indirect_dma semaphore(%arg14 : memref<!tpu.dma_semaphore, #tpu.memory_space<semaphore_mem>>) src(%dma_wait3A_52 : memref<10000x128xf32, #tpu.memory_space<hbm>>) dst(%dma_wait3A_48 : memref<16x128xf32, #tpu.memory_space<vmem>>)
    "tpu.region"() ({
      %run_scoped3A = tpu.sem_alloc : memref<!tpu.dma_semaphore, #tpu.memory_space<semaphore_mem>>
      %dma_start3A_54 = arith.constant 0 : i32
      %dma_start3A_55 = arith.constant 0 : i32
      %dma_start3A_56 = tpu.memref_slice %arg12[%dma_start3A_54, %dma_start3A_55] : memref<104x128xf32, #tpu.memory_space<vmem>> -> memref<16x128xf32, #tpu.memory_space<vmem>>
      %dma_start3A_57 = arith.constant 0 : i32
      %dma_start3A_58 = arith.constant 0 : i32
      %dma_start3A_59 = tpu.memref_slice %arg8[%dma_start3A_57, %dma_start3A_58] : memref<10112x128xf32, #tpu.memory_space<vmem_shared>> -> memref<10112x128xf32, #tpu.memory_space<vmem_shared>>
      tpu.enqueue_indirect_dma source(%dma_start3A_56 : memref<16x128xf32, #tpu.memory_space<vmem>>) target(%dma_start3A_59 : memref<10112x128xf32, #tpu.memory_space<vmem_shared>>) offsets(%arg11 : memref<16xi32, #tpu.memory_space<vmem>>) semaphore(%run_scoped3A : memref<!tpu.dma_semaphore, #tpu.memory_space<semaphore_mem>>) {add = true}
      %dma_wait3A_60 = arith.constant 0 : i32
      %dma_wait3A_61 = arith.constant 0 : i32
      %dma_wait3A_62 = tpu.memref_slice %arg12[%dma_wait3A_60, %dma_wait3A_61] : memref<104x128xf32, #tpu.memory_space<vmem>> -> memref<16x128xf32, #tpu.memory_space<vmem>>
      %dma_wait3A_63 = arith.constant 0 : i32
      %dma_wait3A_64 = arith.constant 0 : i32
      %dma_wait3A_65 = tpu.memref_slice %arg8[%dma_wait3A_63, %dma_wait3A_64] : memref<10112x128xf32, #tpu.memory_space<vmem_shared>> -> memref<10112x128xf32, #tpu.memory_space<vmem_shared>>
      tpu.wait_indirect_dma semaphore(%run_scoped3A : memref<!tpu.dma_semaphore, #tpu.memory_space<semaphore_mem>>) src(%dma_wait3A_62 : memref<16x128xf32, #tpu.memory_space<vmem>>) dst(%dma_wait3A_65 : memref<10112x128xf32, #tpu.memory_space<vmem_shared>>)
      tpu.yield
    }) : () -> ()
    %barrier3A_53 = arith.constant 0 : index
    tpu.barrier barrier_id(%barrier3A_53)
    "tpu.region"() ({
      %run_scoped3A = tpu.sem_alloc : memref<!tpu.dma_semaphore, #tpu.memory_space<semaphore_mem>>
      %dma_start3A_54 = arith.constant 0 : i32
      %dma_start3A_55 = arith.constant 0 : i32
      %dma_start3A_56 = tpu.memref_slice %arg7[%arg0, %dma_start3A_54, %dma_start3A_55] : memref<2x10112x128xf32, #tpu.memory_space<hbm>> -> memref<1x10112x128xf32, #tpu.memory_space<hbm>>
      %dma_start3A_57 = tpu.memref_squeeze %dma_start3A_56 : memref<1x10112x128xf32, #tpu.memory_space<hbm>> -> memref<10112x128xf32, #tpu.memory_space<hbm>>
      %dma_start3A_58 = arith.constant 0 : i32
      %dma_start3A_59 = tpu.memref_slice %dma_start3A_57[%multiple_of3A, %dma_start3A_58] : memref<10112x128xf32, #tpu.memory_space<hbm>> -> memref<632x128xf32, #tpu.memory_space<hbm>>
      %dma_start3A_60 = arith.constant 0 : i32
      %dma_start3A_61 = tpu.memref_slice %arg8[%multiple_of3A, %dma_start3A_60] : memref<10112x128xf32, #tpu.memory_space<vmem_shared>> -> memref<632x128xf32, #tpu.memory_space<vmem_shared>>
      tpu.enqueue_dma source(%dma_start3A_61 : memref<632x128xf32, #tpu.memory_space<vmem_shared>>) target(%dma_start3A_59 : memref<632x128xf32, #tpu.memory_space<hbm>>) target_semaphore(%run_scoped3A : memref<!tpu.dma_semaphore, #tpu.memory_space<semaphore_mem>>)
      %dma_wait3A_62 = arith.constant 0 : i32
      %dma_wait3A_63 = arith.constant 0 : i32
      %dma_wait3A_64 = tpu.memref_slice %arg7[%arg0, %dma_wait3A_62, %dma_wait3A_63] : memref<2x10112x128xf32, #tpu.memory_space<hbm>> -> memref<1x10112x128xf32, #tpu.memory_space<hbm>>
      %dma_wait3A_65 = tpu.memref_squeeze %dma_wait3A_64 : memref<1x10112x128xf32, #tpu.memory_space<hbm>> -> memref<10112x128xf32, #tpu.memory_space<hbm>>
      %dma_wait3A_66 = arith.constant 0 : i32
      %dma_wait3A_67 = tpu.memref_slice %dma_wait3A_65[%multiple_of3A, %dma_wait3A_66] : memref<10112x128xf32, #tpu.memory_space<hbm>> -> memref<632x128xf32, #tpu.memory_space<hbm>>
      %dma_wait3A_68 = arith.constant 0 : i32
      %dma_wait3A_69 = tpu.memref_slice %arg8[%multiple_of3A, %dma_wait3A_68] : memref<10112x128xf32, #tpu.memory_space<vmem_shared>> -> memref<632x128xf32, #tpu.memory_space<vmem_shared>>
      tpu.wait_dma2 semaphore(%run_scoped3A : memref<!tpu.dma_semaphore, #tpu.memory_space<semaphore_mem>>) src(%dma_wait3A_69 : memref<632x128xf32, #tpu.memory_space<vmem_shared>>) dst(%dma_wait3A_67 : memref<632x128xf32, #tpu.memory_space<hbm>>)
      tpu.yield
    }) : () -> ()
    return
  }
}

#map = affine_map<(d0, d1) -> (0, 0)>
#map1 = affine_map<(d0, d1) -> (0)>
#map2 = affine_map<(d0, d1) -> (0, 0, 0)>
module attributes {stable_mosaic.version = 14 : i64} {
  func.func @agg_kernel(%arg0: i32, %arg1: i32, %arg2: memref<10000x128xf32, #tpu.memory_space<hbm>>, %arg3: memref<320000xi32, #tpu.memory_space<hbm>>, %arg4: memref<32x96x104xi32, #tpu.memory_space<hbm>>, %arg5: memref<32x16xi32, #tpu.memory_space<hbm>>, %arg6: memref<632x128xf32, #tpu.memory_space<hbm>>, %arg7: memref<2x10112x128xf32, #tpu.memory_space<hbm>>, %arg8: memref<10112x128xf32, #tpu.memory_space<vmem_shared>>, %arg9: memref<10000xi32, #tpu.memory_space<vmem>>, %arg10: memref<96x104xi32, #tpu.memory_space<vmem>>, %arg11: memref<16xi32, #tpu.memory_space<vmem>>, %arg12: memref<104x128xf32, #tpu.memory_space<vmem>>, %arg13: memref<104x128xf32, #tpu.memory_space<vmem>>, %arg14: memref<!tpu.dma_semaphore, #tpu.memory_space<semaphore_mem>>, %arg15: memref<!tpu.dma_semaphore, #tpu.memory_space<semaphore_mem>>, %arg16: memref<!tpu.dma_semaphore, #tpu.memory_space<semaphore_mem>>, %arg17: memref<!tpu.dma_semaphore, #tpu.memory_space<semaphore_mem>>) attributes {dimension_semantics = [#tpu.dimension_semantics<core_parallel>, #tpu.dimension_semantics<subcore_parallel>], iteration_bounds = array<i64: 2, 16>, scalar_prefetch = 0 : i64, scratch_operands = 10 : i64, tpu.core_type = #tpu.core_type<sc_vector_subcore>, window_params = [{transform_indices = #map}, {transform_indices = #map1}, {transform_indices = #map2}, {transform_indices = #map}, {transform_indices = #map}, {transform_indices = #map2}]} {
    %mul3A = arith.constant 2 : i32
    %mul3A_0 = arith.muli %arg1, %mul3A : i32
    %add3A = arith.addi %mul3A_0, %arg0 : i32
    %mul3A_1 = arith.constant 632 : i32
    %mul3A_2 = arith.muli %arg1, %mul3A_1 : i32
    %multiple_of3A = tpu.assume_multiple %mul3A_2, 8 : i32
    %eq3A = arith.constant 0 : i32
    %eq3A_3 = arith.cmpi eq, %arg0, %eq3A : i32
    %lt3A = arith.constant 15 : i32
    %lt3A_4 = arith.cmpi slt, %arg1, %lt3A : i32
    %and3A = arith.andi %eq3A_3, %lt3A_4 : i1
    %convert_element_type3A = arith.extui %and3A : i1 to i32
    %cond3A = arith.constant 0 : i32
    %cond3A_5 = arith.cmpi ne, %convert_element_type3A, %cond3A : i32
    scf.if %cond3A_5 {
      "tpu.region"() ({
        %run_scoped3A = tpu.sem_alloc : memref<!tpu.dma_semaphore, #tpu.memory_space<semaphore_mem>>
        %dma_start3A_54 = arith.constant 0 : i32
        %dma_start3A_55 = tpu.memref_slice %arg8[%multiple_of3A, %dma_start3A_54] : memref<10112x128xf32, #tpu.memory_space<vmem_shared>> -> memref<632x128xf32, #tpu.memory_space<vmem_shared>>
        %dma_start3A_56 = arith.constant 0 : i32
        %dma_start3A_57 = tpu.memref_slice %arg2[%multiple_of3A, %dma_start3A_56] : memref<10000x128xf32, #tpu.memory_space<hbm>> -> memref<632x128xf32, #tpu.memory_space<hbm>>
        tpu.enqueue_dma source(%dma_start3A_57 : memref<632x128xf32, #tpu.memory_space<hbm>>) target(%dma_start3A_55 : memref<632x128xf32, #tpu.memory_space<vmem_shared>>) target_semaphore(%run_scoped3A : memref<!tpu.dma_semaphore, #tpu.memory_space<semaphore_mem>>)
        %dma_wait3A_58 = arith.constant 0 : i32
        %dma_wait3A_59 = tpu.memref_slice %arg8[%multiple_of3A, %dma_wait3A_58] : memref<10112x128xf32, #tpu.memory_space<vmem_shared>> -> memref<632x128xf32, #tpu.memory_space<vmem_shared>>
        %dma_wait3A_60 = arith.constant 0 : i32
        %dma_wait3A_61 = tpu.memref_slice %arg2[%multiple_of3A, %dma_wait3A_60] : memref<10000x128xf32, #tpu.memory_space<hbm>> -> memref<632x128xf32, #tpu.memory_space<hbm>>
        tpu.wait_dma2 semaphore(%run_scoped3A : memref<!tpu.dma_semaphore, #tpu.memory_space<semaphore_mem>>) src(%dma_wait3A_61 : memref<632x128xf32, #tpu.memory_space<hbm>>) dst(%dma_wait3A_59 : memref<632x128xf32, #tpu.memory_space<vmem_shared>>)
        tpu.yield
      }) : () -> ()
    } else {
    }
    %eq3A_6 = arith.constant 0 : i32
    %eq3A_7 = arith.cmpi eq, %arg0, %eq3A_6 : i32
    %eq3A_8 = arith.constant 15 : i32
    %eq3A_9 = arith.cmpi eq, %arg1, %eq3A_8 : i32
    %and3A_10 = arith.andi %eq3A_7, %eq3A_9 : i1
    %convert_element_type3A_11 = arith.extui %and3A_10 : i1 to i32
    %cond3A_12 = arith.constant 0 : i32
    %cond3A_13 = arith.cmpi ne, %convert_element_type3A_11, %cond3A_12 : i32
    scf.if %cond3A_13 {
      "tpu.region"() ({
        %run_scoped3A = tpu.sem_alloc : memref<!tpu.dma_semaphore, #tpu.memory_space<semaphore_mem>>
        %dma_start3A_56 = arith.constant 0 : i32
        %dma_start3A_57 = tpu.memref_slice %arg8[%multiple_of3A, %dma_start3A_56] : memref<10112x128xf32, #tpu.memory_space<vmem_shared>> -> memref<520x128xf32, #tpu.memory_space<vmem_shared>>
        %dma_start3A_58 = arith.constant 0 : i32
        %dma_start3A_59 = tpu.memref_slice %arg2[%multiple_of3A, %dma_start3A_58] : memref<10000x128xf32, #tpu.memory_space<hbm>> -> memref<520x128xf32, #tpu.memory_space<hbm>>
        tpu.enqueue_dma source(%dma_start3A_59 : memref<520x128xf32, #tpu.memory_space<hbm>>) target(%dma_start3A_57 : memref<520x128xf32, #tpu.memory_space<vmem_shared>>) target_semaphore(%run_scoped3A : memref<!tpu.dma_semaphore, #tpu.memory_space<semaphore_mem>>)
        %dma_wait3A_60 = arith.constant 0 : i32
        %dma_wait3A_61 = tpu.memref_slice %arg8[%multiple_of3A, %dma_wait3A_60] : memref<10112x128xf32, #tpu.memory_space<vmem_shared>> -> memref<520x128xf32, #tpu.memory_space<vmem_shared>>
        %dma_wait3A_62 = arith.constant 0 : i32
        %dma_wait3A_63 = tpu.memref_slice %arg2[%multiple_of3A, %dma_wait3A_62] : memref<10000x128xf32, #tpu.memory_space<hbm>> -> memref<520x128xf32, #tpu.memory_space<hbm>>
        tpu.wait_dma2 semaphore(%run_scoped3A : memref<!tpu.dma_semaphore, #tpu.memory_space<semaphore_mem>>) src(%dma_wait3A_63 : memref<520x128xf32, #tpu.memory_space<hbm>>) dst(%dma_wait3A_61 : memref<520x128xf32, #tpu.memory_space<vmem_shared>>)
        tpu.yield
      }) : () -> ()
      %multiple_of3A_54 = arith.constant 10000 : i32
      %multiple_of3A_55 = tpu.assume_multiple %multiple_of3A_54, 8 : i32
      "tpu.region"() ({
        %run_scoped3A = tpu.sem_alloc : memref<!tpu.dma_semaphore, #tpu.memory_space<semaphore_mem>>
        %dma_start3A_56 = arith.constant 0 : i32
        %dma_start3A_57 = tpu.memref_slice %arg8[%multiple_of3A_55, %dma_start3A_56] : memref<10112x128xf32, #tpu.memory_space<vmem_shared>> -> memref<112x128xf32, #tpu.memory_space<vmem_shared>>
        %dma_start3A_58 = arith.constant 0 : i32
        %dma_start3A_59 = arith.constant 0 : i32
        %dma_start3A_60 = tpu.memref_slice %arg6[%dma_start3A_58, %dma_start3A_59] : memref<632x128xf32, #tpu.memory_space<hbm>> -> memref<112x128xf32, #tpu.memory_space<hbm>>
        tpu.enqueue_dma source(%dma_start3A_60 : memref<112x128xf32, #tpu.memory_space<hbm>>) target(%dma_start3A_57 : memref<112x128xf32, #tpu.memory_space<vmem_shared>>) target_semaphore(%run_scoped3A : memref<!tpu.dma_semaphore, #tpu.memory_space<semaphore_mem>>)
        %dma_wait3A_61 = arith.constant 0 : i32
        %dma_wait3A_62 = tpu.memref_slice %arg8[%multiple_of3A_55, %dma_wait3A_61] : memref<10112x128xf32, #tpu.memory_space<vmem_shared>> -> memref<112x128xf32, #tpu.memory_space<vmem_shared>>
        %dma_wait3A_63 = arith.constant 0 : i32
        %dma_wait3A_64 = arith.constant 0 : i32
        %dma_wait3A_65 = tpu.memref_slice %arg6[%dma_wait3A_63, %dma_wait3A_64] : memref<632x128xf32, #tpu.memory_space<hbm>> -> memref<112x128xf32, #tpu.memory_space<hbm>>
        tpu.wait_dma2 semaphore(%run_scoped3A : memref<!tpu.dma_semaphore, #tpu.memory_space<semaphore_mem>>) src(%dma_wait3A_65 : memref<112x128xf32, #tpu.memory_space<hbm>>) dst(%dma_wait3A_62 : memref<112x128xf32, #tpu.memory_space<vmem_shared>>)
        tpu.yield
      }) : () -> ()
    } else {
    }
    %eq3A_14 = arith.constant 1 : i32
    %eq3A_15 = arith.cmpi eq, %arg0, %eq3A_14 : i32
    %convert_element_type3A_16 = arith.extui %eq3A_15 : i1 to i32
    %cond3A_17 = arith.constant 0 : i32
    %cond3A_18 = arith.cmpi ne, %convert_element_type3A_16, %cond3A_17 : i32
    scf.if %cond3A_18 {
      "tpu.region"() ({
        %run_scoped3A = tpu.sem_alloc : memref<!tpu.dma_semaphore, #tpu.memory_space<semaphore_mem>>
        %dma_start3A_54 = arith.constant 0 : i32
        %dma_start3A_55 = tpu.memref_slice %arg8[%multiple_of3A, %dma_start3A_54] : memref<10112x128xf32, #tpu.memory_space<vmem_shared>> -> memref<632x128xf32, #tpu.memory_space<vmem_shared>>
        tpu.enqueue_dma source(%arg6 : memref<632x128xf32, #tpu.memory_space<hbm>>) target(%dma_start3A_55 : memref<632x128xf32, #tpu.memory_space<vmem_shared>>) target_semaphore(%run_scoped3A : memref<!tpu.dma_semaphore, #tpu.memory_space<semaphore_mem>>)
        %dma_wait3A_56 = arith.constant 0 : i32
        %dma_wait3A_57 = tpu.memref_slice %arg8[%multiple_of3A, %dma_wait3A_56] : memref<10112x128xf32, #tpu.memory_space<vmem_shared>> -> memref<632x128xf32, #tpu.memory_space<vmem_shared>>
        tpu.wait_dma2 semaphore(%run_scoped3A : memref<!tpu.dma_semaphore, #tpu.memory_space<semaphore_mem>>) src(%arg6 : memref<632x128xf32, #tpu.memory_space<hbm>>) dst(%dma_wait3A_57 : memref<632x128xf32, #tpu.memory_space<vmem_shared>>)
        tpu.yield
      }) : () -> ()
    } else {
    }
    %mul3A_19 = arith.constant 10000 : i32
    %mul3A_20 = arith.muli %add3A, %mul3A_19 : i32
    %multiple_of3A_21 = tpu.assume_multiple %mul3A_20, 8 : i32
    "tpu.region"() ({
      %run_scoped3A = tpu.sem_alloc : memref<!tpu.dma_semaphore, #tpu.memory_space<semaphore_mem>>
      %dma_start3A_54 = tpu.memref_slice %arg3[%multiple_of3A_21] : memref<320000xi32, #tpu.memory_space<hbm>> -> memref<10000xi32, #tpu.memory_space<hbm>>
      %dma_start3A_55 = tpu.memref_slice %arg3[%multiple_of3A_21] : memref<320000xi32, #tpu.memory_space<hbm>> -> memref<10000xi32, #tpu.memory_space<hbm>>
      tpu.enqueue_dma source(%dma_start3A_55 : memref<10000xi32, #tpu.memory_space<hbm>>) target(%arg9 : memref<10000xi32, #tpu.memory_space<vmem>>) target_semaphore(%run_scoped3A : memref<!tpu.dma_semaphore, #tpu.memory_space<semaphore_mem>>)
      %dma_wait3A_56 = tpu.memref_slice %arg3[%multiple_of3A_21] : memref<320000xi32, #tpu.memory_space<hbm>> -> memref<10000xi32, #tpu.memory_space<hbm>>
      %dma_wait3A_57 = tpu.memref_slice %arg3[%multiple_of3A_21] : memref<320000xi32, #tpu.memory_space<hbm>> -> memref<10000xi32, #tpu.memory_space<hbm>>
      tpu.wait_dma2 semaphore(%run_scoped3A : memref<!tpu.dma_semaphore, #tpu.memory_space<semaphore_mem>>) src(%dma_wait3A_57 : memref<10000xi32, #tpu.memory_space<hbm>>) dst(%arg9 : memref<10000xi32, #tpu.memory_space<vmem>>)
      tpu.yield
    }) : () -> ()
    "tpu.region"() ({
      %run_scoped3A = tpu.sem_alloc : memref<!tpu.dma_semaphore, #tpu.memory_space<semaphore_mem>>
      %dma_start3A_54 = arith.constant 0 : i32
      %dma_start3A_55 = arith.constant 0 : i32
      %dma_start3A_56 = tpu.memref_slice %arg4[%add3A, %dma_start3A_54, %dma_start3A_55] : memref<32x96x104xi32, #tpu.memory_space<hbm>> -> memref<1x96x104xi32, #tpu.memory_space<hbm>>
      %dma_start3A_57 = tpu.memref_squeeze %dma_start3A_56 : memref<1x96x104xi32, #tpu.memory_space<hbm>> -> memref<96x104xi32, #tpu.memory_space<hbm>>
      %dma_start3A_58 = arith.constant 0 : i32
      %dma_start3A_59 = arith.constant 0 : i32
      %dma_start3A_60 = tpu.memref_slice %arg4[%add3A, %dma_start3A_58, %dma_start3A_59] : memref<32x96x104xi32, #tpu.memory_space<hbm>> -> memref<1x96x104xi32, #tpu.memory_space<hbm>>
      %dma_start3A_61 = tpu.memref_squeeze %dma_start3A_60 : memref<1x96x104xi32, #tpu.memory_space<hbm>> -> memref<96x104xi32, #tpu.memory_space<hbm>>
      tpu.enqueue_dma source(%dma_start3A_61 : memref<96x104xi32, #tpu.memory_space<hbm>>) target(%arg10 : memref<96x104xi32, #tpu.memory_space<vmem>>) target_semaphore(%run_scoped3A : memref<!tpu.dma_semaphore, #tpu.memory_space<semaphore_mem>>)
      %dma_wait3A_62 = arith.constant 0 : i32
      %dma_wait3A_63 = arith.constant 0 : i32
      %dma_wait3A_64 = tpu.memref_slice %arg4[%add3A, %dma_wait3A_62, %dma_wait3A_63] : memref<32x96x104xi32, #tpu.memory_space<hbm>> -> memref<1x96x104xi32, #tpu.memory_space<hbm>>
      %dma_wait3A_65 = tpu.memref_squeeze %dma_wait3A_64 : memref<1x96x104xi32, #tpu.memory_space<hbm>> -> memref<96x104xi32, #tpu.memory_space<hbm>>
      %dma_wait3A_66 = arith.constant 0 : i32
      %dma_wait3A_67 = arith.constant 0 : i32
      %dma_wait3A_68 = tpu.memref_slice %arg4[%add3A, %dma_wait3A_66, %dma_wait3A_67] : memref<32x96x104xi32, #tpu.memory_space<hbm>> -> memref<1x96x104xi32, #tpu.memory_space<hbm>>
      %dma_wait3A_69 = tpu.memref_squeeze %dma_wait3A_68 : memref<1x96x104xi32, #tpu.memory_space<hbm>> -> memref<96x104xi32, #tpu.memory_space<hbm>>
      tpu.wait_dma2 semaphore(%run_scoped3A : memref<!tpu.dma_semaphore, #tpu.memory_space<semaphore_mem>>) src(%dma_wait3A_69 : memref<96x104xi32, #tpu.memory_space<hbm>>) dst(%arg10 : memref<96x104xi32, #tpu.memory_space<vmem>>)
      tpu.yield
    }) : () -> ()
    "tpu.region"() ({
      %run_scoped3A = tpu.sem_alloc : memref<!tpu.dma_semaphore, #tpu.memory_space<semaphore_mem>>
      %dma_start3A_54 = arith.constant 0 : i32
      %dma_start3A_55 = tpu.memref_slice %arg5[%add3A, %dma_start3A_54] : memref<32x16xi32, #tpu.memory_space<hbm>> -> memref<1x16xi32, #tpu.memory_space<hbm>>
      %dma_start3A_56 = tpu.memref_squeeze %dma_start3A_55 : memref<1x16xi32, #tpu.memory_space<hbm>> -> memref<16xi32, #tpu.memory_space<hbm>>
      %dma_start3A_57 = arith.constant 0 : i32
      %dma_start3A_58 = tpu.memref_slice %arg5[%add3A, %dma_start3A_57] : memref<32x16xi32, #tpu.memory_space<hbm>> -> memref<1x16xi32, #tpu.memory_space<hbm>>
      %dma_start3A_59 = tpu.memref_squeeze %dma_start3A_58 : memref<1x16xi32, #tpu.memory_space<hbm>> -> memref<16xi32, #tpu.memory_space<hbm>>
      tpu.enqueue_dma source(%dma_start3A_59 : memref<16xi32, #tpu.memory_space<hbm>>) target(%arg11 : memref<16xi32, #tpu.memory_space<vmem>>) target_semaphore(%run_scoped3A : memref<!tpu.dma_semaphore, #tpu.memory_space<semaphore_mem>>)
      %dma_wait3A_60 = arith.constant 0 : i32
      %dma_wait3A_61 = tpu.memref_slice %arg5[%add3A, %dma_wait3A_60] : memref<32x16xi32, #tpu.memory_space<hbm>> -> memref<1x16xi32, #tpu.memory_space<hbm>>
      %dma_wait3A_62 = tpu.memref_squeeze %dma_wait3A_61 : memref<1x16xi32, #tpu.memory_space<hbm>> -> memref<16xi32, #tpu.memory_space<hbm>>
      %dma_wait3A_63 = arith.constant 0 : i32
      %dma_wait3A_64 = tpu.memref_slice %arg5[%add3A, %dma_wait3A_63] : memref<32x16xi32, #tpu.memory_space<hbm>> -> memref<1x16xi32, #tpu.memory_space<hbm>>
      %dma_wait3A_65 = tpu.memref_squeeze %dma_wait3A_64 : memref<1x16xi32, #tpu.memory_space<hbm>> -> memref<16xi32, #tpu.memory_space<hbm>>
      tpu.wait_dma2 semaphore(%run_scoped3A : memref<!tpu.dma_semaphore, #tpu.memory_space<semaphore_mem>>) src(%dma_wait3A_65 : memref<16xi32, #tpu.memory_space<hbm>>) dst(%arg11 : memref<16xi32, #tpu.memory_space<vmem>>)
      tpu.yield
    }) : () -> ()
    %barrier3A = arith.constant 0 : index
    tpu.barrier barrier_id(%barrier3A)
    %multiple_of3A_22 = arith.constant 0 : i32
    %multiple_of3A_23 = tpu.assume_multiple %multiple_of3A_22, 8 : i32
    %dma_start3A = tpu.memref_slice %arg9[%multiple_of3A_23] : memref<10000xi32, #tpu.memory_space<vmem>> -> memref<104xi32, #tpu.memory_space<vmem>>
    %dma_start3A_24 = arith.constant 0 : i32
    %dma_start3A_25 = arith.constant 0 : i32
    %dma_start3A_26 = tpu.memref_slice %arg2[%dma_start3A_24, %dma_start3A_25] : memref<10000x128xf32, #tpu.memory_space<hbm>> -> memref<10000x128xf32, #tpu.memory_space<hbm>>
    tpu.enqueue_indirect_dma source(%dma_start3A_26 : memref<10000x128xf32, #tpu.memory_space<hbm>>) target(%arg12 : memref<104x128xf32, #tpu.memory_space<vmem>>) offsets(%dma_start3A : memref<104xi32, #tpu.memory_space<vmem>>) semaphore(%arg14 : memref<!tpu.dma_semaphore, #tpu.memory_space<semaphore_mem>>)
    %multiple_of3A_27 = arith.constant 104 : i32
    %multiple_of3A_28 = tpu.assume_multiple %multiple_of3A_27, 8 : i32
    %dma_start3A_29 = tpu.memref_slice %arg9[%multiple_of3A_28] : memref<10000xi32, #tpu.memory_space<vmem>> -> memref<104xi32, #tpu.memory_space<vmem>>
    %dma_start3A_30 = arith.constant 0 : i32
    %dma_start3A_31 = arith.constant 0 : i32
    %dma_start3A_32 = tpu.memref_slice %arg2[%dma_start3A_30, %dma_start3A_31] : memref<10000x128xf32, #tpu.memory_space<hbm>> -> memref<10000x128xf32, #tpu.memory_space<hbm>>
    tpu.enqueue_indirect_dma source(%dma_start3A_32 : memref<10000x128xf32, #tpu.memory_space<hbm>>) target(%arg13 : memref<104x128xf32, #tpu.memory_space<vmem>>) offsets(%dma_start3A_29 : memref<104xi32, #tpu.memory_space<vmem>>) semaphore(%arg15 : memref<!tpu.dma_semaphore, #tpu.memory_space<semaphore_mem>>)
    %scan3A = arith.constant 0 : i32
    %scan3A_33 = arith.constant 0 : i32
    %scan3A_34 = arith.constant 48 : i32
    %scan3A_35 = arith.addi %scan3A_33, %scan3A_34 : i32
    %scan3A_36 = arith.constant 1 : i32
    scf.for %scan3A_54 = %scan3A_33 to %scan3A_35 step %scan3A_36  : i32 {
      %mul3A_55 = arith.constant 2 : i32
      %mul3A_56 = arith.muli %scan3A_54, %mul3A_55 : i32
      %dma_wait3A_57 = arith.constant 0 : i32
      %dma_wait3A_58 = tpu.memref_slice %arg9[%dma_wait3A_57] : memref<10000xi32, #tpu.memory_space<vmem>> -> memref<104xi32, #tpu.memory_space<vmem>>
      %dma_wait3A_59 = arith.constant 0 : i32
      %dma_wait3A_60 = arith.constant 0 : i32
      %dma_wait3A_61 = tpu.memref_slice %arg2[%dma_wait3A_59, %dma_wait3A_60] : memref<10000x128xf32, #tpu.memory_space<hbm>> -> memref<10000x128xf32, #tpu.memory_space<hbm>>
      tpu.wait_indirect_dma semaphore(%arg14 : memref<!tpu.dma_semaphore, #tpu.memory_space<semaphore_mem>>) src(%dma_wait3A_61 : memref<10000x128xf32, #tpu.memory_space<hbm>>) dst(%arg12 : memref<104x128xf32, #tpu.memory_space<vmem>>)
      %add3A_62 = arith.constant 0 : i32
      %add3A_63 = arith.addi %mul3A_56, %add3A_62 : i32
      "tpu.region"() ({
        %run_scoped3A = tpu.sem_alloc : memref<!tpu.dma_semaphore, #tpu.memory_space<semaphore_mem>>
        %dma_start3A_89 = arith.constant 0 : i32
        %dma_start3A_90 = tpu.memref_slice %arg10[%add3A_63, %dma_start3A_89] : memref<96x104xi32, #tpu.memory_space<vmem>> -> memref<1x104xi32, #tpu.memory_space<vmem>>
        %dma_start3A_91 = tpu.memref_squeeze %dma_start3A_90 : memref<1x104xi32, #tpu.memory_space<vmem>> -> memref<104xi32, #tpu.memory_space<vmem>>
        %dma_start3A_92 = arith.constant 0 : i32
        %dma_start3A_93 = arith.constant 0 : i32
        %dma_start3A_94 = tpu.memref_slice %arg8[%dma_start3A_92, %dma_start3A_93] : memref<10112x128xf32, #tpu.memory_space<vmem_shared>> -> memref<10112x128xf32, #tpu.memory_space<vmem_shared>>
        tpu.enqueue_indirect_dma source(%arg12 : memref<104x128xf32, #tpu.memory_space<vmem>>) target(%dma_start3A_94 : memref<10112x128xf32, #tpu.memory_space<vmem_shared>>) offsets(%dma_start3A_91 : memref<104xi32, #tpu.memory_space<vmem>>) semaphore(%run_scoped3A : memref<!tpu.dma_semaphore, #tpu.memory_space<semaphore_mem>>) {add = true}
        %dma_wait3A_95 = arith.constant 0 : i32
        %dma_wait3A_96 = tpu.memref_slice %arg10[%add3A_63, %dma_wait3A_95] : memref<96x104xi32, #tpu.memory_space<vmem>> -> memref<1x104xi32, #tpu.memory_space<vmem>>
        %dma_wait3A_97 = tpu.memref_squeeze %dma_wait3A_96 : memref<1x104xi32, #tpu.memory_space<vmem>> -> memref<104xi32, #tpu.memory_space<vmem>>
        %dma_wait3A_98 = arith.constant 0 : i32
        %dma_wait3A_99 = arith.constant 0 : i32
        %dma_wait3A_100 = tpu.memref_slice %arg8[%dma_wait3A_98, %dma_wait3A_99] : memref<10112x128xf32, #tpu.memory_space<vmem_shared>> -> memref<10112x128xf32, #tpu.memory_space<vmem_shared>>
        tpu.wait_indirect_dma semaphore(%run_scoped3A : memref<!tpu.dma_semaphore, #tpu.memory_space<semaphore_mem>>) src(%arg12 : memref<104x128xf32, #tpu.memory_space<vmem>>) dst(%dma_wait3A_100 : memref<10112x128xf32, #tpu.memory_space<vmem_shared>>)
        tpu.yield
      }) : () -> ()
      %add3A_64 = arith.constant 0 : i32
      %add3A_65 = arith.addi %mul3A_56, %add3A_64 : i32
      %add3A_66 = arith.constant 2 : i32
      %add3A_67 = arith.addi %add3A_65, %add3A_66 : i32
      %lt3A_68 = arith.constant 96 : i32
      %lt3A_69 = arith.cmpi slt, %add3A_67, %lt3A_68 : i32
      %convert_element_type3A_70 = arith.extui %lt3A_69 : i1 to i32
      %cond3A_71 = arith.constant 0 : i32
      %cond3A_72 = arith.cmpi ne, %convert_element_type3A_70, %cond3A_71 : i32
      scf.if %cond3A_72 {
        %add3A_89 = arith.constant 0 : i32
        %add3A_90 = arith.addi %mul3A_56, %add3A_89 : i32
        %add3A_91 = arith.constant 2 : i32
        %add3A_92 = arith.addi %add3A_90, %add3A_91 : i32
        %mul3A_93 = arith.constant 104 : i32
        %mul3A_94 = arith.muli %add3A_92, %mul3A_93 : i32
        %multiple_of3A_95 = tpu.assume_multiple %mul3A_94, 8 : i32
        %dma_start3A_96 = tpu.memref_slice %arg9[%multiple_of3A_95] : memref<10000xi32, #tpu.memory_space<vmem>> -> memref<104xi32, #tpu.memory_space<vmem>>
        %dma_start3A_97 = arith.constant 0 : i32
        %dma_start3A_98 = arith.constant 0 : i32
        %dma_start3A_99 = tpu.memref_slice %arg2[%dma_start3A_97, %dma_start3A_98] : memref<10000x128xf32, #tpu.memory_space<hbm>> -> memref<10000x128xf32, #tpu.memory_space<hbm>>
        tpu.enqueue_indirect_dma source(%dma_start3A_99 : memref<10000x128xf32, #tpu.memory_space<hbm>>) target(%arg12 : memref<104x128xf32, #tpu.memory_space<vmem>>) offsets(%dma_start3A_96 : memref<104xi32, #tpu.memory_space<vmem>>) semaphore(%arg14 : memref<!tpu.dma_semaphore, #tpu.memory_space<semaphore_mem>>)
      } else {
      }
      %dma_wait3A_73 = arith.constant 0 : i32
      %dma_wait3A_74 = tpu.memref_slice %arg9[%dma_wait3A_73] : memref<10000xi32, #tpu.memory_space<vmem>> -> memref<104xi32, #tpu.memory_space<vmem>>
      %dma_wait3A_75 = arith.constant 0 : i32
      %dma_wait3A_76 = arith.constant 0 : i32
      %dma_wait3A_77 = tpu.memref_slice %arg2[%dma_wait3A_75, %dma_wait3A_76] : memref<10000x128xf32, #tpu.memory_space<hbm>> -> memref<10000x128xf32, #tpu.memory_space<hbm>>
      tpu.wait_indirect_dma semaphore(%arg15 : memref<!tpu.dma_semaphore, #tpu.memory_space<semaphore_mem>>) src(%dma_wait3A_77 : memref<10000x128xf32, #tpu.memory_space<hbm>>) dst(%arg13 : memref<104x128xf32, #tpu.memory_space<vmem>>)
      %add3A_78 = arith.constant 1 : i32
      %add3A_79 = arith.addi %mul3A_56, %add3A_78 : i32
      "tpu.region"() ({
        %run_scoped3A = tpu.sem_alloc : memref<!tpu.dma_semaphore, #tpu.memory_space<semaphore_mem>>
        %dma_start3A_89 = arith.constant 0 : i32
        %dma_start3A_90 = tpu.memref_slice %arg10[%add3A_79, %dma_start3A_89] : memref<96x104xi32, #tpu.memory_space<vmem>> -> memref<1x104xi32, #tpu.memory_space<vmem>>
        %dma_start3A_91 = tpu.memref_squeeze %dma_start3A_90 : memref<1x104xi32, #tpu.memory_space<vmem>> -> memref<104xi32, #tpu.memory_space<vmem>>
        %dma_start3A_92 = arith.constant 0 : i32
        %dma_start3A_93 = arith.constant 0 : i32
        %dma_start3A_94 = tpu.memref_slice %arg8[%dma_start3A_92, %dma_start3A_93] : memref<10112x128xf32, #tpu.memory_space<vmem_shared>> -> memref<10112x128xf32, #tpu.memory_space<vmem_shared>>
        tpu.enqueue_indirect_dma source(%arg13 : memref<104x128xf32, #tpu.memory_space<vmem>>) target(%dma_start3A_94 : memref<10112x128xf32, #tpu.memory_space<vmem_shared>>) offsets(%dma_start3A_91 : memref<104xi32, #tpu.memory_space<vmem>>) semaphore(%run_scoped3A : memref<!tpu.dma_semaphore, #tpu.memory_space<semaphore_mem>>) {add = true}
        %dma_wait3A_95 = arith.constant 0 : i32
        %dma_wait3A_96 = tpu.memref_slice %arg10[%add3A_79, %dma_wait3A_95] : memref<96x104xi32, #tpu.memory_space<vmem>> -> memref<1x104xi32, #tpu.memory_space<vmem>>
        %dma_wait3A_97 = tpu.memref_squeeze %dma_wait3A_96 : memref<1x104xi32, #tpu.memory_space<vmem>> -> memref<104xi32, #tpu.memory_space<vmem>>
        %dma_wait3A_98 = arith.constant 0 : i32
        %dma_wait3A_99 = arith.constant 0 : i32
        %dma_wait3A_100 = tpu.memref_slice %arg8[%dma_wait3A_98, %dma_wait3A_99] : memref<10112x128xf32, #tpu.memory_space<vmem_shared>> -> memref<10112x128xf32, #tpu.memory_space<vmem_shared>>
        tpu.wait_indirect_dma semaphore(%run_scoped3A : memref<!tpu.dma_semaphore, #tpu.memory_space<semaphore_mem>>) src(%arg13 : memref<104x128xf32, #tpu.memory_space<vmem>>) dst(%dma_wait3A_100 : memref<10112x128xf32, #tpu.memory_space<vmem_shared>>)
        tpu.yield
      }) : () -> ()
      %add3A_80 = arith.constant 1 : i32
      %add3A_81 = arith.addi %mul3A_56, %add3A_80 : i32
      %add3A_82 = arith.constant 2 : i32
      %add3A_83 = arith.addi %add3A_81, %add3A_82 : i32
      %lt3A_84 = arith.constant 96 : i32
      %lt3A_85 = arith.cmpi slt, %add3A_83, %lt3A_84 : i32
      %convert_element_type3A_86 = arith.extui %lt3A_85 : i1 to i32
      %cond3A_87 = arith.constant 0 : i32
      %cond3A_88 = arith.cmpi ne, %convert_element_type3A_86, %cond3A_87 : i32
      scf.if %cond3A_88 {
        %add3A_89 = arith.constant 1 : i32
        %add3A_90 = arith.addi %mul3A_56, %add3A_89 : i32
        %add3A_91 = arith.constant 2 : i32
        %add3A_92 = arith.addi %add3A_90, %add3A_91 : i32
        %mul3A_93 = arith.constant 104 : i32
        %mul3A_94 = arith.muli %add3A_92, %mul3A_93 : i32
        %multiple_of3A_95 = tpu.assume_multiple %mul3A_94, 8 : i32
        %dma_start3A_96 = tpu.memref_slice %arg9[%multiple_of3A_95] : memref<10000xi32, #tpu.memory_space<vmem>> -> memref<104xi32, #tpu.memory_space<vmem>>
        %dma_start3A_97 = arith.constant 0 : i32
        %dma_start3A_98 = arith.constant 0 : i32
        %dma_start3A_99 = tpu.memref_slice %arg2[%dma_start3A_97, %dma_start3A_98] : memref<10000x128xf32, #tpu.memory_space<hbm>> -> memref<10000x128xf32, #tpu.memory_space<hbm>>
        tpu.enqueue_indirect_dma source(%dma_start3A_99 : memref<10000x128xf32, #tpu.memory_space<hbm>>) target(%arg13 : memref<104x128xf32, #tpu.memory_space<vmem>>) offsets(%dma_start3A_96 : memref<104xi32, #tpu.memory_space<vmem>>) semaphore(%arg15 : memref<!tpu.dma_semaphore, #tpu.memory_space<semaphore_mem>>)
      } else {
      }
    }
    %scan3A_37 = arith.constant 48 : i32
    %multiple_of3A_38 = arith.constant 9984 : i32
    %multiple_of3A_39 = tpu.assume_multiple %multiple_of3A_38, 8 : i32
    %dma_start3A_40 = arith.constant 0 : i32
    %dma_start3A_41 = arith.constant 0 : i32
    %dma_start3A_42 = tpu.memref_slice %arg12[%dma_start3A_40, %dma_start3A_41] : memref<104x128xf32, #tpu.memory_space<vmem>> -> memref<16x128xf32, #tpu.memory_space<vmem>>
    %dma_start3A_43 = tpu.memref_slice %arg9[%multiple_of3A_39] : memref<10000xi32, #tpu.memory_space<vmem>> -> memref<16xi32, #tpu.memory_space<vmem>>
    %dma_start3A_44 = arith.constant 0 : i32
    %dma_start3A_45 = arith.constant 0 : i32
    %dma_start3A_46 = tpu.memref_slice %arg2[%dma_start3A_44, %dma_start3A_45] : memref<10000x128xf32, #tpu.memory_space<hbm>> -> memref<10000x128xf32, #tpu.memory_space<hbm>>
    tpu.enqueue_indirect_dma source(%dma_start3A_46 : memref<10000x128xf32, #tpu.memory_space<hbm>>) target(%dma_start3A_42 : memref<16x128xf32, #tpu.memory_space<vmem>>) offsets(%dma_start3A_43 : memref<16xi32, #tpu.memory_space<vmem>>) semaphore(%arg14 : memref<!tpu.dma_semaphore, #tpu.memory_space<semaphore_mem>>)
    %dma_wait3A = arith.constant 0 : i32
    %dma_wait3A_47 = arith.constant 0 : i32
    %dma_wait3A_48 = tpu.memref_slice %arg12[%dma_wait3A, %dma_wait3A_47] : memref<104x128xf32, #tpu.memory_space<vmem>> -> memref<16x128xf32, #tpu.memory_space<vmem>>
    %dma_wait3A_49 = tpu.memref_slice %arg9[%multiple_of3A_39] : memref<10000xi32, #tpu.memory_space<vmem>> -> memref<16xi32, #tpu.memory_space<vmem>>
    %dma_wait3A_50 = arith.constant 0 : i32
    %dma_wait3A_51 = arith.constant 0 : i32
    %dma_wait3A_52 = tpu.memref_slice %arg2[%dma_wait3A_50, %dma_wait3A_51] : memref<10000x128xf32, #tpu.memory_space<hbm>> -> memref<10000x128xf32, #tpu.memory_space<hbm>>
    tpu.wait_indirect_dma semaphore(%arg14 : memref<!tpu.dma_semaphore, #tpu.memory_space<semaphore_mem>>) src(%dma_wait3A_52 : memref<10000x128xf32, #tpu.memory_space<hbm>>) dst(%dma_wait3A_48 : memref<16x128xf32, #tpu.memory_space<vmem>>)
    "tpu.region"() ({
      %run_scoped3A = tpu.sem_alloc : memref<!tpu.dma_semaphore, #tpu.memory_space<semaphore_mem>>
      %dma_start3A_54 = arith.constant 0 : i32
      %dma_start3A_55 = arith.constant 0 : i32
      %dma_start3A_56 = tpu.memref_slice %arg12[%dma_start3A_54, %dma_start3A_55] : memref<104x128xf32, #tpu.memory_space<vmem>> -> memref<16x128xf32, #tpu.memory_space<vmem>>
      %dma_start3A_57 = arith.constant 0 : i32
      %dma_start3A_58 = arith.constant 0 : i32
      %dma_start3A_59 = tpu.memref_slice %arg8[%dma_start3A_57, %dma_start3A_58] : memref<10112x128xf32, #tpu.memory_space<vmem_shared>> -> memref<10112x128xf32, #tpu.memory_space<vmem_shared>>
      tpu.enqueue_indirect_dma source(%dma_start3A_56 : memref<16x128xf32, #tpu.memory_space<vmem>>) target(%dma_start3A_59 : memref<10112x128xf32, #tpu.memory_space<vmem_shared>>) offsets(%arg11 : memref<16xi32, #tpu.memory_space<vmem>>) semaphore(%run_scoped3A : memref<!tpu.dma_semaphore, #tpu.memory_space<semaphore_mem>>) {add = true}
      %dma_wait3A_60 = arith.constant 0 : i32
      %dma_wait3A_61 = arith.constant 0 : i32
      %dma_wait3A_62 = tpu.memref_slice %arg12[%dma_wait3A_60, %dma_wait3A_61] : memref<104x128xf32, #tpu.memory_space<vmem>> -> memref<16x128xf32, #tpu.memory_space<vmem>>
      %dma_wait3A_63 = arith.constant 0 : i32
      %dma_wait3A_64 = arith.constant 0 : i32
      %dma_wait3A_65 = tpu.memref_slice %arg8[%dma_wait3A_63, %dma_wait3A_64] : memref<10112x128xf32, #tpu.memory_space<vmem_shared>> -> memref<10112x128xf32, #tpu.memory_space<vmem_shared>>
      tpu.wait_indirect_dma semaphore(%run_scoped3A : memref<!tpu.dma_semaphore, #tpu.memory_space<semaphore_mem>>) src(%dma_wait3A_62 : memref<16x128xf32, #tpu.memory_space<vmem>>) dst(%dma_wait3A_65 : memref<10112x128xf32, #tpu.memory_space<vmem_shared>>)
      tpu.yield
    }) : () -> ()
    %barrier3A_53 = arith.constant 0 : index
    tpu.barrier barrier_id(%barrier3A_53)
    "tpu.region"() ({
      %run_scoped3A = tpu.sem_alloc : memref<!tpu.dma_semaphore, #tpu.memory_space<semaphore_mem>>
      %dma_start3A_54 = arith.constant 0 : i32
      %dma_start3A_55 = arith.constant 0 : i32
      %dma_start3A_56 = tpu.memref_slice %arg7[%arg0, %dma_start3A_54, %dma_start3A_55] : memref<2x10112x128xf32, #tpu.memory_space<hbm>> -> memref<1x10112x128xf32, #tpu.memory_space<hbm>>
      %dma_start3A_57 = tpu.memref_squeeze %dma_start3A_56 : memref<1x10112x128xf32, #tpu.memory_space<hbm>> -> memref<10112x128xf32, #tpu.memory_space<hbm>>
      %dma_start3A_58 = arith.constant 0 : i32
      %dma_start3A_59 = tpu.memref_slice %dma_start3A_57[%multiple_of3A, %dma_start3A_58] : memref<10112x128xf32, #tpu.memory_space<hbm>> -> memref<632x128xf32, #tpu.memory_space<hbm>>
      %dma_start3A_60 = arith.constant 0 : i32
      %dma_start3A_61 = tpu.memref_slice %arg8[%multiple_of3A, %dma_start3A_60] : memref<10112x128xf32, #tpu.memory_space<vmem_shared>> -> memref<632x128xf32, #tpu.memory_space<vmem_shared>>
      tpu.enqueue_dma source(%dma_start3A_61 : memref<632x128xf32, #tpu.memory_space<vmem_shared>>) target(%dma_start3A_59 : memref<632x128xf32, #tpu.memory_space<hbm>>) target_semaphore(%run_scoped3A : memref<!tpu.dma_semaphore, #tpu.memory_space<semaphore_mem>>)
      %dma_wait3A_62 = arith.constant 0 : i32
      %dma_wait3A_63 = arith.constant 0 : i32
      %dma_wait3A_64 = tpu.memref_slice %arg7[%arg0, %dma_wait3A_62, %dma_wait3A_63] : memref<2x10112x128xf32, #tpu.memory_space<hbm>> -> memref<1x10112x128xf32, #tpu.memory_space<hbm>>
      %dma_wait3A_65 = tpu.memref_squeeze %dma_wait3A_64 : memref<1x10112x128xf32, #tpu.memory_space<hbm>> -> memref<10112x128xf32, #tpu.memory_space<hbm>>
      %dma_wait3A_66 = arith.constant 0 : i32
      %dma_wait3A_67 = tpu.memref_slice %dma_wait3A_65[%multiple_of3A, %dma_wait3A_66] : memref<10112x128xf32, #tpu.memory_space<hbm>> -> memref<632x128xf32, #tpu.memory_space<hbm>>
      %dma_wait3A_68 = arith.constant 0 : i32
      %dma_wait3A_69 = tpu.memref_slice %arg8[%multiple_of3A, %dma_wait3A_68] : memref<10112x128xf32, #tpu.memory_space<vmem_shared>> -> memref<632x128xf32, #tpu.memory_space<vmem_shared>>
      tpu.wait_dma2 semaphore(%run_scoped3A : memref<!tpu.dma_semaphore, #tpu.memory_space<semaphore_mem>>) src(%dma_wait3A_69 : memref<632x128xf32, #tpu.memory_space<vmem_shared>>) dst(%dma_wait3A_67 : memref<632x128xf32, #tpu.memory_space<hbm>>)
      tpu.yield
    }) : () -> ()
    return
  }
}

module attributes {stable_mosaic.version = 14 : i64} {
  func.func @body(%arg0: memref<2x10112x128xf32, #tpu.memory_space<vmem>>, %arg1: memref<128x128xf32, #tpu.memory_space<vmem>>, %arg2: memref<1x128xf32, #tpu.memory_space<vmem>>, %arg3: memref<128x128xf32, #tpu.memory_space<vmem>>, %arg4: memref<1x128xf32, #tpu.memory_space<vmem>>, %arg5: memref<1x128xf32, #tpu.memory_space<vmem>>, %arg6: memref<1x128xf32, #tpu.memory_space<vmem>>, %arg7: memref<10000x128xf32, #tpu.memory_space<vmem>>) attributes {dimension_semantics = [], scalar_prefetch = 0 : i64, scratch_operands = 0 : i64, tpu.core_type = #tpu.core_type<tc>} {
    %get3A = arith.constant 0 : index
    %get3A_0 = arith.constant 0 : index
    %get3A_1 = arith.constant 0 : index
    %get3A_2 = vector.load %arg0[%get3A, %get3A_0, %get3A_1] : memref<2x10112x128xf32, #tpu.memory_space<vmem>>, vector<1x10000x128xf32>
    %get3A_3 = vector.shape_cast %get3A_2 : vector<1x10000x128xf32> to vector<10000x128xf32>
    %get3A_4 = arith.constant 1 : index
    %get3A_5 = arith.constant 0 : index
    %get3A_6 = arith.constant 0 : index
    %get3A_7 = vector.load %arg0[%get3A_4, %get3A_5, %get3A_6] : memref<2x10112x128xf32, #tpu.memory_space<vmem>>, vector<1x10000x128xf32>
    %get3A_8 = vector.shape_cast %get3A_7 : vector<1x10000x128xf32> to vector<10000x128xf32>
    %add3A = arith.addf %get3A_3, %get3A_8 : vector<10000x128xf32>
    %get3A_9 = arith.constant 0 : index
    %get3A_10 = arith.constant 0 : index
    %get3A_11 = vector.load %arg1[%get3A_9, %get3A_10] : memref<128x128xf32, #tpu.memory_space<vmem>>, vector<128x128xf32>
    %dot_general3A = arith.constant dense<0.000000e+00> : vector<10000x128xf32>
    %dot_general3A_12 = tpu.matmul %add3A, %get3A_11, %dot_general3A {dimension_numbers = #tpu.dot_dimension_numbers<[1], [0], [0], [1], [0, 0, 1, 1], [], []>, transpose_lhs_hint = false} : vector<10000x128xf32>, vector<128x128xf32>, vector<10000x128xf32> -> vector<10000x128xf32>
    %get3A_13 = arith.constant 0 : index
    %get3A_14 = arith.constant 0 : index
    %get3A_15 = vector.load %arg2[%get3A_13, %get3A_14] : memref<1x128xf32, #tpu.memory_space<vmem>>, vector<1x128xf32>
    %add3A_16 = vector.broadcast %get3A_15 : vector<1x128xf32> to vector<10000x128xf32>
    %add3A_17 = arith.addf %dot_general3A_12, %add3A_16 : vector<10000x128xf32>
    %max3A = arith.constant 0.000000e+00 : f32
    %max3A_18 = vector.broadcast %max3A : f32 to vector<10000x128xf32>
    %max3A_19 = arith.maximumf %add3A_17, %max3A_18 : vector<10000x128xf32>
    %get3A_20 = arith.constant 0 : index
    %get3A_21 = arith.constant 0 : index
    %get3A_22 = vector.load %arg3[%get3A_20, %get3A_21] : memref<128x128xf32, #tpu.memory_space<vmem>>, vector<128x128xf32>
    %dot_general3A_23 = arith.constant dense<0.000000e+00> : vector<10000x128xf32>
    %dot_general3A_24 = tpu.matmul %max3A_19, %get3A_22, %dot_general3A_23 {dimension_numbers = #tpu.dot_dimension_numbers<[1], [0], [0], [1], [0, 0, 1, 1], [], []>, transpose_lhs_hint = false} : vector<10000x128xf32>, vector<128x128xf32>, vector<10000x128xf32> -> vector<10000x128xf32>
    %get3A_25 = arith.constant 0 : index
    %get3A_26 = arith.constant 0 : index
    %get3A_27 = vector.load %arg4[%get3A_25, %get3A_26] : memref<1x128xf32, #tpu.memory_space<vmem>>, vector<1x128xf32>
    %add3A_28 = vector.broadcast %get3A_27 : vector<1x128xf32> to vector<10000x128xf32>
    %add3A_29 = arith.addf %dot_general3A_24, %add3A_28 : vector<10000x128xf32>
    %reduce_sum3A = arith.constant dense<0.000000e+00> : vector<128xf32>
    %reduce_sum3A_30 = vector.multi_reduction <add>, %add3A_29, %reduce_sum3A [0] : vector<10000x128xf32> to vector<128xf32>
    %broadcast_in_dim3A = vector.shape_cast %reduce_sum3A_30 : vector<128xf32> to vector<1x128xf32>
    %div3A = arith.constant 1.000000e+04 : f32
    %div3A_31 = vector.broadcast %div3A : f32 to vector<1x128xf32>
    %div3A_32 = arith.divf %broadcast_in_dim3A, %div3A_31 : vector<1x128xf32>
    %sub3A = vector.broadcast %div3A_32 : vector<1x128xf32> to vector<10000x128xf32>
    %sub3A_33 = arith.subf %add3A_29, %sub3A : vector<10000x128xf32>
    %sub3A_34 = vector.broadcast %div3A_32 : vector<1x128xf32> to vector<10000x128xf32>
    %sub3A_35 = arith.subf %add3A_29, %sub3A_34 : vector<10000x128xf32>
    %mul3A = arith.mulf %sub3A_33, %sub3A_35 : vector<10000x128xf32>
    %reduce_sum3A_36 = arith.constant dense<0.000000e+00> : vector<128xf32>
    %reduce_sum3A_37 = vector.multi_reduction <add>, %mul3A, %reduce_sum3A_36 [0] : vector<10000x128xf32> to vector<128xf32>
    %broadcast_in_dim3A_38 = vector.shape_cast %reduce_sum3A_37 : vector<128xf32> to vector<1x128xf32>
    %div3A_39 = arith.constant 1.000000e+04 : f32
    %div3A_40 = vector.broadcast %div3A_39 : f32 to vector<1x128xf32>
    %div3A_41 = arith.divf %broadcast_in_dim3A_38, %div3A_40 : vector<1x128xf32>
    %get3A_42 = arith.constant 0 : index
    %get3A_43 = arith.constant 0 : index
    %get3A_44 = vector.load %arg5[%get3A_42, %get3A_43] : memref<1x128xf32, #tpu.memory_space<vmem>>, vector<1x128xf32>
    %sub3A_45 = vector.broadcast %div3A_32 : vector<1x128xf32> to vector<10000x128xf32>
    %sub3A_46 = arith.subf %add3A_29, %sub3A_45 : vector<10000x128xf32>
    %mul3A_47 = vector.broadcast %get3A_44 : vector<1x128xf32> to vector<10000x128xf32>
    %mul3A_48 = arith.mulf %mul3A_47, %sub3A_46 : vector<10000x128xf32>
    %add3A_49 = arith.constant 9.99999974E-6 : f32
    %add3A_50 = vector.broadcast %add3A_49 : f32 to vector<1x128xf32>
    %add3A_51 = arith.addf %div3A_41, %add3A_50 : vector<1x128xf32>
    %rsqrt3A = math.rsqrt %add3A_51 : vector<1x128xf32>
    %mul3A_52 = vector.broadcast %rsqrt3A : vector<1x128xf32> to vector<10000x128xf32>
    %mul3A_53 = arith.mulf %mul3A_48, %mul3A_52 : vector<10000x128xf32>
    %get3A_54 = arith.constant 0 : index
    %get3A_55 = arith.constant 0 : index
    %get3A_56 = vector.load %arg6[%get3A_54, %get3A_55] : memref<1x128xf32, #tpu.memory_space<vmem>>, vector<1x128xf32>
    %add3A_57 = vector.broadcast %get3A_56 : vector<1x128xf32> to vector<10000x128xf32>
    %add3A_58 = arith.addf %mul3A_53, %add3A_57 : vector<10000x128xf32>
    %max3A_59 = arith.constant 0.000000e+00 : f32
    %max3A_60 = vector.broadcast %max3A_59 : f32 to vector<10000x128xf32>
    %max3A_61 = arith.maximumf %add3A_58, %max3A_60 : vector<10000x128xf32>
    %swap3A = arith.constant 0 : index
    %swap3A_62 = arith.constant 0 : index
    %swap3A_63 = vector.load %arg7[%swap3A, %swap3A_62] : memref<10000x128xf32, #tpu.memory_space<vmem>>, vector<10000x128xf32>
    tpu.vector_store %arg7[%swap3A, %swap3A_62], %max3A_61 {strides = array<i32>} : memref<10000x128xf32, #tpu.memory_space<vmem>>, vector<10000x128xf32>,
    return
  }
}

module attributes {stable_mosaic.version = 14 : i64} {
  func.func @body(%arg0: memref<10000x128xf32, #tpu.memory_space<vmem>>, %arg1: memref<129xi32, #tpu.memory_space<smem>>, %arg2: memref<128x256xf32, #tpu.memory_space<vmem>>) attributes {dimension_semantics = [], scalar_prefetch = 0 : i64, scratch_operands = 0 : i64, tpu.core_type = #tpu.core_type<tc>} {
    %scan3A = arith.constant 0 : i32
    %scan3A_0 = arith.constant 16 : i32
    %scan3A_1 = arith.addi %scan3A, %scan3A_0 : i32
    %scan3A_2 = arith.constant 1 : i32
    scf.for %scan3A_4 = %scan3A to %scan3A_1 step %scan3A_2  : i32 {
      %mul3A = arith.constant 8 : i32
      %mul3A_5 = arith.muli %scan3A_4, %mul3A : i32
      %add3A = arith.constant 0 : i32
      %add3A_6 = arith.addi %mul3A_5, %add3A : i32
      %get3A = arith.index_cast %add3A_6 : i32 to index
      %get3A_7 = memref.load %arg1[%get3A] : memref<129xi32, #tpu.memory_space<smem>>
      %add3A_8 = arith.constant 1 : i32
      %add3A_9 = arith.addi %add3A_6, %add3A_8 : i32
      %get3A_10 = arith.index_cast %add3A_9 : i32 to index
      %get3A_11 = memref.load %arg1[%get3A_10] : memref<129xi32, #tpu.memory_space<smem>>
      %jit3A = arith.constant 8 : i32
      %div3A = arith.divsi %get3A_7, %jit3A : i32
      %sign3A = arith.constant 0 : i32
      %sign3A_12 = arith.cmpi sgt, %get3A_7, %sign3A : i32
      %sign3A_13 = arith.extui %sign3A_12 : i1 to i32
      %sign3A_14 = arith.constant 0 : i32
      %sign3A_15 = arith.cmpi slt, %get3A_7, %sign3A_14 : i32
      %sign3A_16 = arith.extui %sign3A_15 : i1 to i32
      %sign3A_17 = arith.subi %sign3A_13, %sign3A_16 : i32
      %sign3A_18 = arith.constant 0 : i32
      %sign3A_19 = arith.cmpi sgt, %jit3A, %sign3A_18 : i32
      %sign3A_20 = arith.extui %sign3A_19 : i1 to i32
      %sign3A_21 = arith.constant 0 : i32
      %sign3A_22 = arith.cmpi slt, %jit3A, %sign3A_21 : i32
      %sign3A_23 = arith.extui %sign3A_22 : i1 to i32
      %sign3A_24 = arith.subi %sign3A_20, %sign3A_23 : i32
      %ne3A = arith.cmpi ne, %sign3A_17, %sign3A_24 : i32
      %rem3A = arith.remsi %get3A_7, %jit3A : i32
      %ne3A_25 = arith.constant 0 : i32
      %ne3A_26 = arith.cmpi ne, %rem3A, %ne3A_25 : i32
      %and3A = arith.andi %ne3A, %ne3A_26 : i1
      %sub3A = arith.constant 1 : i32
      %sub3A_27 = arith.subi %div3A, %sub3A : i32
      %select_n3A = arith.select %and3A, %sub3A_27, %div3A : i32
      %add3A_28 = arith.constant 7 : i32
      %add3A_29 = arith.addi %get3A_11, %add3A_28 : i32
      %jit3A_30 = arith.constant 8 : i32
      %div3A_31 = arith.divsi %add3A_29, %jit3A_30 : i32
      %sign3A_32 = arith.constant 0 : i32
      %sign3A_33 = arith.cmpi sgt, %add3A_29, %sign3A_32 : i32
      %sign3A_34 = arith.extui %sign3A_33 : i1 to i32
      %sign3A_35 = arith.constant 0 : i32
      %sign3A_36 = arith.cmpi slt, %add3A_29, %sign3A_35 : i32
      %sign3A_37 = arith.extui %sign3A_36 : i1 to i32
      %sign3A_38 = arith.subi %sign3A_34, %sign3A_37 : i32
      %sign3A_39 = arith.constant 0 : i32
      %sign3A_40 = arith.cmpi sgt, %jit3A_30, %sign3A_39 : i32
      %sign3A_41 = arith.extui %sign3A_40 : i1 to i32
      %sign3A_42 = arith.constant 0 : i32
      %sign3A_43 = arith.cmpi slt, %jit3A_30, %sign3A_42 : i32
      %sign3A_44 = arith.extui %sign3A_43 : i1 to i32
      %sign3A_45 = arith.subi %sign3A_41, %sign3A_44 : i32
      %ne3A_46 = arith.cmpi ne, %sign3A_38, %sign3A_45 : i32
      %rem3A_47 = arith.remsi %add3A_29, %jit3A_30 : i32
      %ne3A_48 = arith.constant 0 : i32
      %ne3A_49 = arith.cmpi ne, %rem3A_47, %ne3A_48 : i32
      %and3A_50 = arith.andi %ne3A_46, %ne3A_49 : i1
      %sub3A_51 = arith.constant 1 : i32
      %sub3A_52 = arith.subi %div3A_31, %sub3A_51 : i32
      %select_n3A_53 = arith.select %and3A_50, %sub3A_52, %div3A_31 : i32
      %broadcast_in_dim3A = arith.constant 0xFF800000 : f32
      %broadcast_in_dim3A_54 = vector.broadcast %broadcast_in_dim3A : f32 to vector<8x128xf32>
      %broadcast_in_dim3A_55 = arith.constant 0.000000e+00 : f32
      %broadcast_in_dim3A_56 = vector.broadcast %broadcast_in_dim3A_55 : f32 to vector<8x128xf32>
      %while3A = arith.subi %select_n3A_53, %select_n3A : i32
      %while3A_57 = arith.addi %select_n3A, %while3A : i32
      %while3A_58 = arith.constant 1 : i32
      %while3A_59 = arith.divsi %while3A, %while3A_58 : i32
      %while3A_60 = arith.muli %while3A_59, %while3A_58 : i32
      %while3A_61 = arith.addi %select_n3A, %while3A_60 : i32
      %while3A_62 = arith.constant 1 : i32
      %while3A_63:2 = scf.for %while3A_688 = %select_n3A to %while3A_61 step %while3A_62 iter_args(%while3A_689 = %broadcast_in_dim3A_54, %while3A_690 = %broadcast_in_dim3A_56) -> (vector<8x128xf32>, vector<8x128xf32>)  : i32 {
        %mul3A_691 = arith.constant 8 : i32
        %mul3A_692 = arith.muli %while3A_688, %mul3A_691 : i32
        %multiple_of3A_693 = tpu.assume_multiple %mul3A_692, 8 : i32
        %get3A_694 = arith.index_cast %multiple_of3A_693 : i32 to index
        %get3A_695 = arith.constant 0 : index
        %get3A_696 = vector.load %arg0[%get3A_694, %get3A_695] : memref<10000x128xf32, #tpu.memory_space<vmem>>, vector<8x128xf32>
        %mul3A_697 = arith.constant 8 : i32
        %mul3A_698 = arith.muli %while3A_688, %mul3A_697 : i32
        %iota3A = tpu.iota {dimensions = array<i32: 0>} : vector<8x1xi32>
        %add3A_699 = vector.broadcast %mul3A_698 : i32 to vector<8x1xi32>
        %add3A_700 = arith.addi %add3A_699, %iota3A : vector<8x1xi32>
        %ge3A = vector.broadcast %get3A_7 : i32 to vector<8x1xi32>
        %ge3A_701 = arith.cmpi sge, %add3A_700, %ge3A : vector<8x1xi32>
        %lt3A = vector.broadcast %get3A_11 : i32 to vector<8x1xi32>
        %lt3A_702 = arith.cmpi slt, %add3A_700, %lt3A : vector<8x1xi32>
        %and3A_703 = arith.andi %ge3A_701, %lt3A_702 : vector<8x1xi1>
        %jit3A_704 = arith.constant 0xFF800000 : f32
        %broadcast_in_dim3A_705 = vector.shape_cast %and3A_703 : vector<8x1xi1> to vector<8x1xi1>
        %broadcast_in_dim3A_706 = vector.broadcast %broadcast_in_dim3A_705 : vector<8x1xi1> to vector<8x128xi1>
        %broadcast_in_dim3A_707 = vector.broadcast %jit3A_704 : f32 to vector<8x128xf32>
        %select_n3A_708 = arith.select %broadcast_in_dim3A_706, %get3A_696, %broadcast_in_dim3A_707 : vector<8x128xi1>, vector<8x128xf32>
        %max3A_709 = arith.maximumf %while3A_689, %select_n3A_708 : vector<8x128xf32>
        %jit3A_710 = arith.constant 0.000000e+00 : f32
        %broadcast_in_dim3A_711 = vector.shape_cast %and3A_703 : vector<8x1xi1> to vector<8x1xi1>
        %broadcast_in_dim3A_712 = vector.broadcast %broadcast_in_dim3A_711 : vector<8x1xi1> to vector<8x128xi1>
        %broadcast_in_dim3A_713 = vector.broadcast %jit3A_710 : f32 to vector<8x128xf32>
        %select_n3A_714 = arith.select %broadcast_in_dim3A_712, %get3A_696, %broadcast_in_dim3A_713 : vector<8x128xi1>, vector<8x128xf32>
        %add3A_715 = arith.addf %while3A_690, %select_n3A_714 : vector<8x128xf32>
        scf.yield %max3A_709, %add3A_715 : vector<8x128xf32>, vector<8x128xf32>
      }
      %while3A_64 = arith.constant 1 : i32
      %while3A_65:2 = scf.for %while3A_688 = %while3A_61 to %while3A_57 step %while3A_64 iter_args(%while3A_689 = %while3A_63#0, %while3A_690 = %while3A_63#1) -> (vector<8x128xf32>, vector<8x128xf32>)  : i32 {
        %mul3A_691 = arith.constant 8 : i32
        %mul3A_692 = arith.muli %while3A_688, %mul3A_691 : i32
        %multiple_of3A_693 = tpu.assume_multiple %mul3A_692, 8 : i32
        %get3A_694 = arith.index_cast %multiple_of3A_693 : i32 to index
        %get3A_695 = arith.constant 0 : index
        %get3A_696 = vector.load %arg0[%get3A_694, %get3A_695] : memref<10000x128xf32, #tpu.memory_space<vmem>>, vector<8x128xf32>
        %mul3A_697 = arith.constant 8 : i32
        %mul3A_698 = arith.muli %while3A_688, %mul3A_697 : i32
        %iota3A = tpu.iota {dimensions = array<i32: 0>} : vector<8x1xi32>
        %add3A_699 = vector.broadcast %mul3A_698 : i32 to vector<8x1xi32>
        %add3A_700 = arith.addi %add3A_699, %iota3A : vector<8x1xi32>
        %ge3A = vector.broadcast %get3A_7 : i32 to vector<8x1xi32>
        %ge3A_701 = arith.cmpi sge, %add3A_700, %ge3A : vector<8x1xi32>
        %lt3A = vector.broadcast %get3A_11 : i32 to vector<8x1xi32>
        %lt3A_702 = arith.cmpi slt, %add3A_700, %lt3A : vector<8x1xi32>
        %and3A_703 = arith.andi %ge3A_701, %lt3A_702 : vector<8x1xi1>
        %jit3A_704 = arith.constant 0xFF800000 : f32
        %broadcast_in_dim3A_705 = vector.shape_cast %and3A_703 : vector<8x1xi1> to vector<8x1xi1>
        %broadcast_in_dim3A_706 = vector.broadcast %broadcast_in_dim3A_705 : vector<8x1xi1> to vector<8x128xi1>
        %broadcast_in_dim3A_707 = vector.broadcast %jit3A_704 : f32 to vector<8x128xf32>
        %select_n3A_708 = arith.select %broadcast_in_dim3A_706, %get3A_696, %broadcast_in_dim3A_707 : vector<8x128xi1>, vector<8x128xf32>
        %max3A_709 = arith.maximumf %while3A_689, %select_n3A_708 : vector<8x128xf32>
        %jit3A_710 = arith.constant 0.000000e+00 : f32
        %broadcast_in_dim3A_711 = vector.shape_cast %and3A_703 : vector<8x1xi1> to vector<8x1xi1>
        %broadcast_in_dim3A_712 = vector.broadcast %broadcast_in_dim3A_711 : vector<8x1xi1> to vector<8x128xi1>
        %broadcast_in_dim3A_713 = vector.broadcast %jit3A_710 : f32 to vector<8x128xf32>
        %select_n3A_714 = arith.select %broadcast_in_dim3A_712, %get3A_696, %broadcast_in_dim3A_713 : vector<8x128xi1>, vector<8x128xf32>
        %add3A_715 = arith.addf %while3A_690, %select_n3A_714 : vector<8x128xf32>
        scf.yield %max3A_709, %add3A_715 : vector<8x128xf32>, vector<8x128xf32>
      }
      %reduce_max3A = arith.constant dense<0xFF800000> : vector<128xf32>
      %reduce_max3A_66 = vector.multi_reduction <maximumf>, %while3A_65#0, %reduce_max3A [0] : vector<8x128xf32> to vector<128xf32>
      %broadcast_in_dim3A_67 = vector.shape_cast %reduce_max3A_66 : vector<128xf32> to vector<1x128xf32>
      %reduce_sum3A = arith.constant dense<0.000000e+00> : vector<128xf32>
      %reduce_sum3A_68 = vector.multi_reduction <add>, %while3A_65#1, %reduce_sum3A [0] : vector<8x128xf32> to vector<128xf32>
      %broadcast_in_dim3A_69 = vector.shape_cast %reduce_sum3A_68 : vector<128xf32> to vector<1x128xf32>
      %sub3A_70 = arith.subi %get3A_11, %get3A_7 : i32
      %convert_element_type3A = arith.sitofp %sub3A_70 : i32 to f32
      %max3A = arith.constant 1.000000e+00 : f32
      %max3A_71 = arith.maximumf %convert_element_type3A, %max3A : f32
      %div3A_72 = vector.broadcast %max3A_71 : f32 to vector<1x128xf32>
      %div3A_73 = arith.divf %broadcast_in_dim3A_69, %div3A_72 : vector<1x128xf32>
      %concatenate3A = tpu.concatenate %broadcast_in_dim3A_67, %div3A_73 in 1 : vector<1x128xf32>, vector<1x128xf32> -> vector<1x256xf32>
      %mul3A_74 = arith.constant 8 : i32
      %mul3A_75 = arith.muli %scan3A_4, %mul3A_74 : i32
      %add3A_76 = arith.constant 1 : i32
      %add3A_77 = arith.addi %mul3A_75, %add3A_76 : i32
      %get3A_78 = arith.index_cast %add3A_77 : i32 to index
      %get3A_79 = memref.load %arg1[%get3A_78] : memref<129xi32, #tpu.memory_space<smem>>
      %add3A_80 = arith.constant 1 : i32
      %add3A_81 = arith.addi %add3A_77, %add3A_80 : i32
      %get3A_82 = arith.index_cast %add3A_81 : i32 to index
      %get3A_83 = memref.load %arg1[%get3A_82] : memref<129xi32, #tpu.memory_space<smem>>
      %jit3A_84 = arith.constant 8 : i32
      %div3A_85 = arith.divsi %get3A_79, %jit3A_84 : i32
      %sign3A_86 = arith.constant 0 : i32
      %sign3A_87 = arith.cmpi sgt, %get3A_79, %sign3A_86 : i32
      %sign3A_88 = arith.extui %sign3A_87 : i1 to i32
      %sign3A_89 = arith.constant 0 : i32
      %sign3A_90 = arith.cmpi slt, %get3A_79, %sign3A_89 : i32
      %sign3A_91 = arith.extui %sign3A_90 : i1 to i32
      %sign3A_92 = arith.subi %sign3A_88, %sign3A_91 : i32
      %sign3A_93 = arith.constant 0 : i32
      %sign3A_94 = arith.cmpi sgt, %jit3A_84, %sign3A_93 : i32
      %sign3A_95 = arith.extui %sign3A_94 : i1 to i32
      %sign3A_96 = arith.constant 0 : i32
      %sign3A_97 = arith.cmpi slt, %jit3A_84, %sign3A_96 : i32
      %sign3A_98 = arith.extui %sign3A_97 : i1 to i32
      %sign3A_99 = arith.subi %sign3A_95, %sign3A_98 : i32
      %ne3A_100 = arith.cmpi ne, %sign3A_92, %sign3A_99 : i32
      %rem3A_101 = arith.remsi %get3A_79, %jit3A_84 : i32
      %ne3A_102 = arith.constant 0 : i32
      %ne3A_103 = arith.cmpi ne, %rem3A_101, %ne3A_102 : i32
      %and3A_104 = arith.andi %ne3A_100, %ne3A_103 : i1
      %sub3A_105 = arith.constant 1 : i32
      %sub3A_106 = arith.subi %div3A_85, %sub3A_105 : i32
      %select_n3A_107 = arith.select %and3A_104, %sub3A_106, %div3A_85 : i32
      %add3A_108 = arith.constant 7 : i32
      %add3A_109 = arith.addi %get3A_83, %add3A_108 : i32
      %jit3A_110 = arith.constant 8 : i32
      %div3A_111 = arith.divsi %add3A_109, %jit3A_110 : i32
      %sign3A_112 = arith.constant 0 : i32
      %sign3A_113 = arith.cmpi sgt, %add3A_109, %sign3A_112 : i32
      %sign3A_114 = arith.extui %sign3A_113 : i1 to i32
      %sign3A_115 = arith.constant 0 : i32
      %sign3A_116 = arith.cmpi slt, %add3A_109, %sign3A_115 : i32
      %sign3A_117 = arith.extui %sign3A_116 : i1 to i32
      %sign3A_118 = arith.subi %sign3A_114, %sign3A_117 : i32
      %sign3A_119 = arith.constant 0 : i32
      %sign3A_120 = arith.cmpi sgt, %jit3A_110, %sign3A_119 : i32
      %sign3A_121 = arith.extui %sign3A_120 : i1 to i32
      %sign3A_122 = arith.constant 0 : i32
      %sign3A_123 = arith.cmpi slt, %jit3A_110, %sign3A_122 : i32
      %sign3A_124 = arith.extui %sign3A_123 : i1 to i32
      %sign3A_125 = arith.subi %sign3A_121, %sign3A_124 : i32
      %ne3A_126 = arith.cmpi ne, %sign3A_118, %sign3A_125 : i32
      %rem3A_127 = arith.remsi %add3A_109, %jit3A_110 : i32
      %ne3A_128 = arith.constant 0 : i32
      %ne3A_129 = arith.cmpi ne, %rem3A_127, %ne3A_128 : i32
      %and3A_130 = arith.andi %ne3A_126, %ne3A_129 : i1
      %sub3A_131 = arith.constant 1 : i32
      %sub3A_132 = arith.subi %div3A_111, %sub3A_131 : i32
      %select_n3A_133 = arith.select %and3A_130, %sub3A_132, %div3A_111 : i32
      %broadcast_in_dim3A_134 = arith.constant 0xFF800000 : f32
      %broadcast_in_dim3A_135 = vector.broadcast %broadcast_in_dim3A_134 : f32 to vector<8x128xf32>
      %broadcast_in_dim3A_136 = arith.constant 0.000000e+00 : f32
      %broadcast_in_dim3A_137 = vector.broadcast %broadcast_in_dim3A_136 : f32 to vector<8x128xf32>
      %while3A_138 = arith.subi %select_n3A_133, %select_n3A_107 : i32
      %while3A_139 = arith.addi %select_n3A_107, %while3A_138 : i32
      %while3A_140 = arith.constant 1 : i32
      %while3A_141 = arith.divsi %while3A_138, %while3A_140 : i32
      %while3A_142 = arith.muli %while3A_141, %while3A_140 : i32
      %while3A_143 = arith.addi %select_n3A_107, %while3A_142 : i32
      %while3A_144 = arith.constant 1 : i32
      %while3A_145:2 = scf.for %while3A_688 = %select_n3A_107 to %while3A_143 step %while3A_144 iter_args(%while3A_689 = %broadcast_in_dim3A_135, %while3A_690 = %broadcast_in_dim3A_137) -> (vector<8x128xf32>, vector<8x128xf32>)  : i32 {
        %mul3A_691 = arith.constant 8 : i32
        %mul3A_692 = arith.muli %while3A_688, %mul3A_691 : i32
        %multiple_of3A_693 = tpu.assume_multiple %mul3A_692, 8 : i32
        %get3A_694 = arith.index_cast %multiple_of3A_693 : i32 to index
        %get3A_695 = arith.constant 0 : index
        %get3A_696 = vector.load %arg0[%get3A_694, %get3A_695] : memref<10000x128xf32, #tpu.memory_space<vmem>>, vector<8x128xf32>
        %mul3A_697 = arith.constant 8 : i32
        %mul3A_698 = arith.muli %while3A_688, %mul3A_697 : i32
        %iota3A = tpu.iota {dimensions = array<i32: 0>} : vector<8x1xi32>
        %add3A_699 = vector.broadcast %mul3A_698 : i32 to vector<8x1xi32>
        %add3A_700 = arith.addi %add3A_699, %iota3A : vector<8x1xi32>
        %ge3A = vector.broadcast %get3A_79 : i32 to vector<8x1xi32>
        %ge3A_701 = arith.cmpi sge, %add3A_700, %ge3A : vector<8x1xi32>
        %lt3A = vector.broadcast %get3A_83 : i32 to vector<8x1xi32>
        %lt3A_702 = arith.cmpi slt, %add3A_700, %lt3A : vector<8x1xi32>
        %and3A_703 = arith.andi %ge3A_701, %lt3A_702 : vector<8x1xi1>
        %jit3A_704 = arith.constant 0xFF800000 : f32
        %broadcast_in_dim3A_705 = vector.shape_cast %and3A_703 : vector<8x1xi1> to vector<8x1xi1>
        %broadcast_in_dim3A_706 = vector.broadcast %broadcast_in_dim3A_705 : vector<8x1xi1> to vector<8x128xi1>
        %broadcast_in_dim3A_707 = vector.broadcast %jit3A_704 : f32 to vector<8x128xf32>
        %select_n3A_708 = arith.select %broadcast_in_dim3A_706, %get3A_696, %broadcast_in_dim3A_707 : vector<8x128xi1>, vector<8x128xf32>
        %max3A_709 = arith.maximumf %while3A_689, %select_n3A_708 : vector<8x128xf32>
        %jit3A_710 = arith.constant 0.000000e+00 : f32
        %broadcast_in_dim3A_711 = vector.shape_cast %and3A_703 : vector<8x1xi1> to vector<8x1xi1>
        %broadcast_in_dim3A_712 = vector.broadcast %broadcast_in_dim3A_711 : vector<8x1xi1> to vector<8x128xi1>
        %broadcast_in_dim3A_713 = vector.broadcast %jit3A_710 : f32 to vector<8x128xf32>
        %select_n3A_714 = arith.select %broadcast_in_dim3A_712, %get3A_696, %broadcast_in_dim3A_713 : vector<8x128xi1>, vector<8x128xf32>
        %add3A_715 = arith.addf %while3A_690, %select_n3A_714 : vector<8x128xf32>
        scf.yield %max3A_709, %add3A_715 : vector<8x128xf32>, vector<8x128xf32>
      }
      %while3A_146 = arith.constant 1 : i32
      %while3A_147:2 = scf.for %while3A_688 = %while3A_143 to %while3A_139 step %while3A_146 iter_args(%while3A_689 = %while3A_145#0, %while3A_690 = %while3A_145#1) -> (vector<8x128xf32>, vector<8x128xf32>)  : i32 {
        %mul3A_691 = arith.constant 8 : i32
        %mul3A_692 = arith.muli %while3A_688, %mul3A_691 : i32
        %multiple_of3A_693 = tpu.assume_multiple %mul3A_692, 8 : i32
        %get3A_694 = arith.index_cast %multiple_of3A_693 : i32 to index
        %get3A_695 = arith.constant 0 : index
        %get3A_696 = vector.load %arg0[%get3A_694, %get3A_695] : memref<10000x128xf32, #tpu.memory_space<vmem>>, vector<8x128xf32>
        %mul3A_697 = arith.constant 8 : i32
        %mul3A_698 = arith.muli %while3A_688, %mul3A_697 : i32
        %iota3A = tpu.iota {dimensions = array<i32: 0>} : vector<8x1xi32>
        %add3A_699 = vector.broadcast %mul3A_698 : i32 to vector<8x1xi32>
        %add3A_700 = arith.addi %add3A_699, %iota3A : vector<8x1xi32>
        %ge3A = vector.broadcast %get3A_79 : i32 to vector<8x1xi32>
        %ge3A_701 = arith.cmpi sge, %add3A_700, %ge3A : vector<8x1xi32>
        %lt3A = vector.broadcast %get3A_83 : i32 to vector<8x1xi32>
        %lt3A_702 = arith.cmpi slt, %add3A_700, %lt3A : vector<8x1xi32>
        %and3A_703 = arith.andi %ge3A_701, %lt3A_702 : vector<8x1xi1>
        %jit3A_704 = arith.constant 0xFF800000 : f32
        %broadcast_in_dim3A_705 = vector.shape_cast %and3A_703 : vector<8x1xi1> to vector<8x1xi1>
        %broadcast_in_dim3A_706 = vector.broadcast %broadcast_in_dim3A_705 : vector<8x1xi1> to vector<8x128xi1>
        %broadcast_in_dim3A_707 = vector.broadcast %jit3A_704 : f32 to vector<8x128xf32>
        %select_n3A_708 = arith.select %broadcast_in_dim3A_706, %get3A_696, %broadcast_in_dim3A_707 : vector<8x128xi1>, vector<8x128xf32>
        %max3A_709 = arith.maximumf %while3A_689, %select_n3A_708 : vector<8x128xf32>
        %jit3A_710 = arith.constant 0.000000e+00 : f32
        %broadcast_in_dim3A_711 = vector.shape_cast %and3A_703 : vector<8x1xi1> to vector<8x1xi1>
        %broadcast_in_dim3A_712 = vector.broadcast %broadcast_in_dim3A_711 : vector<8x1xi1> to vector<8x128xi1>
        %broadcast_in_dim3A_713 = vector.broadcast %jit3A_710 : f32 to vector<8x128xf32>
        %select_n3A_714 = arith.select %broadcast_in_dim3A_712, %get3A_696, %broadcast_in_dim3A_713 : vector<8x128xi1>, vector<8x128xf32>
        %add3A_715 = arith.addf %while3A_690, %select_n3A_714 : vector<8x128xf32>
        scf.yield %max3A_709, %add3A_715 : vector<8x128xf32>, vector<8x128xf32>
      }
      %reduce_max3A_148 = arith.constant dense<0xFF800000> : vector<128xf32>
      %reduce_max3A_149 = vector.multi_reduction <maximumf>, %while3A_147#0, %reduce_max3A_148 [0] : vector<8x128xf32> to vector<128xf32>
      %broadcast_in_dim3A_150 = vector.shape_cast %reduce_max3A_149 : vector<128xf32> to vector<1x128xf32>
      %reduce_sum3A_151 = arith.constant dense<0.000000e+00> : vector<128xf32>
      %reduce_sum3A_152 = vector.multi_reduction <add>, %while3A_147#1, %reduce_sum3A_151 [0] : vector<8x128xf32> to vector<128xf32>
      %broadcast_in_dim3A_153 = vector.shape_cast %reduce_sum3A_152 : vector<128xf32> to vector<1x128xf32>
      %sub3A_154 = arith.subi %get3A_83, %get3A_79 : i32
      %convert_element_type3A_155 = arith.sitofp %sub3A_154 : i32 to f32
      %max3A_156 = arith.constant 1.000000e+00 : f32
      %max3A_157 = arith.maximumf %convert_element_type3A_155, %max3A_156 : f32
      %div3A_158 = vector.broadcast %max3A_157 : f32 to vector<1x128xf32>
      %div3A_159 = arith.divf %broadcast_in_dim3A_153, %div3A_158 : vector<1x128xf32>
      %concatenate3A_160 = tpu.concatenate %broadcast_in_dim3A_150, %div3A_159 in 1 : vector<1x128xf32>, vector<1x128xf32> -> vector<1x256xf32>
      %mul3A_161 = arith.constant 8 : i32
      %mul3A_162 = arith.muli %scan3A_4, %mul3A_161 : i32
      %add3A_163 = arith.constant 2 : i32
      %add3A_164 = arith.addi %mul3A_162, %add3A_163 : i32
      %get3A_165 = arith.index_cast %add3A_164 : i32 to index
      %get3A_166 = memref.load %arg1[%get3A_165] : memref<129xi32, #tpu.memory_space<smem>>
      %add3A_167 = arith.constant 1 : i32
      %add3A_168 = arith.addi %add3A_164, %add3A_167 : i32
      %get3A_169 = arith.index_cast %add3A_168 : i32 to index
      %get3A_170 = memref.load %arg1[%get3A_169] : memref<129xi32, #tpu.memory_space<smem>>
      %jit3A_171 = arith.constant 8 : i32
      %div3A_172 = arith.divsi %get3A_166, %jit3A_171 : i32
      %sign3A_173 = arith.constant 0 : i32
      %sign3A_174 = arith.cmpi sgt, %get3A_166, %sign3A_173 : i32
      %sign3A_175 = arith.extui %sign3A_174 : i1 to i32
      %sign3A_176 = arith.constant 0 : i32
      %sign3A_177 = arith.cmpi slt, %get3A_166, %sign3A_176 : i32
      %sign3A_178 = arith.extui %sign3A_177 : i1 to i32
      %sign3A_179 = arith.subi %sign3A_175, %sign3A_178 : i32
      %sign3A_180 = arith.constant 0 : i32
      %sign3A_181 = arith.cmpi sgt, %jit3A_171, %sign3A_180 : i32
      %sign3A_182 = arith.extui %sign3A_181 : i1 to i32
      %sign3A_183 = arith.constant 0 : i32
      %sign3A_184 = arith.cmpi slt, %jit3A_171, %sign3A_183 : i32
      %sign3A_185 = arith.extui %sign3A_184 : i1 to i32
      %sign3A_186 = arith.subi %sign3A_182, %sign3A_185 : i32
      %ne3A_187 = arith.cmpi ne, %sign3A_179, %sign3A_186 : i32
      %rem3A_188 = arith.remsi %get3A_166, %jit3A_171 : i32
      %ne3A_189 = arith.constant 0 : i32
      %ne3A_190 = arith.cmpi ne, %rem3A_188, %ne3A_189 : i32
      %and3A_191 = arith.andi %ne3A_187, %ne3A_190 : i1
      %sub3A_192 = arith.constant 1 : i32
      %sub3A_193 = arith.subi %div3A_172, %sub3A_192 : i32
      %select_n3A_194 = arith.select %and3A_191, %sub3A_193, %div3A_172 : i32
      %add3A_195 = arith.constant 7 : i32
      %add3A_196 = arith.addi %get3A_170, %add3A_195 : i32
      %jit3A_197 = arith.constant 8 : i32
      %div3A_198 = arith.divsi %add3A_196, %jit3A_197 : i32
      %sign3A_199 = arith.constant 0 : i32
      %sign3A_200 = arith.cmpi sgt, %add3A_196, %sign3A_199 : i32
      %sign3A_201 = arith.extui %sign3A_200 : i1 to i32
      %sign3A_202 = arith.constant 0 : i32
      %sign3A_203 = arith.cmpi slt, %add3A_196, %sign3A_202 : i32
      %sign3A_204 = arith.extui %sign3A_203 : i1 to i32
      %sign3A_205 = arith.subi %sign3A_201, %sign3A_204 : i32
      %sign3A_206 = arith.constant 0 : i32
      %sign3A_207 = arith.cmpi sgt, %jit3A_197, %sign3A_206 : i32
      %sign3A_208 = arith.extui %sign3A_207 : i1 to i32
      %sign3A_209 = arith.constant 0 : i32
      %sign3A_210 = arith.cmpi slt, %jit3A_197, %sign3A_209 : i32
      %sign3A_211 = arith.extui %sign3A_210 : i1 to i32
      %sign3A_212 = arith.subi %sign3A_208, %sign3A_211 : i32
      %ne3A_213 = arith.cmpi ne, %sign3A_205, %sign3A_212 : i32
      %rem3A_214 = arith.remsi %add3A_196, %jit3A_197 : i32
      %ne3A_215 = arith.constant 0 : i32
      %ne3A_216 = arith.cmpi ne, %rem3A_214, %ne3A_215 : i32
      %and3A_217 = arith.andi %ne3A_213, %ne3A_216 : i1
      %sub3A_218 = arith.constant 1 : i32
      %sub3A_219 = arith.subi %div3A_198, %sub3A_218 : i32
      %select_n3A_220 = arith.select %and3A_217, %sub3A_219, %div3A_198 : i32
      %broadcast_in_dim3A_221 = arith.constant 0xFF800000 : f32
      %broadcast_in_dim3A_222 = vector.broadcast %broadcast_in_dim3A_221 : f32 to vector<8x128xf32>
      %broadcast_in_dim3A_223 = arith.constant 0.000000e+00 : f32
      %broadcast_in_dim3A_224 = vector.broadcast %broadcast_in_dim3A_223 : f32 to vector<8x128xf32>
      %while3A_225 = arith.subi %select_n3A_220, %select_n3A_194 : i32
      %while3A_226 = arith.addi %select_n3A_194, %while3A_225 : i32
      %while3A_227 = arith.constant 1 : i32
      %while3A_228 = arith.divsi %while3A_225, %while3A_227 : i32
      %while3A_229 = arith.muli %while3A_228, %while3A_227 : i32
      %while3A_230 = arith.addi %select_n3A_194, %while3A_229 : i32
      %while3A_231 = arith.constant 1 : i32
      %while3A_232:2 = scf.for %while3A_688 = %select_n3A_194 to %while3A_230 step %while3A_231 iter_args(%while3A_689 = %broadcast_in_dim3A_222, %while3A_690 = %broadcast_in_dim3A_224) -> (vector<8x128xf32>, vector<8x128xf32>)  : i32 {
        %mul3A_691 = arith.constant 8 : i32
        %mul3A_692 = arith.muli %while3A_688, %mul3A_691 : i32
        %multiple_of3A_693 = tpu.assume_multiple %mul3A_692, 8 : i32
        %get3A_694 = arith.index_cast %multiple_of3A_693 : i32 to index
        %get3A_695 = arith.constant 0 : index
        %get3A_696 = vector.load %arg0[%get3A_694, %get3A_695] : memref<10000x128xf32, #tpu.memory_space<vmem>>, vector<8x128xf32>
        %mul3A_697 = arith.constant 8 : i32
        %mul3A_698 = arith.muli %while3A_688, %mul3A_697 : i32
        %iota3A = tpu.iota {dimensions = array<i32: 0>} : vector<8x1xi32>
        %add3A_699 = vector.broadcast %mul3A_698 : i32 to vector<8x1xi32>
        %add3A_700 = arith.addi %add3A_699, %iota3A : vector<8x1xi32>
        %ge3A = vector.broadcast %get3A_166 : i32 to vector<8x1xi32>
        %ge3A_701 = arith.cmpi sge, %add3A_700, %ge3A : vector<8x1xi32>
        %lt3A = vector.broadcast %get3A_170 : i32 to vector<8x1xi32>
        %lt3A_702 = arith.cmpi slt, %add3A_700, %lt3A : vector<8x1xi32>
        %and3A_703 = arith.andi %ge3A_701, %lt3A_702 : vector<8x1xi1>
        %jit3A_704 = arith.constant 0xFF800000 : f32
        %broadcast_in_dim3A_705 = vector.shape_cast %and3A_703 : vector<8x1xi1> to vector<8x1xi1>
        %broadcast_in_dim3A_706 = vector.broadcast %broadcast_in_dim3A_705 : vector<8x1xi1> to vector<8x128xi1>
        %broadcast_in_dim3A_707 = vector.broadcast %jit3A_704 : f32 to vector<8x128xf32>
        %select_n3A_708 = arith.select %broadcast_in_dim3A_706, %get3A_696, %broadcast_in_dim3A_707 : vector<8x128xi1>, vector<8x128xf32>
        %max3A_709 = arith.maximumf %while3A_689, %select_n3A_708 : vector<8x128xf32>
        %jit3A_710 = arith.constant 0.000000e+00 : f32
        %broadcast_in_dim3A_711 = vector.shape_cast %and3A_703 : vector<8x1xi1> to vector<8x1xi1>
        %broadcast_in_dim3A_712 = vector.broadcast %broadcast_in_dim3A_711 : vector<8x1xi1> to vector<8x128xi1>
        %broadcast_in_dim3A_713 = vector.broadcast %jit3A_710 : f32 to vector<8x128xf32>
        %select_n3A_714 = arith.select %broadcast_in_dim3A_712, %get3A_696, %broadcast_in_dim3A_713 : vector<8x128xi1>, vector<8x128xf32>
        %add3A_715 = arith.addf %while3A_690, %select_n3A_714 : vector<8x128xf32>
        scf.yield %max3A_709, %add3A_715 : vector<8x128xf32>, vector<8x128xf32>
      }
      %while3A_233 = arith.constant 1 : i32
      %while3A_234:2 = scf.for %while3A_688 = %while3A_230 to %while3A_226 step %while3A_233 iter_args(%while3A_689 = %while3A_232#0, %while3A_690 = %while3A_232#1) -> (vector<8x128xf32>, vector<8x128xf32>)  : i32 {
        %mul3A_691 = arith.constant 8 : i32
        %mul3A_692 = arith.muli %while3A_688, %mul3A_691 : i32
        %multiple_of3A_693 = tpu.assume_multiple %mul3A_692, 8 : i32
        %get3A_694 = arith.index_cast %multiple_of3A_693 : i32 to index
        %get3A_695 = arith.constant 0 : index
        %get3A_696 = vector.load %arg0[%get3A_694, %get3A_695] : memref<10000x128xf32, #tpu.memory_space<vmem>>, vector<8x128xf32>
        %mul3A_697 = arith.constant 8 : i32
        %mul3A_698 = arith.muli %while3A_688, %mul3A_697 : i32
        %iota3A = tpu.iota {dimensions = array<i32: 0>} : vector<8x1xi32>
        %add3A_699 = vector.broadcast %mul3A_698 : i32 to vector<8x1xi32>
        %add3A_700 = arith.addi %add3A_699, %iota3A : vector<8x1xi32>
        %ge3A = vector.broadcast %get3A_166 : i32 to vector<8x1xi32>
        %ge3A_701 = arith.cmpi sge, %add3A_700, %ge3A : vector<8x1xi32>
        %lt3A = vector.broadcast %get3A_170 : i32 to vector<8x1xi32>
        %lt3A_702 = arith.cmpi slt, %add3A_700, %lt3A : vector<8x1xi32>
        %and3A_703 = arith.andi %ge3A_701, %lt3A_702 : vector<8x1xi1>
        %jit3A_704 = arith.constant 0xFF800000 : f32
        %broadcast_in_dim3A_705 = vector.shape_cast %and3A_703 : vector<8x1xi1> to vector<8x1xi1>
        %broadcast_in_dim3A_706 = vector.broadcast %broadcast_in_dim3A_705 : vector<8x1xi1> to vector<8x128xi1>
        %broadcast_in_dim3A_707 = vector.broadcast %jit3A_704 : f32 to vector<8x128xf32>
        %select_n3A_708 = arith.select %broadcast_in_dim3A_706, %get3A_696, %broadcast_in_dim3A_707 : vector<8x128xi1>, vector<8x128xf32>
        %max3A_709 = arith.maximumf %while3A_689, %select_n3A_708 : vector<8x128xf32>
        %jit3A_710 = arith.constant 0.000000e+00 : f32
        %broadcast_in_dim3A_711 = vector.shape_cast %and3A_703 : vector<8x1xi1> to vector<8x1xi1>
        %broadcast_in_dim3A_712 = vector.broadcast %broadcast_in_dim3A_711 : vector<8x1xi1> to vector<8x128xi1>
        %broadcast_in_dim3A_713 = vector.broadcast %jit3A_710 : f32 to vector<8x128xf32>
        %select_n3A_714 = arith.select %broadcast_in_dim3A_712, %get3A_696, %broadcast_in_dim3A_713 : vector<8x128xi1>, vector<8x128xf32>
        %add3A_715 = arith.addf %while3A_690, %select_n3A_714 : vector<8x128xf32>
        scf.yield %max3A_709, %add3A_715 : vector<8x128xf32>, vector<8x128xf32>
      }
      %reduce_max3A_235 = arith.constant dense<0xFF800000> : vector<128xf32>
      %reduce_max3A_236 = vector.multi_reduction <maximumf>, %while3A_234#0, %reduce_max3A_235 [0] : vector<8x128xf32> to vector<128xf32>
      %broadcast_in_dim3A_237 = vector.shape_cast %reduce_max3A_236 : vector<128xf32> to vector<1x128xf32>
      %reduce_sum3A_238 = arith.constant dense<0.000000e+00> : vector<128xf32>
      %reduce_sum3A_239 = vector.multi_reduction <add>, %while3A_234#1, %reduce_sum3A_238 [0] : vector<8x128xf32> to vector<128xf32>
      %broadcast_in_dim3A_240 = vector.shape_cast %reduce_sum3A_239 : vector<128xf32> to vector<1x128xf32>
      %sub3A_241 = arith.subi %get3A_170, %get3A_166 : i32
      %convert_element_type3A_242 = arith.sitofp %sub3A_241 : i32 to f32
      %max3A_243 = arith.constant 1.000000e+00 : f32
      %max3A_244 = arith.maximumf %convert_element_type3A_242, %max3A_243 : f32
      %div3A_245 = vector.broadcast %max3A_244 : f32 to vector<1x128xf32>
      %div3A_246 = arith.divf %broadcast_in_dim3A_240, %div3A_245 : vector<1x128xf32>
      %concatenate3A_247 = tpu.concatenate %broadcast_in_dim3A_237, %div3A_246 in 1 : vector<1x128xf32>, vector<1x128xf32> -> vector<1x256xf32>
      %mul3A_248 = arith.constant 8 : i32
      %mul3A_249 = arith.muli %scan3A_4, %mul3A_248 : i32
      %add3A_250 = arith.constant 3 : i32
      %add3A_251 = arith.addi %mul3A_249, %add3A_250 : i32
      %get3A_252 = arith.index_cast %add3A_251 : i32 to index
      %get3A_253 = memref.load %arg1[%get3A_252] : memref<129xi32, #tpu.memory_space<smem>>
      %add3A_254 = arith.constant 1 : i32
      %add3A_255 = arith.addi %add3A_251, %add3A_254 : i32
      %get3A_256 = arith.index_cast %add3A_255 : i32 to index
      %get3A_257 = memref.load %arg1[%get3A_256] : memref<129xi32, #tpu.memory_space<smem>>
      %jit3A_258 = arith.constant 8 : i32
      %div3A_259 = arith.divsi %get3A_253, %jit3A_258 : i32
      %sign3A_260 = arith.constant 0 : i32
      %sign3A_261 = arith.cmpi sgt, %get3A_253, %sign3A_260 : i32
      %sign3A_262 = arith.extui %sign3A_261 : i1 to i32
      %sign3A_263 = arith.constant 0 : i32
      %sign3A_264 = arith.cmpi slt, %get3A_253, %sign3A_263 : i32
      %sign3A_265 = arith.extui %sign3A_264 : i1 to i32
      %sign3A_266 = arith.subi %sign3A_262, %sign3A_265 : i32
      %sign3A_267 = arith.constant 0 : i32
      %sign3A_268 = arith.cmpi sgt, %jit3A_258, %sign3A_267 : i32
      %sign3A_269 = arith.extui %sign3A_268 : i1 to i32
      %sign3A_270 = arith.constant 0 : i32
      %sign3A_271 = arith.cmpi slt, %jit3A_258, %sign3A_270 : i32
      %sign3A_272 = arith.extui %sign3A_271 : i1 to i32
      %sign3A_273 = arith.subi %sign3A_269, %sign3A_272 : i32
      %ne3A_274 = arith.cmpi ne, %sign3A_266, %sign3A_273 : i32
      %rem3A_275 = arith.remsi %get3A_253, %jit3A_258 : i32
      %ne3A_276 = arith.constant 0 : i32
      %ne3A_277 = arith.cmpi ne, %rem3A_275, %ne3A_276 : i32
      %and3A_278 = arith.andi %ne3A_274, %ne3A_277 : i1
      %sub3A_279 = arith.constant 1 : i32
      %sub3A_280 = arith.subi %div3A_259, %sub3A_279 : i32
      %select_n3A_281 = arith.select %and3A_278, %sub3A_280, %div3A_259 : i32
      %add3A_282 = arith.constant 7 : i32
      %add3A_283 = arith.addi %get3A_257, %add3A_282 : i32
      %jit3A_284 = arith.constant 8 : i32
      %div3A_285 = arith.divsi %add3A_283, %jit3A_284 : i32
      %sign3A_286 = arith.constant 0 : i32
      %sign3A_287 = arith.cmpi sgt, %add3A_283, %sign3A_286 : i32
      %sign3A_288 = arith.extui %sign3A_287 : i1 to i32
      %sign3A_289 = arith.constant 0 : i32
      %sign3A_290 = arith.cmpi slt, %add3A_283, %sign3A_289 : i32
      %sign3A_291 = arith.extui %sign3A_290 : i1 to i32
      %sign3A_292 = arith.subi %sign3A_288, %sign3A_291 : i32
      %sign3A_293 = arith.constant 0 : i32
      %sign3A_294 = arith.cmpi sgt, %jit3A_284, %sign3A_293 : i32
      %sign3A_295 = arith.extui %sign3A_294 : i1 to i32
      %sign3A_296 = arith.constant 0 : i32
      %sign3A_297 = arith.cmpi slt, %jit3A_284, %sign3A_296 : i32
      %sign3A_298 = arith.extui %sign3A_297 : i1 to i32
      %sign3A_299 = arith.subi %sign3A_295, %sign3A_298 : i32
      %ne3A_300 = arith.cmpi ne, %sign3A_292, %sign3A_299 : i32
      %rem3A_301 = arith.remsi %add3A_283, %jit3A_284 : i32
      %ne3A_302 = arith.constant 0 : i32
      %ne3A_303 = arith.cmpi ne, %rem3A_301, %ne3A_302 : i32
      %and3A_304 = arith.andi %ne3A_300, %ne3A_303 : i1
      %sub3A_305 = arith.constant 1 : i32
      %sub3A_306 = arith.subi %div3A_285, %sub3A_305 : i32
      %select_n3A_307 = arith.select %and3A_304, %sub3A_306, %div3A_285 : i32
      %broadcast_in_dim3A_308 = arith.constant 0xFF800000 : f32
      %broadcast_in_dim3A_309 = vector.broadcast %broadcast_in_dim3A_308 : f32 to vector<8x128xf32>
      %broadcast_in_dim3A_310 = arith.constant 0.000000e+00 : f32
      %broadcast_in_dim3A_311 = vector.broadcast %broadcast_in_dim3A_310 : f32 to vector<8x128xf32>
      %while3A_312 = arith.subi %select_n3A_307, %select_n3A_281 : i32
      %while3A_313 = arith.addi %select_n3A_281, %while3A_312 : i32
      %while3A_314 = arith.constant 1 : i32
      %while3A_315 = arith.divsi %while3A_312, %while3A_314 : i32
      %while3A_316 = arith.muli %while3A_315, %while3A_314 : i32
      %while3A_317 = arith.addi %select_n3A_281, %while3A_316 : i32
      %while3A_318 = arith.constant 1 : i32
      %while3A_319:2 = scf.for %while3A_688 = %select_n3A_281 to %while3A_317 step %while3A_318 iter_args(%while3A_689 = %broadcast_in_dim3A_309, %while3A_690 = %broadcast_in_dim3A_311) -> (vector<8x128xf32>, vector<8x128xf32>)  : i32 {
        %mul3A_691 = arith.constant 8 : i32
        %mul3A_692 = arith.muli %while3A_688, %mul3A_691 : i32
        %multiple_of3A_693 = tpu.assume_multiple %mul3A_692, 8 : i32
        %get3A_694 = arith.index_cast %multiple_of3A_693 : i32 to index
        %get3A_695 = arith.constant 0 : index
        %get3A_696 = vector.load %arg0[%get3A_694, %get3A_695] : memref<10000x128xf32, #tpu.memory_space<vmem>>, vector<8x128xf32>
        %mul3A_697 = arith.constant 8 : i32
        %mul3A_698 = arith.muli %while3A_688, %mul3A_697 : i32
        %iota3A = tpu.iota {dimensions = array<i32: 0>} : vector<8x1xi32>
        %add3A_699 = vector.broadcast %mul3A_698 : i32 to vector<8x1xi32>
        %add3A_700 = arith.addi %add3A_699, %iota3A : vector<8x1xi32>
        %ge3A = vector.broadcast %get3A_253 : i32 to vector<8x1xi32>
        %ge3A_701 = arith.cmpi sge, %add3A_700, %ge3A : vector<8x1xi32>
        %lt3A = vector.broadcast %get3A_257 : i32 to vector<8x1xi32>
        %lt3A_702 = arith.cmpi slt, %add3A_700, %lt3A : vector<8x1xi32>
        %and3A_703 = arith.andi %ge3A_701, %lt3A_702 : vector<8x1xi1>
        %jit3A_704 = arith.constant 0xFF800000 : f32
        %broadcast_in_dim3A_705 = vector.shape_cast %and3A_703 : vector<8x1xi1> to vector<8x1xi1>
        %broadcast_in_dim3A_706 = vector.broadcast %broadcast_in_dim3A_705 : vector<8x1xi1> to vector<8x128xi1>
        %broadcast_in_dim3A_707 = vector.broadcast %jit3A_704 : f32 to vector<8x128xf32>
        %select_n3A_708 = arith.select %broadcast_in_dim3A_706, %get3A_696, %broadcast_in_dim3A_707 : vector<8x128xi1>, vector<8x128xf32>
        %max3A_709 = arith.maximumf %while3A_689, %select_n3A_708 : vector<8x128xf32>
        %jit3A_710 = arith.constant 0.000000e+00 : f32
        %broadcast_in_dim3A_711 = vector.shape_cast %and3A_703 : vector<8x1xi1> to vector<8x1xi1>
        %broadcast_in_dim3A_712 = vector.broadcast %broadcast_in_dim3A_711 : vector<8x1xi1> to vector<8x128xi1>
        %broadcast_in_dim3A_713 = vector.broadcast %jit3A_710 : f32 to vector<8x128xf32>
        %select_n3A_714 = arith.select %broadcast_in_dim3A_712, %get3A_696, %broadcast_in_dim3A_713 : vector<8x128xi1>, vector<8x128xf32>
        %add3A_715 = arith.addf %while3A_690, %select_n3A_714 : vector<8x128xf32>
        scf.yield %max3A_709, %add3A_715 : vector<8x128xf32>, vector<8x128xf32>
      }
      %while3A_320 = arith.constant 1 : i32
      %while3A_321:2 = scf.for %while3A_688 = %while3A_317 to %while3A_313 step %while3A_320 iter_args(%while3A_689 = %while3A_319#0, %while3A_690 = %while3A_319#1) -> (vector<8x128xf32>, vector<8x128xf32>)  : i32 {
        %mul3A_691 = arith.constant 8 : i32
        %mul3A_692 = arith.muli %while3A_688, %mul3A_691 : i32
        %multiple_of3A_693 = tpu.assume_multiple %mul3A_692, 8 : i32
        %get3A_694 = arith.index_cast %multiple_of3A_693 : i32 to index
        %get3A_695 = arith.constant 0 : index
        %get3A_696 = vector.load %arg0[%get3A_694, %get3A_695] : memref<10000x128xf32, #tpu.memory_space<vmem>>, vector<8x128xf32>
        %mul3A_697 = arith.constant 8 : i32
        %mul3A_698 = arith.muli %while3A_688, %mul3A_697 : i32
        %iota3A = tpu.iota {dimensions = array<i32: 0>} : vector<8x1xi32>
        %add3A_699 = vector.broadcast %mul3A_698 : i32 to vector<8x1xi32>
        %add3A_700 = arith.addi %add3A_699, %iota3A : vector<8x1xi32>
        %ge3A = vector.broadcast %get3A_253 : i32 to vector<8x1xi32>
        %ge3A_701 = arith.cmpi sge, %add3A_700, %ge3A : vector<8x1xi32>
        %lt3A = vector.broadcast %get3A_257 : i32 to vector<8x1xi32>
        %lt3A_702 = arith.cmpi slt, %add3A_700, %lt3A : vector<8x1xi32>
        %and3A_703 = arith.andi %ge3A_701, %lt3A_702 : vector<8x1xi1>
        %jit3A_704 = arith.constant 0xFF800000 : f32
        %broadcast_in_dim3A_705 = vector.shape_cast %and3A_703 : vector<8x1xi1> to vector<8x1xi1>
        %broadcast_in_dim3A_706 = vector.broadcast %broadcast_in_dim3A_705 : vector<8x1xi1> to vector<8x128xi1>
        %broadcast_in_dim3A_707 = vector.broadcast %jit3A_704 : f32 to vector<8x128xf32>
        %select_n3A_708 = arith.select %broadcast_in_dim3A_706, %get3A_696, %broadcast_in_dim3A_707 : vector<8x128xi1>, vector<8x128xf32>
        %max3A_709 = arith.maximumf %while3A_689, %select_n3A_708 : vector<8x128xf32>
        %jit3A_710 = arith.constant 0.000000e+00 : f32
        %broadcast_in_dim3A_711 = vector.shape_cast %and3A_703 : vector<8x1xi1> to vector<8x1xi1>
        %broadcast_in_dim3A_712 = vector.broadcast %broadcast_in_dim3A_711 : vector<8x1xi1> to vector<8x128xi1>
        %broadcast_in_dim3A_713 = vector.broadcast %jit3A_710 : f32 to vector<8x128xf32>
        %select_n3A_714 = arith.select %broadcast_in_dim3A_712, %get3A_696, %broadcast_in_dim3A_713 : vector<8x128xi1>, vector<8x128xf32>
        %add3A_715 = arith.addf %while3A_690, %select_n3A_714 : vector<8x128xf32>
        scf.yield %max3A_709, %add3A_715 : vector<8x128xf32>, vector<8x128xf32>
      }
      %reduce_max3A_322 = arith.constant dense<0xFF800000> : vector<128xf32>
      %reduce_max3A_323 = vector.multi_reduction <maximumf>, %while3A_321#0, %reduce_max3A_322 [0] : vector<8x128xf32> to vector<128xf32>
      %broadcast_in_dim3A_324 = vector.shape_cast %reduce_max3A_323 : vector<128xf32> to vector<1x128xf32>
      %reduce_sum3A_325 = arith.constant dense<0.000000e+00> : vector<128xf32>
      %reduce_sum3A_326 = vector.multi_reduction <add>, %while3A_321#1, %reduce_sum3A_325 [0] : vector<8x128xf32> to vector<128xf32>
      %broadcast_in_dim3A_327 = vector.shape_cast %reduce_sum3A_326 : vector<128xf32> to vector<1x128xf32>
      %sub3A_328 = arith.subi %get3A_257, %get3A_253 : i32
      %convert_element_type3A_329 = arith.sitofp %sub3A_328 : i32 to f32
      %max3A_330 = arith.constant 1.000000e+00 : f32
      %max3A_331 = arith.maximumf %convert_element_type3A_329, %max3A_330 : f32
      %div3A_332 = vector.broadcast %max3A_331 : f32 to vector<1x128xf32>
      %div3A_333 = arith.divf %broadcast_in_dim3A_327, %div3A_332 : vector<1x128xf32>
      %concatenate3A_334 = tpu.concatenate %broadcast_in_dim3A_324, %div3A_333 in 1 : vector<1x128xf32>, vector<1x128xf32> -> vector<1x256xf32>
      %mul3A_335 = arith.constant 8 : i32
      %mul3A_336 = arith.muli %scan3A_4, %mul3A_335 : i32
      %add3A_337 = arith.constant 4 : i32
      %add3A_338 = arith.addi %mul3A_336, %add3A_337 : i32
      %get3A_339 = arith.index_cast %add3A_338 : i32 to index
      %get3A_340 = memref.load %arg1[%get3A_339] : memref<129xi32, #tpu.memory_space<smem>>
      %add3A_341 = arith.constant 1 : i32
      %add3A_342 = arith.addi %add3A_338, %add3A_341 : i32
      %get3A_343 = arith.index_cast %add3A_342 : i32 to index
      %get3A_344 = memref.load %arg1[%get3A_343] : memref<129xi32, #tpu.memory_space<smem>>
      %jit3A_345 = arith.constant 8 : i32
      %div3A_346 = arith.divsi %get3A_340, %jit3A_345 : i32
      %sign3A_347 = arith.constant 0 : i32
      %sign3A_348 = arith.cmpi sgt, %get3A_340, %sign3A_347 : i32
      %sign3A_349 = arith.extui %sign3A_348 : i1 to i32
      %sign3A_350 = arith.constant 0 : i32
      %sign3A_351 = arith.cmpi slt, %get3A_340, %sign3A_350 : i32
      %sign3A_352 = arith.extui %sign3A_351 : i1 to i32
      %sign3A_353 = arith.subi %sign3A_349, %sign3A_352 : i32
      %sign3A_354 = arith.constant 0 : i32
      %sign3A_355 = arith.cmpi sgt, %jit3A_345, %sign3A_354 : i32
      %sign3A_356 = arith.extui %sign3A_355 : i1 to i32
      %sign3A_357 = arith.constant 0 : i32
      %sign3A_358 = arith.cmpi slt, %jit3A_345, %sign3A_357 : i32
      %sign3A_359 = arith.extui %sign3A_358 : i1 to i32
      %sign3A_360 = arith.subi %sign3A_356, %sign3A_359 : i32
      %ne3A_361 = arith.cmpi ne, %sign3A_353, %sign3A_360 : i32
      %rem3A_362 = arith.remsi %get3A_340, %jit3A_345 : i32
      %ne3A_363 = arith.constant 0 : i32
      %ne3A_364 = arith.cmpi ne, %rem3A_362, %ne3A_363 : i32
      %and3A_365 = arith.andi %ne3A_361, %ne3A_364 : i1
      %sub3A_366 = arith.constant 1 : i32
      %sub3A_367 = arith.subi %div3A_346, %sub3A_366 : i32
      %select_n3A_368 = arith.select %and3A_365, %sub3A_367, %div3A_346 : i32
      %add3A_369 = arith.constant 7 : i32
      %add3A_370 = arith.addi %get3A_344, %add3A_369 : i32
      %jit3A_371 = arith.constant 8 : i32
      %div3A_372 = arith.divsi %add3A_370, %jit3A_371 : i32
      %sign3A_373 = arith.constant 0 : i32
      %sign3A_374 = arith.cmpi sgt, %add3A_370, %sign3A_373 : i32
      %sign3A_375 = arith.extui %sign3A_374 : i1 to i32
      %sign3A_376 = arith.constant 0 : i32
      %sign3A_377 = arith.cmpi slt, %add3A_370, %sign3A_376 : i32
      %sign3A_378 = arith.extui %sign3A_377 : i1 to i32
      %sign3A_379 = arith.subi %sign3A_375, %sign3A_378 : i32
      %sign3A_380 = arith.constant 0 : i32
      %sign3A_381 = arith.cmpi sgt, %jit3A_371, %sign3A_380 : i32
      %sign3A_382 = arith.extui %sign3A_381 : i1 to i32
      %sign3A_383 = arith.constant 0 : i32
      %sign3A_384 = arith.cmpi slt, %jit3A_371, %sign3A_383 : i32
      %sign3A_385 = arith.extui %sign3A_384 : i1 to i32
      %sign3A_386 = arith.subi %sign3A_382, %sign3A_385 : i32
      %ne3A_387 = arith.cmpi ne, %sign3A_379, %sign3A_386 : i32
      %rem3A_388 = arith.remsi %add3A_370, %jit3A_371 : i32
      %ne3A_389 = arith.constant 0 : i32
      %ne3A_390 = arith.cmpi ne, %rem3A_388, %ne3A_389 : i32
      %and3A_391 = arith.andi %ne3A_387, %ne3A_390 : i1
      %sub3A_392 = arith.constant 1 : i32
      %sub3A_393 = arith.subi %div3A_372, %sub3A_392 : i32
      %select_n3A_394 = arith.select %and3A_391, %sub3A_393, %div3A_372 : i32
      %broadcast_in_dim3A_395 = arith.constant 0xFF800000 : f32
      %broadcast_in_dim3A_396 = vector.broadcast %broadcast_in_dim3A_395 : f32 to vector<8x128xf32>
      %broadcast_in_dim3A_397 = arith.constant 0.000000e+00 : f32
      %broadcast_in_dim3A_398 = vector.broadcast %broadcast_in_dim3A_397 : f32 to vector<8x128xf32>
      %while3A_399 = arith.subi %select_n3A_394, %select_n3A_368 : i32
      %while3A_400 = arith.addi %select_n3A_368, %while3A_399 : i32
      %while3A_401 = arith.constant 1 : i32
      %while3A_402 = arith.divsi %while3A_399, %while3A_401 : i32
      %while3A_403 = arith.muli %while3A_402, %while3A_401 : i32
      %while3A_404 = arith.addi %select_n3A_368, %while3A_403 : i32
      %while3A_405 = arith.constant 1 : i32
      %while3A_406:2 = scf.for %while3A_688 = %select_n3A_368 to %while3A_404 step %while3A_405 iter_args(%while3A_689 = %broadcast_in_dim3A_396, %while3A_690 = %broadcast_in_dim3A_398) -> (vector<8x128xf32>, vector<8x128xf32>)  : i32 {
        %mul3A_691 = arith.constant 8 : i32
        %mul3A_692 = arith.muli %while3A_688, %mul3A_691 : i32
        %multiple_of3A_693 = tpu.assume_multiple %mul3A_692, 8 : i32
        %get3A_694 = arith.index_cast %multiple_of3A_693 : i32 to index
        %get3A_695 = arith.constant 0 : index
        %get3A_696 = vector.load %arg0[%get3A_694, %get3A_695] : memref<10000x128xf32, #tpu.memory_space<vmem>>, vector<8x128xf32>
        %mul3A_697 = arith.constant 8 : i32
        %mul3A_698 = arith.muli %while3A_688, %mul3A_697 : i32
        %iota3A = tpu.iota {dimensions = array<i32: 0>} : vector<8x1xi32>
        %add3A_699 = vector.broadcast %mul3A_698 : i32 to vector<8x1xi32>
        %add3A_700 = arith.addi %add3A_699, %iota3A : vector<8x1xi32>
        %ge3A = vector.broadcast %get3A_340 : i32 to vector<8x1xi32>
        %ge3A_701 = arith.cmpi sge, %add3A_700, %ge3A : vector<8x1xi32>
        %lt3A = vector.broadcast %get3A_344 : i32 to vector<8x1xi32>
        %lt3A_702 = arith.cmpi slt, %add3A_700, %lt3A : vector<8x1xi32>
        %and3A_703 = arith.andi %ge3A_701, %lt3A_702 : vector<8x1xi1>
        %jit3A_704 = arith.constant 0xFF800000 : f32
        %broadcast_in_dim3A_705 = vector.shape_cast %and3A_703 : vector<8x1xi1> to vector<8x1xi1>
        %broadcast_in_dim3A_706 = vector.broadcast %broadcast_in_dim3A_705 : vector<8x1xi1> to vector<8x128xi1>
        %broadcast_in_dim3A_707 = vector.broadcast %jit3A_704 : f32 to vector<8x128xf32>
        %select_n3A_708 = arith.select %broadcast_in_dim3A_706, %get3A_696, %broadcast_in_dim3A_707 : vector<8x128xi1>, vector<8x128xf32>
        %max3A_709 = arith.maximumf %while3A_689, %select_n3A_708 : vector<8x128xf32>
        %jit3A_710 = arith.constant 0.000000e+00 : f32
        %broadcast_in_dim3A_711 = vector.shape_cast %and3A_703 : vector<8x1xi1> to vector<8x1xi1>
        %broadcast_in_dim3A_712 = vector.broadcast %broadcast_in_dim3A_711 : vector<8x1xi1> to vector<8x128xi1>
        %broadcast_in_dim3A_713 = vector.broadcast %jit3A_710 : f32 to vector<8x128xf32>
        %select_n3A_714 = arith.select %broadcast_in_dim3A_712, %get3A_696, %broadcast_in_dim3A_713 : vector<8x128xi1>, vector<8x128xf32>
        %add3A_715 = arith.addf %while3A_690, %select_n3A_714 : vector<8x128xf32>
        scf.yield %max3A_709, %add3A_715 : vector<8x128xf32>, vector<8x128xf32>
      }
      %while3A_407 = arith.constant 1 : i32
      %while3A_408:2 = scf.for %while3A_688 = %while3A_404 to %while3A_400 step %while3A_407 iter_args(%while3A_689 = %while3A_406#0, %while3A_690 = %while3A_406#1) -> (vector<8x128xf32>, vector<8x128xf32>)  : i32 {
        %mul3A_691 = arith.constant 8 : i32
        %mul3A_692 = arith.muli %while3A_688, %mul3A_691 : i32
        %multiple_of3A_693 = tpu.assume_multiple %mul3A_692, 8 : i32
        %get3A_694 = arith.index_cast %multiple_of3A_693 : i32 to index
        %get3A_695 = arith.constant 0 : index
        %get3A_696 = vector.load %arg0[%get3A_694, %get3A_695] : memref<10000x128xf32, #tpu.memory_space<vmem>>, vector<8x128xf32>
        %mul3A_697 = arith.constant 8 : i32
        %mul3A_698 = arith.muli %while3A_688, %mul3A_697 : i32
        %iota3A = tpu.iota {dimensions = array<i32: 0>} : vector<8x1xi32>
        %add3A_699 = vector.broadcast %mul3A_698 : i32 to vector<8x1xi32>
        %add3A_700 = arith.addi %add3A_699, %iota3A : vector<8x1xi32>
        %ge3A = vector.broadcast %get3A_340 : i32 to vector<8x1xi32>
        %ge3A_701 = arith.cmpi sge, %add3A_700, %ge3A : vector<8x1xi32>
        %lt3A = vector.broadcast %get3A_344 : i32 to vector<8x1xi32>
        %lt3A_702 = arith.cmpi slt, %add3A_700, %lt3A : vector<8x1xi32>
        %and3A_703 = arith.andi %ge3A_701, %lt3A_702 : vector<8x1xi1>
        %jit3A_704 = arith.constant 0xFF800000 : f32
        %broadcast_in_dim3A_705 = vector.shape_cast %and3A_703 : vector<8x1xi1> to vector<8x1xi1>
        %broadcast_in_dim3A_706 = vector.broadcast %broadcast_in_dim3A_705 : vector<8x1xi1> to vector<8x128xi1>
        %broadcast_in_dim3A_707 = vector.broadcast %jit3A_704 : f32 to vector<8x128xf32>
        %select_n3A_708 = arith.select %broadcast_in_dim3A_706, %get3A_696, %broadcast_in_dim3A_707 : vector<8x128xi1>, vector<8x128xf32>
        %max3A_709 = arith.maximumf %while3A_689, %select_n3A_708 : vector<8x128xf32>
        %jit3A_710 = arith.constant 0.000000e+00 : f32
        %broadcast_in_dim3A_711 = vector.shape_cast %and3A_703 : vector<8x1xi1> to vector<8x1xi1>
        %broadcast_in_dim3A_712 = vector.broadcast %broadcast_in_dim3A_711 : vector<8x1xi1> to vector<8x128xi1>
        %broadcast_in_dim3A_713 = vector.broadcast %jit3A_710 : f32 to vector<8x128xf32>
        %select_n3A_714 = arith.select %broadcast_in_dim3A_712, %get3A_696, %broadcast_in_dim3A_713 : vector<8x128xi1>, vector<8x128xf32>
        %add3A_715 = arith.addf %while3A_690, %select_n3A_714 : vector<8x128xf32>
        scf.yield %max3A_709, %add3A_715 : vector<8x128xf32>, vector<8x128xf32>
      }
      %reduce_max3A_409 = arith.constant dense<0xFF800000> : vector<128xf32>
      %reduce_max3A_410 = vector.multi_reduction <maximumf>, %while3A_408#0, %reduce_max3A_409 [0] : vector<8x128xf32> to vector<128xf32>
      %broadcast_in_dim3A_411 = vector.shape_cast %reduce_max3A_410 : vector<128xf32> to vector<1x128xf32>
      %reduce_sum3A_412 = arith.constant dense<0.000000e+00> : vector<128xf32>
      %reduce_sum3A_413 = vector.multi_reduction <add>, %while3A_408#1, %reduce_sum3A_412 [0] : vector<8x128xf32> to vector<128xf32>
      %broadcast_in_dim3A_414 = vector.shape_cast %reduce_sum3A_413 : vector<128xf32> to vector<1x128xf32>
      %sub3A_415 = arith.subi %get3A_344, %get3A_340 : i32
      %convert_element_type3A_416 = arith.sitofp %sub3A_415 : i32 to f32
      %max3A_417 = arith.constant 1.000000e+00 : f32
      %max3A_418 = arith.maximumf %convert_element_type3A_416, %max3A_417 : f32
      %div3A_419 = vector.broadcast %max3A_418 : f32 to vector<1x128xf32>
      %div3A_420 = arith.divf %broadcast_in_dim3A_414, %div3A_419 : vector<1x128xf32>
      %concatenate3A_421 = tpu.concatenate %broadcast_in_dim3A_411, %div3A_420 in 1 : vector<1x128xf32>, vector<1x128xf32> -> vector<1x256xf32>
      %mul3A_422 = arith.constant 8 : i32
      %mul3A_423 = arith.muli %scan3A_4, %mul3A_422 : i32
      %add3A_424 = arith.constant 5 : i32
      %add3A_425 = arith.addi %mul3A_423, %add3A_424 : i32
      %get3A_426 = arith.index_cast %add3A_425 : i32 to index
      %get3A_427 = memref.load %arg1[%get3A_426] : memref<129xi32, #tpu.memory_space<smem>>
      %add3A_428 = arith.constant 1 : i32
      %add3A_429 = arith.addi %add3A_425, %add3A_428 : i32
      %get3A_430 = arith.index_cast %add3A_429 : i32 to index
      %get3A_431 = memref.load %arg1[%get3A_430] : memref<129xi32, #tpu.memory_space<smem>>
      %jit3A_432 = arith.constant 8 : i32
      %div3A_433 = arith.divsi %get3A_427, %jit3A_432 : i32
      %sign3A_434 = arith.constant 0 : i32
      %sign3A_435 = arith.cmpi sgt, %get3A_427, %sign3A_434 : i32
      %sign3A_436 = arith.extui %sign3A_435 : i1 to i32
      %sign3A_437 = arith.constant 0 : i32
      %sign3A_438 = arith.cmpi slt, %get3A_427, %sign3A_437 : i32
      %sign3A_439 = arith.extui %sign3A_438 : i1 to i32
      %sign3A_440 = arith.subi %sign3A_436, %sign3A_439 : i32
      %sign3A_441 = arith.constant 0 : i32
      %sign3A_442 = arith.cmpi sgt, %jit3A_432, %sign3A_441 : i32
      %sign3A_443 = arith.extui %sign3A_442 : i1 to i32
      %sign3A_444 = arith.constant 0 : i32
      %sign3A_445 = arith.cmpi slt, %jit3A_432, %sign3A_444 : i32
      %sign3A_446 = arith.extui %sign3A_445 : i1 to i32
      %sign3A_447 = arith.subi %sign3A_443, %sign3A_446 : i32
      %ne3A_448 = arith.cmpi ne, %sign3A_440, %sign3A_447 : i32
      %rem3A_449 = arith.remsi %get3A_427, %jit3A_432 : i32
      %ne3A_450 = arith.constant 0 : i32
      %ne3A_451 = arith.cmpi ne, %rem3A_449, %ne3A_450 : i32
      %and3A_452 = arith.andi %ne3A_448, %ne3A_451 : i1
      %sub3A_453 = arith.constant 1 : i32
      %sub3A_454 = arith.subi %div3A_433, %sub3A_453 : i32
      %select_n3A_455 = arith.select %and3A_452, %sub3A_454, %div3A_433 : i32
      %add3A_456 = arith.constant 7 : i32
      %add3A_457 = arith.addi %get3A_431, %add3A_456 : i32
      %jit3A_458 = arith.constant 8 : i32
      %div3A_459 = arith.divsi %add3A_457, %jit3A_458 : i32
      %sign3A_460 = arith.constant 0 : i32
      %sign3A_461 = arith.cmpi sgt, %add3A_457, %sign3A_460 : i32
      %sign3A_462 = arith.extui %sign3A_461 : i1 to i32
      %sign3A_463 = arith.constant 0 : i32
      %sign3A_464 = arith.cmpi slt, %add3A_457, %sign3A_463 : i32
      %sign3A_465 = arith.extui %sign3A_464 : i1 to i32
      %sign3A_466 = arith.subi %sign3A_462, %sign3A_465 : i32
      %sign3A_467 = arith.constant 0 : i32
      %sign3A_468 = arith.cmpi sgt, %jit3A_458, %sign3A_467 : i32
      %sign3A_469 = arith.extui %sign3A_468 : i1 to i32
      %sign3A_470 = arith.constant 0 : i32
      %sign3A_471 = arith.cmpi slt, %jit3A_458, %sign3A_470 : i32
      %sign3A_472 = arith.extui %sign3A_471 : i1 to i32
      %sign3A_473 = arith.subi %sign3A_469, %sign3A_472 : i32
      %ne3A_474 = arith.cmpi ne, %sign3A_466, %sign3A_473 : i32
      %rem3A_475 = arith.remsi %add3A_457, %jit3A_458 : i32
      %ne3A_476 = arith.constant 0 : i32
      %ne3A_477 = arith.cmpi ne, %rem3A_475, %ne3A_476 : i32
      %and3A_478 = arith.andi %ne3A_474, %ne3A_477 : i1
      %sub3A_479 = arith.constant 1 : i32
      %sub3A_480 = arith.subi %div3A_459, %sub3A_479 : i32
      %select_n3A_481 = arith.select %and3A_478, %sub3A_480, %div3A_459 : i32
      %broadcast_in_dim3A_482 = arith.constant 0xFF800000 : f32
      %broadcast_in_dim3A_483 = vector.broadcast %broadcast_in_dim3A_482 : f32 to vector<8x128xf32>
      %broadcast_in_dim3A_484 = arith.constant 0.000000e+00 : f32
      %broadcast_in_dim3A_485 = vector.broadcast %broadcast_in_dim3A_484 : f32 to vector<8x128xf32>
      %while3A_486 = arith.subi %select_n3A_481, %select_n3A_455 : i32
      %while3A_487 = arith.addi %select_n3A_455, %while3A_486 : i32
      %while3A_488 = arith.constant 1 : i32
      %while3A_489 = arith.divsi %while3A_486, %while3A_488 : i32
      %while3A_490 = arith.muli %while3A_489, %while3A_488 : i32
      %while3A_491 = arith.addi %select_n3A_455, %while3A_490 : i32
      %while3A_492 = arith.constant 1 : i32
      %while3A_493:2 = scf.for %while3A_688 = %select_n3A_455 to %while3A_491 step %while3A_492 iter_args(%while3A_689 = %broadcast_in_dim3A_483, %while3A_690 = %broadcast_in_dim3A_485) -> (vector<8x128xf32>, vector<8x128xf32>)  : i32 {
        %mul3A_691 = arith.constant 8 : i32
        %mul3A_692 = arith.muli %while3A_688, %mul3A_691 : i32
        %multiple_of3A_693 = tpu.assume_multiple %mul3A_692, 8 : i32
        %get3A_694 = arith.index_cast %multiple_of3A_693 : i32 to index
        %get3A_695 = arith.constant 0 : index
        %get3A_696 = vector.load %arg0[%get3A_694, %get3A_695] : memref<10000x128xf32, #tpu.memory_space<vmem>>, vector<8x128xf32>
        %mul3A_697 = arith.constant 8 : i32
        %mul3A_698 = arith.muli %while3A_688, %mul3A_697 : i32
        %iota3A = tpu.iota {dimensions = array<i32: 0>} : vector<8x1xi32>
        %add3A_699 = vector.broadcast %mul3A_698 : i32 to vector<8x1xi32>
        %add3A_700 = arith.addi %add3A_699, %iota3A : vector<8x1xi32>
        %ge3A = vector.broadcast %get3A_427 : i32 to vector<8x1xi32>
        %ge3A_701 = arith.cmpi sge, %add3A_700, %ge3A : vector<8x1xi32>
        %lt3A = vector.broadcast %get3A_431 : i32 to vector<8x1xi32>
        %lt3A_702 = arith.cmpi slt, %add3A_700, %lt3A : vector<8x1xi32>
        %and3A_703 = arith.andi %ge3A_701, %lt3A_702 : vector<8x1xi1>
        %jit3A_704 = arith.constant 0xFF800000 : f32
        %broadcast_in_dim3A_705 = vector.shape_cast %and3A_703 : vector<8x1xi1> to vector<8x1xi1>
        %broadcast_in_dim3A_706 = vector.broadcast %broadcast_in_dim3A_705 : vector<8x1xi1> to vector<8x128xi1>
        %broadcast_in_dim3A_707 = vector.broadcast %jit3A_704 : f32 to vector<8x128xf32>
        %select_n3A_708 = arith.select %broadcast_in_dim3A_706, %get3A_696, %broadcast_in_dim3A_707 : vector<8x128xi1>, vector<8x128xf32>
        %max3A_709 = arith.maximumf %while3A_689, %select_n3A_708 : vector<8x128xf32>
        %jit3A_710 = arith.constant 0.000000e+00 : f32
        %broadcast_in_dim3A_711 = vector.shape_cast %and3A_703 : vector<8x1xi1> to vector<8x1xi1>
        %broadcast_in_dim3A_712 = vector.broadcast %broadcast_in_dim3A_711 : vector<8x1xi1> to vector<8x128xi1>
        %broadcast_in_dim3A_713 = vector.broadcast %jit3A_710 : f32 to vector<8x128xf32>
        %select_n3A_714 = arith.select %broadcast_in_dim3A_712, %get3A_696, %broadcast_in_dim3A_713 : vector<8x128xi1>, vector<8x128xf32>
        %add3A_715 = arith.addf %while3A_690, %select_n3A_714 : vector<8x128xf32>
        scf.yield %max3A_709, %add3A_715 : vector<8x128xf32>, vector<8x128xf32>
      }
      %while3A_494 = arith.constant 1 : i32
      %while3A_495:2 = scf.for %while3A_688 = %while3A_491 to %while3A_487 step %while3A_494 iter_args(%while3A_689 = %while3A_493#0, %while3A_690 = %while3A_493#1) -> (vector<8x128xf32>, vector<8x128xf32>)  : i32 {
        %mul3A_691 = arith.constant 8 : i32
        %mul3A_692 = arith.muli %while3A_688, %mul3A_691 : i32
        %multiple_of3A_693 = tpu.assume_multiple %mul3A_692, 8 : i32
        %get3A_694 = arith.index_cast %multiple_of3A_693 : i32 to index
        %get3A_695 = arith.constant 0 : index
        %get3A_696 = vector.load %arg0[%get3A_694, %get3A_695] : memref<10000x128xf32, #tpu.memory_space<vmem>>, vector<8x128xf32>
        %mul3A_697 = arith.constant 8 : i32
        %mul3A_698 = arith.muli %while3A_688, %mul3A_697 : i32
        %iota3A = tpu.iota {dimensions = array<i32: 0>} : vector<8x1xi32>
        %add3A_699 = vector.broadcast %mul3A_698 : i32 to vector<8x1xi32>
        %add3A_700 = arith.addi %add3A_699, %iota3A : vector<8x1xi32>
        %ge3A = vector.broadcast %get3A_427 : i32 to vector<8x1xi32>
        %ge3A_701 = arith.cmpi sge, %add3A_700, %ge3A : vector<8x1xi32>
        %lt3A = vector.broadcast %get3A_431 : i32 to vector<8x1xi32>
        %lt3A_702 = arith.cmpi slt, %add3A_700, %lt3A : vector<8x1xi32>
        %and3A_703 = arith.andi %ge3A_701, %lt3A_702 : vector<8x1xi1>
        %jit3A_704 = arith.constant 0xFF800000 : f32
        %broadcast_in_dim3A_705 = vector.shape_cast %and3A_703 : vector<8x1xi1> to vector<8x1xi1>
        %broadcast_in_dim3A_706 = vector.broadcast %broadcast_in_dim3A_705 : vector<8x1xi1> to vector<8x128xi1>
        %broadcast_in_dim3A_707 = vector.broadcast %jit3A_704 : f32 to vector<8x128xf32>
        %select_n3A_708 = arith.select %broadcast_in_dim3A_706, %get3A_696, %broadcast_in_dim3A_707 : vector<8x128xi1>, vector<8x128xf32>
        %max3A_709 = arith.maximumf %while3A_689, %select_n3A_708 : vector<8x128xf32>
        %jit3A_710 = arith.constant 0.000000e+00 : f32
        %broadcast_in_dim3A_711 = vector.shape_cast %and3A_703 : vector<8x1xi1> to vector<8x1xi1>
        %broadcast_in_dim3A_712 = vector.broadcast %broadcast_in_dim3A_711 : vector<8x1xi1> to vector<8x128xi1>
        %broadcast_in_dim3A_713 = vector.broadcast %jit3A_710 : f32 to vector<8x128xf32>
        %select_n3A_714 = arith.select %broadcast_in_dim3A_712, %get3A_696, %broadcast_in_dim3A_713 : vector<8x128xi1>, vector<8x128xf32>
        %add3A_715 = arith.addf %while3A_690, %select_n3A_714 : vector<8x128xf32>
        scf.yield %max3A_709, %add3A_715 : vector<8x128xf32>, vector<8x128xf32>
      }
      %reduce_max3A_496 = arith.constant dense<0xFF800000> : vector<128xf32>
      %reduce_max3A_497 = vector.multi_reduction <maximumf>, %while3A_495#0, %reduce_max3A_496 [0] : vector<8x128xf32> to vector<128xf32>
      %broadcast_in_dim3A_498 = vector.shape_cast %reduce_max3A_497 : vector<128xf32> to vector<1x128xf32>
      %reduce_sum3A_499 = arith.constant dense<0.000000e+00> : vector<128xf32>
      %reduce_sum3A_500 = vector.multi_reduction <add>, %while3A_495#1, %reduce_sum3A_499 [0] : vector<8x128xf32> to vector<128xf32>
      %broadcast_in_dim3A_501 = vector.shape_cast %reduce_sum3A_500 : vector<128xf32> to vector<1x128xf32>
      %sub3A_502 = arith.subi %get3A_431, %get3A_427 : i32
      %convert_element_type3A_503 = arith.sitofp %sub3A_502 : i32 to f32
      %max3A_504 = arith.constant 1.000000e+00 : f32
      %max3A_505 = arith.maximumf %convert_element_type3A_503, %max3A_504 : f32
      %div3A_506 = vector.broadcast %max3A_505 : f32 to vector<1x128xf32>
      %div3A_507 = arith.divf %broadcast_in_dim3A_501, %div3A_506 : vector<1x128xf32>
      %concatenate3A_508 = tpu.concatenate %broadcast_in_dim3A_498, %div3A_507 in 1 : vector<1x128xf32>, vector<1x128xf32> -> vector<1x256xf32>
      %mul3A_509 = arith.constant 8 : i32
      %mul3A_510 = arith.muli %scan3A_4, %mul3A_509 : i32
      %add3A_511 = arith.constant 6 : i32
      %add3A_512 = arith.addi %mul3A_510, %add3A_511 : i32
      %get3A_513 = arith.index_cast %add3A_512 : i32 to index
      %get3A_514 = memref.load %arg1[%get3A_513] : memref<129xi32, #tpu.memory_space<smem>>
      %add3A_515 = arith.constant 1 : i32
      %add3A_516 = arith.addi %add3A_512, %add3A_515 : i32
      %get3A_517 = arith.index_cast %add3A_516 : i32 to index
      %get3A_518 = memref.load %arg1[%get3A_517] : memref<129xi32, #tpu.memory_space<smem>>
      %jit3A_519 = arith.constant 8 : i32
      %div3A_520 = arith.divsi %get3A_514, %jit3A_519 : i32
      %sign3A_521 = arith.constant 0 : i32
      %sign3A_522 = arith.cmpi sgt, %get3A_514, %sign3A_521 : i32
      %sign3A_523 = arith.extui %sign3A_522 : i1 to i32
      %sign3A_524 = arith.constant 0 : i32
      %sign3A_525 = arith.cmpi slt, %get3A_514, %sign3A_524 : i32
      %sign3A_526 = arith.extui %sign3A_525 : i1 to i32
      %sign3A_527 = arith.subi %sign3A_523, %sign3A_526 : i32
      %sign3A_528 = arith.constant 0 : i32
      %sign3A_529 = arith.cmpi sgt, %jit3A_519, %sign3A_528 : i32
      %sign3A_530 = arith.extui %sign3A_529 : i1 to i32
      %sign3A_531 = arith.constant 0 : i32
      %sign3A_532 = arith.cmpi slt, %jit3A_519, %sign3A_531 : i32
      %sign3A_533 = arith.extui %sign3A_532 : i1 to i32
      %sign3A_534 = arith.subi %sign3A_530, %sign3A_533 : i32
      %ne3A_535 = arith.cmpi ne, %sign3A_527, %sign3A_534 : i32
      %rem3A_536 = arith.remsi %get3A_514, %jit3A_519 : i32
      %ne3A_537 = arith.constant 0 : i32
      %ne3A_538 = arith.cmpi ne, %rem3A_536, %ne3A_537 : i32
      %and3A_539 = arith.andi %ne3A_535, %ne3A_538 : i1
      %sub3A_540 = arith.constant 1 : i32
      %sub3A_541 = arith.subi %div3A_520, %sub3A_540 : i32
      %select_n3A_542 = arith.select %and3A_539, %sub3A_541, %div3A_520 : i32
      %add3A_543 = arith.constant 7 : i32
      %add3A_544 = arith.addi %get3A_518, %add3A_543 : i32
      %jit3A_545 = arith.constant 8 : i32
      %div3A_546 = arith.divsi %add3A_544, %jit3A_545 : i32
      %sign3A_547 = arith.constant 0 : i32
      %sign3A_548 = arith.cmpi sgt, %add3A_544, %sign3A_547 : i32
      %sign3A_549 = arith.extui %sign3A_548 : i1 to i32
      %sign3A_550 = arith.constant 0 : i32
      %sign3A_551 = arith.cmpi slt, %add3A_544, %sign3A_550 : i32
      %sign3A_552 = arith.extui %sign3A_551 : i1 to i32
      %sign3A_553 = arith.subi %sign3A_549, %sign3A_552 : i32
      %sign3A_554 = arith.constant 0 : i32
      %sign3A_555 = arith.cmpi sgt, %jit3A_545, %sign3A_554 : i32
      %sign3A_556 = arith.extui %sign3A_555 : i1 to i32
      %sign3A_557 = arith.constant 0 : i32
      %sign3A_558 = arith.cmpi slt, %jit3A_545, %sign3A_557 : i32
      %sign3A_559 = arith.extui %sign3A_558 : i1 to i32
      %sign3A_560 = arith.subi %sign3A_556, %sign3A_559 : i32
      %ne3A_561 = arith.cmpi ne, %sign3A_553, %sign3A_560 : i32
      %rem3A_562 = arith.remsi %add3A_544, %jit3A_545 : i32
      %ne3A_563 = arith.constant 0 : i32
      %ne3A_564 = arith.cmpi ne, %rem3A_562, %ne3A_563 : i32
      %and3A_565 = arith.andi %ne3A_561, %ne3A_564 : i1
      %sub3A_566 = arith.constant 1 : i32
      %sub3A_567 = arith.subi %div3A_546, %sub3A_566 : i32
      %select_n3A_568 = arith.select %and3A_565, %sub3A_567, %div3A_546 : i32
      %broadcast_in_dim3A_569 = arith.constant 0xFF800000 : f32
      %broadcast_in_dim3A_570 = vector.broadcast %broadcast_in_dim3A_569 : f32 to vector<8x128xf32>
      %broadcast_in_dim3A_571 = arith.constant 0.000000e+00 : f32
      %broadcast_in_dim3A_572 = vector.broadcast %broadcast_in_dim3A_571 : f32 to vector<8x128xf32>
      %while3A_573 = arith.subi %select_n3A_568, %select_n3A_542 : i32
      %while3A_574 = arith.addi %select_n3A_542, %while3A_573 : i32
      %while3A_575 = arith.constant 1 : i32
      %while3A_576 = arith.divsi %while3A_573, %while3A_575 : i32
      %while3A_577 = arith.muli %while3A_576, %while3A_575 : i32
      %while3A_578 = arith.addi %select_n3A_542, %while3A_577 : i32
      %while3A_579 = arith.constant 1 : i32
      %while3A_580:2 = scf.for %while3A_688 = %select_n3A_542 to %while3A_578 step %while3A_579 iter_args(%while3A_689 = %broadcast_in_dim3A_570, %while3A_690 = %broadcast_in_dim3A_572) -> (vector<8x128xf32>, vector<8x128xf32>)  : i32 {
        %mul3A_691 = arith.constant 8 : i32
        %mul3A_692 = arith.muli %while3A_688, %mul3A_691 : i32
        %multiple_of3A_693 = tpu.assume_multiple %mul3A_692, 8 : i32
        %get3A_694 = arith.index_cast %multiple_of3A_693 : i32 to index
        %get3A_695 = arith.constant 0 : index
        %get3A_696 = vector.load %arg0[%get3A_694, %get3A_695] : memref<10000x128xf32, #tpu.memory_space<vmem>>, vector<8x128xf32>
        %mul3A_697 = arith.constant 8 : i32
        %mul3A_698 = arith.muli %while3A_688, %mul3A_697 : i32
        %iota3A = tpu.iota {dimensions = array<i32: 0>} : vector<8x1xi32>
        %add3A_699 = vector.broadcast %mul3A_698 : i32 to vector<8x1xi32>
        %add3A_700 = arith.addi %add3A_699, %iota3A : vector<8x1xi32>
        %ge3A = vector.broadcast %get3A_514 : i32 to vector<8x1xi32>
        %ge3A_701 = arith.cmpi sge, %add3A_700, %ge3A : vector<8x1xi32>
        %lt3A = vector.broadcast %get3A_518 : i32 to vector<8x1xi32>
        %lt3A_702 = arith.cmpi slt, %add3A_700, %lt3A : vector<8x1xi32>
        %and3A_703 = arith.andi %ge3A_701, %lt3A_702 : vector<8x1xi1>
        %jit3A_704 = arith.constant 0xFF800000 : f32
        %broadcast_in_dim3A_705 = vector.shape_cast %and3A_703 : vector<8x1xi1> to vector<8x1xi1>
        %broadcast_in_dim3A_706 = vector.broadcast %broadcast_in_dim3A_705 : vector<8x1xi1> to vector<8x128xi1>
        %broadcast_in_dim3A_707 = vector.broadcast %jit3A_704 : f32 to vector<8x128xf32>
        %select_n3A_708 = arith.select %broadcast_in_dim3A_706, %get3A_696, %broadcast_in_dim3A_707 : vector<8x128xi1>, vector<8x128xf32>
        %max3A_709 = arith.maximumf %while3A_689, %select_n3A_708 : vector<8x128xf32>
        %jit3A_710 = arith.constant 0.000000e+00 : f32
        %broadcast_in_dim3A_711 = vector.shape_cast %and3A_703 : vector<8x1xi1> to vector<8x1xi1>
        %broadcast_in_dim3A_712 = vector.broadcast %broadcast_in_dim3A_711 : vector<8x1xi1> to vector<8x128xi1>
        %broadcast_in_dim3A_713 = vector.broadcast %jit3A_710 : f32 to vector<8x128xf32>
        %select_n3A_714 = arith.select %broadcast_in_dim3A_712, %get3A_696, %broadcast_in_dim3A_713 : vector<8x128xi1>, vector<8x128xf32>
        %add3A_715 = arith.addf %while3A_690, %select_n3A_714 : vector<8x128xf32>
        scf.yield %max3A_709, %add3A_715 : vector<8x128xf32>, vector<8x128xf32>
      }
      %while3A_581 = arith.constant 1 : i32
      %while3A_582:2 = scf.for %while3A_688 = %while3A_578 to %while3A_574 step %while3A_581 iter_args(%while3A_689 = %while3A_580#0, %while3A_690 = %while3A_580#1) -> (vector<8x128xf32>, vector<8x128xf32>)  : i32 {
        %mul3A_691 = arith.constant 8 : i32
        %mul3A_692 = arith.muli %while3A_688, %mul3A_691 : i32
        %multiple_of3A_693 = tpu.assume_multiple %mul3A_692, 8 : i32
        %get3A_694 = arith.index_cast %multiple_of3A_693 : i32 to index
        %get3A_695 = arith.constant 0 : index
        %get3A_696 = vector.load %arg0[%get3A_694, %get3A_695] : memref<10000x128xf32, #tpu.memory_space<vmem>>, vector<8x128xf32>
        %mul3A_697 = arith.constant 8 : i32
        %mul3A_698 = arith.muli %while3A_688, %mul3A_697 : i32
        %iota3A = tpu.iota {dimensions = array<i32: 0>} : vector<8x1xi32>
        %add3A_699 = vector.broadcast %mul3A_698 : i32 to vector<8x1xi32>
        %add3A_700 = arith.addi %add3A_699, %iota3A : vector<8x1xi32>
        %ge3A = vector.broadcast %get3A_514 : i32 to vector<8x1xi32>
        %ge3A_701 = arith.cmpi sge, %add3A_700, %ge3A : vector<8x1xi32>
        %lt3A = vector.broadcast %get3A_518 : i32 to vector<8x1xi32>
        %lt3A_702 = arith.cmpi slt, %add3A_700, %lt3A : vector<8x1xi32>
        %and3A_703 = arith.andi %ge3A_701, %lt3A_702 : vector<8x1xi1>
        %jit3A_704 = arith.constant 0xFF800000 : f32
        %broadcast_in_dim3A_705 = vector.shape_cast %and3A_703 : vector<8x1xi1> to vector<8x1xi1>
        %broadcast_in_dim3A_706 = vector.broadcast %broadcast_in_dim3A_705 : vector<8x1xi1> to vector<8x128xi1>
        %broadcast_in_dim3A_707 = vector.broadcast %jit3A_704 : f32 to vector<8x128xf32>
        %select_n3A_708 = arith.select %broadcast_in_dim3A_706, %get3A_696, %broadcast_in_dim3A_707 : vector<8x128xi1>, vector<8x128xf32>
        %max3A_709 = arith.maximumf %while3A_689, %select_n3A_708 : vector<8x128xf32>
        %jit3A_710 = arith.constant 0.000000e+00 : f32
        %broadcast_in_dim3A_711 = vector.shape_cast %and3A_703 : vector<8x1xi1> to vector<8x1xi1>
        %broadcast_in_dim3A_712 = vector.broadcast %broadcast_in_dim3A_711 : vector<8x1xi1> to vector<8x128xi1>
        %broadcast_in_dim3A_713 = vector.broadcast %jit3A_710 : f32 to vector<8x128xf32>
        %select_n3A_714 = arith.select %broadcast_in_dim3A_712, %get3A_696, %broadcast_in_dim3A_713 : vector<8x128xi1>, vector<8x128xf32>
        %add3A_715 = arith.addf %while3A_690, %select_n3A_714 : vector<8x128xf32>
        scf.yield %max3A_709, %add3A_715 : vector<8x128xf32>, vector<8x128xf32>
      }
      %reduce_max3A_583 = arith.constant dense<0xFF800000> : vector<128xf32>
      %reduce_max3A_584 = vector.multi_reduction <maximumf>, %while3A_582#0, %reduce_max3A_583 [0] : vector<8x128xf32> to vector<128xf32>
      %broadcast_in_dim3A_585 = vector.shape_cast %reduce_max3A_584 : vector<128xf32> to vector<1x128xf32>
      %reduce_sum3A_586 = arith.constant dense<0.000000e+00> : vector<128xf32>
      %reduce_sum3A_587 = vector.multi_reduction <add>, %while3A_582#1, %reduce_sum3A_586 [0] : vector<8x128xf32> to vector<128xf32>
      %broadcast_in_dim3A_588 = vector.shape_cast %reduce_sum3A_587 : vector<128xf32> to vector<1x128xf32>
      %sub3A_589 = arith.subi %get3A_518, %get3A_514 : i32
      %convert_element_type3A_590 = arith.sitofp %sub3A_589 : i32 to f32
      %max3A_591 = arith.constant 1.000000e+00 : f32
      %max3A_592 = arith.maximumf %convert_element_type3A_590, %max3A_591 : f32
      %div3A_593 = vector.broadcast %max3A_592 : f32 to vector<1x128xf32>
      %div3A_594 = arith.divf %broadcast_in_dim3A_588, %div3A_593 : vector<1x128xf32>
      %concatenate3A_595 = tpu.concatenate %broadcast_in_dim3A_585, %div3A_594 in 1 : vector<1x128xf32>, vector<1x128xf32> -> vector<1x256xf32>
      %mul3A_596 = arith.constant 8 : i32
      %mul3A_597 = arith.muli %scan3A_4, %mul3A_596 : i32
      %add3A_598 = arith.constant 7 : i32
      %add3A_599 = arith.addi %mul3A_597, %add3A_598 : i32
      %get3A_600 = arith.index_cast %add3A_599 : i32 to index
      %get3A_601 = memref.load %arg1[%get3A_600] : memref<129xi32, #tpu.memory_space<smem>>
      %add3A_602 = arith.constant 1 : i32
      %add3A_603 = arith.addi %add3A_599, %add3A_602 : i32
      %get3A_604 = arith.index_cast %add3A_603 : i32 to index
      %get3A_605 = memref.load %arg1[%get3A_604] : memref<129xi32, #tpu.memory_space<smem>>
      %jit3A_606 = arith.constant 8 : i32
      %div3A_607 = arith.divsi %get3A_601, %jit3A_606 : i32
      %sign3A_608 = arith.constant 0 : i32
      %sign3A_609 = arith.cmpi sgt, %get3A_601, %sign3A_608 : i32
      %sign3A_610 = arith.extui %sign3A_609 : i1 to i32
      %sign3A_611 = arith.constant 0 : i32
      %sign3A_612 = arith.cmpi slt, %get3A_601, %sign3A_611 : i32
      %sign3A_613 = arith.extui %sign3A_612 : i1 to i32
      %sign3A_614 = arith.subi %sign3A_610, %sign3A_613 : i32
      %sign3A_615 = arith.constant 0 : i32
      %sign3A_616 = arith.cmpi sgt, %jit3A_606, %sign3A_615 : i32
      %sign3A_617 = arith.extui %sign3A_616 : i1 to i32
      %sign3A_618 = arith.constant 0 : i32
      %sign3A_619 = arith.cmpi slt, %jit3A_606, %sign3A_618 : i32
      %sign3A_620 = arith.extui %sign3A_619 : i1 to i32
      %sign3A_621 = arith.subi %sign3A_617, %sign3A_620 : i32
      %ne3A_622 = arith.cmpi ne, %sign3A_614, %sign3A_621 : i32
      %rem3A_623 = arith.remsi %get3A_601, %jit3A_606 : i32
      %ne3A_624 = arith.constant 0 : i32
      %ne3A_625 = arith.cmpi ne, %rem3A_623, %ne3A_624 : i32
      %and3A_626 = arith.andi %ne3A_622, %ne3A_625 : i1
      %sub3A_627 = arith.constant 1 : i32
      %sub3A_628 = arith.subi %div3A_607, %sub3A_627 : i32
      %select_n3A_629 = arith.select %and3A_626, %sub3A_628, %div3A_607 : i32
      %add3A_630 = arith.constant 7 : i32
      %add3A_631 = arith.addi %get3A_605, %add3A_630 : i32
      %jit3A_632 = arith.constant 8 : i32
      %div3A_633 = arith.divsi %add3A_631, %jit3A_632 : i32
      %sign3A_634 = arith.constant 0 : i32
      %sign3A_635 = arith.cmpi sgt, %add3A_631, %sign3A_634 : i32
      %sign3A_636 = arith.extui %sign3A_635 : i1 to i32
      %sign3A_637 = arith.constant 0 : i32
      %sign3A_638 = arith.cmpi slt, %add3A_631, %sign3A_637 : i32
      %sign3A_639 = arith.extui %sign3A_638 : i1 to i32
      %sign3A_640 = arith.subi %sign3A_636, %sign3A_639 : i32
      %sign3A_641 = arith.constant 0 : i32
      %sign3A_642 = arith.cmpi sgt, %jit3A_632, %sign3A_641 : i32
      %sign3A_643 = arith.extui %sign3A_642 : i1 to i32
      %sign3A_644 = arith.constant 0 : i32
      %sign3A_645 = arith.cmpi slt, %jit3A_632, %sign3A_644 : i32
      %sign3A_646 = arith.extui %sign3A_645 : i1 to i32
      %sign3A_647 = arith.subi %sign3A_643, %sign3A_646 : i32
      %ne3A_648 = arith.cmpi ne, %sign3A_640, %sign3A_647 : i32
      %rem3A_649 = arith.remsi %add3A_631, %jit3A_632 : i32
      %ne3A_650 = arith.constant 0 : i32
      %ne3A_651 = arith.cmpi ne, %rem3A_649, %ne3A_650 : i32
      %and3A_652 = arith.andi %ne3A_648, %ne3A_651 : i1
      %sub3A_653 = arith.constant 1 : i32
      %sub3A_654 = arith.subi %div3A_633, %sub3A_653 : i32
      %select_n3A_655 = arith.select %and3A_652, %sub3A_654, %div3A_633 : i32
      %broadcast_in_dim3A_656 = arith.constant 0xFF800000 : f32
      %broadcast_in_dim3A_657 = vector.broadcast %broadcast_in_dim3A_656 : f32 to vector<8x128xf32>
      %broadcast_in_dim3A_658 = arith.constant 0.000000e+00 : f32
      %broadcast_in_dim3A_659 = vector.broadcast %broadcast_in_dim3A_658 : f32 to vector<8x128xf32>
      %while3A_660 = arith.subi %select_n3A_655, %select_n3A_629 : i32
      %while3A_661 = arith.addi %select_n3A_629, %while3A_660 : i32
      %while3A_662 = arith.constant 1 : i32
      %while3A_663 = arith.divsi %while3A_660, %while3A_662 : i32
      %while3A_664 = arith.muli %while3A_663, %while3A_662 : i32
      %while3A_665 = arith.addi %select_n3A_629, %while3A_664 : i32
      %while3A_666 = arith.constant 1 : i32
      %while3A_667:2 = scf.for %while3A_688 = %select_n3A_629 to %while3A_665 step %while3A_666 iter_args(%while3A_689 = %broadcast_in_dim3A_657, %while3A_690 = %broadcast_in_dim3A_659) -> (vector<8x128xf32>, vector<8x128xf32>)  : i32 {
        %mul3A_691 = arith.constant 8 : i32
        %mul3A_692 = arith.muli %while3A_688, %mul3A_691 : i32
        %multiple_of3A_693 = tpu.assume_multiple %mul3A_692, 8 : i32
        %get3A_694 = arith.index_cast %multiple_of3A_693 : i32 to index
        %get3A_695 = arith.constant 0 : index
        %get3A_696 = vector.load %arg0[%get3A_694, %get3A_695] : memref<10000x128xf32, #tpu.memory_space<vmem>>, vector<8x128xf32>
        %mul3A_697 = arith.constant 8 : i32
        %mul3A_698 = arith.muli %while3A_688, %mul3A_697 : i32
        %iota3A = tpu.iota {dimensions = array<i32: 0>} : vector<8x1xi32>
        %add3A_699 = vector.broadcast %mul3A_698 : i32 to vector<8x1xi32>
        %add3A_700 = arith.addi %add3A_699, %iota3A : vector<8x1xi32>
        %ge3A = vector.broadcast %get3A_601 : i32 to vector<8x1xi32>
        %ge3A_701 = arith.cmpi sge, %add3A_700, %ge3A : vector<8x1xi32>
        %lt3A = vector.broadcast %get3A_605 : i32 to vector<8x1xi32>
        %lt3A_702 = arith.cmpi slt, %add3A_700, %lt3A : vector<8x1xi32>
        %and3A_703 = arith.andi %ge3A_701, %lt3A_702 : vector<8x1xi1>
        %jit3A_704 = arith.constant 0xFF800000 : f32
        %broadcast_in_dim3A_705 = vector.shape_cast %and3A_703 : vector<8x1xi1> to vector<8x1xi1>
        %broadcast_in_dim3A_706 = vector.broadcast %broadcast_in_dim3A_705 : vector<8x1xi1> to vector<8x128xi1>
        %broadcast_in_dim3A_707 = vector.broadcast %jit3A_704 : f32 to vector<8x128xf32>
        %select_n3A_708 = arith.select %broadcast_in_dim3A_706, %get3A_696, %broadcast_in_dim3A_707 : vector<8x128xi1>, vector<8x128xf32>
        %max3A_709 = arith.maximumf %while3A_689, %select_n3A_708 : vector<8x128xf32>
        %jit3A_710 = arith.constant 0.000000e+00 : f32
        %broadcast_in_dim3A_711 = vector.shape_cast %and3A_703 : vector<8x1xi1> to vector<8x1xi1>
        %broadcast_in_dim3A_712 = vector.broadcast %broadcast_in_dim3A_711 : vector<8x1xi1> to vector<8x128xi1>
        %broadcast_in_dim3A_713 = vector.broadcast %jit3A_710 : f32 to vector<8x128xf32>
        %select_n3A_714 = arith.select %broadcast_in_dim3A_712, %get3A_696, %broadcast_in_dim3A_713 : vector<8x128xi1>, vector<8x128xf32>
        %add3A_715 = arith.addf %while3A_690, %select_n3A_714 : vector<8x128xf32>
        scf.yield %max3A_709, %add3A_715 : vector<8x128xf32>, vector<8x128xf32>
      }
      %while3A_668 = arith.constant 1 : i32
      %while3A_669:2 = scf.for %while3A_688 = %while3A_665 to %while3A_661 step %while3A_668 iter_args(%while3A_689 = %while3A_667#0, %while3A_690 = %while3A_667#1) -> (vector<8x128xf32>, vector<8x128xf32>)  : i32 {
        %mul3A_691 = arith.constant 8 : i32
        %mul3A_692 = arith.muli %while3A_688, %mul3A_691 : i32
        %multiple_of3A_693 = tpu.assume_multiple %mul3A_692, 8 : i32
        %get3A_694 = arith.index_cast %multiple_of3A_693 : i32 to index
        %get3A_695 = arith.constant 0 : index
        %get3A_696 = vector.load %arg0[%get3A_694, %get3A_695] : memref<10000x128xf32, #tpu.memory_space<vmem>>, vector<8x128xf32>
        %mul3A_697 = arith.constant 8 : i32
        %mul3A_698 = arith.muli %while3A_688, %mul3A_697 : i32
        %iota3A = tpu.iota {dimensions = array<i32: 0>} : vector<8x1xi32>
        %add3A_699 = vector.broadcast %mul3A_698 : i32 to vector<8x1xi32>
        %add3A_700 = arith.addi %add3A_699, %iota3A : vector<8x1xi32>
        %ge3A = vector.broadcast %get3A_601 : i32 to vector<8x1xi32>
        %ge3A_701 = arith.cmpi sge, %add3A_700, %ge3A : vector<8x1xi32>
        %lt3A = vector.broadcast %get3A_605 : i32 to vector<8x1xi32>
        %lt3A_702 = arith.cmpi slt, %add3A_700, %lt3A : vector<8x1xi32>
        %and3A_703 = arith.andi %ge3A_701, %lt3A_702 : vector<8x1xi1>
        %jit3A_704 = arith.constant 0xFF800000 : f32
        %broadcast_in_dim3A_705 = vector.shape_cast %and3A_703 : vector<8x1xi1> to vector<8x1xi1>
        %broadcast_in_dim3A_706 = vector.broadcast %broadcast_in_dim3A_705 : vector<8x1xi1> to vector<8x128xi1>
        %broadcast_in_dim3A_707 = vector.broadcast %jit3A_704 : f32 to vector<8x128xf32>
        %select_n3A_708 = arith.select %broadcast_in_dim3A_706, %get3A_696, %broadcast_in_dim3A_707 : vector<8x128xi1>, vector<8x128xf32>
        %max3A_709 = arith.maximumf %while3A_689, %select_n3A_708 : vector<8x128xf32>
        %jit3A_710 = arith.constant 0.000000e+00 : f32
        %broadcast_in_dim3A_711 = vector.shape_cast %and3A_703 : vector<8x1xi1> to vector<8x1xi1>
        %broadcast_in_dim3A_712 = vector.broadcast %broadcast_in_dim3A_711 : vector<8x1xi1> to vector<8x128xi1>
        %broadcast_in_dim3A_713 = vector.broadcast %jit3A_710 : f32 to vector<8x128xf32>
        %select_n3A_714 = arith.select %broadcast_in_dim3A_712, %get3A_696, %broadcast_in_dim3A_713 : vector<8x128xi1>, vector<8x128xf32>
        %add3A_715 = arith.addf %while3A_690, %select_n3A_714 : vector<8x128xf32>
        scf.yield %max3A_709, %add3A_715 : vector<8x128xf32>, vector<8x128xf32>
      }
      %reduce_max3A_670 = arith.constant dense<0xFF800000> : vector<128xf32>
      %reduce_max3A_671 = vector.multi_reduction <maximumf>, %while3A_669#0, %reduce_max3A_670 [0] : vector<8x128xf32> to vector<128xf32>
      %broadcast_in_dim3A_672 = vector.shape_cast %reduce_max3A_671 : vector<128xf32> to vector<1x128xf32>
      %reduce_sum3A_673 = arith.constant dense<0.000000e+00> : vector<128xf32>
      %reduce_sum3A_674 = vector.multi_reduction <add>, %while3A_669#1, %reduce_sum3A_673 [0] : vector<8x128xf32> to vector<128xf32>
      %broadcast_in_dim3A_675 = vector.shape_cast %reduce_sum3A_674 : vector<128xf32> to vector<1x128xf32>
      %sub3A_676 = arith.subi %get3A_605, %get3A_601 : i32
      %convert_element_type3A_677 = arith.sitofp %sub3A_676 : i32 to f32
      %max3A_678 = arith.constant 1.000000e+00 : f32
      %max3A_679 = arith.maximumf %convert_element_type3A_677, %max3A_678 : f32
      %div3A_680 = vector.broadcast %max3A_679 : f32 to vector<1x128xf32>
      %div3A_681 = arith.divf %broadcast_in_dim3A_675, %div3A_680 : vector<1x128xf32>
      %concatenate3A_682 = tpu.concatenate %broadcast_in_dim3A_672, %div3A_681 in 1 : vector<1x128xf32>, vector<1x128xf32> -> vector<1x256xf32>
      %concatenate3A_683 = tpu.concatenate %concatenate3A, %concatenate3A_160, %concatenate3A_247, %concatenate3A_334, %concatenate3A_421, %concatenate3A_508, %concatenate3A_595, %concatenate3A_682 in 0 : vector<1x256xf32>, vector<1x256xf32>, vector<1x256xf32>, vector<1x256xf32>, vector<1x256xf32>, vector<1x256xf32>, vector<1x256xf32>, vector<1x256xf32> -> vector<8x256xf32>
      %mul3A_684 = arith.constant 8 : i32
      %mul3A_685 = arith.muli %scan3A_4, %mul3A_684 : i32
      %multiple_of3A = tpu.assume_multiple %mul3A_685, 8 : i32
      %swap3A = arith.index_cast %multiple_of3A : i32 to index
      %swap3A_686 = arith.constant 0 : index
      %swap3A_687 = vector.load %arg2[%swap3A, %swap3A_686] : memref<128x256xf32, #tpu.memory_space<vmem>>, vector<8x256xf32>
      tpu.vector_store %arg2[%swap3A, %swap3A_686], %concatenate3A_683 {strides = array<i32>} : memref<128x256xf32, #tpu.memory_space<vmem>>, vector<8x256xf32>,
    }
    %scan3A_3 = arith.constant 16 : i32
    return
  }
}

module attributes {stable_mosaic.version = 14 : i64} {
  func.func @body(%arg0: memref<128x256xf32, #tpu.memory_space<vmem>>, %arg1: memref<128x256xf32, #tpu.memory_space<vmem>>, %arg2: memref<256x128xf32, #tpu.memory_space<vmem>>, %arg3: memref<1x128xf32, #tpu.memory_space<vmem>>, %arg4: memref<128x64xf32, #tpu.memory_space<vmem>>, %arg5: memref<1x64xf32, #tpu.memory_space<vmem>>, %arg6: memref<64x1024xf32, #tpu.memory_space<vmem>>, %arg7: memref<1x1024xf32, #tpu.memory_space<vmem>>, %arg8: memref<128x1024xf32, #tpu.memory_space<vmem>>) attributes {dimension_semantics = [], scalar_prefetch = 0 : i64, scratch_operands = 0 : i64, tpu.core_type = #tpu.core_type<tc>} {
    %get3A = arith.constant 0 : index
    %get3A_0 = arith.constant 0 : index
    %get3A_1 = vector.load %arg0[%get3A, %get3A_0] : memref<128x256xf32, #tpu.memory_space<vmem>>, vector<128x256xf32>
    %get3A_2 = arith.constant 0 : index
    %get3A_3 = arith.constant 0 : index
    %get3A_4 = vector.load %arg1[%get3A_2, %get3A_3] : memref<128x256xf32, #tpu.memory_space<vmem>>, vector<128x256xf32>
    %add3A = arith.addf %get3A_1, %get3A_4 : vector<128x256xf32>
    %get3A_5 = arith.constant 0 : index
    %get3A_6 = arith.constant 0 : index
    %get3A_7 = vector.load %arg2[%get3A_5, %get3A_6] : memref<256x128xf32, #tpu.memory_space<vmem>>, vector<256x128xf32>
    %dot_general3A = arith.constant dense<0.000000e+00> : vector<128x128xf32>
    %dot_general3A_8 = tpu.matmul %add3A, %get3A_7, %dot_general3A {dimension_numbers = #tpu.dot_dimension_numbers<[1], [0], [0], [1], [0, 0, 1, 1], [], []>, transpose_lhs_hint = false} : vector<128x256xf32>, vector<256x128xf32>, vector<128x128xf32> -> vector<128x128xf32>
    %get3A_9 = arith.constant 0 : index
    %get3A_10 = arith.constant 0 : index
    %get3A_11 = vector.load %arg3[%get3A_9, %get3A_10] : memref<1x128xf32, #tpu.memory_space<vmem>>, vector<1x128xf32>
    %add3A_12 = vector.broadcast %get3A_11 : vector<1x128xf32> to vector<128x128xf32>
    %add3A_13 = arith.addf %dot_general3A_8, %add3A_12 : vector<128x128xf32>
    %max3A = arith.constant 0.000000e+00 : f32
    %max3A_14 = vector.broadcast %max3A : f32 to vector<128x128xf32>
    %max3A_15 = arith.maximumf %add3A_13, %max3A_14 : vector<128x128xf32>
    %get3A_16 = arith.constant 0 : index
    %get3A_17 = arith.constant 0 : index
    %get3A_18 = vector.load %arg4[%get3A_16, %get3A_17] : memref<128x64xf32, #tpu.memory_space<vmem>>, vector<128x64xf32>
    %dot_general3A_19 = arith.constant dense<0.000000e+00> : vector<128x64xf32>
    %dot_general3A_20 = tpu.matmul %max3A_15, %get3A_18, %dot_general3A_19 {dimension_numbers = #tpu.dot_dimension_numbers<[1], [0], [0], [1], [0, 0, 1, 1], [], []>, transpose_lhs_hint = false} : vector<128x128xf32>, vector<128x64xf32>, vector<128x64xf32> -> vector<128x64xf32>
    %get3A_21 = arith.constant 0 : index
    %get3A_22 = arith.constant 0 : index
    %get3A_23 = vector.load %arg5[%get3A_21, %get3A_22] : memref<1x64xf32, #tpu.memory_space<vmem>>, vector<1x64xf32>
    %add3A_24 = vector.broadcast %get3A_23 : vector<1x64xf32> to vector<128x64xf32>
    %add3A_25 = arith.addf %dot_general3A_20, %add3A_24 : vector<128x64xf32>
    %max3A_26 = arith.constant 0.000000e+00 : f32
    %max3A_27 = vector.broadcast %max3A_26 : f32 to vector<128x64xf32>
    %max3A_28 = arith.maximumf %add3A_25, %max3A_27 : vector<128x64xf32>
    %get3A_29 = arith.constant 0 : index
    %get3A_30 = arith.constant 0 : index
    %get3A_31 = vector.load %arg6[%get3A_29, %get3A_30] : memref<64x1024xf32, #tpu.memory_space<vmem>>, vector<64x1024xf32>
    %dot_general3A_32 = arith.constant dense<0.000000e+00> : vector<128x1024xf32>
    %dot_general3A_33 = tpu.matmul %max3A_28, %get3A_31, %dot_general3A_32 {dimension_numbers = #tpu.dot_dimension_numbers<[1], [0], [0], [1], [0, 0, 1, 1], [], []>, transpose_lhs_hint = false} : vector<128x64xf32>, vector<64x1024xf32>, vector<128x1024xf32> -> vector<128x1024xf32>
    %get3A_34 = arith.constant 0 : index
    %get3A_35 = arith.constant 0 : index
    %get3A_36 = vector.load %arg7[%get3A_34, %get3A_35] : memref<1x1024xf32, #tpu.memory_space<vmem>>, vector<1x1024xf32>
    %add3A_37 = vector.broadcast %get3A_36 : vector<1x1024xf32> to vector<128x1024xf32>
    %add3A_38 = arith.addf %dot_general3A_33, %add3A_37 : vector<128x1024xf32>
    %swap3A = arith.constant 0 : index
    %swap3A_39 = arith.constant 0 : index
    %swap3A_40 = vector.load %arg8[%swap3A, %swap3A_39] : memref<128x1024xf32, #tpu.memory_space<vmem>>, vector<128x1024xf32>
    tpu.vector_store %arg8[%swap3A, %swap3A_39], %add3A_38 {strides = array<i32>} : memref<128x1024xf32, #tpu.memory_space<vmem>>, vector<128x1024xf32>,
    return
  }
}

</mosaic_0001>

<sc_bundles>
// kernel: kernel.15.cloned.1.call-start
scs
__scs_entry_jumppad:
0x0: {  	(pc) =	sbr.rel $0x88, $3  }
0x1: {  	(tag) =	ssettag $0x0;
	lr =	simm.s32 $0x1  }
0x2: {  	[smem:$0x3F80] =	sst lr;
	_ =	strace $0xD0000000  }
0x3: {  	_ = 	snop  }
0x4: {  	_ = 	snop  }
0x5: {  	_ = 	snop  }
0x6: {  	_ = 	snop  }
0x7: {  	_ = 	snop  }
__scs_overlays_trampoline_lowered:
0x8: {  	[smem:$0x3F8F] =	sst s0  }
0x9: {  	[smem:$0x3F90] =	sst s1  }
0xa: {  	[smem:$0x3F91] =	sst s2  }
0xb: {  	[smem:$0x3F92] =	sst s3  }
0xc: {  	[smem:$0x3F93] =	sst s4  }
0xd: {  	[smem:$0x3F94] =	sst s5  }
0xe: {  	[smem:$0x3F95] =	sst s6  }
0xf: {  	[smem:$0x3F96] =	sst s7  }
0x10: {  	[smem:$0x3F97] =	sst s8  }
0x11: {  	[smem:$0x3F98] =	sst s9;
	s0 =	simm.s32 @!p0 $0x0  }
0x12: {  	s1 =	sld [smem:$0x3F7E];
	s0 =	simm.s32 @p0 $0x1  }
0x13: {  	[smem:$0x3F99] =	sst s0;
	s0 =	simm.s32 @!p1 $0x0  }
0x14: {  	s2 =	sld [smem:$0x3F7D];
	s0 =	simm.s32 @p1 $0x1  }
0x15: {  	[smem:$0x3F9A] =	sst s0;
	s0 =	simm.s32 @!p2 $0x0  }
0x16: {  	s3 =	sld [smem:$0x3FDB];
	s0 =	simm.s32 @p2 $0x1  }
0x17: {  	s4 =	simm.s32 $0x1BF5;
	[smem:$0x3F9C] =	sst s0  }
0x18: {  	s0 =	sld [smem:$0x3F7F];
	_ =	swait.ge [sflag:s4], $0x0  }
0x19: {  	s7 =	sld [smem:$0x3F80]  }
0x1a: {  	s8 =	sadd.s32 $0xFFFFE003, lr  }
0x1b: {  	s9 =	sadd.s32 $0xFFFFFEF7, lr;
	s5 =	simm.s32 $0xFFFFFFFF;
	p2 =	slt.u32 s8, $0xFFFFF086  }
0x1c: {  	p1 =	slt.u32 s9, $0xF7A;
	s5 =	simm.s32 @!p2 $0x0  }
0x1d: {  	s5 =	simm.s32 @p1 $0x1;
	p0 =	seq.s32 s7, s2  }
0x1e: {  	s7 =	smul.u32 @!p0 $0xF7A, s2;
	p2 =	seq.s32 @!p0 s5, $0x0  }
0x1f: {  	s9 =	smul.u32 $0xF7A, s1;
	s8 =	simm.s32 @!p0 $0x1BF5;
	p2 =	por !p2, p0  }
0x20: {  	[sflag:s8] =	ssyncset.s32 @!p0 $0xFFFFF086;
	s6 =	sadd.s32 @!p0 s3, s7;
	s7 =	simm.s32 @!p0 $0x108  }
0x21: {  	s3 =	sadd.s32 s3, s9;
	s6 =	sadd.s32 @!p0 $0x88, s6;
	s7 =	simm.s32 @p2 $0x1082  }
0x22: {  	[simem:s7], [sflag:s8] =	dma.local @!p0 [hbm:s6], $0xF7A  }
0x23: {  	s9 =	sor.u32 $0xD0000000, s2;
	s6 =	simm.s32 $0x108;
	_ =	swait.ge @!p0 [sflag:s8], $0x0  }
0x24: {  	s3 =	sadd.s32 $0x88, s3;
	s6 =	simm.s32 @!p1 $0x1082;
	[sflag:s4] =	ssyncset.s32 $0xFFFFF086  }
0x25: {  	[simem:s6], [sflag:s4] =	dma.local [hbm:s3], $0xF7A  }
0x26: {  	[smem:$0x3F80] =	sst s1;
	(tag) =	ssettag s2;
	_ =	strace s9  }
0x27: {  	s1 =	sld [smem:$0x3F90]  }
0x28: {  	s2 =	sld [smem:$0x3F91]  }
0x29: {  	s4 =	sld [smem:$0x3F93]  }
0x2a: {  	p0 =	seq.s32 s5, $0x0;
	s5 =	sld [smem:$0x3F94]  }
0x2b: {  	s6 =	sld [smem:$0x3F95]  }
0x2c: {  	s7 =	sld [smem:$0x3F96]  }
0x2d: {  	s3 =	simm.s32 $0x108;
	s8 =	sld [smem:$0x3F97]  }
0x2e: {  	s3 =	simm.s32 @!p0 $0x1082;
	s9 =	sld [smem:$0x3F98]  }
0x2f: {  	lr =	sadd.s32 s0, s3;
	s0 =	sld [smem:$0x3F8F]  }
0x30: {  	s3 =	sld [smem:$0x3F92]  }
0x31: {  	[smem:$0x3F9B] =	sst s10  }
0x32: {  	s10 =	sld [smem:$0x3F99];
	_ =	sdelay $0x3  }
0x33: {  	p0 =	seq.s32 s10, $0x1;
	s10 =	sld [smem:$0x3F9B];
	_ =	sdelay $0x3  }
0x34: {  	[smem:$0x3F9B] =	sst s10  }
0x35: {  	s10 =	sld [smem:$0x3F9A];
	_ =	sdelay $0x3  }
0x36: {  	p1 =	seq.s32 s10, $0x1;
	s10 =	sld [smem:$0x3F9B];
	_ =	sdelay $0x3  }
0x37: {  	[smem:$0x3F9B] =	sst s10  }
0x38: {  	s10 =	sld [smem:$0x3F9C]  }
0x39: {  	_ = 	snop;
	(pc) =	sbr.ind lr, $3  }
0x3a: {  	_ = 	snop  }
0x3b: {  	_ = 	snop  }
0x3c: {  	p2 =	seq.s32 s10, $0x1;
	s10 =	sld [smem:$0x3F9B]  }
0x3d: {  	_ =	shalt  }
0x3e: {  	_ =	shalt  }
0x3f: {  	_ =	shalt  }
0x40: {  	_ =	shalt  }
0x41: {  	_ =	shalt  }
0x42: {  	_ =	shalt  }
0x43: {  	_ =	shalt  }
0x44: {  	_ =	shalt  }
0x45: {  	_ =	shalt  }
0x46: {  	_ =	shalt  }
0x47: {  	_ =	shalt  }
0x48: {  	_ =	shalt  }
0x49: {  	_ =	shalt  }
0x4a: {  	_ =	shalt  }
0x4b: {  	_ =	shalt  }
0x4c: {  	_ =	shalt  }
0x4d: {  	_ =	shalt  }
0x4e: {  	_ =	shalt  }
0x4f: {  	_ =	shalt  }
0x50: {  	_ =	shalt  }
0x51: {  	_ =	shalt  }
0x52: {  	_ =	shalt  }
0x53: {  	_ =	shalt  }
0x54: {  	_ =	shalt  }
0x55: {  	_ =	shalt  }
0x56: {  	_ =	shalt  }
0x57: {  	_ =	shalt  }
0x58: {  	_ =	shalt  }
0x59: {  	_ =	shalt  }
0x5a: {  	_ =	shalt  }
0x5b: {  	_ =	shalt  }
0x5c: {  	_ =	shalt  }
0x5d: {  	_ =	shalt  }
0x5e: {  	_ =	shalt  }
0x5f: {  	_ =	shalt  }
0x60: {  	_ =	shalt  }
0x61: {  	_ =	shalt  }
0x62: {  	_ =	shalt  }
0x63: {  	_ =	shalt  }
0x64: {  	_ =	shalt  }
0x65: {  	_ =	shalt  }
0x66: {  	_ =	shalt  }
0x67: {  	_ =	shalt  }
0x68: {  	_ =	shalt  }
0x69: {  	_ =	shalt  }
0x6a: {  	_ =	shalt  }
0x6b: {  	_ =	shalt  }
0x6c: {  	_ =	shalt  }
0x6d: {  	_ =	shalt  }
0x6e: {  	_ =	shalt  }
0x6f: {  	_ =	shalt  }
0x70: {  	_ =	shalt  }
0x71: {  	_ =	shalt  }
0x72: {  	_ =	shalt  }
0x73: {  	_ =	shalt  }
0x74: {  	_ =	shalt  }
0x75: {  	_ =	shalt  }
0x76: {  	_ =	shalt  }
0x77: {  	_ =	shalt  }
0x78: {  	_ =	shalt  }
0x79: {  	_ =	shalt  }
0x7a: {  	_ =	shalt  }
0x7b: {  	_ =	shalt  }
0x7c: {  	_ =	shalt  }
0x7d: {  	_ =	shalt  }
0x7e: {  	_ =	shalt  }
0x7f: {  	_ =	shalt  }
0x80: {  	_ =	shalt  }
0x81: {  	_ =	shalt  }
0x82: {  	_ =	shalt  }
0x83: {  	_ =	shalt  }
0x84: {  	_ =	shalt  }
0x85: {  	_ =	shalt  }
0x86: {  	_ =	shalt  }
0x87: {  	_ =	shalt  }
.Lfunc_end0:
.L_simem_size_0:
called_computation_lowered:
.L_overlay_start_0:
0x88: {  	s2 =	sld [smem:$0x3FD9]  }
0x89: {  	s3 =	sld [smem:$0x3FFE];
	_ =	sdelay $0x1  }
0x8a: {  	s1 =	srdreg.scid  }
0x8b: {  	s0 =	sand.u32 $0x1, s1  }
0x8c: {  	s17 =	sshll.u32 s0, $0xA;
	s2 =	sadd.s32 s3, s2  }
0x8d: {  	s2 =	sadd.s32 s2, s17  }
0x8e: {  	[smem:$0x3FA7] =	sst s2  }
0x8f: {  	_ = 	snop  }
0x90: {  	s2 =	sld [smem:$0x3FC9]  }
0x91: {  	s18 =	sld [smem:$0x3FD0];
	(tm) =	ssettm $0x1  }
0x92: {  	s4 =	sld [smem:$0x3FFB];
	_ =	sdelay $0x3  }
0x93: {  	_ =	strace s4  }
0x94: {  	s4 =	sld [smem:$0x3FFC];
	_ =	sdelay $0x3  }
0x95: {  	_ =	strace s4  }
0x96: {  	s4 =	sld [smem:$0x3FFD];
	_ =	sdelay $0x3  }
0x97: {  	_ =	strace s4  }
0x98: {  	_ =	strace $0x8FFFFFFF  }
0x99: {  	s19 =	sld [smem:$0x3FDB];
	_ =	sdelay $0x1  }
0x9a: {  	s5 =	simm.s32 $_scs_section_size  }
0x9b: {  	s6 =	simm.s32 $_size__tile_overlayer_lowered;
	s7 =	simm.s32 $_tile_overlayer_lowered  }
0x9c: {  	s22 =	simm.s32 $0x1BFF;
	s21 =	sshll.u32 s7, $0x1;
	s4 =	sadd.s32 s5, s19  }
0x9d: {  	s8 =	simm.s32 $0x0;
	s20 =	sshll.u32 s6, $0x1;
	s6 =	sadd.s32 s21, s4  }
0x9e: {  	[timem:s8], [sflag:s22] =	dma.local [hbm:s6], s20  }
0x9f: {  	_ =	swait.ge [sflag:s22], s20  }
0xa0: {  	s5 =	ssub.s32 $0x0, s20;
	[sflag:s22] =	ssyncset.done $0x0  }
0xa1: {  	[sflag:s22] =	ssyncadd.s32 s5;
	_ =	sdelay $0x1  }
0xa2: {  	s23 =	simm.s32 $0x1B8B  }
0xa3: {  	_ =	swait.ge [sflag:s23], $0x1  }
0xa4: {  	[sflag:s23] =	ssyncset.done $0x0  }
0xa5: {  	s25 =	simm.s32 $0x1B8E;
	s24 =	sld [smem:$0x3FFE];
	[sflag:s23] =	ssyncadd.s32 $0xFFFFFFFF  }
0xa6: {  	s26 =	simm.s32 $execute0_lowered;
	[smem:$0x3FD2] =	sst s25  }
0xa7: {  	s6 =	sshll.u32 s26, $0x1;
	_ =	strace $0x80000046;
	[dreg:$0x1] =	wrdreg $0xFFFFFFFF  }
0xa8: {  	s28 =	simm.s32 $_size_execute0_lowered;
	s4 =	sadd.s32 s4, s6;
	[dreg:$0x0] =	wrdreg $0x0  }
0xa9: {  	s6 =	sshll.u32 s28, $0x1;
	[dreg:$0x2] =	wrdreg s4  }
0xaa: {  	[dreg:$0x3] =	wrdreg s6  }
0xab: {  	[dreg:$0x4] =	wrdreg $0xC0  }
0xac: {  	_ =	task [dreg:s8], $0x5FFFF  }
0xad: {  	[dreg:$0x1] =	wrdreg $0xFFFFFFFF  }
0xae: {  	[dreg:$0x0] =	wrdreg $0x60  }
0xaf: {  	[dreg:$0x2] =	wrdreg s2  }
0xb0: {  	[dreg:$0x3] =	wrdreg s24  }
0xb1: {  	[dreg:$0x4] =	wrdreg s18  }
0xb2: {  	[dreg:$0x5] =	wrdreg $0x0  }
0xb3: {  	[dreg:$0x6] =	wrdreg $0x9  }
0xb4: {  	_ =	task.clear_ibuf [dreg:s8], $0x7FFFF;
	_ =	strace $0x90000046  }
0xb5: {  	s29 =	simm.s32 $0x9;
	_ =	strace $0x80000048  }
0xb6: {  	_ =	swait.ge [sflag:s29], $0x1  }
0xb7: {  	[sflag:s29] =	ssyncadd.s32 $0xFFFFFFFF  }
0xb8: {  	_ =	strace $0x90000048  }
0xb9: {  	_ =	sfence  }
0xba: {  	s30 =	sld [smem:$0x0];
	_ =	sdelay $0x2  }
0xbb: {  	s31 =	sshll.u32 s1, $0xD;
	s1 =	sshrl.u32 s1, $0x2  }
0xbc: {  	s3 =	sand.u32 $0x4000, s31;
	s1 =	sadd.s32 s1, s30  }
0xbd: {  	s0 =	sor.u32 s3, s0;
	s1 =	sshll.u32 s1, $0x11  }
0xbe: {  	s0 =	sor.u32 s1, s0  }
0xbf: {  	s0 =	sadd.s32 $0x8F2B, s0  }
0xc0: {  	[sflag:s0] =	ssyncadd.remote.s32 $0x1  }
0xc1: {  	_ =	sfence.sel $0xFFFF  }
0xc2: {  	[dreg:$0x0] =	wrdreg $0xFFFFFFFF;
	(pc) =	sbr.abs _section_cstart, $3  }
0xc3: {  	[dreg:$0x1] =	wrdreg $0xFFFFFFFF  }
0xc4: {  	_ =	task.clear_ibuf [dreg:s8], $0x2FFFF;
	_ =	strace $0x9FFFFFFF  }
0xc5: {  	(tm) =	ssettm $0x7FFFFFFF  }
tec
execute0_lowered:
.L_overlay_start_1:
0x0: {  	(tag) =	ssettag $0x1  }
0x1: {  	s1 =	rddreg [dreg:$0x0]  }
0x2: {  	s0 =	rddreg [dreg:$0x1]  }
0x3: {  	s2 =	srdreg.scid;
	s3 =	stileid.u32  }
0x4: {  	s4 =	rddreg [dreg:$0x3];
	s19 =	simm.s32 $0x13C00;
	s20 =	simm.s32 $0x3  }
0x5: {  	s22 =	simm.s32 $0x19380;
	s23 =	simm.s32 $0x68;
	s28 =	simm.s32 $0x1C800  }
0x6: {  	s29 =	simm.s32 $0x1;
	s30 =	simm.s32 $0x2;
	s2 =	sand.u32 $0x1, s2  }
0x7: {  	s5 =	sshll.u32 s3, $0x1;
	s26 =	smul.u32 $0x4F000, s3;
	p1 =	sne.s32 s3, $0xF  }
0x8: {  	p2 =	seq.s32 s3, $0xF;
	s15 =	sadd.s32 $0x128400, s4;
	s21 =	smul.u32 $0x2780, s3  }
0x9: {  	s31 =	sadd.s32 $0x25080, s1;
	s16 =	sadd.s32 $0x138800, s4;
	s6 =	sor.u32 s2, s5  }
0xa: {  	s5 =	simm.s32 $0x0;
	s8 =	smul.u32 $0x27800, s2;
	s10 =	ssub.s32 $0x2, s2  }
0xb: {  	p0 =	seq.s32 s2, $0x0;
	s7 =	smul.u32 $0x4E2, s6;
	[smem:$0x7FF] =	sst s5  }
0xc: {  	s24 =	smul.u32 $0x600, s6;
	s6 =	sshll.u32 s6, $0x4;
	s25 =	sshrl.u32 s10, $0x1  }
0xd: {  	p1 =	por !p0, !p1;
	p2 =	por !p0, !p2;
	_ =	strace $0x80000047  }
0xe: {  	s12 =	sadd.s32 s6, s0;
	s13 =	ssub.s32 s10, s25;
	s6 =	sshrl.u32 s26, $0x2  }
0xf: {  	p0 =	por !p1, !p1;
	p2 =	por !p2, !p2;
	[dreg:$0x5] =	wrdreg s31  }
0x10: {  	s25 =	simm.s32 $0x19400;
	s26 =	simm.s32 $0x0;
	s9 =	sadd.s32 s7, s0  }
0x11: {  	s11 =	sadd.s32 s24, s0;
	s0 =	sadd.s32 s8, s0;
	p1 =	por p2, p0  }
0x12: {  	s6 =	sadd.s32 s6, s4;
	s8 =	sadd.s32 s1, s21;
	p1 =	seq.s32 @!p1 s2, $0x0  }
0x13: {  	s9 =	sadd.s32 $0x5A00, s9;
	s10 =	sadd.s32 $0xFA00, s11;
	s11 =	sadd.s32 $0xF800, s12  }
0x14: {  	s0 =	sadd.s32 $0x1BA00, s0;
	s12 =	smax.u32 s13, $0x1;
	p1 =	por @!p0 p1, p2  }
0x15: {  	s18 =	sshrl.u32 @p0 s6, $0x3;
	p2 =	por !p2, p0;
	p1 =	por p1, p0  }
0x16: {  	s24 =	sadd.s32 s21, s0;
	s0 =	simm.s32 $0x10;
	s2 =	sshll.u32 @!p1 s3, $0x6  }
0x17: {  	s15 =	sshrl.u32 @!p2 s15, $0x3;
	s13 =	sor.u32 @!p1 $0x1C03, s2;
	s2 =	sshll.u32 @p0 s3, $0x6  }
0x18: {  	s16 =	sshrl.u32 @!p2 s16, $0x3;
	s14 =	sshrl.u32 @!p1 s6, $0x3;
	s17 =	sor.u32 @p0 $0x1C03, s2  }
.LBB2_1:
0x19: {  	s3 =	rddreg [dreg:$0x2];
	s2 =	simm.s32 @!p1 $0x3  }
0x1a: {  	[spmem:s14], [sflag:s13] =	dma.local @!p1 [hbm:s3], $0x2780  }
0x1b: {  	_ =	swait.ge @!p1 [sflag:s2], $0x2780  }
0x1c: {  	s21 =	simm.s32 @!p2 $0x3;
	[sflag:s2] =	ssyncset.done @!p1 $0x0  }
0x1d: {  	s7 =	rddreg [dreg:$0x5];
	[sflag:s2] =	ssyncadd.s32 @!p1 $0xFFFFD880;
	s2 =	simm.s32 @!p2 $0x1FC3  }
0x1e: {  	[spmem:s15], [sflag:s2] =	dma.local @!p2 [hbm:s7], $0x2080  }
0x1f: {  	_ =	swait.ge @!p2 [sflag:s21], $0x2080  }
0x20: {  	[sflag:s21] =	ssyncset.done @!p2 $0x0  }
0x21: {  	[sflag:s21] =	ssyncadd.s32 @!p2 $0xFFFFDF80  }
0x22: {  	[spmem:s16], [sflag:s2] =	dma.local @!p2 [hbm:s3], $0x700  }
0x23: {  	_ =	swait.ge @!p2 [sflag:s21], $0x700  }
0x24: {  	[sflag:s21] =	ssyncset.done @!p2 $0x0  }
0x25: {  	s2 =	simm.s32 @p0 $0x3;
	[sflag:s21] =	ssyncadd.s32 @!p2 $0xFFFFF900  }
0x26: {  	[spmem:s18], [sflag:s17] =	dma.local @p0 [hbm:s8], $0x2780  }
0x27: {  	_ =	swait.ge @p0 [sflag:s2], $0x2780  }
0x28: {  	[sflag:s2] =	ssyncset.done @p0 $0x0  }
0x29: {  	[sflag:s2] =	ssyncadd.s32 @p0 $0xFFFFD880  }
0x2a: {  	[tilespmem:s19], [sflag:$0x3] =	stream.linear.gather [hbm4b:s9+s5], $0x2710, $0x38;
	[tilespmem:$0x1FC00] =	vst v63  }
0x2b: {  	_ =	swait.ge [sflag:s20], $0x2710  }
0x2c: {  	[sflag:s20] =	ssyncset.done $0x0  }
0x2d: {  	s7 =	simm.s32 $0x16380;
	[sflag:s20] =	ssyncadd.s32 $0xFFFFD8F0  }
0x2e: {  	[tilespmem:s7], [sflag:$0x3] =	stream.linear.gather [hbm4b:s10+s5], $0x3000, $0x38;
	[tilespmem:$0x1FC00] =	vst v63  }
0x2f: {  	_ =	swait.ge [sflag:s20], $0x3000  }
0x30: {  	[sflag:s20] =	ssyncset.done $0x0  }
0x31: {  	[sflag:s20] =	ssyncadd.s32 $0xFFFFD000  }
0x32: {  	[tilespmem:s22], [sflag:$0x3] =	stream.linear.gather [hbm4b:s11+s5], $0x80, $0x38;
	[tilespmem:$0x1FC00] =	vst v63  }
0x33: {  	_ =	swait.ge [sflag:s20], $0x80  }
0x34: {  	[sflag:s20] =	ssyncset.done $0x0  }
0x35: {  	[sflag:s20] =	ssyncadd.s32 $0xFFFFFF80  }
0x36: {  	[bflag:$0x0] =	sbarrier.arrive $0xFFFF  }
0x37: {  	[tilespmem:s25], [sflag:$0x1] =	stream.indirect.gather [hbm4b:s1+s23], $0x80, s19, s23, $0xb8;
	[tilespmem:$0x1FC00] =	vst v63  }
0x38: {  	s21 =	simm.s32 $0x13C68  }
0x39: {  	[tilespmem:s28], [sflag:$0x2] =	stream.indirect.gather [hbm4b:s1+s23], $0x80, s21, s23, $0xb8;
	[tilespmem:$0x1FC00] =	vst v63  }
0x3a: {  	_ =	swait.ge [sflag:s29], $0x3400  }
0x3b: {  	[sflag:s29] =	ssyncset.done $0x0  }
0x3c: {  	s3 =	simm.s32 $0x16380;
	[sflag:s29] =	ssyncadd.s32 $0xFFFFCC00  }
0x3d: {  	[spmem:s4] =	stream.indirect.scatter.add.f32 [tilespmem:s25], [sflag:$0x3], $0x80, s3, s23, $0xb8;
	[tilespmem:$0x1FC00] =	vst v63  }
0x3e: {  	_ =	swait.ge [sflag:s20], $0x3400  }
0x3f: {  	[sflag:s20] =	ssyncset.done $0x0  }
0x40: {  	s7 =	simm.s32 $0x13CD0;
	[sflag:s20] =	ssyncadd.s32 $0xFFFFCC00  }
0x41: {  	[tilespmem:s25], [sflag:$0x1] =	stream.indirect.gather [hbm4b:s1+s23], $0x80, s7, s23, $0xb8;
	[tilespmem:$0x1FC00] =	vst v63  }
0x42: {  	_ =	swait.ge [sflag:s30], $0x3400  }
0x43: {  	[sflag:s30] =	ssyncset.done $0x0  }
0x44: {  	s21 =	simm.s32 $0x16400;
	[sflag:s30] =	ssyncadd.s32 $0xFFFFCC00  }
0x45: {  	[spmem:s4] =	stream.indirect.scatter.add.f32 [tilespmem:s28], [sflag:$0x3], $0x80, s21, s23, $0xb8;
	[tilespmem:$0x1FC00] =	vst v63  }
0x46: {  	_ =	swait.ge [sflag:s20], $0x3400  }
0x47: {  	s31 =	simm.s32 $0x13D38;
	[sflag:s20] =	ssyncset.done $0x0  }
0x48: {  	s2 =	simm.s32 $0x400;
	s21 =	simm.s32 $0x13E08;
	[sflag:s20] =	ssyncadd.s32 $0xFFFFCC00  }
.LBB2_2:
0x49: {  	[tilespmem:s28], [sflag:$0x2] =	stream.indirect.gather [hbm4b:s1+s23], $0x80, s31, s23, $0xb8;
	[tilespmem:$0x1FC00] =	vst v63  }
0x4a: {  	s3 =	smov.u32 s2;
	s31 =	smov.u32 s21  }
0x4b: {  	p3 =	sne.s32 s2, $0xB800;
	s2 =	sadd.s32 $0x400, s2;
	_ =	swait.ge [sflag:s29], $0x3400  }
0x4c: {  	s3 =	sshra.s32 s3, $0x2;
	[sflag:s29] =	ssyncset.done $0x0  }
0x4d: {  	s7 =	sadd.s32 $0x16380, s3;
	[sflag:s29] =	ssyncadd.s32 $0xFFFFCC00  }
0x4e: {  	[spmem:s4] =	stream.indirect.scatter.add.f32 [tilespmem:s25], [sflag:$0x3], $0x80, s7, s23, $0xb8;
	[tilespmem:$0x1FC00] =	vst v63  }
0x4f: {  	_ =	swait.ge [sflag:s20], $0x3400  }
0x50: {  	[sflag:s20] =	ssyncset.done $0x0  }
0x51: {  	s7 =	sadd.s32 $0xFFFFFF98, s21;
	[sflag:s20] =	ssyncadd.s32 $0xFFFFCC00  }
0x52: {  	[tilespmem:s25], [sflag:$0x1] =	stream.indirect.gather [hbm4b:s1+s23], $0x80, s7, s23, $0xb8;
	[tilespmem:$0x1FC00] =	vst v63  }
0x53: {  	_ =	swait.ge [sflag:s30], $0x3400  }
0x54: {  	[sflag:s30] =	ssyncset.done $0x0  }
.Ltmp0:
0x55: {  	s3 =	sadd.s32 $0x16400, s3;
	[sflag:s30] =	ssyncadd.s32 $0xFFFFCC00;
	(pc) =	sbr.rel @p3 .LBB2_2-.Ltmp0, $4  }
0x56: {  	[spmem:s4] =	stream.indirect.scatter.add.f32 [tilespmem:s28], [sflag:$0x3], $0x80, s3, s23, $0xb8;
	[tilespmem:$0x1FC00] =	vst v63  }
0x57: {  	_ =	swait.ge [sflag:s20], $0x3400  }
0x58: {  	[sflag:s20] =	ssyncset.done $0x0  }
0x59: {  	s21 =	sadd.s32 $0xD0, s21;
	[sflag:s20] =	ssyncadd.s32 $0xFFFFCC00  }
0x5a: {  	[tilespmem:s28], [sflag:$0x2] =	stream.indirect.gather [hbm4b:s1+s23], $0x80, s31, s23, $0xb8;
	[tilespmem:$0x1FC00] =	vst v63  }
0x5b: {  	_ =	swait.ge [sflag:s29], $0x3400  }
0x5c: {  	[sflag:s29] =	ssyncset.done $0x0  }
0x5d: {  	s2 =	simm.s32 $0x19280;
	[sflag:s29] =	ssyncadd.s32 $0xFFFFCC00  }
0x5e: {  	[spmem:s4] =	stream.indirect.scatter.add.f32 [tilespmem:s25], [sflag:$0x3], $0x80, s2, s23, $0xb8;
	[tilespmem:$0x1FC00] =	vst v63  }
0x5f: {  	_ =	swait.ge [sflag:s20], $0x3400  }
0x60: {  	[sflag:s20] =	ssyncset.done $0x0  }
0x61: {  	[sflag:s20] =	ssyncadd.s32 $0xFFFFCC00  }
0x62: {  	_ =	swait.ge [sflag:s30], $0x3400  }
0x63: {  	[sflag:s30] =	ssyncset.done $0x0  }
0x64: {  	s7 =	simm.s32 $0x19300;
	[sflag:s30] =	ssyncadd.s32 $0xFFFFCC00  }
0x65: {  	[spmem:s4] =	stream.indirect.scatter.add.f32 [tilespmem:s28], [sflag:$0x3], $0x80, s7, s23, $0xb8;
	[tilespmem:$0x1FC00] =	vst v63  }
0x66: {  	_ =	swait.ge [sflag:s20], $0x3400  }
0x67: {  	[sflag:s20] =	ssyncset.done $0x0  }
0x68: {  	s21 =	simm.s32 $0x16300;
	[sflag:s20] =	ssyncadd.s32 $0xFFFFCC00  }
0x69: {  	[tilespmem:s25], [sflag:$0x1] =	stream.indirect.gather [hbm4b:s1+s0], $0x80, s21, s0, $0xb8;
	[tilespmem:$0x1FC00] =	vst v63  }
0x6a: {  	_ =	swait.ge [sflag:s29], $0x800  }
0x6b: {  	[sflag:s29] =	ssyncset.done $0x0  }
0x6c: {  	[sflag:s29] =	ssyncadd.s32 $0xFFFFF800  }
0x6d: {  	[spmem:s4] =	stream.indirect.scatter.add.f32 [tilespmem:s25], [sflag:$0x3], $0x80, s22, s0, $0xb8;
	[tilespmem:$0x1FC00] =	vst v63  }
0x6e: {  	s31 =	stileid.u32;
	_ =	swait.ge [sflag:s20], $0x800  }
0x6f: {  	s3 =	sshrl.u32 s6, $0x3;
	s26 =	sadd.s32 $0x1, s26;
	[sflag:s20] =	ssyncset.done $0x0  }
0x70: {  	p3 =	sne.s32 s26, s12;
	s2 =	sshll.u32 s31, $0x6;
	[sflag:s20] =	ssyncadd.s32 $0xFFFFF800  }
.Ltmp1:
0x71: {  	s2 =	sor.u32 $0x1C03, s2;
	[bflag:$0x0] =	sbarrier.arrive $0xFFFF;
	(pc) =	sbr.rel @p3 .LBB2_1-.Ltmp1, $4  }
0x72: {  	[hbm:s24], [sflag:s2] =	dma.local [spmem:s3], $0x2780  }
0x73: {  	_ =	swait.ge [sflag:s20], $0x2780  }
0x74: {  	[sflag:s20] =	ssyncset.done $0x0  }
0x75: {  	[sflag:s20] =	ssyncadd.s32 $0xFFFFD880  }
0x76: {  	_ =	sfence.sel $0x180000  }
0x77: {  	[bflag:$0x0] =	sbarrier.arrive $0xFFFF  }
0x78: {  	_ =	strace $0x90000047  }
0x79: {  	s0 =	stileid.u32;
	[bflag:$0x2] =	sbarrier.arrive $0xFFFF  }
0x7a: {  	p0 =	sne.s32 s0, $0x0;
	s0 =	rddreg [dreg:$0x4]  }
0x7b: {  	s0 =	sadd.s32 @!p0 $0x100000, s0  }
0x7c: {  	[sflag:s0] =	ssyncadd.tile.s32 @!p0 $0x1;
	_ =	shalt  }
.Lfunc_end2:
_tile_overlayer_lowered:
.L_overlay_start_2:
0x7d: {  	(tag) =	ssettag $0x2  }
0x7e: {  	s0 =	rddreg [dreg:$0x0];
	s2 =	stileid.u32  }
0x7f: {  	s1 =	rddreg [dreg:$0x1];
	p0 =	sne.s32 s2, $0x0  }
0x80: {  	s3 =	rddreg [dreg:$0x2];
	[bflag:$0x3] =	sbarrier.arrive $0xFFFF;
	s2 =	simm.s32 @!p0 $0x1C03  }
0x81: {  	[timem:s3], [sflag:s2] =	dma.local @!p0 [hbm:s0], s1  }
0x82: {  	s0 =	simm.s32 @!p0 $0x3  }
0x83: {  	_ =	swait.ge @!p0 [sflag:s0], s1  }
0x84: {  	s1 =	ssub.s32 @!p0 $0x0, s1;
	[sflag:s0] =	ssyncset.done @!p0 $0x0  }
0x85: {  	[sflag:s0] =	ssyncadd.s32 @!p0 s1  }
0x86: {  	[bflag:$0x3] =	sbarrier.arrive $0xFFFF  }
0x87: {  	_ =	shalt  }

// kernel: kernel.18.cloned.1.call-start
scs
__scs_entry_jumppad:
0x0: {  	(pc) =	sbr.rel $0x88, $3  }
0x1: {  	(tag) =	ssettag $0x0;
	lr =	simm.s32 $0x1  }
0x2: {  	[smem:$0x3F80] =	sst lr;
	_ =	strace $0xD0000000  }
0x3: {  	_ = 	snop  }
0x4: {  	_ = 	snop  }
0x5: {  	_ = 	snop  }
0x6: {  	_ = 	snop  }
0x7: {  	_ = 	snop  }
__scs_overlays_trampoline_lowered:
0x8: {  	[smem:$0x3F8F] =	sst s0  }
0x9: {  	[smem:$0x3F90] =	sst s1  }
0xa: {  	[smem:$0x3F91] =	sst s2  }
0xb: {  	[smem:$0x3F92] =	sst s3  }
0xc: {  	[smem:$0x3F93] =	sst s4  }
0xd: {  	[smem:$0x3F94] =	sst s5  }
0xe: {  	[smem:$0x3F95] =	sst s6  }
0xf: {  	[smem:$0x3F96] =	sst s7  }
0x10: {  	[smem:$0x3F97] =	sst s8  }
0x11: {  	[smem:$0x3F98] =	sst s9;
	s0 =	simm.s32 @!p0 $0x0  }
0x12: {  	s1 =	sld [smem:$0x3F7E];
	s0 =	simm.s32 @p0 $0x1  }
0x13: {  	[smem:$0x3F99] =	sst s0;
	s0 =	simm.s32 @!p1 $0x0  }
0x14: {  	s2 =	sld [smem:$0x3F7D];
	s0 =	simm.s32 @p1 $0x1  }
0x15: {  	[smem:$0x3F9A] =	sst s0;
	s0 =	simm.s32 @!p2 $0x0  }
0x16: {  	s3 =	sld [smem:$0x3FDB];
	s0 =	simm.s32 @p2 $0x1  }
0x17: {  	s4 =	simm.s32 $0x1BF5;
	[smem:$0x3F9C] =	sst s0  }
0x18: {  	s0 =	sld [smem:$0x3F7F];
	_ =	swait.ge [sflag:s4], $0x0  }
0x19: {  	s7 =	sld [smem:$0x3F80]  }
0x1a: {  	s8 =	sadd.s32 $0xFFFFE003, lr  }
0x1b: {  	s9 =	sadd.s32 $0xFFFFFEF7, lr;
	s5 =	simm.s32 $0xFFFFFFFF;
	p2 =	slt.u32 s8, $0xFFFFF086  }
0x1c: {  	p1 =	slt.u32 s9, $0xF7A;
	s5 =	simm.s32 @!p2 $0x0  }
0x1d: {  	s5 =	simm.s32 @p1 $0x1;
	p0 =	seq.s32 s7, s2  }
0x1e: {  	s7 =	smul.u32 @!p0 $0xF7A, s2;
	p2 =	seq.s32 @!p0 s5, $0x0  }
0x1f: {  	s9 =	smul.u32 $0xF7A, s1;
	s8 =	simm.s32 @!p0 $0x1BF5;
	p2 =	por !p2, p0  }
0x20: {  	[sflag:s8] =	ssyncset.s32 @!p0 $0xFFFFF086;
	s6 =	sadd.s32 @!p0 s3, s7;
	s7 =	simm.s32 @!p0 $0x108  }
0x21: {  	s3 =	sadd.s32 s3, s9;
	s6 =	sadd.s32 @!p0 $0x88, s6;
	s7 =	simm.s32 @p2 $0x1082  }
0x22: {  	[simem:s7], [sflag:s8] =	dma.local @!p0 [hbm:s6], $0xF7A  }
0x23: {  	s9 =	sor.u32 $0xD0000000, s2;
	s6 =	simm.s32 $0x108;
	_ =	swait.ge @!p0 [sflag:s8], $0x0  }
0x24: {  	s3 =	sadd.s32 $0x88, s3;
	s6 =	simm.s32 @!p1 $0x1082;
	[sflag:s4] =	ssyncset.s32 $0xFFFFF086  }
0x25: {  	[simem:s6], [sflag:s4] =	dma.local [hbm:s3], $0xF7A  }
0x26: {  	[smem:$0x3F80] =	sst s1;
	(tag) =	ssettag s2;
	_ =	strace s9  }
0x27: {  	s1 =	sld [smem:$0x3F90]  }
0x28: {  	s2 =	sld [smem:$0x3F91]  }
0x29: {  	s4 =	sld [smem:$0x3F93]  }
0x2a: {  	p0 =	seq.s32 s5, $0x0;
	s5 =	sld [smem:$0x3F94]  }
0x2b: {  	s6 =	sld [smem:$0x3F95]  }
0x2c: {  	s7 =	sld [smem:$0x3F96]  }
0x2d: {  	s3 =	simm.s32 $0x108;
	s8 =	sld [smem:$0x3F97]  }
0x2e: {  	s3 =	simm.s32 @!p0 $0x1082;
	s9 =	sld [smem:$0x3F98]  }
0x2f: {  	lr =	sadd.s32 s0, s3;
	s0 =	sld [smem:$0x3F8F]  }
0x30: {  	s3 =	sld [smem:$0x3F92]  }
0x31: {  	[smem:$0x3F9B] =	sst s10  }
0x32: {  	s10 =	sld [smem:$0x3F99];
	_ =	sdelay $0x3  }
0x33: {  	p0 =	seq.s32 s10, $0x1;
	s10 =	sld [smem:$0x3F9B];
	_ =	sdelay $0x3  }
0x34: {  	[smem:$0x3F9B] =	sst s10  }
0x35: {  	s10 =	sld [smem:$0x3F9A];
	_ =	sdelay $0x3  }
0x36: {  	p1 =	seq.s32 s10, $0x1;
	s10 =	sld [smem:$0x3F9B];
	_ =	sdelay $0x3  }
0x37: {  	[smem:$0x3F9B] =	sst s10  }
0x38: {  	s10 =	sld [smem:$0x3F9C]  }
0x39: {  	_ = 	snop;
	(pc) =	sbr.ind lr, $3  }
0x3a: {  	_ = 	snop  }
0x3b: {  	_ = 	snop  }
0x3c: {  	p2 =	seq.s32 s10, $0x1;
	s10 =	sld [smem:$0x3F9B]  }
0x3d: {  	_ =	shalt  }
0x3e: {  	_ =	shalt  }
0x3f: {  	_ =	shalt  }
0x40: {  	_ =	shalt  }
0x41: {  	_ =	shalt  }
0x42: {  	_ =	shalt  }
0x43: {  	_ =	shalt  }
0x44: {  	_ =	shalt  }
0x45: {  	_ =	shalt  }
0x46: {  	_ =	shalt  }
0x47: {  	_ =	shalt  }
0x48: {  	_ =	shalt  }
0x49: {  	_ =	shalt  }
0x4a: {  	_ =	shalt  }
0x4b: {  	_ =	shalt  }
0x4c: {  	_ =	shalt  }
0x4d: {  	_ =	shalt  }
0x4e: {  	_ =	shalt  }
0x4f: {  	_ =	shalt  }
0x50: {  	_ =	shalt  }
0x51: {  	_ =	shalt  }
0x52: {  	_ =	shalt  }
0x53: {  	_ =	shalt  }
0x54: {  	_ =	shalt  }
0x55: {  	_ =	shalt  }
0x56: {  	_ =	shalt  }
0x57: {  	_ =	shalt  }
0x58: {  	_ =	shalt  }
0x59: {  	_ =	shalt  }
0x5a: {  	_ =	shalt  }
0x5b: {  	_ =	shalt  }
0x5c: {  	_ =	shalt  }
0x5d: {  	_ =	shalt  }
0x5e: {  	_ =	shalt  }
0x5f: {  	_ =	shalt  }
0x60: {  	_ =	shalt  }
0x61: {  	_ =	shalt  }
0x62: {  	_ =	shalt  }
0x63: {  	_ =	shalt  }
0x64: {  	_ =	shalt  }
0x65: {  	_ =	shalt  }
0x66: {  	_ =	shalt  }
0x67: {  	_ =	shalt  }
0x68: {  	_ =	shalt  }
0x69: {  	_ =	shalt  }
0x6a: {  	_ =	shalt  }
0x6b: {  	_ =	shalt  }
0x6c: {  	_ =	shalt  }
0x6d: {  	_ =	shalt  }
0x6e: {  	_ =	shalt  }
0x6f: {  	_ =	shalt  }
0x70: {  	_ =	shalt  }
0x71: {  	_ =	shalt  }
0x72: {  	_ =	shalt  }
0x73: {  	_ =	shalt  }
0x74: {  	_ =	shalt  }
0x75: {  	_ =	shalt  }
0x76: {  	_ =	shalt  }
0x77: {  	_ =	shalt  }
0x78: {  	_ =	shalt  }
0x79: {  	_ =	shalt  }
0x7a: {  	_ =	shalt  }
0x7b: {  	_ =	shalt  }
0x7c: {  	_ =	shalt  }
0x7d: {  	_ =	shalt  }
0x7e: {  	_ =	shalt  }
0x7f: {  	_ =	shalt  }
0x80: {  	_ =	shalt  }
0x81: {  	_ =	shalt  }
0x82: {  	_ =	shalt  }
0x83: {  	_ =	shalt  }
0x84: {  	_ =	shalt  }
0x85: {  	_ =	shalt  }
0x86: {  	_ =	shalt  }
0x87: {  	_ =	shalt  }
.Lfunc_end0:
.L_simem_size_0:
called_computation.1_lowered:
.L_overlay_start_0:
0x88: {  	s2 =	sld [smem:$0x3FD9]  }
0x89: {  	s3 =	sld [smem:$0x3FFE];
	_ =	sdelay $0x1  }
0x8a: {  	s1 =	srdreg.scid  }
0x8b: {  	s0 =	sand.u32 $0x1, s1  }
0x8c: {  	s17 =	sshll.u32 s0, $0xA;
	s2 =	sadd.s32 s3, s2  }
0x8d: {  	s2 =	sadd.s32 s2, s17  }
0x8e: {  	[smem:$0x3FA7] =	sst s2  }
0x8f: {  	_ = 	snop  }
0x90: {  	s2 =	sld [smem:$0x3FD0];
	(tm) =	ssettm $0x1  }
0x91: {  	s18 =	sld [smem:$0x3FFB];
	_ =	sdelay $0x3  }
0x92: {  	_ =	strace s18  }
0x93: {  	s3 =	sld [smem:$0x3FFC];
	_ =	sdelay $0x3  }
0x94: {  	_ =	strace s3  }
0x95: {  	s3 =	sld [smem:$0x3FFD];
	_ =	sdelay $0x3  }
0x96: {  	_ =	strace s3  }
0x97: {  	_ =	strace $0x8FFFFFFF  }
0x98: {  	s19 =	sld [smem:$0x3FDB];
	_ =	sdelay $0x1  }
0x99: {  	s4 =	simm.s32 $_scs_section_size  }
0x9a: {  	s5 =	simm.s32 $_size__tile_overlayer_lowered;
	s6 =	simm.s32 $_tile_overlayer_lowered  }
0x9b: {  	s22 =	simm.s32 $0x1BFF;
	s21 =	sshll.u32 s6, $0x1;
	s3 =	sadd.s32 s4, s19  }
0x9c: {  	s7 =	simm.s32 $0x0;
	s20 =	sshll.u32 s5, $0x1;
	s5 =	sadd.s32 s21, s3  }
0x9d: {  	[timem:s7], [sflag:s22] =	dma.local [hbm:s5], s20  }
0x9e: {  	_ =	swait.ge [sflag:s22], s20  }
0x9f: {  	s4 =	ssub.s32 $0x0, s20;
	[sflag:s22] =	ssyncset.done $0x0  }
0xa0: {  	[sflag:s22] =	ssyncadd.s32 s4;
	_ =	sdelay $0x1  }
0xa1: {  	s23 =	simm.s32 $0x1B8B  }
0xa2: {  	_ =	swait.ge [sflag:s23], $0x1  }
0xa3: {  	[sflag:s23] =	ssyncset.done $0x0  }
0xa4: {  	s25 =	simm.s32 $0x1B8E;
	s24 =	sld [smem:$0x3FFE];
	[sflag:s23] =	ssyncadd.s32 $0xFFFFFFFF  }
0xa5: {  	s26 =	simm.s32 $execute0_lowered;
	[smem:$0x3FD2] =	sst s25  }
0xa6: {  	s5 =	sshll.u32 s26, $0x1;
	_ =	strace $0x80000049;
	[dreg:$0x1] =	wrdreg $0xFFFFFFFF  }
0xa7: {  	s28 =	simm.s32 $_size_execute0_lowered;
	s3 =	sadd.s32 s3, s5;
	[dreg:$0x0] =	wrdreg $0x0  }
0xa8: {  	s5 =	sshll.u32 s28, $0x1;
	[dreg:$0x2] =	wrdreg s3  }
0xa9: {  	[dreg:$0x3] =	wrdreg s5  }
0xaa: {  	[dreg:$0x4] =	wrdreg $0xC0  }
0xab: {  	_ =	task [dreg:s7], $0x5FFFF  }
0xac: {  	[dreg:$0x1] =	wrdreg $0xFFFFFFFF  }
0xad: {  	[dreg:$0x0] =	wrdreg $0x60  }
0xae: {  	[dreg:$0x2] =	wrdreg s24  }
0xaf: {  	[dreg:$0x3] =	wrdreg s2  }
0xb0: {  	[dreg:$0x4] =	wrdreg $0x0  }
0xb1: {  	[dreg:$0x5] =	wrdreg $0x9  }
0xb2: {  	_ =	task.clear_ibuf [dreg:s7], $0x6FFFF;
	_ =	strace $0x90000049  }
0xb3: {  	s29 =	simm.s32 $0x9;
	_ =	strace $0x8000004B  }
0xb4: {  	_ =	swait.ge [sflag:s29], $0x1  }
0xb5: {  	[sflag:s29] =	ssyncadd.s32 $0xFFFFFFFF  }
0xb6: {  	_ =	strace $0x9000004B  }
0xb7: {  	_ =	sfence  }
0xb8: {  	s30 =	sld [smem:$0x0];
	_ =	sdelay $0x2  }
0xb9: {  	s31 =	sshll.u32 s1, $0xD;
	s1 =	sshrl.u32 s1, $0x2  }
0xba: {  	s3 =	sand.u32 $0x4000, s31;
	s1 =	sadd.s32 s1, s30  }
0xbb: {  	s0 =	sor.u32 s3, s0;
	s1 =	sshll.u32 s1, $0x11  }
0xbc: {  	s0 =	sor.u32 s1, s0  }
0xbd: {  	s0 =	sadd.s32 $0x8F2B, s0  }
0xbe: {  	[sflag:s0] =	ssyncadd.remote.s32 $0x1  }
0xbf: {  	_ =	sfence.sel $0xFFFF  }
0xc0: {  	[dreg:$0x0] =	wrdreg $0xFFFFFFFF;
	(pc) =	sbr.abs _section_cstart, $3  }
0xc1: {  	[dreg:$0x1] =	wrdreg $0xFFFFFFFF  }
0xc2: {  	_ =	task.clear_ibuf [dreg:s7], $0x2FFFF;
	_ =	strace $0x9FFFFFFF  }
0xc3: {  	(tm) =	ssettm $0x7FFFFFFF  }
tec
execute0_lowered:
.L_overlay_start_1:
0x0: {  	(tag) =	ssettag $0x1  }
0x1: {  	s0 =	rddreg [dreg:$0x0];
	s1 =	srdreg.scid  }
0x2: {  	s2 =	stileid.u32;
	s3 =	rddreg [dreg:$0x2]  }
0x3: {  	s4 =	simm.s32 $0x0;
	s19 =	simm.s32 $0x13C00;
	s20 =	simm.s32 $0x3  }
0x4: {  	s22 =	simm.s32 $0x19380;
	s23 =	simm.s32 $0x68;
	s28 =	simm.s32 $0x1C800  }
0x5: {  	s29 =	simm.s32 $0x1;
	s30 =	simm.s32 $0x2;
	s1 =	sand.u32 $0x1, s1  }
0x6: {  	s5 =	sshll.u32 s2, $0x1;
	[smem:$0x7FF] =	sst s4;
	s26 =	smul.u32 $0x4F000, s2  }
0x7: {  	p1 =	sne.s32 s2, $0xF;
	p2 =	seq.s32 s2, $0xF;
	s21 =	smul.u32 $0x2780, s2  }
0x8: {  	s15 =	sadd.s32 $0x128400, s3;
	s6 =	sor.u32 s1, s5;
	s8 =	smul.u32 $0x27800, s1  }
0x9: {  	_ =	strace $0x8000004A;
	s5 =	sadd.s32 $0x1BA00, s0;
	s7 =	smul.u32 $0x4E2, s6  }
0xa: {  	s10 =	ssub.s32 $0x2, s1;
	p0 =	seq.s32 s1, $0x0;
	s24 =	smul.u32 $0x600, s6  }
0xb: {  	s6 =	sshll.u32 s6, $0x4;
	s25 =	sshrl.u32 s10, $0x1;
	p1 =	por !p0, !p1  }
0xc: {  	p2 =	por !p0, !p2;
	s12 =	sadd.s32 s6, s0;
	s13 =	sadd.s32 s8, s0  }
0xd: {  	s14 =	ssub.s32 s10, s25;
	s6 =	sshrl.u32 s26, $0x2;
	p0 =	por !p1, !p1  }
0xe: {  	p2 =	por !p2, !p2;
	s8 =	sadd.s32 s5, s21;
	s25 =	simm.s32 $0x19400  }
0xf: {  	s26 =	simm.s32 $0x0;
	s9 =	sadd.s32 s7, s0;
	s11 =	sadd.s32 s24, s0  }
0x10: {  	s6 =	sadd.s32 s6, s3;
	p1 =	por p2, p0;
	s0 =	sadd.s32 $0x40A80, s0  }
0x11: {  	s31 =	sadd.s32 $0x42C00, s13;
	[dreg:$0x4] =	wrdreg s0;
	s0 =	sadd.s32 $0x138800, s3  }
0x12: {  	p1 =	seq.s32 @!p1 s1, $0x0;
	s9 =	sadd.s32 $0x5A00, s9;
	s10 =	sadd.s32 $0xFA00, s11  }
0x13: {  	s11 =	sadd.s32 $0xF800, s12;
	s12 =	smax.u32 s14, $0x1;
	s18 =	sshrl.u32 @p0 s6, $0x3  }
0x14: {  	s24 =	sadd.s32 s21, s31;
	p1 =	por @!p0 p1, p2;
	p2 =	por !p2, p0  }
0x15: {  	p1 =	por p1, p0;
	s15 =	sshrl.u32 @!p2 s15, $0x3;
	s16 =	sshrl.u32 @!p2 s0, $0x3  }
0x16: {  	s0 =	sshll.u32 @p0 s2, $0x6;
	s13 =	sshll.u32 @!p1 s2, $0x6;
	s14 =	sshrl.u32 @!p1 s6, $0x3  }
0x17: {  	s17 =	sor.u32 @p0 $0x1C03, s0;
	s0 =	simm.s32 $0x10;
	s13 =	sor.u32 @!p1 $0x1C03, s13  }
.LBB2_1:
0x18: {  	s2 =	rddreg [dreg:$0x1];
	s1 =	simm.s32 @!p1 $0x3  }
0x19: {  	[spmem:s14], [sflag:s13] =	dma.local @!p1 [hbm:s2], $0x2780  }
0x1a: {  	_ =	swait.ge @!p1 [sflag:s1], $0x2780  }
0x1b: {  	s21 =	simm.s32 @!p2 $0x3;
	[sflag:s1] =	ssyncset.done @!p1 $0x0  }
0x1c: {  	s7 =	rddreg [dreg:$0x4];
	[sflag:s1] =	ssyncadd.s32 @!p1 $0xFFFFD880;
	s1 =	simm.s32 @!p2 $0x1FC3  }
0x1d: {  	[spmem:s15], [sflag:s1] =	dma.local @!p2 [hbm:s7], $0x2080  }
0x1e: {  	_ =	swait.ge @!p2 [sflag:s21], $0x2080  }
0x1f: {  	[sflag:s21] =	ssyncset.done @!p2 $0x0  }
0x20: {  	[sflag:s21] =	ssyncadd.s32 @!p2 $0xFFFFDF80  }
0x21: {  	[spmem:s16], [sflag:s1] =	dma.local @!p2 [hbm:s2], $0x700  }
0x22: {  	_ =	swait.ge @!p2 [sflag:s21], $0x700  }
0x23: {  	[sflag:s21] =	ssyncset.done @!p2 $0x0  }
0x24: {  	s1 =	simm.s32 @p0 $0x3;
	[sflag:s21] =	ssyncadd.s32 @!p2 $0xFFFFF900  }
0x25: {  	[spmem:s18], [sflag:s17] =	dma.local @p0 [hbm:s8], $0x2780  }
0x26: {  	_ =	swait.ge @p0 [sflag:s1], $0x2780  }
0x27: {  	[sflag:s1] =	ssyncset.done @p0 $0x0  }
0x28: {  	[sflag:s1] =	ssyncadd.s32 @p0 $0xFFFFD880  }
0x29: {  	[tilespmem:s19], [sflag:$0x3] =	stream.linear.gather [hbm4b:s9+s4], $0x2710, $0x38;
	[tilespmem:$0x1FC00] =	vst v63  }
0x2a: {  	_ =	swait.ge [sflag:s20], $0x2710  }
0x2b: {  	[sflag:s20] =	ssyncset.done $0x0  }
0x2c: {  	s7 =	simm.s32 $0x16380;
	[sflag:s20] =	ssyncadd.s32 $0xFFFFD8F0  }
0x2d: {  	[tilespmem:s7], [sflag:$0x3] =	stream.linear.gather [hbm4b:s10+s4], $0x3000, $0x38;
	[tilespmem:$0x1FC00] =	vst v63  }
0x2e: {  	_ =	swait.ge [sflag:s20], $0x3000  }
0x2f: {  	[sflag:s20] =	ssyncset.done $0x0  }
0x30: {  	[sflag:s20] =	ssyncadd.s32 $0xFFFFD000  }
0x31: {  	[tilespmem:s22], [sflag:$0x3] =	stream.linear.gather [hbm4b:s11+s4], $0x80, $0x38;
	[tilespmem:$0x1FC00] =	vst v63  }
0x32: {  	_ =	swait.ge [sflag:s20], $0x80  }
0x33: {  	[sflag:s20] =	ssyncset.done $0x0  }
0x34: {  	[sflag:s20] =	ssyncadd.s32 $0xFFFFFF80  }
0x35: {  	[bflag:$0x0] =	sbarrier.arrive $0xFFFF  }
0x36: {  	[tilespmem:s25], [sflag:$0x1] =	stream.indirect.gather [hbm4b:s5+s23], $0x80, s19, s23, $0xb8;
	[tilespmem:$0x1FC00] =	vst v63  }
0x37: {  	s21 =	simm.s32 $0x13C68  }
0x38: {  	[tilespmem:s28], [sflag:$0x2] =	stream.indirect.gather [hbm4b:s5+s23], $0x80, s21, s23, $0xb8;
	[tilespmem:$0x1FC00] =	vst v63  }
0x39: {  	_ =	swait.ge [sflag:s29], $0x3400  }
0x3a: {  	[sflag:s29] =	ssyncset.done $0x0  }
0x3b: {  	s2 =	simm.s32 $0x16380;
	[sflag:s29] =	ssyncadd.s32 $0xFFFFCC00  }
0x3c: {  	[spmem:s3] =	stream.indirect.scatter.add.f32 [tilespmem:s25], [sflag:$0x3], $0x80, s2, s23, $0xb8;
	[tilespmem:$0x1FC00] =	vst v63  }
0x3d: {  	_ =	swait.ge [sflag:s20], $0x3400  }
0x3e: {  	[sflag:s20] =	ssyncset.done $0x0  }
0x3f: {  	s7 =	simm.s32 $0x13CD0;
	[sflag:s20] =	ssyncadd.s32 $0xFFFFCC00  }
0x40: {  	[tilespmem:s25], [sflag:$0x1] =	stream.indirect.gather [hbm4b:s5+s23], $0x80, s7, s23, $0xb8;
	[tilespmem:$0x1FC00] =	vst v63  }
0x41: {  	_ =	swait.ge [sflag:s30], $0x3400  }
0x42: {  	[sflag:s30] =	ssyncset.done $0x0  }
0x43: {  	s21 =	simm.s32 $0x16400;
	[sflag:s30] =	ssyncadd.s32 $0xFFFFCC00  }
0x44: {  	[spmem:s3] =	stream.indirect.scatter.add.f32 [tilespmem:s28], [sflag:$0x3], $0x80, s21, s23, $0xb8;
	[tilespmem:$0x1FC00] =	vst v63  }
0x45: {  	_ =	swait.ge [sflag:s20], $0x3400  }
0x46: {  	s31 =	simm.s32 $0x13D38;
	[sflag:s20] =	ssyncset.done $0x0  }
0x47: {  	s1 =	simm.s32 $0x400;
	s21 =	simm.s32 $0x13E08;
	[sflag:s20] =	ssyncadd.s32 $0xFFFFCC00  }
.LBB2_2:
0x48: {  	[tilespmem:s28], [sflag:$0x2] =	stream.indirect.gather [hbm4b:s5+s23], $0x80, s31, s23, $0xb8;
	[tilespmem:$0x1FC00] =	vst v63  }
0x49: {  	s2 =	smov.u32 s1;
	s31 =	smov.u32 s21  }
0x4a: {  	p3 =	sne.s32 s1, $0xB800;
	s1 =	sadd.s32 $0x400, s1;
	_ =	swait.ge [sflag:s29], $0x3400  }
0x4b: {  	s2 =	sshra.s32 s2, $0x2;
	[sflag:s29] =	ssyncset.done $0x0  }
0x4c: {  	s7 =	sadd.s32 $0x16380, s2;
	[sflag:s29] =	ssyncadd.s32 $0xFFFFCC00  }
0x4d: {  	[spmem:s3] =	stream.indirect.scatter.add.f32 [tilespmem:s25], [sflag:$0x3], $0x80, s7, s23, $0xb8;
	[tilespmem:$0x1FC00] =	vst v63  }
0x4e: {  	_ =	swait.ge [sflag:s20], $0x3400  }
0x4f: {  	[sflag:s20] =	ssyncset.done $0x0  }
0x50: {  	s7 =	sadd.s32 $0xFFFFFF98, s21;
	[sflag:s20] =	ssyncadd.s32 $0xFFFFCC00  }
0x51: {  	[tilespmem:s25], [sflag:$0x1] =	stream.indirect.gather [hbm4b:s5+s23], $0x80, s7, s23, $0xb8;
	[tilespmem:$0x1FC00] =	vst v63  }
0x52: {  	_ =	swait.ge [sflag:s30], $0x3400  }
0x53: {  	[sflag:s30] =	ssyncset.done $0x0  }
.Ltmp0:
0x54: {  	s2 =	sadd.s32 $0x16400, s2;
	[sflag:s30] =	ssyncadd.s32 $0xFFFFCC00;
	(pc) =	sbr.rel @p3 .LBB2_2-.Ltmp0, $4  }
0x55: {  	[spmem:s3] =	stream.indirect.scatter.add.f32 [tilespmem:s28], [sflag:$0x3], $0x80, s2, s23, $0xb8;
	[tilespmem:$0x1FC00] =	vst v63  }
0x56: {  	_ =	swait.ge [sflag:s20], $0x3400  }
0x57: {  	[sflag:s20] =	ssyncset.done $0x0  }
0x58: {  	s21 =	sadd.s32 $0xD0, s21;
	[sflag:s20] =	ssyncadd.s32 $0xFFFFCC00  }
0x59: {  	[tilespmem:s28], [sflag:$0x2] =	stream.indirect.gather [hbm4b:s5+s23], $0x80, s31, s23, $0xb8;
	[tilespmem:$0x1FC00] =	vst v63  }
0x5a: {  	_ =	swait.ge [sflag:s29], $0x3400  }
0x5b: {  	[sflag:s29] =	ssyncset.done $0x0  }
0x5c: {  	s1 =	simm.s32 $0x19280;
	[sflag:s29] =	ssyncadd.s32 $0xFFFFCC00  }
0x5d: {  	[spmem:s3] =	stream.indirect.scatter.add.f32 [tilespmem:s25], [sflag:$0x3], $0x80, s1, s23, $0xb8;
	[tilespmem:$0x1FC00] =	vst v63  }
0x5e: {  	_ =	swait.ge [sflag:s20], $0x3400  }
0x5f: {  	[sflag:s20] =	ssyncset.done $0x0  }
0x60: {  	[sflag:s20] =	ssyncadd.s32 $0xFFFFCC00  }
0x61: {  	_ =	swait.ge [sflag:s30], $0x3400  }
0x62: {  	[sflag:s30] =	ssyncset.done $0x0  }
0x63: {  	s7 =	simm.s32 $0x19300;
	[sflag:s30] =	ssyncadd.s32 $0xFFFFCC00  }
0x64: {  	[spmem:s3] =	stream.indirect.scatter.add.f32 [tilespmem:s28], [sflag:$0x3], $0x80, s7, s23, $0xb8;
	[tilespmem:$0x1FC00] =	vst v63  }
0x65: {  	_ =	swait.ge [sflag:s20], $0x3400  }
0x66: {  	[sflag:s20] =	ssyncset.done $0x0  }
0x67: {  	s21 =	simm.s32 $0x16300;
	[sflag:s20] =	ssyncadd.s32 $0xFFFFCC00  }
0x68: {  	[tilespmem:s25], [sflag:$0x1] =	stream.indirect.gather [hbm4b:s5+s0], $0x80, s21, s0, $0xb8;
	[tilespmem:$0x1FC00] =	vst v63  }
0x69: {  	_ =	swait.ge [sflag:s29], $0x800  }
0x6a: {  	[sflag:s29] =	ssyncset.done $0x0  }
0x6b: {  	[sflag:s29] =	ssyncadd.s32 $0xFFFFF800  }
0x6c: {  	[spmem:s3] =	stream.indirect.scatter.add.f32 [tilespmem:s25], [sflag:$0x3], $0x80, s22, s0, $0xb8;
	[tilespmem:$0x1FC00] =	vst v63  }
0x6d: {  	s31 =	stileid.u32;
	_ =	swait.ge [sflag:s20], $0x800  }
0x6e: {  	s2 =	sshrl.u32 s6, $0x3;
	s26 =	sadd.s32 $0x1, s26;
	[sflag:s20] =	ssyncset.done $0x0  }
0x6f: {  	p3 =	sne.s32 s26, s12;
	s1 =	sshll.u32 s31, $0x6;
	[sflag:s20] =	ssyncadd.s32 $0xFFFFF800  }
.Ltmp1:
0x70: {  	s1 =	sor.u32 $0x1C03, s1;
	[bflag:$0x0] =	sbarrier.arrive $0xFFFF;
	(pc) =	sbr.rel @p3 .LBB2_1-.Ltmp1, $4  }
0x71: {  	[hbm:s24], [sflag:s1] =	dma.local [spmem:s2], $0x2780  }
0x72: {  	_ =	swait.ge [sflag:s20], $0x2780  }
0x73: {  	[sflag:s20] =	ssyncset.done $0x0  }
0x74: {  	[sflag:s20] =	ssyncadd.s32 $0xFFFFD880  }
0x75: {  	_ =	sfence.sel $0x180000  }
0x76: {  	[bflag:$0x0] =	sbarrier.arrive $0xFFFF  }
0x77: {  	_ =	strace $0x9000004A  }
0x78: {  	s0 =	stileid.u32;
	[bflag:$0x2] =	sbarrier.arrive $0xFFFF  }
0x79: {  	p0 =	sne.s32 s0, $0x0;
	s0 =	rddreg [dreg:$0x3]  }
0x7a: {  	s0 =	sadd.s32 @!p0 $0x100000, s0  }
0x7b: {  	[sflag:s0] =	ssyncadd.tile.s32 @!p0 $0x1;
	_ =	shalt  }
.Lfunc_end2:
_tile_overlayer_lowered:
.L_overlay_start_2:
0x7c: {  	(tag) =	ssettag $0x2  }
0x7d: {  	s0 =	rddreg [dreg:$0x0];
	s2 =	stileid.u32  }
0x7e: {  	s1 =	rddreg [dreg:$0x1];
	p0 =	sne.s32 s2, $0x0  }
0x7f: {  	s3 =	rddreg [dreg:$0x2];
	[bflag:$0x3] =	sbarrier.arrive $0xFFFF;
	s2 =	simm.s32 @!p0 $0x1C03  }
0x80: {  	[timem:s3], [sflag:s2] =	dma.local @!p0 [hbm:s0], s1  }
0x81: {  	s0 =	simm.s32 @!p0 $0x3  }
0x82: {  	_ =	swait.ge @!p0 [sflag:s0], s1  }
0x83: {  	s1 =	ssub.s32 @!p0 $0x0, s1;
	[sflag:s0] =	ssyncset.done @!p0 $0x0  }
0x84: {  	[sflag:s0] =	ssyncadd.s32 @!p0 s1  }
0x85: {  	[bflag:$0x3] =	sbarrier.arrive $0xFFFF  }
0x86: {  	_ =	shalt  }

// kernel: kernel.21.cloned.1.call-start
scs
__scs_entry_jumppad:
0x0: {  	(pc) =	sbr.rel $0x88, $3  }
0x1: {  	(tag) =	ssettag $0x0;
	lr =	simm.s32 $0x1  }
0x2: {  	[smem:$0x3F80] =	sst lr;
	_ =	strace $0xD0000000  }
0x3: {  	_ = 	snop  }
0x4: {  	_ = 	snop  }
0x5: {  	_ = 	snop  }
0x6: {  	_ = 	snop  }
0x7: {  	_ = 	snop  }
__scs_overlays_trampoline_lowered:
0x8: {  	[smem:$0x3F8F] =	sst s0  }
0x9: {  	[smem:$0x3F90] =	sst s1  }
0xa: {  	[smem:$0x3F91] =	sst s2  }
0xb: {  	[smem:$0x3F92] =	sst s3  }
0xc: {  	[smem:$0x3F93] =	sst s4  }
0xd: {  	[smem:$0x3F94] =	sst s5  }
0xe: {  	[smem:$0x3F95] =	sst s6  }
0xf: {  	[smem:$0x3F96] =	sst s7  }
0x10: {  	[smem:$0x3F97] =	sst s8  }
0x11: {  	[smem:$0x3F98] =	sst s9;
	s0 =	simm.s32 @!p0 $0x0  }
0x12: {  	s1 =	sld [smem:$0x3F7E];
	s0 =	simm.s32 @p0 $0x1  }
0x13: {  	[smem:$0x3F99] =	sst s0;
	s0 =	simm.s32 @!p1 $0x0  }
0x14: {  	s2 =	sld [smem:$0x3F7D];
	s0 =	simm.s32 @p1 $0x1  }
0x15: {  	[smem:$0x3F9A] =	sst s0;
	s0 =	simm.s32 @!p2 $0x0  }
0x16: {  	s3 =	sld [smem:$0x3FDB];
	s0 =	simm.s32 @p2 $0x1  }
0x17: {  	s4 =	simm.s32 $0x1BF5;
	[smem:$0x3F9C] =	sst s0  }
0x18: {  	s0 =	sld [smem:$0x3F7F];
	_ =	swait.ge [sflag:s4], $0x0  }
0x19: {  	s7 =	sld [smem:$0x3F80]  }
0x1a: {  	s8 =	sadd.s32 $0xFFFFE003, lr  }
0x1b: {  	s9 =	sadd.s32 $0xFFFFFEF7, lr;
	s5 =	simm.s32 $0xFFFFFFFF;
	p2 =	slt.u32 s8, $0xFFFFF086  }
0x1c: {  	p1 =	slt.u32 s9, $0xF7A;
	s5 =	simm.s32 @!p2 $0x0  }
0x1d: {  	s5 =	simm.s32 @p1 $0x1;
	p0 =	seq.s32 s7, s2  }
0x1e: {  	s7 =	smul.u32 @!p0 $0xF7A, s2;
	p2 =	seq.s32 @!p0 s5, $0x0  }
0x1f: {  	s9 =	smul.u32 $0xF7A, s1;
	s8 =	simm.s32 @!p0 $0x1BF5;
	p2 =	por !p2, p0  }
0x20: {  	[sflag:s8] =	ssyncset.s32 @!p0 $0xFFFFF086;
	s6 =	sadd.s32 @!p0 s3, s7;
	s7 =	simm.s32 @!p0 $0x108  }
0x21: {  	s3 =	sadd.s32 s3, s9;
	s6 =	sadd.s32 @!p0 $0x88, s6;
	s7 =	simm.s32 @p2 $0x1082  }
0x22: {  	[simem:s7], [sflag:s8] =	dma.local @!p0 [hbm:s6], $0xF7A  }
0x23: {  	s9 =	sor.u32 $0xD0000000, s2;
	s6 =	simm.s32 $0x108;
	_ =	swait.ge @!p0 [sflag:s8], $0x0  }
0x24: {  	s3 =	sadd.s32 $0x88, s3;
	s6 =	simm.s32 @!p1 $0x1082;
	[sflag:s4] =	ssyncset.s32 $0xFFFFF086  }
0x25: {  	[simem:s6], [sflag:s4] =	dma.local [hbm:s3], $0xF7A  }
0x26: {  	[smem:$0x3F80] =	sst s1;
	(tag) =	ssettag s2;
	_ =	strace s9  }
0x27: {  	s1 =	sld [smem:$0x3F90]  }
0x28: {  	s2 =	sld [smem:$0x3F91]  }
0x29: {  	s4 =	sld [smem:$0x3F93]  }
0x2a: {  	p0 =	seq.s32 s5, $0x0;
	s5 =	sld [smem:$0x3F94]  }
0x2b: {  	s6 =	sld [smem:$0x3F95]  }
0x2c: {  	s7 =	sld [smem:$0x3F96]  }
0x2d: {  	s3 =	simm.s32 $0x108;
	s8 =	sld [smem:$0x3F97]  }
0x2e: {  	s3 =	simm.s32 @!p0 $0x1082;
	s9 =	sld [smem:$0x3F98]  }
0x2f: {  	lr =	sadd.s32 s0, s3;
	s0 =	sld [smem:$0x3F8F]  }
0x30: {  	s3 =	sld [smem:$0x3F92]  }
0x31: {  	[smem:$0x3F9B] =	sst s10  }
0x32: {  	s10 =	sld [smem:$0x3F99];
	_ =	sdelay $0x3  }
0x33: {  	p0 =	seq.s32 s10, $0x1;
	s10 =	sld [smem:$0x3F9B];
	_ =	sdelay $0x3  }
0x34: {  	[smem:$0x3F9B] =	sst s10  }
0x35: {  	s10 =	sld [smem:$0x3F9A];
	_ =	sdelay $0x3  }
0x36: {  	p1 =	seq.s32 s10, $0x1;
	s10 =	sld [smem:$0x3F9B];
	_ =	sdelay $0x3  }
0x37: {  	[smem:$0x3F9B] =	sst s10  }
0x38: {  	s10 =	sld [smem:$0x3F9C]  }
0x39: {  	_ = 	snop;
	(pc) =	sbr.ind lr, $3  }
0x3a: {  	_ = 	snop  }
0x3b: {  	_ = 	snop  }
0x3c: {  	p2 =	seq.s32 s10, $0x1;
	s10 =	sld [smem:$0x3F9B]  }
0x3d: {  	_ =	shalt  }
0x3e: {  	_ =	shalt  }
0x3f: {  	_ =	shalt  }
0x40: {  	_ =	shalt  }
0x41: {  	_ =	shalt  }
0x42: {  	_ =	shalt  }
0x43: {  	_ =	shalt  }
0x44: {  	_ =	shalt  }
0x45: {  	_ =	shalt  }
0x46: {  	_ =	shalt  }
0x47: {  	_ =	shalt  }
0x48: {  	_ =	shalt  }
0x49: {  	_ =	shalt  }
0x4a: {  	_ =	shalt  }
0x4b: {  	_ =	shalt  }
0x4c: {  	_ =	shalt  }
0x4d: {  	_ =	shalt  }
0x4e: {  	_ =	shalt  }
0x4f: {  	_ =	shalt  }
0x50: {  	_ =	shalt  }
0x51: {  	_ =	shalt  }
0x52: {  	_ =	shalt  }
0x53: {  	_ =	shalt  }
0x54: {  	_ =	shalt  }
0x55: {  	_ =	shalt  }
0x56: {  	_ =	shalt  }
0x57: {  	_ =	shalt  }
0x58: {  	_ =	shalt  }
0x59: {  	_ =	shalt  }
0x5a: {  	_ =	shalt  }
0x5b: {  	_ =	shalt  }
0x5c: {  	_ =	shalt  }
0x5d: {  	_ =	shalt  }
0x5e: {  	_ =	shalt  }
0x5f: {  	_ =	shalt  }
0x60: {  	_ =	shalt  }
0x61: {  	_ =	shalt  }
0x62: {  	_ =	shalt  }
0x63: {  	_ =	shalt  }
0x64: {  	_ =	shalt  }
0x65: {  	_ =	shalt  }
0x66: {  	_ =	shalt  }
0x67: {  	_ =	shalt  }
0x68: {  	_ =	shalt  }
0x69: {  	_ =	shalt  }
0x6a: {  	_ =	shalt  }
0x6b: {  	_ =	shalt  }
0x6c: {  	_ =	shalt  }
0x6d: {  	_ =	shalt  }
0x6e: {  	_ =	shalt  }
0x6f: {  	_ =	shalt  }
0x70: {  	_ =	shalt  }
0x71: {  	_ =	shalt  }
0x72: {  	_ =	shalt  }
0x73: {  	_ =	shalt  }
0x74: {  	_ =	shalt  }
0x75: {  	_ =	shalt  }
0x76: {  	_ =	shalt  }
0x77: {  	_ =	shalt  }
0x78: {  	_ =	shalt  }
0x79: {  	_ =	shalt  }
0x7a: {  	_ =	shalt  }
0x7b: {  	_ =	shalt  }
0x7c: {  	_ =	shalt  }
0x7d: {  	_ =	shalt  }
0x7e: {  	_ =	shalt  }
0x7f: {  	_ =	shalt  }
0x80: {  	_ =	shalt  }
0x81: {  	_ =	shalt  }
0x82: {  	_ =	shalt  }
0x83: {  	_ =	shalt  }
0x84: {  	_ =	shalt  }
0x85: {  	_ =	shalt  }
0x86: {  	_ =	shalt  }
0x87: {  	_ =	shalt  }
.Lfunc_end0:
.L_simem_size_0:
called_computation.2_lowered:
.L_overlay_start_0:
0x88: {  	s2 =	sld [smem:$0x3FD9]  }
0x89: {  	s3 =	sld [smem:$0x3FFE];
	_ =	sdelay $0x1  }
0x8a: {  	s1 =	srdreg.scid  }
0x8b: {  	s0 =	sand.u32 $0x1, s1  }
0x8c: {  	s17 =	sshll.u32 s0, $0xA;
	s2 =	sadd.s32 s3, s2  }
0x8d: {  	s2 =	sadd.s32 s2, s17  }
0x8e: {  	[smem:$0x3FA7] =	sst s2  }
0x8f: {  	_ = 	snop  }
0x90: {  	s2 =	sld [smem:$0x3FD0];
	(tm) =	ssettm $0x1  }
0x91: {  	s18 =	sld [smem:$0x3FFB];
	_ =	sdelay $0x3  }
0x92: {  	_ =	strace s18  }
0x93: {  	s3 =	sld [smem:$0x3FFC];
	_ =	sdelay $0x3  }
0x94: {  	_ =	strace s3  }
0x95: {  	s3 =	sld [smem:$0x3FFD];
	_ =	sdelay $0x3  }
0x96: {  	_ =	strace s3  }
0x97: {  	_ =	strace $0x8FFFFFFF  }
0x98: {  	s19 =	sld [smem:$0x3FDB];
	_ =	sdelay $0x1  }
0x99: {  	s4 =	simm.s32 $_scs_section_size  }
0x9a: {  	s5 =	simm.s32 $_size__tile_overlayer_lowered;
	s6 =	simm.s32 $_tile_overlayer_lowered  }
0x9b: {  	s22 =	simm.s32 $0x1BFF;
	s21 =	sshll.u32 s6, $0x1;
	s3 =	sadd.s32 s4, s19  }
0x9c: {  	s7 =	simm.s32 $0x0;
	s20 =	sshll.u32 s5, $0x1;
	s5 =	sadd.s32 s21, s3  }
0x9d: {  	[timem:s7], [sflag:s22] =	dma.local [hbm:s5], s20  }
0x9e: {  	_ =	swait.ge [sflag:s22], s20  }
0x9f: {  	s4 =	ssub.s32 $0x0, s20;
	[sflag:s22] =	ssyncset.done $0x0  }
0xa0: {  	[sflag:s22] =	ssyncadd.s32 s4;
	_ =	sdelay $0x1  }
0xa1: {  	s23 =	simm.s32 $0x1B8B  }
0xa2: {  	_ =	swait.ge [sflag:s23], $0x1  }
0xa3: {  	[sflag:s23] =	ssyncset.done $0x0  }
0xa4: {  	s25 =	simm.s32 $0x1B8E;
	s24 =	sld [smem:$0x3FFE];
	[sflag:s23] =	ssyncadd.s32 $0xFFFFFFFF  }
0xa5: {  	s26 =	simm.s32 $execute0_lowered;
	[smem:$0x3FD2] =	sst s25  }
0xa6: {  	s5 =	sshll.u32 s26, $0x1;
	_ =	strace $0x8000004C;
	[dreg:$0x1] =	wrdreg $0xFFFFFFFF  }
0xa7: {  	s28 =	simm.s32 $_size_execute0_lowered;
	s3 =	sadd.s32 s3, s5;
	[dreg:$0x0] =	wrdreg $0x0  }
0xa8: {  	s5 =	sshll.u32 s28, $0x1;
	[dreg:$0x2] =	wrdreg s3  }
0xa9: {  	[dreg:$0x3] =	wrdreg s5  }
0xaa: {  	[dreg:$0x4] =	wrdreg $0xC0  }
0xab: {  	_ =	task [dreg:s7], $0x5FFFF  }
0xac: {  	[dreg:$0x1] =	wrdreg $0xFFFFFFFF  }
0xad: {  	[dreg:$0x0] =	wrdreg $0x60  }
0xae: {  	[dreg:$0x2] =	wrdreg s24  }
0xaf: {  	[dreg:$0x3] =	wrdreg s2  }
0xb0: {  	[dreg:$0x4] =	wrdreg $0x0  }
0xb1: {  	[dreg:$0x5] =	wrdreg $0x9  }
0xb2: {  	_ =	task.clear_ibuf [dreg:s7], $0x6FFFF;
	_ =	strace $0x9000004C  }
0xb3: {  	s29 =	simm.s32 $0x9;
	_ =	strace $0x8000004E  }
0xb4: {  	_ =	swait.ge [sflag:s29], $0x1  }
0xb5: {  	[sflag:s29] =	ssyncadd.s32 $0xFFFFFFFF  }
0xb6: {  	_ =	strace $0x9000004E  }
0xb7: {  	_ =	sfence  }
0xb8: {  	s30 =	sld [smem:$0x0];
	_ =	sdelay $0x2  }
0xb9: {  	s31 =	sshll.u32 s1, $0xD;
	s1 =	sshrl.u32 s1, $0x2  }
0xba: {  	s3 =	sand.u32 $0x4000, s31;
	s1 =	sadd.s32 s1, s30  }
0xbb: {  	s0 =	sor.u32 s3, s0;
	s1 =	sshll.u32 s1, $0x11  }
0xbc: {  	s0 =	sor.u32 s1, s0  }
0xbd: {  	s0 =	sadd.s32 $0x8F2B, s0  }
0xbe: {  	[sflag:s0] =	ssyncadd.remote.s32 $0x1  }
0xbf: {  	_ =	sfence.sel $0xFFFF  }
0xc0: {  	[dreg:$0x0] =	wrdreg $0xFFFFFFFF;
	(pc) =	sbr.abs _section_cstart, $3  }
0xc1: {  	[dreg:$0x1] =	wrdreg $0xFFFFFFFF  }
0xc2: {  	_ =	task.clear_ibuf [dreg:s7], $0x2FFFF;
	_ =	strace $0x9FFFFFFF  }
0xc3: {  	(tm) =	ssettm $0x7FFFFFFF  }
tec
execute0_lowered:
.L_overlay_start_1:
0x0: {  	(tag) =	ssettag $0x1  }
0x1: {  	s0 =	rddreg [dreg:$0x0];
	s1 =	srdreg.scid  }
0x2: {  	s2 =	stileid.u32;
	s3 =	rddreg [dreg:$0x2]  }
0x3: {  	s4 =	simm.s32 $0x0;
	s19 =	simm.s32 $0x13C00;
	s20 =	simm.s32 $0x3  }
0x4: {  	s22 =	simm.s32 $0x19380;
	s23 =	simm.s32 $0x68;
	s28 =	simm.s32 $0x1C800  }
0x5: {  	s29 =	simm.s32 $0x1;
	s30 =	simm.s32 $0x2;
	s1 =	sand.u32 $0x1, s1  }
0x6: {  	s5 =	sshll.u32 s2, $0x1;
	[smem:$0x7FF] =	sst s4;
	s26 =	smul.u32 $0x4F000, s2  }
0x7: {  	p1 =	sne.s32 s2, $0xF;
	p2 =	seq.s32 s2, $0xF;
	s21 =	smul.u32 $0x2780, s2  }
0x8: {  	s15 =	sadd.s32 $0x128400, s3;
	s6 =	sor.u32 s1, s5;
	s8 =	smul.u32 $0x27800, s1  }
0x9: {  	_ =	strace $0x8000004D;
	s5 =	sadd.s32 $0x42C00, s0;
	s7 =	smul.u32 $0x4E2, s6  }
0xa: {  	s10 =	ssub.s32 $0x2, s1;
	p0 =	seq.s32 s1, $0x0;
	s24 =	smul.u32 $0x600, s6  }
0xb: {  	s6 =	sshll.u32 s6, $0x4;
	s25 =	sshrl.u32 s10, $0x1;
	p1 =	por !p0, !p1  }
0xc: {  	p2 =	por !p0, !p2;
	s12 =	sadd.s32 s6, s0;
	s13 =	sadd.s32 s8, s0  }
0xd: {  	s14 =	ssub.s32 s10, s25;
	s6 =	sshrl.u32 s26, $0x2;
	p0 =	por !p1, !p1  }
0xe: {  	p2 =	por !p2, !p2;
	s8 =	sadd.s32 s5, s21;
	s25 =	simm.s32 $0x19400  }
0xf: {  	s26 =	simm.s32 $0x0;
	s9 =	sadd.s32 s7, s0;
	s11 =	sadd.s32 s24, s0  }
0x10: {  	s6 =	sadd.s32 s6, s3;
	p1 =	por p2, p0;
	s0 =	sadd.s32 $0x67C80, s0  }
0x11: {  	s31 =	sadd.s32 $0x69E00, s13;
	[dreg:$0x4] =	wrdreg s0;
	s0 =	sadd.s32 $0x138800, s3  }
0x12: {  	p1 =	seq.s32 @!p1 s1, $0x0;
	s9 =	sadd.s32 $0x5A00, s9;
	s10 =	sadd.s32 $0xFA00, s11  }
0x13: {  	s11 =	sadd.s32 $0xF800, s12;
	s12 =	smax.u32 s14, $0x1;
	s18 =	sshrl.u32 @p0 s6, $0x3  }
0x14: {  	s24 =	sadd.s32 s21, s31;
	p1 =	por @!p0 p1, p2;
	p2 =	por !p2, p0  }
0x15: {  	p1 =	por p1, p0;
	s15 =	sshrl.u32 @!p2 s15, $0x3;
	s16 =	sshrl.u32 @!p2 s0, $0x3  }
0x16: {  	s0 =	sshll.u32 @p0 s2, $0x6;
	s13 =	sshll.u32 @!p1 s2, $0x6;
	s14 =	sshrl.u32 @!p1 s6, $0x3  }
0x17: {  	s17 =	sor.u32 @p0 $0x1C03, s0;
	s0 =	simm.s32 $0x10;
	s13 =	sor.u32 @!p1 $0x1C03, s13  }
.LBB2_1:
0x18: {  	s2 =	rddreg [dreg:$0x1];
	s1 =	simm.s32 @!p1 $0x3  }
0x19: {  	[spmem:s14], [sflag:s13] =	dma.local @!p1 [hbm:s2], $0x2780  }
0x1a: {  	_ =	swait.ge @!p1 [sflag:s1], $0x2780  }
0x1b: {  	s21 =	simm.s32 @!p2 $0x3;
	[sflag:s1] =	ssyncset.done @!p1 $0x0  }
0x1c: {  	s7 =	rddreg [dreg:$0x4];
	[sflag:s1] =	ssyncadd.s32 @!p1 $0xFFFFD880;
	s1 =	simm.s32 @!p2 $0x1FC3  }
0x1d: {  	[spmem:s15], [sflag:s1] =	dma.local @!p2 [hbm:s7], $0x2080  }
0x1e: {  	_ =	swait.ge @!p2 [sflag:s21], $0x2080  }
0x1f: {  	[sflag:s21] =	ssyncset.done @!p2 $0x0  }
0x20: {  	[sflag:s21] =	ssyncadd.s32 @!p2 $0xFFFFDF80  }
0x21: {  	[spmem:s16], [sflag:s1] =	dma.local @!p2 [hbm:s2], $0x700  }
0x22: {  	_ =	swait.ge @!p2 [sflag:s21], $0x700  }
0x23: {  	[sflag:s21] =	ssyncset.done @!p2 $0x0  }
0x24: {  	s1 =	simm.s32 @p0 $0x3;
	[sflag:s21] =	ssyncadd.s32 @!p2 $0xFFFFF900  }
0x25: {  	[spmem:s18], [sflag:s17] =	dma.local @p0 [hbm:s8], $0x2780  }
0x26: {  	_ =	swait.ge @p0 [sflag:s1], $0x2780  }
0x27: {  	[sflag:s1] =	ssyncset.done @p0 $0x0  }
0x28: {  	[sflag:s1] =	ssyncadd.s32 @p0 $0xFFFFD880  }
0x29: {  	[tilespmem:s19], [sflag:$0x3] =	stream.linear.gather [hbm4b:s9+s4], $0x2710, $0x38;
	[tilespmem:$0x1FC00] =	vst v63  }
0x2a: {  	_ =	swait.ge [sflag:s20], $0x2710  }
0x2b: {  	[sflag:s20] =	ssyncset.done $0x0  }
0x2c: {  	s7 =	simm.s32 $0x16380;
	[sflag:s20] =	ssyncadd.s32 $0xFFFFD8F0  }
0x2d: {  	[tilespmem:s7], [sflag:$0x3] =	stream.linear.gather [hbm4b:s10+s4], $0x3000, $0x38;
	[tilespmem:$0x1FC00] =	vst v63  }
0x2e: {  	_ =	swait.ge [sflag:s20], $0x3000  }
0x2f: {  	[sflag:s20] =	ssyncset.done $0x0  }
0x30: {  	[sflag:s20] =	ssyncadd.s32 $0xFFFFD000  }
0x31: {  	[tilespmem:s22], [sflag:$0x3] =	stream.linear.gather [hbm4b:s11+s4], $0x80, $0x38;
	[tilespmem:$0x1FC00] =	vst v63  }
0x32: {  	_ =	swait.ge [sflag:s20], $0x80  }
0x33: {  	[sflag:s20] =	ssyncset.done $0x0  }
0x34: {  	[sflag:s20] =	ssyncadd.s32 $0xFFFFFF80  }
0x35: {  	[bflag:$0x0] =	sbarrier.arrive $0xFFFF  }
0x36: {  	[tilespmem:s25], [sflag:$0x1] =	stream.indirect.gather [hbm4b:s5+s23], $0x80, s19, s23, $0xb8;
	[tilespmem:$0x1FC00] =	vst v63  }
0x37: {  	s21 =	simm.s32 $0x13C68  }
0x38: {  	[tilespmem:s28], [sflag:$0x2] =	stream.indirect.gather [hbm4b:s5+s23], $0x80, s21, s23, $0xb8;
	[tilespmem:$0x1FC00] =	vst v63  }
0x39: {  	_ =	swait.ge [sflag:s29], $0x3400  }
0x3a: {  	[sflag:s29] =	ssyncset.done $0x0  }
0x3b: {  	s2 =	simm.s32 $0x16380;
	[sflag:s29] =	ssyncadd.s32 $0xFFFFCC00  }
0x3c: {  	[spmem:s3] =	stream.indirect.scatter.add.f32 [tilespmem:s25], [sflag:$0x3], $0x80, s2, s23, $0xb8;
	[tilespmem:$0x1FC00] =	vst v63  }
0x3d: {  	_ =	swait.ge [sflag:s20], $0x3400  }
0x3e: {  	[sflag:s20] =	ssyncset.done $0x0  }
0x3f: {  	s7 =	simm.s32 $0x13CD0;
	[sflag:s20] =	ssyncadd.s32 $0xFFFFCC00  }
0x40: {  	[tilespmem:s25], [sflag:$0x1] =	stream.indirect.gather [hbm4b:s5+s23], $0x80, s7, s23, $0xb8;
	[tilespmem:$0x1FC00] =	vst v63  }
0x41: {  	_ =	swait.ge [sflag:s30], $0x3400  }
0x42: {  	[sflag:s30] =	ssyncset.done $0x0  }
0x43: {  	s21 =	simm.s32 $0x16400;
	[sflag:s30] =	ssyncadd.s32 $0xFFFFCC00  }
0x44: {  	[spmem:s3] =	stream.indirect.scatter.add.f32 [tilespmem:s28], [sflag:$0x3], $0x80, s21, s23, $0xb8;
	[tilespmem:$0x1FC00] =	vst v63  }
0x45: {  	_ =	swait.ge [sflag:s20], $0x3400  }
0x46: {  	s31 =	simm.s32 $0x13D38;
	[sflag:s20] =	ssyncset.done $0x0  }
0x47: {  	s1 =	simm.s32 $0x400;
	s21 =	simm.s32 $0x13E08;
	[sflag:s20] =	ssyncadd.s32 $0xFFFFCC00  }
.LBB2_2:
0x48: {  	[tilespmem:s28], [sflag:$0x2] =	stream.indirect.gather [hbm4b:s5+s23], $0x80, s31, s23, $0xb8;
	[tilespmem:$0x1FC00] =	vst v63  }
0x49: {  	s2 =	smov.u32 s1;
	s31 =	smov.u32 s21  }
0x4a: {  	p3 =	sne.s32 s1, $0xB800;
	s1 =	sadd.s32 $0x400, s1;
	_ =	swait.ge [sflag:s29], $0x3400  }
0x4b: {  	s2 =	sshra.s32 s2, $0x2;
	[sflag:s29] =	ssyncset.done $0x0  }
0x4c: {  	s7 =	sadd.s32 $0x16380, s2;
	[sflag:s29] =	ssyncadd.s32 $0xFFFFCC00  }
0x4d: {  	[spmem:s3] =	stream.indirect.scatter.add.f32 [tilespmem:s25], [sflag:$0x3], $0x80, s7, s23, $0xb8;
	[tilespmem:$0x1FC00] =	vst v63  }
0x4e: {  	_ =	swait.ge [sflag:s20], $0x3400  }
0x4f: {  	[sflag:s20] =	ssyncset.done $0x0  }
0x50: {  	s7 =	sadd.s32 $0xFFFFFF98, s21;
	[sflag:s20] =	ssyncadd.s32 $0xFFFFCC00  }
0x51: {  	[tilespmem:s25], [sflag:$0x1] =	stream.indirect.gather [hbm4b:s5+s23], $0x80, s7, s23, $0xb8;
	[tilespmem:$0x1FC00] =	vst v63  }
0x52: {  	_ =	swait.ge [sflag:s30], $0x3400  }
0x53: {  	[sflag:s30] =	ssyncset.done $0x0  }
.Ltmp0:
0x54: {  	s2 =	sadd.s32 $0x16400, s2;
	[sflag:s30] =	ssyncadd.s32 $0xFFFFCC00;
	(pc) =	sbr.rel @p3 .LBB2_2-.Ltmp0, $4  }
0x55: {  	[spmem:s3] =	stream.indirect.scatter.add.f32 [tilespmem:s28], [sflag:$0x3], $0x80, s2, s23, $0xb8;
	[tilespmem:$0x1FC00] =	vst v63  }
0x56: {  	_ =	swait.ge [sflag:s20], $0x3400  }
0x57: {  	[sflag:s20] =	ssyncset.done $0x0  }
0x58: {  	s21 =	sadd.s32 $0xD0, s21;
	[sflag:s20] =	ssyncadd.s32 $0xFFFFCC00  }
0x59: {  	[tilespmem:s28], [sflag:$0x2] =	stream.indirect.gather [hbm4b:s5+s23], $0x80, s31, s23, $0xb8;
	[tilespmem:$0x1FC00] =	vst v63  }
0x5a: {  	_ =	swait.ge [sflag:s29], $0x3400  }
0x5b: {  	[sflag:s29] =	ssyncset.done $0x0  }
0x5c: {  	s1 =	simm.s32 $0x19280;
	[sflag:s29] =	ssyncadd.s32 $0xFFFFCC00  }
0x5d: {  	[spmem:s3] =	stream.indirect.scatter.add.f32 [tilespmem:s25], [sflag:$0x3], $0x80, s1, s23, $0xb8;
	[tilespmem:$0x1FC00] =	vst v63  }
0x5e: {  	_ =	swait.ge [sflag:s20], $0x3400  }
0x5f: {  	[sflag:s20] =	ssyncset.done $0x0  }
0x60: {  	[sflag:s20] =	ssyncadd.s32 $0xFFFFCC00  }
0x61: {  	_ =	swait.ge [sflag:s30], $0x3400  }
0x62: {  	[sflag:s30] =	ssyncset.done $0x0  }
0x63: {  	s7 =	simm.s32 $0x19300;
	[sflag:s30] =	ssyncadd.s32 $0xFFFFCC00  }
0x64: {  	[spmem:s3] =	stream.indirect.scatter.add.f32 [tilespmem:s28], [sflag:$0x3], $0x80, s7, s23, $0xb8;
	[tilespmem:$0x1FC00] =	vst v63  }
0x65: {  	_ =	swait.ge [sflag:s20], $0x3400  }
0x66: {  	[sflag:s20] =	ssyncset.done $0x0  }
0x67: {  	s21 =	simm.s32 $0x16300;
	[sflag:s20] =	ssyncadd.s32 $0xFFFFCC00  }
0x68: {  	[tilespmem:s25], [sflag:$0x1] =	stream.indirect.gather [hbm4b:s5+s0], $0x80, s21, s0, $0xb8;
	[tilespmem:$0x1FC00] =	vst v63  }
0x69: {  	_ =	swait.ge [sflag:s29], $0x800  }
0x6a: {  	[sflag:s29] =	ssyncset.done $0x0  }
0x6b: {  	[sflag:s29] =	ssyncadd.s32 $0xFFFFF800  }
0x6c: {  	[spmem:s3] =	stream.indirect.scatter.add.f32 [tilespmem:s25], [sflag:$0x3], $0x80, s22, s0, $0xb8;
	[tilespmem:$0x1FC00] =	vst v63  }
0x6d: {  	s31 =	stileid.u32;
	_ =	swait.ge [sflag:s20], $0x800  }
0x6e: {  	s2 =	sshrl.u32 s6, $0x3;
	s26 =	sadd.s32 $0x1, s26;
	[sflag:s20] =	ssyncset.done $0x0  }
0x6f: {  	p3 =	sne.s32 s26, s12;
	s1 =	sshll.u32 s31, $0x6;
	[sflag:s20] =	ssyncadd.s32 $0xFFFFF800  }
.Ltmp1:
0x70: {  	s1 =	sor.u32 $0x1C03, s1;
	[bflag:$0x0] =	sbarrier.arrive $0xFFFF;
	(pc) =	sbr.rel @p3 .LBB2_1-.Ltmp1, $4  }
0x71: {  	[hbm:s24], [sflag:s1] =	dma.local [spmem:s2], $0x2780  }
0x72: {  	_ =	swait.ge [sflag:s20], $0x2780  }
0x73: {  	[sflag:s20] =	ssyncset.done $0x0  }
0x74: {  	[sflag:s20] =	ssyncadd.s32 $0xFFFFD880  }
0x75: {  	_ =	sfence.sel $0x180000  }
0x76: {  	[bflag:$0x0] =	sbarrier.arrive $0xFFFF  }
0x77: {  	_ =	strace $0x9000004D  }
0x78: {  	s0 =	stileid.u32;
	[bflag:$0x2] =	sbarrier.arrive $0xFFFF  }
0x79: {  	p0 =	sne.s32 s0, $0x0;
	s0 =	rddreg [dreg:$0x3]  }
0x7a: {  	s0 =	sadd.s32 @!p0 $0x100000, s0  }
0x7b: {  	[sflag:s0] =	ssyncadd.tile.s32 @!p0 $0x1;
	_ =	shalt  }
.Lfunc_end2:
_tile_overlayer_lowered:
.L_overlay_start_2:
0x7c: {  	(tag) =	ssettag $0x2  }
0x7d: {  	s0 =	rddreg [dreg:$0x0];
	s2 =	stileid.u32  }
0x7e: {  	s1 =	rddreg [dreg:$0x1];
	p0 =	sne.s32 s2, $0x0  }
0x7f: {  	s3 =	rddreg [dreg:$0x2];
	[bflag:$0x3] =	sbarrier.arrive $0xFFFF;
	s2 =	simm.s32 @!p0 $0x1C03  }
0x80: {  	[timem:s3], [sflag:s2] =	dma.local @!p0 [hbm:s0], s1  }
0x81: {  	s0 =	simm.s32 @!p0 $0x3  }
0x82: {  	_ =	swait.ge @!p0 [sflag:s0], s1  }
0x83: {  	s1 =	ssub.s32 @!p0 $0x0, s1;
	[sflag:s0] =	ssyncset.done @!p0 $0x0  }
0x84: {  	[sflag:s0] =	ssyncadd.s32 @!p0 s1  }
0x85: {  	[bflag:$0x3] =	sbarrier.arrive $0xFFFF  }
0x86: {  	_ =	shalt  }

// kernel: kernel.24.cloned.1.call-start
scs
__scs_entry_jumppad:
0x0: {  	(pc) =	sbr.rel $0x88, $3  }
0x1: {  	(tag) =	ssettag $0x0;
	lr =	simm.s32 $0x1  }
0x2: {  	[smem:$0x3F80] =	sst lr;
	_ =	strace $0xD0000000  }
0x3: {  	_ = 	snop  }
0x4: {  	_ = 	snop  }
0x5: {  	_ = 	snop  }
0x6: {  	_ = 	snop  }
0x7: {  	_ = 	snop  }
__scs_overlays_trampoline_lowered:
0x8: {  	[smem:$0x3F8F] =	sst s0  }
0x9: {  	[smem:$0x3F90] =	sst s1  }
0xa: {  	[smem:$0x3F91] =	sst s2  }
0xb: {  	[smem:$0x3F92] =	sst s3  }
0xc: {  	[smem:$0x3F93] =	sst s4  }
0xd: {  	[smem:$0x3F94] =	sst s5  }
0xe: {  	[smem:$0x3F95] =	sst s6  }
0xf: {  	[smem:$0x3F96] =	sst s7  }
0x10: {  	[smem:$0x3F97] =	sst s8  }
0x11: {  	[smem:$0x3F98] =	sst s9;
	s0 =	simm.s32 @!p0 $0x0  }
0x12: {  	s1 =	sld [smem:$0x3F7E];
	s0 =	simm.s32 @p0 $0x1  }
0x13: {  	[smem:$0x3F99] =	sst s0;
	s0 =	simm.s32 @!p1 $0x0  }
0x14: {  	s2 =	sld [smem:$0x3F7D];
	s0 =	simm.s32 @p1 $0x1  }
0x15: {  	[smem:$0x3F9A] =	sst s0;
	s0 =	simm.s32 @!p2 $0x0  }
0x16: {  	s3 =	sld [smem:$0x3FDB];
	s0 =	simm.s32 @p2 $0x1  }
0x17: {  	s4 =	simm.s32 $0x1BF5;
	[smem:$0x3F9C] =	sst s0  }
0x18: {  	s0 =	sld [smem:$0x3F7F];
	_ =	swait.ge [sflag:s4], $0x0  }
0x19: {  	s7 =	sld [smem:$0x3F80]  }
0x1a: {  	s8 =	sadd.s32 $0xFFFFE003, lr  }
0x1b: {  	s9 =	sadd.s32 $0xFFFFFEF7, lr;
	s5 =	simm.s32 $0xFFFFFFFF;
	p2 =	slt.u32 s8, $0xFFFFF086  }
0x1c: {  	p1 =	slt.u32 s9, $0xF7A;
	s5 =	simm.s32 @!p2 $0x0  }
0x1d: {  	s5 =	simm.s32 @p1 $0x1;
	p0 =	seq.s32 s7, s2  }
0x1e: {  	s7 =	smul.u32 @!p0 $0xF7A, s2;
	p2 =	seq.s32 @!p0 s5, $0x0  }
0x1f: {  	s9 =	smul.u32 $0xF7A, s1;
	s8 =	simm.s32 @!p0 $0x1BF5;
	p2 =	por !p2, p0  }
0x20: {  	[sflag:s8] =	ssyncset.s32 @!p0 $0xFFFFF086;
	s6 =	sadd.s32 @!p0 s3, s7;
	s7 =	simm.s32 @!p0 $0x108  }
0x21: {  	s3 =	sadd.s32 s3, s9;
	s6 =	sadd.s32 @!p0 $0x88, s6;
	s7 =	simm.s32 @p2 $0x1082  }
0x22: {  	[simem:s7], [sflag:s8] =	dma.local @!p0 [hbm:s6], $0xF7A  }
0x23: {  	s9 =	sor.u32 $0xD0000000, s2;
	s6 =	simm.s32 $0x108;
	_ =	swait.ge @!p0 [sflag:s8], $0x0  }
0x24: {  	s3 =	sadd.s32 $0x88, s3;
	s6 =	simm.s32 @!p1 $0x1082;
	[sflag:s4] =	ssyncset.s32 $0xFFFFF086  }
0x25: {  	[simem:s6], [sflag:s4] =	dma.local [hbm:s3], $0xF7A  }
0x26: {  	[smem:$0x3F80] =	sst s1;
	(tag) =	ssettag s2;
	_ =	strace s9  }
0x27: {  	s1 =	sld [smem:$0x3F90]  }
0x28: {  	s2 =	sld [smem:$0x3F91]  }
0x29: {  	s4 =	sld [smem:$0x3F93]  }
0x2a: {  	p0 =	seq.s32 s5, $0x0;
	s5 =	sld [smem:$0x3F94]  }
0x2b: {  	s6 =	sld [smem:$0x3F95]  }
0x2c: {  	s7 =	sld [smem:$0x3F96]  }
0x2d: {  	s3 =	simm.s32 $0x108;
	s8 =	sld [smem:$0x3F97]  }
0x2e: {  	s3 =	simm.s32 @!p0 $0x1082;
	s9 =	sld [smem:$0x3F98]  }
0x2f: {  	lr =	sadd.s32 s0, s3;
	s0 =	sld [smem:$0x3F8F]  }
0x30: {  	s3 =	sld [smem:$0x3F92]  }
0x31: {  	[smem:$0x3F9B] =	sst s10  }
0x32: {  	s10 =	sld [smem:$0x3F99];
	_ =	sdelay $0x3  }
0x33: {  	p0 =	seq.s32 s10, $0x1;
	s10 =	sld [smem:$0x3F9B];
	_ =	sdelay $0x3  }
0x34: {  	[smem:$0x3F9B] =	sst s10  }
0x35: {  	s10 =	sld [smem:$0x3F9A];
	_ =	sdelay $0x3  }
0x36: {  	p1 =	seq.s32 s10, $0x1;
	s10 =	sld [smem:$0x3F9B];
	_ =	sdelay $0x3  }
0x37: {  	[smem:$0x3F9B] =	sst s10  }
0x38: {  	s10 =	sld [smem:$0x3F9C]  }
0x39: {  	_ = 	snop;
	(pc) =	sbr.ind lr, $3  }
0x3a: {  	_ = 	snop  }
0x3b: {  	_ = 	snop  }
0x3c: {  	p2 =	seq.s32 s10, $0x1;
	s10 =	sld [smem:$0x3F9B]  }
0x3d: {  	_ =	shalt  }
0x3e: {  	_ =	shalt  }
0x3f: {  	_ =	shalt  }
0x40: {  	_ =	shalt  }
0x41: {  	_ =	shalt  }
0x42: {  	_ =	shalt  }
0x43: {  	_ =	shalt  }
0x44: {  	_ =	shalt  }
0x45: {  	_ =	shalt  }
0x46: {  	_ =	shalt  }
0x47: {  	_ =	shalt  }
0x48: {  	_ =	shalt  }
0x49: {  	_ =	shalt  }
0x4a: {  	_ =	shalt  }
0x4b: {  	_ =	shalt  }
0x4c: {  	_ =	shalt  }
0x4d: {  	_ =	shalt  }
0x4e: {  	_ =	shalt  }
0x4f: {  	_ =	shalt  }
0x50: {  	_ =	shalt  }
0x51: {  	_ =	shalt  }
0x52: {  	_ =	shalt  }
0x53: {  	_ =	shalt  }
0x54: {  	_ =	shalt  }
0x55: {  	_ =	shalt  }
0x56: {  	_ =	shalt  }
0x57: {  	_ =	shalt  }
0x58: {  	_ =	shalt  }
0x59: {  	_ =	shalt  }
0x5a: {  	_ =	shalt  }
0x5b: {  	_ =	shalt  }
0x5c: {  	_ =	shalt  }
0x5d: {  	_ =	shalt  }
0x5e: {  	_ =	shalt  }
0x5f: {  	_ =	shalt  }
0x60: {  	_ =	shalt  }
0x61: {  	_ =	shalt  }
0x62: {  	_ =	shalt  }
0x63: {  	_ =	shalt  }
0x64: {  	_ =	shalt  }
0x65: {  	_ =	shalt  }
0x66: {  	_ =	shalt  }
0x67: {  	_ =	shalt  }
0x68: {  	_ =	shalt  }
0x69: {  	_ =	shalt  }
0x6a: {  	_ =	shalt  }
0x6b: {  	_ =	shalt  }
0x6c: {  	_ =	shalt  }
0x6d: {  	_ =	shalt  }
0x6e: {  	_ =	shalt  }
0x6f: {  	_ =	shalt  }
0x70: {  	_ =	shalt  }
0x71: {  	_ =	shalt  }
0x72: {  	_ =	shalt  }
0x73: {  	_ =	shalt  }
0x74: {  	_ =	shalt  }
0x75: {  	_ =	shalt  }
0x76: {  	_ =	shalt  }
0x77: {  	_ =	shalt  }
0x78: {  	_ =	shalt  }
0x79: {  	_ =	shalt  }
0x7a: {  	_ =	shalt  }
0x7b: {  	_ =	shalt  }
0x7c: {  	_ =	shalt  }
0x7d: {  	_ =	shalt  }
0x7e: {  	_ =	shalt  }
0x7f: {  	_ =	shalt  }
0x80: {  	_ =	shalt  }
0x81: {  	_ =	shalt  }
0x82: {  	_ =	shalt  }
0x83: {  	_ =	shalt  }
0x84: {  	_ =	shalt  }
0x85: {  	_ =	shalt  }
0x86: {  	_ =	shalt  }
0x87: {  	_ =	shalt  }
.Lfunc_end0:
.L_simem_size_0:
called_computation.3_lowered:
.L_overlay_start_0:
0x88: {  	s2 =	sld [smem:$0x3FD9]  }
0x89: {  	s3 =	sld [smem:$0x3FFE];
	_ =	sdelay $0x1  }
0x8a: {  	s1 =	srdreg.scid  }
0x8b: {  	s0 =	sand.u32 $0x1, s1  }
0x8c: {  	s17 =	sshll.u32 s0, $0xA;
	s2 =	sadd.s32 s3, s2  }
0x8d: {  	s2 =	sadd.s32 s2, s17  }
0x8e: {  	[smem:$0x3FA7] =	sst s2  }
0x8f: {  	_ = 	snop  }
0x90: {  	s2 =	sld [smem:$0x3FD0];
	(tm) =	ssettm $0x1  }
0x91: {  	s18 =	sld [smem:$0x3FFB];
	_ =	sdelay $0x3  }
0x92: {  	_ =	strace s18  }
0x93: {  	s3 =	sld [smem:$0x3FFC];
	_ =	sdelay $0x3  }
0x94: {  	_ =	strace s3  }
0x95: {  	s3 =	sld [smem:$0x3FFD];
	_ =	sdelay $0x3  }
0x96: {  	_ =	strace s3  }
0x97: {  	_ =	strace $0x8FFFFFFF  }
0x98: {  	s19 =	sld [smem:$0x3FDB];
	_ =	sdelay $0x1  }
0x99: {  	s4 =	simm.s32 $_scs_section_size  }
0x9a: {  	s5 =	simm.s32 $_size__tile_overlayer_lowered;
	s6 =	simm.s32 $_tile_overlayer_lowered  }
0x9b: {  	s22 =	simm.s32 $0x1BFF;
	s21 =	sshll.u32 s6, $0x1;
	s3 =	sadd.s32 s4, s19  }
0x9c: {  	s7 =	simm.s32 $0x0;
	s20 =	sshll.u32 s5, $0x1;
	s5 =	sadd.s32 s21, s3  }
0x9d: {  	[timem:s7], [sflag:s22] =	dma.local [hbm:s5], s20  }
0x9e: {  	_ =	swait.ge [sflag:s22], s20  }
0x9f: {  	s4 =	ssub.s32 $0x0, s20;
	[sflag:s22] =	ssyncset.done $0x0  }
0xa0: {  	[sflag:s22] =	ssyncadd.s32 s4;
	_ =	sdelay $0x1  }
0xa1: {  	s23 =	simm.s32 $0x1B8B  }
0xa2: {  	_ =	swait.ge [sflag:s23], $0x1  }
0xa3: {  	[sflag:s23] =	ssyncset.done $0x0  }
0xa4: {  	s25 =	simm.s32 $0x1B8E;
	s24 =	sld [smem:$0x3FFE];
	[sflag:s23] =	ssyncadd.s32 $0xFFFFFFFF  }
0xa5: {  	s26 =	simm.s32 $execute0_lowered;
	[smem:$0x3FD2] =	sst s25  }
0xa6: {  	s5 =	sshll.u32 s26, $0x1;
	_ =	strace $0x8000004F;
	[dreg:$0x1] =	wrdreg $0xFFFFFFFF  }
0xa7: {  	s28 =	simm.s32 $_size_execute0_lowered;
	s3 =	sadd.s32 s3, s5;
	[dreg:$0x0] =	wrdreg $0x0  }
0xa8: {  	s5 =	sshll.u32 s28, $0x1;
	[dreg:$0x2] =	wrdreg s3  }
0xa9: {  	[dreg:$0x3] =	wrdreg s5  }
0xaa: {  	[dreg:$0x4] =	wrdreg $0xC0  }
0xab: {  	_ =	task [dreg:s7], $0x5FFFF  }
0xac: {  	[dreg:$0x1] =	wrdreg $0xFFFFFFFF  }
0xad: {  	[dreg:$0x0] =	wrdreg $0x60  }
0xae: {  	[dreg:$0x2] =	wrdreg s24  }
0xaf: {  	[dreg:$0x3] =	wrdreg s2  }
0xb0: {  	[dreg:$0x4] =	wrdreg $0x0  }
0xb1: {  	[dreg:$0x5] =	wrdreg $0x9  }
0xb2: {  	_ =	task.clear_ibuf [dreg:s7], $0x6FFFF;
	_ =	strace $0x9000004F  }
0xb3: {  	s29 =	simm.s32 $0x9;
	_ =	strace $0x80000051  }
0xb4: {  	_ =	swait.ge [sflag:s29], $0x1  }
0xb5: {  	[sflag:s29] =	ssyncadd.s32 $0xFFFFFFFF  }
0xb6: {  	_ =	strace $0x90000051  }
0xb7: {  	_ =	sfence  }
0xb8: {  	s30 =	sld [smem:$0x0];
	_ =	sdelay $0x2  }
0xb9: {  	s31 =	sshll.u32 s1, $0xD;
	s1 =	sshrl.u32 s1, $0x2  }
0xba: {  	s3 =	sand.u32 $0x4000, s31;
	s1 =	sadd.s32 s1, s30  }
0xbb: {  	s0 =	sor.u32 s3, s0;
	s1 =	sshll.u32 s1, $0x11  }
0xbc: {  	s0 =	sor.u32 s1, s0  }
0xbd: {  	s0 =	sadd.s32 $0x8F2B, s0  }
0xbe: {  	[sflag:s0] =	ssyncadd.remote.s32 $0x1  }
0xbf: {  	_ =	sfence.sel $0xFFFF  }
0xc0: {  	[dreg:$0x0] =	wrdreg $0xFFFFFFFF;
	(pc) =	sbr.abs _section_cstart, $3  }
0xc1: {  	[dreg:$0x1] =	wrdreg $0xFFFFFFFF  }
0xc2: {  	_ =	task.clear_ibuf [dreg:s7], $0x2FFFF;
	_ =	strace $0x9FFFFFFF  }
0xc3: {  	(tm) =	ssettm $0x7FFFFFFF  }
tec
execute0_lowered:
.L_overlay_start_1:
0x0: {  	(tag) =	ssettag $0x1  }
0x1: {  	s0 =	rddreg [dreg:$0x0];
	s1 =	srdreg.scid  }
0x2: {  	s2 =	stileid.u32;
	s3 =	rddreg [dreg:$0x2]  }
0x3: {  	s4 =	simm.s32 $0x0;
	s19 =	simm.s32 $0x13C00;
	s20 =	simm.s32 $0x3  }
0x4: {  	s22 =	simm.s32 $0x19380;
	s23 =	simm.s32 $0x68;
	s28 =	simm.s32 $0x1C800  }
0x5: {  	s29 =	simm.s32 $0x1;
	s30 =	simm.s32 $0x2;
	s1 =	sand.u32 $0x1, s1  }
0x6: {  	s5 =	sshll.u32 s2, $0x1;
	[smem:$0x7FF] =	sst s4;
	s26 =	smul.u32 $0x4F000, s2  }
0x7: {  	p1 =	sne.s32 s2, $0xF;
	p2 =	seq.s32 s2, $0xF;
	s21 =	smul.u32 $0x2780, s2  }
0x8: {  	s15 =	sadd.s32 $0x128400, s3;
	s6 =	sor.u32 s1, s5;
	s8 =	smul.u32 $0x27800, s1  }
0x9: {  	_ =	strace $0x80000050;
	s5 =	sadd.s32 $0x69E00, s0;
	s7 =	smul.u32 $0x4E2, s6  }
0xa: {  	s10 =	ssub.s32 $0x2, s1;
	p0 =	seq.s32 s1, $0x0;
	s24 =	smul.u32 $0x600, s6  }
0xb: {  	s6 =	sshll.u32 s6, $0x4;
	s25 =	sshrl.u32 s10, $0x1;
	p1 =	por !p0, !p1  }
0xc: {  	p2 =	por !p0, !p2;
	s12 =	sadd.s32 s6, s0;
	s13 =	sadd.s32 s8, s0  }
0xd: {  	s14 =	ssub.s32 s10, s25;
	s6 =	sshrl.u32 s26, $0x2;
	p0 =	por !p1, !p1  }
0xe: {  	p2 =	por !p2, !p2;
	s8 =	sadd.s32 s5, s21;
	s25 =	simm.s32 $0x19400  }
0xf: {  	s26 =	simm.s32 $0x0;
	s9 =	sadd.s32 s7, s0;
	s11 =	sadd.s32 s24, s0  }
0x10: {  	s6 =	sadd.s32 s6, s3;
	p1 =	por p2, p0;
	s0 =	sadd.s32 $0x8EE80, s0  }
0x11: {  	s31 =	sadd.s32 $0x91000, s13;
	[dreg:$0x4] =	wrdreg s0;
	s0 =	sadd.s32 $0x138800, s3  }
0x12: {  	p1 =	seq.s32 @!p1 s1, $0x0;
	s9 =	sadd.s32 $0x5A00, s9;
	s10 =	sadd.s32 $0xFA00, s11  }
0x13: {  	s11 =	sadd.s32 $0xF800, s12;
	s12 =	smax.u32 s14, $0x1;
	s18 =	sshrl.u32 @p0 s6, $0x3  }
0x14: {  	s24 =	sadd.s32 s21, s31;
	p1 =	por @!p0 p1, p2;
	p2 =	por !p2, p0  }
0x15: {  	p1 =	por p1, p0;
	s15 =	sshrl.u32 @!p2 s15, $0x3;
	s16 =	sshrl.u32 @!p2 s0, $0x3  }
0x16: {  	s0 =	sshll.u32 @p0 s2, $0x6;
	s13 =	sshll.u32 @!p1 s2, $0x6;
	s14 =	sshrl.u32 @!p1 s6, $0x3  }
0x17: {  	s17 =	sor.u32 @p0 $0x1C03, s0;
	s0 =	simm.s32 $0x10;
	s13 =	sor.u32 @!p1 $0x1C03, s13  }
.LBB2_1:
0x18: {  	s2 =	rddreg [dreg:$0x1];
	s1 =	simm.s32 @!p1 $0x3  }
0x19: {  	[spmem:s14], [sflag:s13] =	dma.local @!p1 [hbm:s2], $0x2780  }
0x1a: {  	_ =	swait.ge @!p1 [sflag:s1], $0x2780  }
0x1b: {  	s21 =	simm.s32 @!p2 $0x3;
	[sflag:s1] =	ssyncset.done @!p1 $0x0  }
0x1c: {  	s7 =	rddreg [dreg:$0x4];
	[sflag:s1] =	ssyncadd.s32 @!p1 $0xFFFFD880;
	s1 =	simm.s32 @!p2 $0x1FC3  }
0x1d: {  	[spmem:s15], [sflag:s1] =	dma.local @!p2 [hbm:s7], $0x2080  }
0x1e: {  	_ =	swait.ge @!p2 [sflag:s21], $0x2080  }
0x1f: {  	[sflag:s21] =	ssyncset.done @!p2 $0x0  }
0x20: {  	[sflag:s21] =	ssyncadd.s32 @!p2 $0xFFFFDF80  }
0x21: {  	[spmem:s16], [sflag:s1] =	dma.local @!p2 [hbm:s2], $0x700  }
0x22: {  	_ =	swait.ge @!p2 [sflag:s21], $0x700  }
0x23: {  	[sflag:s21] =	ssyncset.done @!p2 $0x0  }
0x24: {  	s1 =	simm.s32 @p0 $0x3;
	[sflag:s21] =	ssyncadd.s32 @!p2 $0xFFFFF900  }
0x25: {  	[spmem:s18], [sflag:s17] =	dma.local @p0 [hbm:s8], $0x2780  }
0x26: {  	_ =	swait.ge @p0 [sflag:s1], $0x2780  }
0x27: {  	[sflag:s1] =	ssyncset.done @p0 $0x0  }
0x28: {  	[sflag:s1] =	ssyncadd.s32 @p0 $0xFFFFD880  }
0x29: {  	[tilespmem:s19], [sflag:$0x3] =	stream.linear.gather [hbm4b:s9+s4], $0x2710, $0x38;
	[tilespmem:$0x1FC00] =	vst v63  }
0x2a: {  	_ =	swait.ge [sflag:s20], $0x2710  }
0x2b: {  	[sflag:s20] =	ssyncset.done $0x0  }
0x2c: {  	s7 =	simm.s32 $0x16380;
	[sflag:s20] =	ssyncadd.s32 $0xFFFFD8F0  }
0x2d: {  	[tilespmem:s7], [sflag:$0x3] =	stream.linear.gather [hbm4b:s10+s4], $0x3000, $0x38;
	[tilespmem:$0x1FC00] =	vst v63  }
0x2e: {  	_ =	swait.ge [sflag:s20], $0x3000  }
0x2f: {  	[sflag:s20] =	ssyncset.done $0x0  }
0x30: {  	[sflag:s20] =	ssyncadd.s32 $0xFFFFD000  }
0x31: {  	[tilespmem:s22], [sflag:$0x3] =	stream.linear.gather [hbm4b:s11+s4], $0x80, $0x38;
	[tilespmem:$0x1FC00] =	vst v63  }
0x32: {  	_ =	swait.ge [sflag:s20], $0x80  }
0x33: {  	[sflag:s20] =	ssyncset.done $0x0  }
0x34: {  	[sflag:s20] =	ssyncadd.s32 $0xFFFFFF80  }
0x35: {  	[bflag:$0x0] =	sbarrier.arrive $0xFFFF  }
0x36: {  	[tilespmem:s25], [sflag:$0x1] =	stream.indirect.gather [hbm4b:s5+s23], $0x80, s19, s23, $0xb8;
	[tilespmem:$0x1FC00] =	vst v63  }
0x37: {  	s21 =	simm.s32 $0x13C68  }
0x38: {  	[tilespmem:s28], [sflag:$0x2] =	stream.indirect.gather [hbm4b:s5+s23], $0x80, s21, s23, $0xb8;
	[tilespmem:$0x1FC00] =	vst v63  }
0x39: {  	_ =	swait.ge [sflag:s29], $0x3400  }
0x3a: {  	[sflag:s29] =	ssyncset.done $0x0  }
0x3b: {  	s2 =	simm.s32 $0x16380;
	[sflag:s29] =	ssyncadd.s32 $0xFFFFCC00  }
0x3c: {  	[spmem:s3] =	stream.indirect.scatter.add.f32 [tilespmem:s25], [sflag:$0x3], $0x80, s2, s23, $0xb8;
	[tilespmem:$0x1FC00] =	vst v63  }
0x3d: {  	_ =	swait.ge [sflag:s20], $0x3400  }
0x3e: {  	[sflag:s20] =	ssyncset.done $0x0  }
0x3f: {  	s7 =	simm.s32 $0x13CD0;
	[sflag:s20] =	ssyncadd.s32 $0xFFFFCC00  }
0x40: {  	[tilespmem:s25], [sflag:$0x1] =	stream.indirect.gather [hbm4b:s5+s23], $0x80, s7, s23, $0xb8;
	[tilespmem:$0x1FC00] =	vst v63  }
0x41: {  	_ =	swait.ge [sflag:s30], $0x3400  }
0x42: {  	[sflag:s30] =	ssyncset.done $0x0  }
0x43: {  	s21 =	simm.s32 $0x16400;
	[sflag:s30] =	ssyncadd.s32 $0xFFFFCC00  }
0x44: {  	[spmem:s3] =	stream.indirect.scatter.add.f32 [tilespmem:s28], [sflag:$0x3], $0x80, s21, s23, $0xb8;
	[tilespmem:$0x1FC00] =	vst v63  }
0x45: {  	_ =	swait.ge [sflag:s20], $0x3400  }
0x46: {  	s31 =	simm.s32 $0x13D38;
	[sflag:s20] =	ssyncset.done $0x0  }
0x47: {  	s1 =	simm.s32 $0x400;
	s21 =	simm.s32 $0x13E08;
	[sflag:s20] =	ssyncadd.s32 $0xFFFFCC00  }
.LBB2_2:
0x48: {  	[tilespmem:s28], [sflag:$0x2] =	stream.indirect.gather [hbm4b:s5+s23], $0x80, s31, s23, $0xb8;
	[tilespmem:$0x1FC00] =	vst v63  }
0x49: {  	s2 =	smov.u32 s1;
	s31 =	smov.u32 s21  }
0x4a: {  	p3 =	sne.s32 s1, $0xB800;
	s1 =	sadd.s32 $0x400, s1;
	_ =	swait.ge [sflag:s29], $0x3400  }
0x4b: {  	s2 =	sshra.s32 s2, $0x2;
	[sflag:s29] =	ssyncset.done $0x0  }
0x4c: {  	s7 =	sadd.s32 $0x16380, s2;
	[sflag:s29] =	ssyncadd.s32 $0xFFFFCC00  }
0x4d: {  	[spmem:s3] =	stream.indirect.scatter.add.f32 [tilespmem:s25], [sflag:$0x3], $0x80, s7, s23, $0xb8;
	[tilespmem:$0x1FC00] =	vst v63  }
0x4e: {  	_ =	swait.ge [sflag:s20], $0x3400  }
0x4f: {  	[sflag:s20] =	ssyncset.done $0x0  }
0x50: {  	s7 =	sadd.s32 $0xFFFFFF98, s21;
	[sflag:s20] =	ssyncadd.s32 $0xFFFFCC00  }
0x51: {  	[tilespmem:s25], [sflag:$0x1] =	stream.indirect.gather [hbm4b:s5+s23], $0x80, s7, s23, $0xb8;
	[tilespmem:$0x1FC00] =	vst v63  }
0x52: {  	_ =	swait.ge [sflag:s30], $0x3400  }
0x53: {  	[sflag:s30] =	ssyncset.done $0x0  }
.Ltmp0:
0x54: {  	s2 =	sadd.s32 $0x16400, s2;
	[sflag:s30] =	ssyncadd.s32 $0xFFFFCC00;
	(pc) =	sbr.rel @p3 .LBB2_2-.Ltmp0, $4  }
0x55: {  	[spmem:s3] =	stream.indirect.scatter.add.f32 [tilespmem:s28], [sflag:$0x3], $0x80, s2, s23, $0xb8;
	[tilespmem:$0x1FC00] =	vst v63  }
0x56: {  	_ =	swait.ge [sflag:s20], $0x3400  }
0x57: {  	[sflag:s20] =	ssyncset.done $0x0  }
0x58: {  	s21 =	sadd.s32 $0xD0, s21;
	[sflag:s20] =	ssyncadd.s32 $0xFFFFCC00  }
0x59: {  	[tilespmem:s28], [sflag:$0x2] =	stream.indirect.gather [hbm4b:s5+s23], $0x80, s31, s23, $0xb8;
	[tilespmem:$0x1FC00] =	vst v63  }
0x5a: {  	_ =	swait.ge [sflag:s29], $0x3400  }
0x5b: {  	[sflag:s29] =	ssyncset.done $0x0  }
0x5c: {  	s1 =	simm.s32 $0x19280;
	[sflag:s29] =	ssyncadd.s32 $0xFFFFCC00  }
0x5d: {  	[spmem:s3] =	stream.indirect.scatter.add.f32 [tilespmem:s25], [sflag:$0x3], $0x80, s1, s23, $0xb8;
	[tilespmem:$0x1FC00] =	vst v63  }
0x5e: {  	_ =	swait.ge [sflag:s20], $0x3400  }
0x5f: {  	[sflag:s20] =	ssyncset.done $0x0  }
0x60: {  	[sflag:s20] =	ssyncadd.s32 $0xFFFFCC00  }
0x61: {  	_ =	swait.ge [sflag:s30], $0x3400  }
0x62: {  	[sflag:s30] =	ssyncset.done $0x0  }
0x63: {  	s7 =	simm.s32 $0x19300;
	[sflag:s30] =	ssyncadd.s32 $0xFFFFCC00  }
0x64: {  	[spmem:s3] =	stream.indirect.scatter.add.f32 [tilespmem:s28], [sflag:$0x3], $0x80, s7, s23, $0xb8;
	[tilespmem:$0x1FC00] =	vst v63  }
0x65: {  	_ =	swait.ge [sflag:s20], $0x3400  }
0x66: {  	[sflag:s20] =	ssyncset.done $0x0  }
0x67: {  	s21 =	simm.s32 $0x16300;
	[sflag:s20] =	ssyncadd.s32 $0xFFFFCC00  }
0x68: {  	[tilespmem:s25], [sflag:$0x1] =	stream.indirect.gather [hbm4b:s5+s0], $0x80, s21, s0, $0xb8;
	[tilespmem:$0x1FC00] =	vst v63  }
0x69: {  	_ =	swait.ge [sflag:s29], $0x800  }
0x6a: {  	[sflag:s29] =	ssyncset.done $0x0  }
0x6b: {  	[sflag:s29] =	ssyncadd.s32 $0xFFFFF800  }
0x6c: {  	[spmem:s3] =	stream.indirect.scatter.add.f32 [tilespmem:s25], [sflag:$0x3], $0x80, s22, s0, $0xb8;
	[tilespmem:$0x1FC00] =	vst v63  }
0x6d: {  	s31 =	stileid.u32;
	_ =	swait.ge [sflag:s20], $0x800  }
0x6e: {  	s2 =	sshrl.u32 s6, $0x3;
	s26 =	sadd.s32 $0x1, s26;
	[sflag:s20] =	ssyncset.done $0x0  }
0x6f: {  	p3 =	sne.s32 s26, s12;
	s1 =	sshll.u32 s31, $0x6;
	[sflag:s20] =	ssyncadd.s32 $0xFFFFF800  }
.Ltmp1:
0x70: {  	s1 =	sor.u32 $0x1C03, s1;
	[bflag:$0x0] =	sbarrier.arrive $0xFFFF;
	(pc) =	sbr.rel @p3 .LBB2_1-.Ltmp1, $4  }
0x71: {  	[hbm:s24], [sflag:s1] =	dma.local [spmem:s2], $0x2780  }
0x72: {  	_ =	swait.ge [sflag:s20], $0x2780  }
0x73: {  	[sflag:s20] =	ssyncset.done $0x0  }
0x74: {  	[sflag:s20] =	ssyncadd.s32 $0xFFFFD880  }
0x75: {  	_ =	sfence.sel $0x180000  }
0x76: {  	[bflag:$0x0] =	sbarrier.arrive $0xFFFF  }
0x77: {  	_ =	strace $0x90000050  }
0x78: {  	s0 =	stileid.u32;
	[bflag:$0x2] =	sbarrier.arrive $0xFFFF  }
0x79: {  	p0 =	sne.s32 s0, $0x0;
	s0 =	rddreg [dreg:$0x3]  }
0x7a: {  	s0 =	sadd.s32 @!p0 $0x100000, s0  }
0x7b: {  	[sflag:s0] =	ssyncadd.tile.s32 @!p0 $0x1;
	_ =	shalt  }
.Lfunc_end2:
_tile_overlayer_lowered:
.L_overlay_start_2:
0x7c: {  	(tag) =	ssettag $0x2  }
0x7d: {  	s0 =	rddreg [dreg:$0x0];
	s2 =	stileid.u32  }
0x7e: {  	s1 =	rddreg [dreg:$0x1];
	p0 =	sne.s32 s2, $0x0  }
0x7f: {  	s3 =	rddreg [dreg:$0x2];
	[bflag:$0x3] =	sbarrier.arrive $0xFFFF;
	s2 =	simm.s32 @!p0 $0x1C03  }
0x80: {  	[timem:s3], [sflag:s2] =	dma.local @!p0 [hbm:s0], s1  }
0x81: {  	s0 =	simm.s32 @!p0 $0x3  }
0x82: {  	_ =	swait.ge @!p0 [sflag:s0], s1  }
0x83: {  	s1 =	ssub.s32 @!p0 $0x0, s1;
	[sflag:s0] =	ssyncset.done @!p0 $0x0  }
0x84: {  	[sflag:s0] =	ssyncadd.s32 @!p0 s1  }
0x85: {  	[bflag:$0x3] =	sbarrier.arrive $0xFFFF  }
0x86: {  	_ =	shalt  }

</sc_bundles>
